<compile_context>
chip_gen: v7x
topology: tpu7x:2x2x1
jax: 0.10.2.dev20260603
libtpu: 0.0.44.dev20260713+nightly
codegen_flags: <defaults>
</compile_context>

<pallas_src>
import functools

import jax
import jax.numpy as jnp
from jax import lax
from jax.experimental import pallas as pl
from jax.experimental.pallas import tpu as pltpu
from jax.experimental.pallas import tpu_sc as plsc

N = 10000
E = 320000
D = 128
H = 8
DH = 16
FF = 512

PW = 64
SCOLS = PW + 16
ACOLS = 144
TCOLS = 16
BLK = 1000

NC = 2
NS = 16
NW = NC * NS
K = 72
NCH = 140
EP = NW * NCH * K
NPAD = 10240
RPT = NPAD // NS
ZR = 64


def _ln(x, a, b):
    mean = jnp.mean(x, axis=1, keepdims=True)
    xc = x - mean
    var = jnp.sum(xc * xc, axis=1, keepdims=True) * (1.0 / (D - 1))
    return a * xc / (jnp.sqrt(var) + 1e-6) + b


def _pre_body(x_ref, wh_ref, wt_ref, we_ref, ah_ref, at_ref, a_ref, b_ref,
              s_ref, t_ref):
    h = _ln(x_ref[...], a_ref[...], b_ref[...])
    dn = (((1,), (1,)), ((), ()))
    head = jnp.tanh(lax.dot_general(h, wh_ref[...], dn,
                                    preferred_element_type=jnp.float32))
    tail = jnp.tanh(lax.dot_general(h, wt_ref[...], dn,
                                    preferred_element_type=jnp.float32))
    ft = lax.dot_general(h, we_ref[...], dn,
                         preferred_element_type=jnp.float32)
    gi = lax.broadcasted_iota(jnp.int32, (D, H), 0) // DH
    gj = lax.broadcasted_iota(jnp.int32, (D, H), 1)
    g = (gi == gj).astype(jnp.float32)
    dn2 = (((1,), (0,)), ((), ()))
    eh = lax.dot_general(head * ah_ref[...], g, dn2,
                         preferred_element_type=jnp.float32)
    et = lax.dot_general(tail * at_ref[...], g, dn2,
                         preferred_element_type=jnp.float32)
    pi = lax.broadcasted_iota(jnp.int32, (D, PW), 0)
    pj = lax.broadcasted_iota(jnp.int32, (D, PW), 1)
    pe = (pi == 2 * pj).astype(jnp.float32)
    po = (pi == 2 * pj + 1).astype(jnp.float32)
    fte = lax.dot_general(ft, pe, dn2, preferred_element_type=jnp.float32)
    fto = lax.dot_general(ft, po, dn2, preferred_element_type=jnp.float32)
    ue = lax.bitcast_convert_type(fte.astype(jnp.bfloat16),
                                  jnp.uint16).astype(jnp.uint32)
    uo = lax.bitcast_convert_type(fto.astype(jnp.bfloat16),
                                  jnp.uint16).astype(jnp.uint32)
    packed = lax.bitcast_convert_type((uo << 16) | ue, jnp.float32)
    z8 = jnp.zeros((x_ref.shape[0], 8), jnp.float32)
    s_ref[...] = jnp.concatenate([packed, eh, z8], axis=1)
    t_ref[...] = jnp.concatenate([et, z8], axis=1)


def _post_body(x_ref, a0_ref, a1_ref, a_ref, b_ref, w1_ref, b1_ref,
               w2_ref, b2_ref, o_ref):
    acc = a0_ref[...] + a1_ref[...]
    featp = acc[:, 0:D]
    esum = acc[:, D:D + H]
    inv = jnp.where(esum > 0, 1.0 / esum, 0.0)
    j8 = lax.broadcasted_iota(jnp.int32, (H, D), 1)
    orig8 = 32 * ((j8 % PW) // DH) + 2 * (j8 % DH) + (j8 >= PW)
    h8 = lax.broadcasted_iota(jnp.int32, (H, D), 0)
    rp = (orig8 // DH == h8).astype(jnp.float32)
    dn2 = (((1,), (0,)), ((), ()))
    rep = lax.dot_general(inv, rp, dn2, preferred_element_type=jnp.float32)
    jj = lax.broadcasted_iota(jnp.int32, (D, D), 0)
    cc = lax.broadcasted_iota(jnp.int32, (D, D), 1)
    orig = 32 * ((jj % PW) // DH) + 2 * (jj % DH) + (jj >= PW)
    pmat = (cc == orig).astype(jnp.float32)
    feat = lax.dot_general(featp * rep, pmat, dn2,
                           preferred_element_type=jnp.float32)
    rst = x_ref[...] + feat
    y = _ln(rst, a_ref[...], b_ref[...])
    dn = (((1,), (1,)), ((), ()))
    mid = jnp.maximum(
        lax.dot_general(y, w1_ref[...], dn,
                        preferred_element_type=jnp.float32) + b1_ref[...],
        0.0)
    ffout = lax.dot_general(mid, w2_ref[...], dn,
                            preferred_element_type=jnp.float32) + b2_ref[...]
    o_ref[...] = rst + ffout


def _edge_body(s_hbm, t_hbm, src3_hbm, dst3_hbm, out_hbm,
               si0, si1, si2, si3, di0, di1, di2, di3,
               grow0, grow1, sbuf0, sbuf1, trow0, trow1, accum,
               g0, g1, sc0, sc1, i0, i1, i2, i3):
    c = lax.axis_index("c")
    s = lax.axis_index("s")
    wid = s * NC + c

    lanes = lax.iota(jnp.int32, 16)
    mskh = lanes < H
    msk8 = lanes < 8
    grow = (grow0, grow1)
    sbuf = (sbuf0, sbuf1)
    trow = (trow0, trow1)
    sibuf = (si0, si1, si2, si3)
    dibuf = (di0, di1, di2, di3)
    gsem = (g0, g1)
    ssem = (sc0, sc1)
    isem = (i0, i1, i2, i3)

    def start_idx(j, r):
        jc = jnp.minimum(j, NCH - 1)
        pltpu.async_copy(src3_hbm.at[wid, jc], sibuf[r], isem[r])
        pltpu.async_copy(dst3_hbm.at[wid, jc], dibuf[r], isem[r])

    def wait_idx(r):
        pltpu.make_async_copy(src3_hbm.at[wid, 0], sibuf[r], isem[r]).wait()
        pltpu.make_async_copy(dst3_hbm.at[wid, 0], dibuf[r], isem[r]).wait()

    def start_gather(r, b):
        pltpu.async_copy(s_hbm.at[sibuf[r]], grow[b], gsem[b])
        pltpu.async_copy(t_hbm.at[dibuf[r]], trow[b], gsem[b])

    def wait_gather(b):
        pltpu.make_async_copy(s_hbm.at[sibuf[0]], grow[b], gsem[b]).wait()
        pltpu.make_async_copy(t_hbm.at[dibuf[0]], trow[b], gsem[b]).wait()

    def start_scatter(r, b):
        pltpu.async_copy(sbuf[b], accum.at[dibuf[r]], ssem[b], add=True)

    def wait_scatter(b):
        pltpu.make_async_copy(sbuf[b], accum.at[dibuf[0]], ssem[b]).wait()

    def compute(b):
        gb = grow[b]
        ob = sbuf[b]
        tb = trow[b]

        def edge(e, carry2):
            ehv = gb[e, pl.ds(PW, 16)]
            etv = tb[e, pl.ds(0, 16)]
            xe = ehv + etv
            t = jnp.where(xe >= 0, xe, 0.2 * xe)
            ex = jnp.where(mskh, jnp.exp(t - etv), 0.0)
            ob[e, pl.ds(2 * PW, 16)] = ex
            for q in range(4):
                v = lax.bitcast_convert_type(gb[e, pl.ds(q * 16, 16)],
                                             jnp.int32)
                ve = lax.bitcast_convert_type(v << 16, jnp.float32)
                vo = lax.bitcast_convert_type(
                    v & jnp.int32(-65536), jnp.float32)
                sq = jnp.where(msk8, ex[2 * q], ex[2 * q + 1])
                ob[e, pl.ds(q * 16, 16)] = ve * sq
                ob[e, pl.ds(PW + q * 16, 16)] = vo * sq
            return carry2

        lax.fori_loop(0, K, edge, 0)

    def step(j, r, b, first):
        rn = (r + 2) % 4
        wait_gather(b)
        if not first:
            wait_scatter(b)
        start_idx(j + 2, rn)
        compute(b)
        start_scatter(r, b)
        wait_idx(rn)
        start_gather(rn, b)

    start_idx(0, 0)
    start_idx(1, 1)
    zero16 = jnp.zeros((16,), jnp.float32)

    def zrow(rr, carry):
        for j in range(ACOLS // 16):
            sbuf0[rr, pl.ds(j * 16, 16)] = zero16
        return carry

    lax.fori_loop(0, ZR, zrow, 0)
    zsrc = sbuf0.at[pl.ds(0, ZR)]
    for q in range(RPT // ZR):
        pltpu.sync_copy(zsrc, accum.at[pl.ds(s * RPT + q * ZR, ZR)])
    wait_idx(0)
    start_gather(0, 0)
    wait_idx(1)
    start_gather(1, 1)
    plsc.subcore_barrier()
    for j in range(4):
        step(jnp.int32(j), j % 4, j % 2, first=(j < 2))

    def quad(qq, carry):
        a = 4 * qq
        for u in range(4):
            step(a + u, u, u % 2, first=False)
        return carry

    lax.fori_loop(1, NCH // 4, quad, 0)
    wait_scatter(0)
    wait_scatter(1)
    wait_gather(0)
    wait_gather(1)
    plsc.subcore_barrier()
    pltpu.sync_copy(accum.at[pl.ds(s * RPT, RPT)],
                    out_hbm.at[c, pl.ds(s * RPT, RPT)])


def kernel(ent_embed, edge_index, W_head, W_tail, W_ent, attn_h, attn_t,
           ln1_a, ln1_b, ln2_a, ln2_b, ff_w1, ff_b1, ff_w2, ff_b2):
    ah = attn_h.reshape(1, D)
    at = attn_t.reshape(1, D)
    l1a = ln1_a.reshape(1, D)
    l1b = ln1_b.reshape(1, D)
    l2a = ln2_a.reshape(1, D)
    l2b = ln2_b.reshape(1, D)
    fb1 = ff_b1.reshape(1, FF)
    fb2 = ff_b2.reshape(1, D)
    pad = EP - E
    src = jnp.concatenate(
        [edge_index[0].astype(jnp.int32), jnp.zeros((pad,), jnp.int32)])
    dst = jnp.concatenate(
        [edge_index[1].astype(jnp.int32),
         N + (lax.iota(jnp.int32, pad) % (NPAD - N))])
    src3 = src.reshape(NW, NCH, K)
    dst3 = dst.reshape(NW, NCH, K)

    full = lambda shape: pl.BlockSpec(shape, lambda i: (0, 0))
    rowblk = lambda w: pl.BlockSpec((BLK, w), lambda i: (i, 0))

    s_tab, t_tab = pl.pallas_call(
        _pre_body,
        grid=(N // BLK,),
        in_specs=[rowblk(D), full((D, D)), full((D, D)), full((D, D)),
                  full((1, D)), full((1, D)), full((1, D)), full((1, D))],
        out_specs=[rowblk(SCOLS), rowblk(TCOLS)],
        out_shape=[jax.ShapeDtypeStruct((N, SCOLS), jnp.float32),
                   jax.ShapeDtypeStruct((N, TCOLS), jnp.float32)],
    )(ent_embed, W_head, W_tail, W_ent, ah, at, l1a, l1b)
    t_tab = jnp.concatenate(
        [t_tab, jnp.zeros((NPAD - N, TCOLS), jnp.float32)])

    edge_kernel = functools.partial(
        pl.kernel,
        out_type=jax.ShapeDtypeStruct((NC, NPAD, ACOLS), jnp.float32),
        mesh=plsc.VectorSubcoreMesh(core_axis_name="c", subcore_axis_name="s"),
        scratch_types=(
            [pltpu.VMEM((K,), jnp.int32)] * 8
            + [pltpu.VMEM((K, SCOLS), jnp.float32)] * 2
            + [pltpu.VMEM((K, ACOLS), jnp.float32)] * 2
            + [pltpu.VMEM((K, TCOLS), jnp.float32)] * 2
            + [pltpu.VMEM_SHARED((NPAD, ACOLS), jnp.float32)]
            + [pltpu.SemaphoreType.DMA] * 8
        ),
        compiler_params=pltpu.CompilerParams(use_tc_tiling_on_sc=False),
    )(_edge_body)
    acc = edge_kernel(s_tab, t_tab, src3, dst3)
    acc0 = acc[0, :N]
    acc1 = acc[1, :N]

    out = pl.pallas_call(
        _post_body,
        grid=(N // BLK,),
        in_specs=[rowblk(D), rowblk(ACOLS), rowblk(ACOLS),
                  full((1, D)), full((1, D)), full((FF, D)), full((1, FF)),
                  full((D, FF)), full((1, D))],
        out_specs=rowblk(D),
        out_shape=jax.ShapeDtypeStruct((N, D), jnp.float32),
    )(ent_embed, acc0, acc1, l2a, l2b, ff_w1, fb1, ff_w2, fb2)
    return out

# --- scband reference (transcript-rebuilt; emitter-appended) ---
"""Pipeline reference for scband-gnnlayer-42898133353507 (READ-ONLY COPY).

The authoritative reference and input builder live on the scoring server;
editing this copy changes nothing except your own understanding.
"""

import jax, jax.numpy as jnp
import numpy as np

N = 10000
E = 320000
D_IN = 128
OUT = 128
H = 8
DH = OUT // H
FF = 4 * OUT


def _xavier(key, shape, gain=1.414):
    fan_in, fan_out = shape[-1], shape[0]
    std = gain * np.sqrt(2.0 / (fan_in + fan_out))
    return jax.random.normal(key, shape, dtype=jnp.float32) * std


def setup_inputs(seed: int = 0) -> dict:
    key = jax.random.key(seed)
    ks = jax.random.split(key, 16)
    inp = {}
    inp["ent_embed"] = jax.random.normal(ks[0], (N, D_IN), dtype=jnp.float32)
    inp["edge_index"] = jax.random.randint(ks[1], (2, E), 0, N)
    inp["W_head"] = _xavier(ks[2], (OUT, D_IN))
    inp["W_tail"] = _xavier(ks[3], (OUT, D_IN))
    inp["W_ent"] = _xavier(ks[4], (OUT, D_IN))
    inp["attn_h"] = _xavier(ks[5], (1, H, DH))
    inp["attn_t"] = _xavier(ks[6], (1, H, DH))
    inp["ln1_a"] = jnp.ones((D_IN,), dtype=jnp.float32)
    inp["ln1_b"] = jnp.zeros((D_IN,), dtype=jnp.float32)
    inp["ln2_a"] = jnp.ones((OUT,), dtype=jnp.float32)
    inp["ln2_b"] = jnp.zeros((OUT,), dtype=jnp.float32)
    inp["ff_w1"] = _xavier(ks[7], (FF, OUT))
    inp["ff_b1"] = jnp.zeros((FF,), dtype=jnp.float32)
    inp["ff_w2"] = _xavier(ks[8], (OUT, FF))
    inp["ff_b2"] = jnp.zeros((OUT,), dtype=jnp.float32)
    return inp


def _layer_norm(x, a, b, eps=1e-6):
    mean = jnp.mean(x, axis=-1, keepdims=True)
    std = jnp.std(x, axis=-1, ddof=1, keepdims=True)
    return a * (x - mean) / (std + eps) + b


def reference(ent_embed, edge_index, W_head, W_tail, W_ent, attn_h, attn_t,
              ln1_a, ln1_b, ln2_a, ln2_b, ff_w1, ff_b1, ff_w2, ff_b2):
    src = edge_index[0]
    dst = edge_index[1]
    # graph_ent_norm (dropouts are 0 -> identity)
    h = _layer_norm(ent_embed, ln1_a, ln1_b)
    head = jnp.tanh(h @ W_head.T).reshape(-1, H, DH)
    tail = jnp.tanh(h @ W_tail.T).reshape(-1, H, DH)
    eh = jnp.sum(head * attn_h, axis=-1, keepdims=True)  # (N, H, 1)
    et = jnp.sum(tail * attn_t, axis=-1, keepdims=True)  # (N, H, 1)
    ft = (h @ W_ent.T).reshape(-1, H, DH)                 # (N, H, DH)
    # edge attention (no relation path): leaky_relu(eh[src] + et[dst])
    e = jax.nn.leaky_relu(eh[src] + et[dst], negative_slope=0.2)  # (E, H, 1)
    # edge_softmax over incoming edges of each dst node
    emax = jax.ops.segment_max(e, dst, num_segments=N)
    emax = jnp.where(jnp.isfinite(emax), emax, 0.0)
    ex = jnp.exp(e - emax[dst])
    esum = jax.ops.segment_sum(ex, dst, num_segments=N)
    a = ex / esum[dst]
    # gat aggregation: sum over edges of ft[src] * a
    m = ft[src] * a                                       # (E, H, DH)
    feat = jax.ops.segment_sum(m, dst, num_segments=N)    # (N, H, DH)
    ent_rst = feat.reshape(-1, OUT)
    # residual (in_ent_feats == out_feats -> identity projection)
    ent_rst = ent_embed + ent_rst
    # feed forward with pre-LN
    ffin = _layer_norm(ent_rst, ln2_a, ln2_b)
    ffout = jnp.maximum(ffin @ ff_w1.T + ff_b1, 0.0) @ ff_w2.T + ff_b2
    ent_rst = ent_rst + ffout
    return ent_rst

if __name__ == "__main__":
    import jax
    _d = setup_inputs()
    print(jax.jit(kernel)(*tuple(_d.values())))

</pallas_src>

<mosaic_0001>
#map = affine_map<(d0, d1) -> (0, 0)>
#map1 = affine_map<(d0, d1) -> (0, 0, 0)>
module attributes {stable_mosaic.version = 14 : i64} {
  func.func @_edge_body(%arg0: i32, %arg1: i32, %arg2: memref<10000x80xf32, #tpu.memory_space<hbm>>, %arg3: memref<10240x16xf32, #tpu.memory_space<hbm>>, %arg4: memref<32x140x72xi32, #tpu.memory_space<hbm>>, %arg5: memref<32x140x72xi32, #tpu.memory_space<hbm>>, %arg6: memref<2x10240x144xf32, #tpu.memory_space<hbm>>, %arg7: memref<72xi32, #tpu.memory_space<vmem>>, %arg8: memref<72xi32, #tpu.memory_space<vmem>>, %arg9: memref<72xi32, #tpu.memory_space<vmem>>, %arg10: memref<72xi32, #tpu.memory_space<vmem>>, %arg11: memref<72xi32, #tpu.memory_space<vmem>>, %arg12: memref<72xi32, #tpu.memory_space<vmem>>, %arg13: memref<72xi32, #tpu.memory_space<vmem>>, %arg14: memref<72xi32, #tpu.memory_space<vmem>>, %arg15: memref<72x80xf32, #tpu.memory_space<vmem>>, %arg16: memref<72x80xf32, #tpu.memory_space<vmem>>, %arg17: memref<72x144xf32, #tpu.memory_space<vmem>>, %arg18: memref<72x144xf32, #tpu.memory_space<vmem>>, %arg19: memref<72x16xf32, #tpu.memory_space<vmem>>, %arg20: memref<72x16xf32, #tpu.memory_space<vmem>>, %arg21: memref<10240x144xf32, #tpu.memory_space<vmem_shared>>, %arg22: memref<!tpu.dma_semaphore, #tpu.memory_space<semaphore_mem>>, %arg23: memref<!tpu.dma_semaphore, #tpu.memory_space<semaphore_mem>>, %arg24: memref<!tpu.dma_semaphore, #tpu.memory_space<semaphore_mem>>, %arg25: memref<!tpu.dma_semaphore, #tpu.memory_space<semaphore_mem>>, %arg26: memref<!tpu.dma_semaphore, #tpu.memory_space<semaphore_mem>>, %arg27: memref<!tpu.dma_semaphore, #tpu.memory_space<semaphore_mem>>, %arg28: memref<!tpu.dma_semaphore, #tpu.memory_space<semaphore_mem>>, %arg29: memref<!tpu.dma_semaphore, #tpu.memory_space<semaphore_mem>>) attributes {dimension_semantics = [#tpu.dimension_semantics<core_parallel>, #tpu.dimension_semantics<subcore_parallel>], iteration_bounds = array<i64: 2, 16>, scalar_prefetch = 0 : i64, scratch_operands = 23 : i64, tpu.core_type = #tpu.core_type<sc_vector_subcore>, window_params = [{transform_indices = #map}, {transform_indices = #map}, {transform_indices = #map1}, {transform_indices = #map1}, {transform_indices = #map1}]} {
    %mul3A = arith.constant 2 : i32
    %mul3A_0 = arith.muli %arg1, %mul3A : i32
    %add3A = arith.addi %mul3A_0, %arg0 : i32
    %iota3A = tpu.iota {dimensions = array<i32: 0>} : vector<16xi32>
    %lt3A = arith.constant 8 : i32
    %lt3A_1 = vector.broadcast %lt3A : i32 to vector<16xi32>
    %lt3A_2 = arith.cmpi slt, %iota3A, %lt3A_1 : vector<16xi32>
    %lt3A_3 = arith.constant 8 : i32
    %lt3A_4 = vector.broadcast %lt3A_3 : i32 to vector<16xi32>
    %lt3A_5 = arith.cmpi slt, %iota3A, %lt3A_4 : vector<16xi32>
    %min3A = arith.constant 0 : i32
    %min3A_6 = arith.constant 139 : i32
    %min3A_7 = arith.minsi %min3A, %min3A_6 : i32
    %dma_start3A = arith.constant 0 : i32
    %dma_start3A_8 = tpu.memref_slice %arg4[%add3A, %min3A_7, %dma_start3A] : memref<32x140x72xi32, #tpu.memory_space<hbm>> -> memref<1x1x72xi32, #tpu.memory_space<hbm>>
    %dma_start3A_9 = tpu.memref_squeeze %dma_start3A_8 : memref<1x1x72xi32, #tpu.memory_space<hbm>> -> memref<72xi32, #tpu.memory_space<hbm>>
    %dma_start3A_10 = arith.constant 0 : i32
    %dma_start3A_11 = tpu.memref_slice %arg4[%add3A, %min3A_7, %dma_start3A_10] : memref<32x140x72xi32, #tpu.memory_space<hbm>> -> memref<1x1x72xi32, #tpu.memory_space<hbm>>
    %dma_start3A_12 = tpu.memref_squeeze %dma_start3A_11 : memref<1x1x72xi32, #tpu.memory_space<hbm>> -> memref<72xi32, #tpu.memory_space<hbm>>
    tpu.enqueue_dma source(%dma_start3A_12 : memref<72xi32, #tpu.memory_space<hbm>>) target(%arg7 : memref<72xi32, #tpu.memory_space<vmem>>) target_semaphore(%arg26 : memref<!tpu.dma_semaphore, #tpu.memory_space<semaphore_mem>>)
    %dma_start3A_13 = arith.constant 0 : i32
    %dma_start3A_14 = tpu.memref_slice %arg5[%add3A, %min3A_7, %dma_start3A_13] : memref<32x140x72xi32, #tpu.memory_space<hbm>> -> memref<1x1x72xi32, #tpu.memory_space<hbm>>
    %dma_start3A_15 = tpu.memref_squeeze %dma_start3A_14 : memref<1x1x72xi32, #tpu.memory_space<hbm>> -> memref<72xi32, #tpu.memory_space<hbm>>
    %dma_start3A_16 = arith.constant 0 : i32
    %dma_start3A_17 = tpu.memref_slice %arg5[%add3A, %min3A_7, %dma_start3A_16] : memref<32x140x72xi32, #tpu.memory_space<hbm>> -> memref<1x1x72xi32, #tpu.memory_space<hbm>>
    %dma_start3A_18 = tpu.memref_squeeze %dma_start3A_17 : memref<1x1x72xi32, #tpu.memory_space<hbm>> -> memref<72xi32, #tpu.memory_space<hbm>>
    tpu.enqueue_dma source(%dma_start3A_18 : memref<72xi32, #tpu.memory_space<hbm>>) target(%arg11 : memref<72xi32, #tpu.memory_space<vmem>>) target_semaphore(%arg26 : memref<!tpu.dma_semaphore, #tpu.memory_space<semaphore_mem>>)
    %min3A_19 = arith.constant 1 : i32
    %min3A_20 = arith.constant 139 : i32
    %min3A_21 = arith.minsi %min3A_19, %min3A_20 : i32
    %dma_start3A_22 = arith.constant 0 : i32
    %dma_start3A_23 = tpu.memref_slice %arg4[%add3A, %min3A_21, %dma_start3A_22] : memref<32x140x72xi32, #tpu.memory_space<hbm>> -> memref<1x1x72xi32, #tpu.memory_space<hbm>>
    %dma_start3A_24 = tpu.memref_squeeze %dma_start3A_23 : memref<1x1x72xi32, #tpu.memory_space<hbm>> -> memref<72xi32, #tpu.memory_space<hbm>>
    %dma_start3A_25 = arith.constant 0 : i32
    %dma_start3A_26 = tpu.memref_slice %arg4[%add3A, %min3A_21, %dma_start3A_25] : memref<32x140x72xi32, #tpu.memory_space<hbm>> -> memref<1x1x72xi32, #tpu.memory_space<hbm>>
    %dma_start3A_27 = tpu.memref_squeeze %dma_start3A_26 : memref<1x1x72xi32, #tpu.memory_space<hbm>> -> memref<72xi32, #tpu.memory_space<hbm>>
    tpu.enqueue_dma source(%dma_start3A_27 : memref<72xi32, #tpu.memory_space<hbm>>) target(%arg8 : memref<72xi32, #tpu.memory_space<vmem>>) target_semaphore(%arg27 : memref<!tpu.dma_semaphore, #tpu.memory_space<semaphore_mem>>)
    %dma_start3A_28 = arith.constant 0 : i32
    %dma_start3A_29 = tpu.memref_slice %arg5[%add3A, %min3A_21, %dma_start3A_28] : memref<32x140x72xi32, #tpu.memory_space<hbm>> -> memref<1x1x72xi32, #tpu.memory_space<hbm>>
    %dma_start3A_30 = tpu.memref_squeeze %dma_start3A_29 : memref<1x1x72xi32, #tpu.memory_space<hbm>> -> memref<72xi32, #tpu.memory_space<hbm>>
    %dma_start3A_31 = arith.constant 0 : i32
    %dma_start3A_32 = tpu.memref_slice %arg5[%add3A, %min3A_21, %dma_start3A_31] : memref<32x140x72xi32, #tpu.memory_space<hbm>> -> memref<1x1x72xi32, #tpu.memory_space<hbm>>
    %dma_start3A_33 = tpu.memref_squeeze %dma_start3A_32 : memref<1x1x72xi32, #tpu.memory_space<hbm>> -> memref<72xi32, #tpu.memory_space<hbm>>
    tpu.enqueue_dma source(%dma_start3A_33 : memref<72xi32, #tpu.memory_space<hbm>>) target(%arg12 : memref<72xi32, #tpu.memory_space<vmem>>) target_semaphore(%arg27 : memref<!tpu.dma_semaphore, #tpu.memory_space<semaphore_mem>>)
    %broadcast_in_dim3A = arith.constant 0.000000e+00 : f32
    %broadcast_in_dim3A_34 = vector.broadcast %broadcast_in_dim3A : f32 to vector<16xf32>
    %scan3A = arith.constant 0 : i32
    %scan3A_35 = arith.constant 0 : i32
    %scan3A_36 = arith.constant 64 : i32
    %scan3A_37 = arith.addi %scan3A_35, %scan3A_36 : i32
    %scan3A_38 = arith.constant 1 : i32
    scf.for %scan3A_362 = %scan3A_35 to %scan3A_37 step %scan3A_38  : i32 {
      %swap3A = arith.index_cast %scan3A_362 : i32 to index
      %swap3A_363 = arith.constant 0 : index
      %swap3A_364 = tpu.vector_load %arg17[%swap3A, %swap3A_363] {strides = array<i32>} : memref<72x144xf32, #tpu.memory_space<vmem>>, vector<1x16xf32>,
      %swap3A_365 = vector.shape_cast %swap3A_364 : vector<1x16xf32> to vector<16xf32>
      %swap3A_366 = vector.shape_cast %broadcast_in_dim3A_34 : vector<16xf32> to vector<1x16xf32>
      tpu.vector_store %arg17[%swap3A, %swap3A_363], %swap3A_366 {strides = array<i32>} : memref<72x144xf32, #tpu.memory_space<vmem>>, vector<1x16xf32>,
      %swap3A_367 = arith.index_cast %scan3A_362 : i32 to index
      %swap3A_368 = arith.constant 16 : index
      %swap3A_369 = tpu.vector_load %arg17[%swap3A_367, %swap3A_368] {strides = array<i32>} : memref<72x144xf32, #tpu.memory_space<vmem>>, vector<1x16xf32>,
      %swap3A_370 = vector.shape_cast %swap3A_369 : vector<1x16xf32> to vector<16xf32>
      %swap3A_371 = vector.shape_cast %broadcast_in_dim3A_34 : vector<16xf32> to vector<1x16xf32>
      tpu.vector_store %arg17[%swap3A_367, %swap3A_368], %swap3A_371 {strides = array<i32>} : memref<72x144xf32, #tpu.memory_space<vmem>>, vector<1x16xf32>,
      %swap3A_372 = arith.index_cast %scan3A_362 : i32 to index
      %swap3A_373 = arith.constant 32 : index
      %swap3A_374 = tpu.vector_load %arg17[%swap3A_372, %swap3A_373] {strides = array<i32>} : memref<72x144xf32, #tpu.memory_space<vmem>>, vector<1x16xf32>,
      %swap3A_375 = vector.shape_cast %swap3A_374 : vector<1x16xf32> to vector<16xf32>
      %swap3A_376 = vector.shape_cast %broadcast_in_dim3A_34 : vector<16xf32> to vector<1x16xf32>
      tpu.vector_store %arg17[%swap3A_372, %swap3A_373], %swap3A_376 {strides = array<i32>} : memref<72x144xf32, #tpu.memory_space<vmem>>, vector<1x16xf32>,
      %swap3A_377 = arith.index_cast %scan3A_362 : i32 to index
      %swap3A_378 = arith.constant 48 : index
      %swap3A_379 = tpu.vector_load %arg17[%swap3A_377, %swap3A_378] {strides = array<i32>} : memref<72x144xf32, #tpu.memory_space<vmem>>, vector<1x16xf32>,
      %swap3A_380 = vector.shape_cast %swap3A_379 : vector<1x16xf32> to vector<16xf32>
      %swap3A_381 = vector.shape_cast %broadcast_in_dim3A_34 : vector<16xf32> to vector<1x16xf32>
      tpu.vector_store %arg17[%swap3A_377, %swap3A_378], %swap3A_381 {strides = array<i32>} : memref<72x144xf32, #tpu.memory_space<vmem>>, vector<1x16xf32>,
      %swap3A_382 = arith.index_cast %scan3A_362 : i32 to index
      %swap3A_383 = arith.constant 64 : index
      %swap3A_384 = tpu.vector_load %arg17[%swap3A_382, %swap3A_383] {strides = array<i32>} : memref<72x144xf32, #tpu.memory_space<vmem>>, vector<1x16xf32>,
      %swap3A_385 = vector.shape_cast %swap3A_384 : vector<1x16xf32> to vector<16xf32>
      %swap3A_386 = vector.shape_cast %broadcast_in_dim3A_34 : vector<16xf32> to vector<1x16xf32>
      tpu.vector_store %arg17[%swap3A_382, %swap3A_383], %swap3A_386 {strides = array<i32>} : memref<72x144xf32, #tpu.memory_space<vmem>>, vector<1x16xf32>,
      %swap3A_387 = arith.index_cast %scan3A_362 : i32 to index
      %swap3A_388 = arith.constant 80 : index
      %swap3A_389 = tpu.vector_load %arg17[%swap3A_387, %swap3A_388] {strides = array<i32>} : memref<72x144xf32, #tpu.memory_space<vmem>>, vector<1x16xf32>,
      %swap3A_390 = vector.shape_cast %swap3A_389 : vector<1x16xf32> to vector<16xf32>
      %swap3A_391 = vector.shape_cast %broadcast_in_dim3A_34 : vector<16xf32> to vector<1x16xf32>
      tpu.vector_store %arg17[%swap3A_387, %swap3A_388], %swap3A_391 {strides = array<i32>} : memref<72x144xf32, #tpu.memory_space<vmem>>, vector<1x16xf32>,
      %swap3A_392 = arith.index_cast %scan3A_362 : i32 to index
      %swap3A_393 = arith.constant 96 : index
      %swap3A_394 = tpu.vector_load %arg17[%swap3A_392, %swap3A_393] {strides = array<i32>} : memref<72x144xf32, #tpu.memory_space<vmem>>, vector<1x16xf32>,
      %swap3A_395 = vector.shape_cast %swap3A_394 : vector<1x16xf32> to vector<16xf32>
      %swap3A_396 = vector.shape_cast %broadcast_in_dim3A_34 : vector<16xf32> to vector<1x16xf32>
      tpu.vector_store %arg17[%swap3A_392, %swap3A_393], %swap3A_396 {strides = array<i32>} : memref<72x144xf32, #tpu.memory_space<vmem>>, vector<1x16xf32>,
      %swap3A_397 = arith.index_cast %scan3A_362 : i32 to index
      %swap3A_398 = arith.constant 112 : index
      %swap3A_399 = tpu.vector_load %arg17[%swap3A_397, %swap3A_398] {strides = array<i32>} : memref<72x144xf32, #tpu.memory_space<vmem>>, vector<1x16xf32>,
      %swap3A_400 = vector.shape_cast %swap3A_399 : vector<1x16xf32> to vector<16xf32>
      %swap3A_401 = vector.shape_cast %broadcast_in_dim3A_34 : vector<16xf32> to vector<1x16xf32>
      tpu.vector_store %arg17[%swap3A_397, %swap3A_398], %swap3A_401 {strides = array<i32>} : memref<72x144xf32, #tpu.memory_space<vmem>>, vector<1x16xf32>,
      %swap3A_402 = arith.index_cast %scan3A_362 : i32 to index
      %swap3A_403 = arith.constant 128 : index
      %swap3A_404 = tpu.vector_load %arg17[%swap3A_402, %swap3A_403] {strides = array<i32>} : memref<72x144xf32, #tpu.memory_space<vmem>>, vector<1x16xf32>,
      %swap3A_405 = vector.shape_cast %swap3A_404 : vector<1x16xf32> to vector<16xf32>
      %swap3A_406 = vector.shape_cast %broadcast_in_dim3A_34 : vector<16xf32> to vector<1x16xf32>
      tpu.vector_store %arg17[%swap3A_402, %swap3A_403], %swap3A_406 {strides = array<i32>} : memref<72x144xf32, #tpu.memory_space<vmem>>, vector<1x16xf32>,
    }
    %scan3A_39 = arith.constant 64 : i32
    %mul3A_40 = arith.constant 640 : i32
    %mul3A_41 = arith.muli %arg1, %mul3A_40 : i32
    %add3A_42 = arith.constant 0 : i32
    %add3A_43 = arith.addi %mul3A_41, %add3A_42 : i32
    "tpu.region"() ({
      %run_scoped3A = tpu.sem_alloc : memref<!tpu.dma_semaphore, #tpu.memory_space<semaphore_mem>>
      %dma_start3A_362 = arith.constant 0 : i32
      %dma_start3A_363 = arith.constant 0 : i32
      %dma_start3A_364 = tpu.memref_slice %arg17[%dma_start3A_362, %dma_start3A_363] : memref<72x144xf32, #tpu.memory_space<vmem>> -> memref<64x144xf32, #tpu.memory_space<vmem>>
      %dma_start3A_365 = arith.constant 0 : i32
      %dma_start3A_366 = tpu.memref_slice %arg21[%add3A_43, %dma_start3A_365] : memref<10240x144xf32, #tpu.memory_space<vmem_shared>> -> memref<64x144xf32, #tpu.memory_space<vmem_shared>>
      %dma_start3A_367 = arith.constant 0 : i32
      %dma_start3A_368 = tpu.memref_slice %arg21[%add3A_43, %dma_start3A_367] : memref<10240x144xf32, #tpu.memory_space<vmem_shared>> -> memref<64x144xf32, #tpu.memory_space<vmem_shared>>
      %dma_start3A_369 = arith.constant 0 : i32
      %dma_start3A_370 = arith.constant 0 : i32
      %dma_start3A_371 = tpu.memref_slice %arg17[%dma_start3A_369, %dma_start3A_370] : memref<72x144xf32, #tpu.memory_space<vmem>> -> memref<64x144xf32, #tpu.memory_space<vmem>>
      tpu.enqueue_dma source(%dma_start3A_371 : memref<64x144xf32, #tpu.memory_space<vmem>>) target(%dma_start3A_368 : memref<64x144xf32, #tpu.memory_space<vmem_shared>>) target_semaphore(%run_scoped3A : memref<!tpu.dma_semaphore, #tpu.memory_space<semaphore_mem>>)
      %dma_wait3A_372 = arith.constant 0 : i32
      %dma_wait3A_373 = arith.constant 0 : i32
      %dma_wait3A_374 = tpu.memref_slice %arg17[%dma_wait3A_372, %dma_wait3A_373] : memref<72x144xf32, #tpu.memory_space<vmem>> -> memref<64x144xf32, #tpu.memory_space<vmem>>
      %dma_wait3A_375 = arith.constant 0 : i32
      %dma_wait3A_376 = tpu.memref_slice %arg21[%add3A_43, %dma_wait3A_375] : memref<10240x144xf32, #tpu.memory_space<vmem_shared>> -> memref<64x144xf32, #tpu.memory_space<vmem_shared>>
      %dma_wait3A_377 = arith.constant 0 : i32
      %dma_wait3A_378 = tpu.memref_slice %arg21[%add3A_43, %dma_wait3A_377] : memref<10240x144xf32, #tpu.memory_space<vmem_shared>> -> memref<64x144xf32, #tpu.memory_space<vmem_shared>>
      %dma_wait3A_379 = arith.constant 0 : i32
      %dma_wait3A_380 = arith.constant 0 : i32
      %dma_wait3A_381 = tpu.memref_slice %arg17[%dma_wait3A_379, %dma_wait3A_380] : memref<72x144xf32, #tpu.memory_space<vmem>> -> memref<64x144xf32, #tpu.memory_space<vmem>>
      tpu.wait_dma2 semaphore(%run_scoped3A : memref<!tpu.dma_semaphore, #tpu.memory_space<semaphore_mem>>) src(%dma_wait3A_381 : memref<64x144xf32, #tpu.memory_space<vmem>>) dst(%dma_wait3A_378 : memref<64x144xf32, #tpu.memory_space<vmem_shared>>)
      tpu.yield
    }) : () -> ()
    %mul3A_44 = arith.constant 640 : i32
    %mul3A_45 = arith.muli %arg1, %mul3A_44 : i32
    %add3A_46 = arith.constant 64 : i32
    %add3A_47 = arith.addi %mul3A_45, %add3A_46 : i32
    "tpu.region"() ({
      %run_scoped3A = tpu.sem_alloc : memref<!tpu.dma_semaphore, #tpu.memory_space<semaphore_mem>>
      %dma_start3A_362 = arith.constant 0 : i32
      %dma_start3A_363 = arith.constant 0 : i32
      %dma_start3A_364 = tpu.memref_slice %arg17[%dma_start3A_362, %dma_start3A_363] : memref<72x144xf32, #tpu.memory_space<vmem>> -> memref<64x144xf32, #tpu.memory_space<vmem>>
      %dma_start3A_365 = arith.constant 0 : i32
      %dma_start3A_366 = tpu.memref_slice %arg21[%add3A_47, %dma_start3A_365] : memref<10240x144xf32, #tpu.memory_space<vmem_shared>> -> memref<64x144xf32, #tpu.memory_space<vmem_shared>>
      %dma_start3A_367 = arith.constant 0 : i32
      %dma_start3A_368 = tpu.memref_slice %arg21[%add3A_47, %dma_start3A_367] : memref<10240x144xf32, #tpu.memory_space<vmem_shared>> -> memref<64x144xf32, #tpu.memory_space<vmem_shared>>
      %dma_start3A_369 = arith.constant 0 : i32
      %dma_start3A_370 = arith.constant 0 : i32
      %dma_start3A_371 = tpu.memref_slice %arg17[%dma_start3A_369, %dma_start3A_370] : memref<72x144xf32, #tpu.memory_space<vmem>> -> memref<64x144xf32, #tpu.memory_space<vmem>>
      tpu.enqueue_dma source(%dma_start3A_371 : memref<64x144xf32, #tpu.memory_space<vmem>>) target(%dma_start3A_368 : memref<64x144xf32, #tpu.memory_space<vmem_shared>>) target_semaphore(%run_scoped3A : memref<!tpu.dma_semaphore, #tpu.memory_space<semaphore_mem>>)
      %dma_wait3A_372 = arith.constant 0 : i32
      %dma_wait3A_373 = arith.constant 0 : i32
      %dma_wait3A_374 = tpu.memref_slice %arg17[%dma_wait3A_372, %dma_wait3A_373] : memref<72x144xf32, #tpu.memory_space<vmem>> -> memref<64x144xf32, #tpu.memory_space<vmem>>
      %dma_wait3A_375 = arith.constant 0 : i32
      %dma_wait3A_376 = tpu.memref_slice %arg21[%add3A_47, %dma_wait3A_375] : memref<10240x144xf32, #tpu.memory_space<vmem_shared>> -> memref<64x144xf32, #tpu.memory_space<vmem_shared>>
      %dma_wait3A_377 = arith.constant 0 : i32
      %dma_wait3A_378 = tpu.memref_slice %arg21[%add3A_47, %dma_wait3A_377] : memref<10240x144xf32, #tpu.memory_space<vmem_shared>> -> memref<64x144xf32, #tpu.memory_space<vmem_shared>>
      %dma_wait3A_379 = arith.constant 0 : i32
      %dma_wait3A_380 = arith.constant 0 : i32
      %dma_wait3A_381 = tpu.memref_slice %arg17[%dma_wait3A_379, %dma_wait3A_380] : memref<72x144xf32, #tpu.memory_space<vmem>> -> memref<64x144xf32, #tpu.memory_space<vmem>>
      tpu.wait_dma2 semaphore(%run_scoped3A : memref<!tpu.dma_semaphore, #tpu.memory_space<semaphore_mem>>) src(%dma_wait3A_381 : memref<64x144xf32, #tpu.memory_space<vmem>>) dst(%dma_wait3A_378 : memref<64x144xf32, #tpu.memory_space<vmem_shared>>)
      tpu.yield
    }) : () -> ()
    %mul3A_48 = arith.constant 640 : i32
    %mul3A_49 = arith.muli %arg1, %mul3A_48 : i32
    %add3A_50 = arith.constant 128 : i32
    %add3A_51 = arith.addi %mul3A_49, %add3A_50 : i32
    "tpu.region"() ({
      %run_scoped3A = tpu.sem_alloc : memref<!tpu.dma_semaphore, #tpu.memory_space<semaphore_mem>>
      %dma_start3A_362 = arith.constant 0 : i32
      %dma_start3A_363 = arith.constant 0 : i32
      %dma_start3A_364 = tpu.memref_slice %arg17[%dma_start3A_362, %dma_start3A_363] : memref<72x144xf32, #tpu.memory_space<vmem>> -> memref<64x144xf32, #tpu.memory_space<vmem>>
      %dma_start3A_365 = arith.constant 0 : i32
      %dma_start3A_366 = tpu.memref_slice %arg21[%add3A_51, %dma_start3A_365] : memref<10240x144xf32, #tpu.memory_space<vmem_shared>> -> memref<64x144xf32, #tpu.memory_space<vmem_shared>>
      %dma_start3A_367 = arith.constant 0 : i32
      %dma_start3A_368 = tpu.memref_slice %arg21[%add3A_51, %dma_start3A_367] : memref<10240x144xf32, #tpu.memory_space<vmem_shared>> -> memref<64x144xf32, #tpu.memory_space<vmem_shared>>
      %dma_start3A_369 = arith.constant 0 : i32
      %dma_start3A_370 = arith.constant 0 : i32
      %dma_start3A_371 = tpu.memref_slice %arg17[%dma_start3A_369, %dma_start3A_370] : memref<72x144xf32, #tpu.memory_space<vmem>> -> memref<64x144xf32, #tpu.memory_space<vmem>>
      tpu.enqueue_dma source(%dma_start3A_371 : memref<64x144xf32, #tpu.memory_space<vmem>>) target(%dma_start3A_368 : memref<64x144xf32, #tpu.memory_space<vmem_shared>>) target_semaphore(%run_scoped3A : memref<!tpu.dma_semaphore, #tpu.memory_space<semaphore_mem>>)
      %dma_wait3A_372 = arith.constant 0 : i32
      %dma_wait3A_373 = arith.constant 0 : i32
      %dma_wait3A_374 = tpu.memref_slice %arg17[%dma_wait3A_372, %dma_wait3A_373] : memref<72x144xf32, #tpu.memory_space<vmem>> -> memref<64x144xf32, #tpu.memory_space<vmem>>
      %dma_wait3A_375 = arith.constant 0 : i32
      %dma_wait3A_376 = tpu.memref_slice %arg21[%add3A_51, %dma_wait3A_375] : memref<10240x144xf32, #tpu.memory_space<vmem_shared>> -> memref<64x144xf32, #tpu.memory_space<vmem_shared>>
      %dma_wait3A_377 = arith.constant 0 : i32
      %dma_wait3A_378 = tpu.memref_slice %arg21[%add3A_51, %dma_wait3A_377] : memref<10240x144xf32, #tpu.memory_space<vmem_shared>> -> memref<64x144xf32, #tpu.memory_space<vmem_shared>>
      %dma_wait3A_379 = arith.constant 0 : i32
      %dma_wait3A_380 = arith.constant 0 : i32
      %dma_wait3A_381 = tpu.memref_slice %arg17[%dma_wait3A_379, %dma_wait3A_380] : memref<72x144xf32, #tpu.memory_space<vmem>> -> memref<64x144xf32, #tpu.memory_space<vmem>>
      tpu.wait_dma2 semaphore(%run_scoped3A : memref<!tpu.dma_semaphore, #tpu.memory_space<semaphore_mem>>) src(%dma_wait3A_381 : memref<64x144xf32, #tpu.memory_space<vmem>>) dst(%dma_wait3A_378 : memref<64x144xf32, #tpu.memory_space<vmem_shared>>)
      tpu.yield
    }) : () -> ()
    %mul3A_52 = arith.constant 640 : i32
    %mul3A_53 = arith.muli %arg1, %mul3A_52 : i32
    %add3A_54 = arith.constant 192 : i32
    %add3A_55 = arith.addi %mul3A_53, %add3A_54 : i32
    "tpu.region"() ({
      %run_scoped3A = tpu.sem_alloc : memref<!tpu.dma_semaphore, #tpu.memory_space<semaphore_mem>>
      %dma_start3A_362 = arith.constant 0 : i32
      %dma_start3A_363 = arith.constant 0 : i32
      %dma_start3A_364 = tpu.memref_slice %arg17[%dma_start3A_362, %dma_start3A_363] : memref<72x144xf32, #tpu.memory_space<vmem>> -> memref<64x144xf32, #tpu.memory_space<vmem>>
      %dma_start3A_365 = arith.constant 0 : i32
      %dma_start3A_366 = tpu.memref_slice %arg21[%add3A_55, %dma_start3A_365] : memref<10240x144xf32, #tpu.memory_space<vmem_shared>> -> memref<64x144xf32, #tpu.memory_space<vmem_shared>>
      %dma_start3A_367 = arith.constant 0 : i32
      %dma_start3A_368 = tpu.memref_slice %arg21[%add3A_55, %dma_start3A_367] : memref<10240x144xf32, #tpu.memory_space<vmem_shared>> -> memref<64x144xf32, #tpu.memory_space<vmem_shared>>
      %dma_start3A_369 = arith.constant 0 : i32
      %dma_start3A_370 = arith.constant 0 : i32
      %dma_start3A_371 = tpu.memref_slice %arg17[%dma_start3A_369, %dma_start3A_370] : memref<72x144xf32, #tpu.memory_space<vmem>> -> memref<64x144xf32, #tpu.memory_space<vmem>>
      tpu.enqueue_dma source(%dma_start3A_371 : memref<64x144xf32, #tpu.memory_space<vmem>>) target(%dma_start3A_368 : memref<64x144xf32, #tpu.memory_space<vmem_shared>>) target_semaphore(%run_scoped3A : memref<!tpu.dma_semaphore, #tpu.memory_space<semaphore_mem>>)
      %dma_wait3A_372 = arith.constant 0 : i32
      %dma_wait3A_373 = arith.constant 0 : i32
      %dma_wait3A_374 = tpu.memref_slice %arg17[%dma_wait3A_372, %dma_wait3A_373] : memref<72x144xf32, #tpu.memory_space<vmem>> -> memref<64x144xf32, #tpu.memory_space<vmem>>
      %dma_wait3A_375 = arith.constant 0 : i32
      %dma_wait3A_376 = tpu.memref_slice %arg21[%add3A_55, %dma_wait3A_375] : memref<10240x144xf32, #tpu.memory_space<vmem_shared>> -> memref<64x144xf32, #tpu.memory_space<vmem_shared>>
      %dma_wait3A_377 = arith.constant 0 : i32
      %dma_wait3A_378 = tpu.memref_slice %arg21[%add3A_55, %dma_wait3A_377] : memref<10240x144xf32, #tpu.memory_space<vmem_shared>> -> memref<64x144xf32, #tpu.memory_space<vmem_shared>>
      %dma_wait3A_379 = arith.constant 0 : i32
      %dma_wait3A_380 = arith.constant 0 : i32
      %dma_wait3A_381 = tpu.memref_slice %arg17[%dma_wait3A_379, %dma_wait3A_380] : memref<72x144xf32, #tpu.memory_space<vmem>> -> memref<64x144xf32, #tpu.memory_space<vmem>>
      tpu.wait_dma2 semaphore(%run_scoped3A : memref<!tpu.dma_semaphore, #tpu.memory_space<semaphore_mem>>) src(%dma_wait3A_381 : memref<64x144xf32, #tpu.memory_space<vmem>>) dst(%dma_wait3A_378 : memref<64x144xf32, #tpu.memory_space<vmem_shared>>)
      tpu.yield
    }) : () -> ()
    %mul3A_56 = arith.constant 640 : i32
    %mul3A_57 = arith.muli %arg1, %mul3A_56 : i32
    %add3A_58 = arith.constant 256 : i32
    %add3A_59 = arith.addi %mul3A_57, %add3A_58 : i32
    "tpu.region"() ({
      %run_scoped3A = tpu.sem_alloc : memref<!tpu.dma_semaphore, #tpu.memory_space<semaphore_mem>>
      %dma_start3A_362 = arith.constant 0 : i32
      %dma_start3A_363 = arith.constant 0 : i32
      %dma_start3A_364 = tpu.memref_slice %arg17[%dma_start3A_362, %dma_start3A_363] : memref<72x144xf32, #tpu.memory_space<vmem>> -> memref<64x144xf32, #tpu.memory_space<vmem>>
      %dma_start3A_365 = arith.constant 0 : i32
      %dma_start3A_366 = tpu.memref_slice %arg21[%add3A_59, %dma_start3A_365] : memref<10240x144xf32, #tpu.memory_space<vmem_shared>> -> memref<64x144xf32, #tpu.memory_space<vmem_shared>>
      %dma_start3A_367 = arith.constant 0 : i32
      %dma_start3A_368 = tpu.memref_slice %arg21[%add3A_59, %dma_start3A_367] : memref<10240x144xf32, #tpu.memory_space<vmem_shared>> -> memref<64x144xf32, #tpu.memory_space<vmem_shared>>
      %dma_start3A_369 = arith.constant 0 : i32
      %dma_start3A_370 = arith.constant 0 : i32
      %dma_start3A_371 = tpu.memref_slice %arg17[%dma_start3A_369, %dma_start3A_370] : memref<72x144xf32, #tpu.memory_space<vmem>> -> memref<64x144xf32, #tpu.memory_space<vmem>>
      tpu.enqueue_dma source(%dma_start3A_371 : memref<64x144xf32, #tpu.memory_space<vmem>>) target(%dma_start3A_368 : memref<64x144xf32, #tpu.memory_space<vmem_shared>>) target_semaphore(%run_scoped3A : memref<!tpu.dma_semaphore, #tpu.memory_space<semaphore_mem>>)
      %dma_wait3A_372 = arith.constant 0 : i32
      %dma_wait3A_373 = arith.constant 0 : i32
      %dma_wait3A_374 = tpu.memref_slice %arg17[%dma_wait3A_372, %dma_wait3A_373] : memref<72x144xf32, #tpu.memory_space<vmem>> -> memref<64x144xf32, #tpu.memory_space<vmem>>
      %dma_wait3A_375 = arith.constant 0 : i32
      %dma_wait3A_376 = tpu.memref_slice %arg21[%add3A_59, %dma_wait3A_375] : memref<10240x144xf32, #tpu.memory_space<vmem_shared>> -> memref<64x144xf32, #tpu.memory_space<vmem_shared>>
      %dma_wait3A_377 = arith.constant 0 : i32
      %dma_wait3A_378 = tpu.memref_slice %arg21[%add3A_59, %dma_wait3A_377] : memref<10240x144xf32, #tpu.memory_space<vmem_shared>> -> memref<64x144xf32, #tpu.memory_space<vmem_shared>>
      %dma_wait3A_379 = arith.constant 0 : i32
      %dma_wait3A_380 = arith.constant 0 : i32
      %dma_wait3A_381 = tpu.memref_slice %arg17[%dma_wait3A_379, %dma_wait3A_380] : memref<72x144xf32, #tpu.memory_space<vmem>> -> memref<64x144xf32, #tpu.memory_space<vmem>>
      tpu.wait_dma2 semaphore(%run_scoped3A : memref<!tpu.dma_semaphore, #tpu.memory_space<semaphore_mem>>) src(%dma_wait3A_381 : memref<64x144xf32, #tpu.memory_space<vmem>>) dst(%dma_wait3A_378 : memref<64x144xf32, #tpu.memory_space<vmem_shared>>)
      tpu.yield
    }) : () -> ()
    %mul3A_60 = arith.constant 640 : i32
    %mul3A_61 = arith.muli %arg1, %mul3A_60 : i32
    %add3A_62 = arith.constant 320 : i32
    %add3A_63 = arith.addi %mul3A_61, %add3A_62 : i32
    "tpu.region"() ({
      %run_scoped3A = tpu.sem_alloc : memref<!tpu.dma_semaphore, #tpu.memory_space<semaphore_mem>>
      %dma_start3A_362 = arith.constant 0 : i32
      %dma_start3A_363 = arith.constant 0 : i32
      %dma_start3A_364 = tpu.memref_slice %arg17[%dma_start3A_362, %dma_start3A_363] : memref<72x144xf32, #tpu.memory_space<vmem>> -> memref<64x144xf32, #tpu.memory_space<vmem>>
      %dma_start3A_365 = arith.constant 0 : i32
      %dma_start3A_366 = tpu.memref_slice %arg21[%add3A_63, %dma_start3A_365] : memref<10240x144xf32, #tpu.memory_space<vmem_shared>> -> memref<64x144xf32, #tpu.memory_space<vmem_shared>>
      %dma_start3A_367 = arith.constant 0 : i32
      %dma_start3A_368 = tpu.memref_slice %arg21[%add3A_63, %dma_start3A_367] : memref<10240x144xf32, #tpu.memory_space<vmem_shared>> -> memref<64x144xf32, #tpu.memory_space<vmem_shared>>
      %dma_start3A_369 = arith.constant 0 : i32
      %dma_start3A_370 = arith.constant 0 : i32
      %dma_start3A_371 = tpu.memref_slice %arg17[%dma_start3A_369, %dma_start3A_370] : memref<72x144xf32, #tpu.memory_space<vmem>> -> memref<64x144xf32, #tpu.memory_space<vmem>>
      tpu.enqueue_dma source(%dma_start3A_371 : memref<64x144xf32, #tpu.memory_space<vmem>>) target(%dma_start3A_368 : memref<64x144xf32, #tpu.memory_space<vmem_shared>>) target_semaphore(%run_scoped3A : memref<!tpu.dma_semaphore, #tpu.memory_space<semaphore_mem>>)
      %dma_wait3A_372 = arith.constant 0 : i32
      %dma_wait3A_373 = arith.constant 0 : i32
      %dma_wait3A_374 = tpu.memref_slice %arg17[%dma_wait3A_372, %dma_wait3A_373] : memref<72x144xf32, #tpu.memory_space<vmem>> -> memref<64x144xf32, #tpu.memory_space<vmem>>
      %dma_wait3A_375 = arith.constant 0 : i32
      %dma_wait3A_376 = tpu.memref_slice %arg21[%add3A_63, %dma_wait3A_375] : memref<10240x144xf32, #tpu.memory_space<vmem_shared>> -> memref<64x144xf32, #tpu.memory_space<vmem_shared>>
      %dma_wait3A_377 = arith.constant 0 : i32
      %dma_wait3A_378 = tpu.memref_slice %arg21[%add3A_63, %dma_wait3A_377] : memref<10240x144xf32, #tpu.memory_space<vmem_shared>> -> memref<64x144xf32, #tpu.memory_space<vmem_shared>>
      %dma_wait3A_379 = arith.constant 0 : i32
      %dma_wait3A_380 = arith.constant 0 : i32
      %dma_wait3A_381 = tpu.memref_slice %arg17[%dma_wait3A_379, %dma_wait3A_380] : memref<72x144xf32, #tpu.memory_space<vmem>> -> memref<64x144xf32, #tpu.memory_space<vmem>>
      tpu.wait_dma2 semaphore(%run_scoped3A : memref<!tpu.dma_semaphore, #tpu.memory_space<semaphore_mem>>) src(%dma_wait3A_381 : memref<64x144xf32, #tpu.memory_space<vmem>>) dst(%dma_wait3A_378 : memref<64x144xf32, #tpu.memory_space<vmem_shared>>)
      tpu.yield
    }) : () -> ()
    %mul3A_64 = arith.constant 640 : i32
    %mul3A_65 = arith.muli %arg1, %mul3A_64 : i32
    %add3A_66 = arith.constant 384 : i32
    %add3A_67 = arith.addi %mul3A_65, %add3A_66 : i32
    "tpu.region"() ({
      %run_scoped3A = tpu.sem_alloc : memref<!tpu.dma_semaphore, #tpu.memory_space<semaphore_mem>>
      %dma_start3A_362 = arith.constant 0 : i32
      %dma_start3A_363 = arith.constant 0 : i32
      %dma_start3A_364 = tpu.memref_slice %arg17[%dma_start3A_362, %dma_start3A_363] : memref<72x144xf32, #tpu.memory_space<vmem>> -> memref<64x144xf32, #tpu.memory_space<vmem>>
      %dma_start3A_365 = arith.constant 0 : i32
      %dma_start3A_366 = tpu.memref_slice %arg21[%add3A_67, %dma_start3A_365] : memref<10240x144xf32, #tpu.memory_space<vmem_shared>> -> memref<64x144xf32, #tpu.memory_space<vmem_shared>>
      %dma_start3A_367 = arith.constant 0 : i32
      %dma_start3A_368 = tpu.memref_slice %arg21[%add3A_67, %dma_start3A_367] : memref<10240x144xf32, #tpu.memory_space<vmem_shared>> -> memref<64x144xf32, #tpu.memory_space<vmem_shared>>
      %dma_start3A_369 = arith.constant 0 : i32
      %dma_start3A_370 = arith.constant 0 : i32
      %dma_start3A_371 = tpu.memref_slice %arg17[%dma_start3A_369, %dma_start3A_370] : memref<72x144xf32, #tpu.memory_space<vmem>> -> memref<64x144xf32, #tpu.memory_space<vmem>>
      tpu.enqueue_dma source(%dma_start3A_371 : memref<64x144xf32, #tpu.memory_space<vmem>>) target(%dma_start3A_368 : memref<64x144xf32, #tpu.memory_space<vmem_shared>>) target_semaphore(%run_scoped3A : memref<!tpu.dma_semaphore, #tpu.memory_space<semaphore_mem>>)
      %dma_wait3A_372 = arith.constant 0 : i32
      %dma_wait3A_373 = arith.constant 0 : i32
      %dma_wait3A_374 = tpu.memref_slice %arg17[%dma_wait3A_372, %dma_wait3A_373] : memref<72x144xf32, #tpu.memory_space<vmem>> -> memref<64x144xf32, #tpu.memory_space<vmem>>
      %dma_wait3A_375 = arith.constant 0 : i32
      %dma_wait3A_376 = tpu.memref_slice %arg21[%add3A_67, %dma_wait3A_375] : memref<10240x144xf32, #tpu.memory_space<vmem_shared>> -> memref<64x144xf32, #tpu.memory_space<vmem_shared>>
      %dma_wait3A_377 = arith.constant 0 : i32
      %dma_wait3A_378 = tpu.memref_slice %arg21[%add3A_67, %dma_wait3A_377] : memref<10240x144xf32, #tpu.memory_space<vmem_shared>> -> memref<64x144xf32, #tpu.memory_space<vmem_shared>>
      %dma_wait3A_379 = arith.constant 0 : i32
      %dma_wait3A_380 = arith.constant 0 : i32
      %dma_wait3A_381 = tpu.memref_slice %arg17[%dma_wait3A_379, %dma_wait3A_380] : memref<72x144xf32, #tpu.memory_space<vmem>> -> memref<64x144xf32, #tpu.memory_space<vmem>>
      tpu.wait_dma2 semaphore(%run_scoped3A : memref<!tpu.dma_semaphore, #tpu.memory_space<semaphore_mem>>) src(%dma_wait3A_381 : memref<64x144xf32, #tpu.memory_space<vmem>>) dst(%dma_wait3A_378 : memref<64x144xf32, #tpu.memory_space<vmem_shared>>)
      tpu.yield
    }) : () -> ()
    %mul3A_68 = arith.constant 640 : i32
    %mul3A_69 = arith.muli %arg1, %mul3A_68 : i32
    %add3A_70 = arith.constant 448 : i32
    %add3A_71 = arith.addi %mul3A_69, %add3A_70 : i32
    "tpu.region"() ({
      %run_scoped3A = tpu.sem_alloc : memref<!tpu.dma_semaphore, #tpu.memory_space<semaphore_mem>>
      %dma_start3A_362 = arith.constant 0 : i32
      %dma_start3A_363 = arith.constant 0 : i32
      %dma_start3A_364 = tpu.memref_slice %arg17[%dma_start3A_362, %dma_start3A_363] : memref<72x144xf32, #tpu.memory_space<vmem>> -> memref<64x144xf32, #tpu.memory_space<vmem>>
      %dma_start3A_365 = arith.constant 0 : i32
      %dma_start3A_366 = tpu.memref_slice %arg21[%add3A_71, %dma_start3A_365] : memref<10240x144xf32, #tpu.memory_space<vmem_shared>> -> memref<64x144xf32, #tpu.memory_space<vmem_shared>>
      %dma_start3A_367 = arith.constant 0 : i32
      %dma_start3A_368 = tpu.memref_slice %arg21[%add3A_71, %dma_start3A_367] : memref<10240x144xf32, #tpu.memory_space<vmem_shared>> -> memref<64x144xf32, #tpu.memory_space<vmem_shared>>
      %dma_start3A_369 = arith.constant 0 : i32
      %dma_start3A_370 = arith.constant 0 : i32
      %dma_start3A_371 = tpu.memref_slice %arg17[%dma_start3A_369, %dma_start3A_370] : memref<72x144xf32, #tpu.memory_space<vmem>> -> memref<64x144xf32, #tpu.memory_space<vmem>>
      tpu.enqueue_dma source(%dma_start3A_371 : memref<64x144xf32, #tpu.memory_space<vmem>>) target(%dma_start3A_368 : memref<64x144xf32, #tpu.memory_space<vmem_shared>>) target_semaphore(%run_scoped3A : memref<!tpu.dma_semaphore, #tpu.memory_space<semaphore_mem>>)
      %dma_wait3A_372 = arith.constant 0 : i32
      %dma_wait3A_373 = arith.constant 0 : i32
      %dma_wait3A_374 = tpu.memref_slice %arg17[%dma_wait3A_372, %dma_wait3A_373] : memref<72x144xf32, #tpu.memory_space<vmem>> -> memref<64x144xf32, #tpu.memory_space<vmem>>
      %dma_wait3A_375 = arith.constant 0 : i32
      %dma_wait3A_376 = tpu.memref_slice %arg21[%add3A_71, %dma_wait3A_375] : memref<10240x144xf32, #tpu.memory_space<vmem_shared>> -> memref<64x144xf32, #tpu.memory_space<vmem_shared>>
      %dma_wait3A_377 = arith.constant 0 : i32
      %dma_wait3A_378 = tpu.memref_slice %arg21[%add3A_71, %dma_wait3A_377] : memref<10240x144xf32, #tpu.memory_space<vmem_shared>> -> memref<64x144xf32, #tpu.memory_space<vmem_shared>>
      %dma_wait3A_379 = arith.constant 0 : i32
      %dma_wait3A_380 = arith.constant 0 : i32
      %dma_wait3A_381 = tpu.memref_slice %arg17[%dma_wait3A_379, %dma_wait3A_380] : memref<72x144xf32, #tpu.memory_space<vmem>> -> memref<64x144xf32, #tpu.memory_space<vmem>>
      tpu.wait_dma2 semaphore(%run_scoped3A : memref<!tpu.dma_semaphore, #tpu.memory_space<semaphore_mem>>) src(%dma_wait3A_381 : memref<64x144xf32, #tpu.memory_space<vmem>>) dst(%dma_wait3A_378 : memref<64x144xf32, #tpu.memory_space<vmem_shared>>)
      tpu.yield
    }) : () -> ()
    %mul3A_72 = arith.constant 640 : i32
    %mul3A_73 = arith.muli %arg1, %mul3A_72 : i32
    %add3A_74 = arith.constant 512 : i32
    %add3A_75 = arith.addi %mul3A_73, %add3A_74 : i32
    "tpu.region"() ({
      %run_scoped3A = tpu.sem_alloc : memref<!tpu.dma_semaphore, #tpu.memory_space<semaphore_mem>>
      %dma_start3A_362 = arith.constant 0 : i32
      %dma_start3A_363 = arith.constant 0 : i32
      %dma_start3A_364 = tpu.memref_slice %arg17[%dma_start3A_362, %dma_start3A_363] : memref<72x144xf32, #tpu.memory_space<vmem>> -> memref<64x144xf32, #tpu.memory_space<vmem>>
      %dma_start3A_365 = arith.constant 0 : i32
      %dma_start3A_366 = tpu.memref_slice %arg21[%add3A_75, %dma_start3A_365] : memref<10240x144xf32, #tpu.memory_space<vmem_shared>> -> memref<64x144xf32, #tpu.memory_space<vmem_shared>>
      %dma_start3A_367 = arith.constant 0 : i32
      %dma_start3A_368 = tpu.memref_slice %arg21[%add3A_75, %dma_start3A_367] : memref<10240x144xf32, #tpu.memory_space<vmem_shared>> -> memref<64x144xf32, #tpu.memory_space<vmem_shared>>
      %dma_start3A_369 = arith.constant 0 : i32
      %dma_start3A_370 = arith.constant 0 : i32
      %dma_start3A_371 = tpu.memref_slice %arg17[%dma_start3A_369, %dma_start3A_370] : memref<72x144xf32, #tpu.memory_space<vmem>> -> memref<64x144xf32, #tpu.memory_space<vmem>>
      tpu.enqueue_dma source(%dma_start3A_371 : memref<64x144xf32, #tpu.memory_space<vmem>>) target(%dma_start3A_368 : memref<64x144xf32, #tpu.memory_space<vmem_shared>>) target_semaphore(%run_scoped3A : memref<!tpu.dma_semaphore, #tpu.memory_space<semaphore_mem>>)
      %dma_wait3A_372 = arith.constant 0 : i32
      %dma_wait3A_373 = arith.constant 0 : i32
      %dma_wait3A_374 = tpu.memref_slice %arg17[%dma_wait3A_372, %dma_wait3A_373] : memref<72x144xf32, #tpu.memory_space<vmem>> -> memref<64x144xf32, #tpu.memory_space<vmem>>
      %dma_wait3A_375 = arith.constant 0 : i32
      %dma_wait3A_376 = tpu.memref_slice %arg21[%add3A_75, %dma_wait3A_375] : memref<10240x144xf32, #tpu.memory_space<vmem_shared>> -> memref<64x144xf32, #tpu.memory_space<vmem_shared>>
      %dma_wait3A_377 = arith.constant 0 : i32
      %dma_wait3A_378 = tpu.memref_slice %arg21[%add3A_75, %dma_wait3A_377] : memref<10240x144xf32, #tpu.memory_space<vmem_shared>> -> memref<64x144xf32, #tpu.memory_space<vmem_shared>>
      %dma_wait3A_379 = arith.constant 0 : i32
      %dma_wait3A_380 = arith.constant 0 : i32
      %dma_wait3A_381 = tpu.memref_slice %arg17[%dma_wait3A_379, %dma_wait3A_380] : memref<72x144xf32, #tpu.memory_space<vmem>> -> memref<64x144xf32, #tpu.memory_space<vmem>>
      tpu.wait_dma2 semaphore(%run_scoped3A : memref<!tpu.dma_semaphore, #tpu.memory_space<semaphore_mem>>) src(%dma_wait3A_381 : memref<64x144xf32, #tpu.memory_space<vmem>>) dst(%dma_wait3A_378 : memref<64x144xf32, #tpu.memory_space<vmem_shared>>)
      tpu.yield
    }) : () -> ()
    %mul3A_76 = arith.constant 640 : i32
    %mul3A_77 = arith.muli %arg1, %mul3A_76 : i32
    %add3A_78 = arith.constant 576 : i32
    %add3A_79 = arith.addi %mul3A_77, %add3A_78 : i32
    "tpu.region"() ({
      %run_scoped3A = tpu.sem_alloc : memref<!tpu.dma_semaphore, #tpu.memory_space<semaphore_mem>>
      %dma_start3A_362 = arith.constant 0 : i32
      %dma_start3A_363 = arith.constant 0 : i32
      %dma_start3A_364 = tpu.memref_slice %arg17[%dma_start3A_362, %dma_start3A_363] : memref<72x144xf32, #tpu.memory_space<vmem>> -> memref<64x144xf32, #tpu.memory_space<vmem>>
      %dma_start3A_365 = arith.constant 0 : i32
      %dma_start3A_366 = tpu.memref_slice %arg21[%add3A_79, %dma_start3A_365] : memref<10240x144xf32, #tpu.memory_space<vmem_shared>> -> memref<64x144xf32, #tpu.memory_space<vmem_shared>>
      %dma_start3A_367 = arith.constant 0 : i32
      %dma_start3A_368 = tpu.memref_slice %arg21[%add3A_79, %dma_start3A_367] : memref<10240x144xf32, #tpu.memory_space<vmem_shared>> -> memref<64x144xf32, #tpu.memory_space<vmem_shared>>
      %dma_start3A_369 = arith.constant 0 : i32
      %dma_start3A_370 = arith.constant 0 : i32
      %dma_start3A_371 = tpu.memref_slice %arg17[%dma_start3A_369, %dma_start3A_370] : memref<72x144xf32, #tpu.memory_space<vmem>> -> memref<64x144xf32, #tpu.memory_space<vmem>>
      tpu.enqueue_dma source(%dma_start3A_371 : memref<64x144xf32, #tpu.memory_space<vmem>>) target(%dma_start3A_368 : memref<64x144xf32, #tpu.memory_space<vmem_shared>>) target_semaphore(%run_scoped3A : memref<!tpu.dma_semaphore, #tpu.memory_space<semaphore_mem>>)
      %dma_wait3A_372 = arith.constant 0 : i32
      %dma_wait3A_373 = arith.constant 0 : i32
      %dma_wait3A_374 = tpu.memref_slice %arg17[%dma_wait3A_372, %dma_wait3A_373] : memref<72x144xf32, #tpu.memory_space<vmem>> -> memref<64x144xf32, #tpu.memory_space<vmem>>
      %dma_wait3A_375 = arith.constant 0 : i32
      %dma_wait3A_376 = tpu.memref_slice %arg21[%add3A_79, %dma_wait3A_375] : memref<10240x144xf32, #tpu.memory_space<vmem_shared>> -> memref<64x144xf32, #tpu.memory_space<vmem_shared>>
      %dma_wait3A_377 = arith.constant 0 : i32
      %dma_wait3A_378 = tpu.memref_slice %arg21[%add3A_79, %dma_wait3A_377] : memref<10240x144xf32, #tpu.memory_space<vmem_shared>> -> memref<64x144xf32, #tpu.memory_space<vmem_shared>>
      %dma_wait3A_379 = arith.constant 0 : i32
      %dma_wait3A_380 = arith.constant 0 : i32
      %dma_wait3A_381 = tpu.memref_slice %arg17[%dma_wait3A_379, %dma_wait3A_380] : memref<72x144xf32, #tpu.memory_space<vmem>> -> memref<64x144xf32, #tpu.memory_space<vmem>>
      tpu.wait_dma2 semaphore(%run_scoped3A : memref<!tpu.dma_semaphore, #tpu.memory_space<semaphore_mem>>) src(%dma_wait3A_381 : memref<64x144xf32, #tpu.memory_space<vmem>>) dst(%dma_wait3A_378 : memref<64x144xf32, #tpu.memory_space<vmem_shared>>)
      tpu.yield
    }) : () -> ()
    %dma_wait3A = arith.constant 0 : i32
    %dma_wait3A_80 = arith.constant 0 : i32
    %dma_wait3A_81 = tpu.memref_slice %arg4[%add3A, %dma_wait3A, %dma_wait3A_80] : memref<32x140x72xi32, #tpu.memory_space<hbm>> -> memref<1x1x72xi32, #tpu.memory_space<hbm>>
    %dma_wait3A_82 = tpu.memref_squeeze %dma_wait3A_81 : memref<1x1x72xi32, #tpu.memory_space<hbm>> -> memref<72xi32, #tpu.memory_space<hbm>>
    %dma_wait3A_83 = arith.constant 0 : i32
    %dma_wait3A_84 = tpu.memref_slice %arg4[%add3A, %dma_wait3A, %dma_wait3A_83] : memref<32x140x72xi32, #tpu.memory_space<hbm>> -> memref<1x1x72xi32, #tpu.memory_space<hbm>>
    %dma_wait3A_85 = tpu.memref_squeeze %dma_wait3A_84 : memref<1x1x72xi32, #tpu.memory_space<hbm>> -> memref<72xi32, #tpu.memory_space<hbm>>
    tpu.wait_dma2 semaphore(%arg26 : memref<!tpu.dma_semaphore, #tpu.memory_space<semaphore_mem>>) src(%dma_wait3A_85 : memref<72xi32, #tpu.memory_space<hbm>>) dst(%arg7 : memref<72xi32, #tpu.memory_space<vmem>>)
    %dma_wait3A_86 = arith.constant 0 : i32
    %dma_wait3A_87 = arith.constant 0 : i32
    %dma_wait3A_88 = tpu.memref_slice %arg5[%add3A, %dma_wait3A_86, %dma_wait3A_87] : memref<32x140x72xi32, #tpu.memory_space<hbm>> -> memref<1x1x72xi32, #tpu.memory_space<hbm>>
    %dma_wait3A_89 = tpu.memref_squeeze %dma_wait3A_88 : memref<1x1x72xi32, #tpu.memory_space<hbm>> -> memref<72xi32, #tpu.memory_space<hbm>>
    %dma_wait3A_90 = arith.constant 0 : i32
    %dma_wait3A_91 = tpu.memref_slice %arg5[%add3A, %dma_wait3A_86, %dma_wait3A_90] : memref<32x140x72xi32, #tpu.memory_space<hbm>> -> memref<1x1x72xi32, #tpu.memory_space<hbm>>
    %dma_wait3A_92 = tpu.memref_squeeze %dma_wait3A_91 : memref<1x1x72xi32, #tpu.memory_space<hbm>> -> memref<72xi32, #tpu.memory_space<hbm>>
    tpu.wait_dma2 semaphore(%arg26 : memref<!tpu.dma_semaphore, #tpu.memory_space<semaphore_mem>>) src(%dma_wait3A_92 : memref<72xi32, #tpu.memory_space<hbm>>) dst(%arg11 : memref<72xi32, #tpu.memory_space<vmem>>)
    %dma_start3A_93 = arith.constant 0 : i32
    %dma_start3A_94 = arith.constant 0 : i32
    %dma_start3A_95 = tpu.memref_slice %arg2[%dma_start3A_93, %dma_start3A_94] : memref<10000x80xf32, #tpu.memory_space<hbm>> -> memref<10000x80xf32, #tpu.memory_space<hbm>>
    tpu.enqueue_indirect_dma source(%dma_start3A_95 : memref<10000x80xf32, #tpu.memory_space<hbm>>) target(%arg15 : memref<72x80xf32, #tpu.memory_space<vmem>>) offsets(%arg7 : memref<72xi32, #tpu.memory_space<vmem>>) semaphore(%arg22 : memref<!tpu.dma_semaphore, #tpu.memory_space<semaphore_mem>>)
    %dma_start3A_96 = arith.constant 0 : i32
    %dma_start3A_97 = arith.constant 0 : i32
    %dma_start3A_98 = tpu.memref_slice %arg3[%dma_start3A_96, %dma_start3A_97] : memref<10240x16xf32, #tpu.memory_space<hbm>> -> memref<10240x16xf32, #tpu.memory_space<hbm>>
    tpu.enqueue_indirect_dma source(%dma_start3A_98 : memref<10240x16xf32, #tpu.memory_space<hbm>>) target(%arg19 : memref<72x16xf32, #tpu.memory_space<vmem>>) offsets(%arg11 : memref<72xi32, #tpu.memory_space<vmem>>) semaphore(%arg22 : memref<!tpu.dma_semaphore, #tpu.memory_space<semaphore_mem>>)
    %dma_wait3A_99 = arith.constant 0 : i32
    %dma_wait3A_100 = arith.constant 0 : i32
    %dma_wait3A_101 = tpu.memref_slice %arg4[%add3A, %dma_wait3A_99, %dma_wait3A_100] : memref<32x140x72xi32, #tpu.memory_space<hbm>> -> memref<1x1x72xi32, #tpu.memory_space<hbm>>
    %dma_wait3A_102 = tpu.memref_squeeze %dma_wait3A_101 : memref<1x1x72xi32, #tpu.memory_space<hbm>> -> memref<72xi32, #tpu.memory_space<hbm>>
    %dma_wait3A_103 = arith.constant 0 : i32
    %dma_wait3A_104 = tpu.memref_slice %arg4[%add3A, %dma_wait3A_99, %dma_wait3A_103] : memref<32x140x72xi32, #tpu.memory_space<hbm>> -> memref<1x1x72xi32, #tpu.memory_space<hbm>>
    %dma_wait3A_105 = tpu.memref_squeeze %dma_wait3A_104 : memref<1x1x72xi32, #tpu.memory_space<hbm>> -> memref<72xi32, #tpu.memory_space<hbm>>
    tpu.wait_dma2 semaphore(%arg27 : memref<!tpu.dma_semaphore, #tpu.memory_space<semaphore_mem>>) src(%dma_wait3A_105 : memref<72xi32, #tpu.memory_space<hbm>>) dst(%arg8 : memref<72xi32, #tpu.memory_space<vmem>>)
    %dma_wait3A_106 = arith.constant 0 : i32
    %dma_wait3A_107 = arith.constant 0 : i32
    %dma_wait3A_108 = tpu.memref_slice %arg5[%add3A, %dma_wait3A_106, %dma_wait3A_107] : memref<32x140x72xi32, #tpu.memory_space<hbm>> -> memref<1x1x72xi32, #tpu.memory_space<hbm>>
    %dma_wait3A_109 = tpu.memref_squeeze %dma_wait3A_108 : memref<1x1x72xi32, #tpu.memory_space<hbm>> -> memref<72xi32, #tpu.memory_space<hbm>>
    %dma_wait3A_110 = arith.constant 0 : i32
    %dma_wait3A_111 = tpu.memref_slice %arg5[%add3A, %dma_wait3A_106, %dma_wait3A_110] : memref<32x140x72xi32, #tpu.memory_space<hbm>> -> memref<1x1x72xi32, #tpu.memory_space<hbm>>
    %dma_wait3A_112 = tpu.memref_squeeze %dma_wait3A_111 : memref<1x1x72xi32, #tpu.memory_space<hbm>> -> memref<72xi32, #tpu.memory_space<hbm>>
    tpu.wait_dma2 semaphore(%arg27 : memref<!tpu.dma_semaphore, #tpu.memory_space<semaphore_mem>>) src(%dma_wait3A_112 : memref<72xi32, #tpu.memory_space<hbm>>) dst(%arg12 : memref<72xi32, #tpu.memory_space<vmem>>)
    %dma_start3A_113 = arith.constant 0 : i32
    %dma_start3A_114 = arith.constant 0 : i32
    %dma_start3A_115 = tpu.memref_slice %arg2[%dma_start3A_113, %dma_start3A_114] : memref<10000x80xf32, #tpu.memory_space<hbm>> -> memref<10000x80xf32, #tpu.memory_space<hbm>>
    tpu.enqueue_indirect_dma source(%dma_start3A_115 : memref<10000x80xf32, #tpu.memory_space<hbm>>) target(%arg16 : memref<72x80xf32, #tpu.memory_space<vmem>>) offsets(%arg8 : memref<72xi32, #tpu.memory_space<vmem>>) semaphore(%arg23 : memref<!tpu.dma_semaphore, #tpu.memory_space<semaphore_mem>>)
    %dma_start3A_116 = arith.constant 0 : i32
    %dma_start3A_117 = arith.constant 0 : i32
    %dma_start3A_118 = tpu.memref_slice %arg3[%dma_start3A_116, %dma_start3A_117] : memref<10240x16xf32, #tpu.memory_space<hbm>> -> memref<10240x16xf32, #tpu.memory_space<hbm>>
    tpu.enqueue_indirect_dma source(%dma_start3A_118 : memref<10240x16xf32, #tpu.memory_space<hbm>>) target(%arg20 : memref<72x16xf32, #tpu.memory_space<vmem>>) offsets(%arg12 : memref<72xi32, #tpu.memory_space<vmem>>) semaphore(%arg23 : memref<!tpu.dma_semaphore, #tpu.memory_space<semaphore_mem>>)
    %barrier3A = arith.constant 0 : index
    tpu.barrier barrier_id(%barrier3A)
    %dma_wait3A_119 = arith.constant 0 : i32
    %dma_wait3A_120 = arith.constant 0 : i32
    %dma_wait3A_121 = tpu.memref_slice %arg2[%dma_wait3A_119, %dma_wait3A_120] : memref<10000x80xf32, #tpu.memory_space<hbm>> -> memref<10000x80xf32, #tpu.memory_space<hbm>>
    tpu.wait_indirect_dma semaphore(%arg22 : memref<!tpu.dma_semaphore, #tpu.memory_space<semaphore_mem>>) src(%dma_wait3A_121 : memref<10000x80xf32, #tpu.memory_space<hbm>>) dst(%arg15 : memref<72x80xf32, #tpu.memory_space<vmem>>)
    %dma_wait3A_122 = arith.constant 0 : i32
    %dma_wait3A_123 = arith.constant 0 : i32
    %dma_wait3A_124 = tpu.memref_slice %arg3[%dma_wait3A_122, %dma_wait3A_123] : memref<10240x16xf32, #tpu.memory_space<hbm>> -> memref<10240x16xf32, #tpu.memory_space<hbm>>
    tpu.wait_indirect_dma semaphore(%arg22 : memref<!tpu.dma_semaphore, #tpu.memory_space<semaphore_mem>>) src(%dma_wait3A_124 : memref<10240x16xf32, #tpu.memory_space<hbm>>) dst(%arg19 : memref<72x16xf32, #tpu.memory_space<vmem>>)
    %add3A_125 = arith.constant 0 : i32
    %add3A_126 = arith.constant 2 : i32
    %add3A_127 = arith.addi %add3A_125, %add3A_126 : i32
    %min3A_128 = arith.constant 139 : i32
    %min3A_129 = arith.minsi %add3A_127, %min3A_128 : i32
    %dma_start3A_130 = arith.constant 0 : i32
    %dma_start3A_131 = tpu.memref_slice %arg4[%add3A, %min3A_129, %dma_start3A_130] : memref<32x140x72xi32, #tpu.memory_space<hbm>> -> memref<1x1x72xi32, #tpu.memory_space<hbm>>
    %dma_start3A_132 = tpu.memref_squeeze %dma_start3A_131 : memref<1x1x72xi32, #tpu.memory_space<hbm>> -> memref<72xi32, #tpu.memory_space<hbm>>
    %dma_start3A_133 = arith.constant 0 : i32
    %dma_start3A_134 = tpu.memref_slice %arg4[%add3A, %min3A_129, %dma_start3A_133] : memref<32x140x72xi32, #tpu.memory_space<hbm>> -> memref<1x1x72xi32, #tpu.memory_space<hbm>>
    %dma_start3A_135 = tpu.memref_squeeze %dma_start3A_134 : memref<1x1x72xi32, #tpu.memory_space<hbm>> -> memref<72xi32, #tpu.memory_space<hbm>>
    tpu.enqueue_dma source(%dma_start3A_135 : memref<72xi32, #tpu.memory_space<hbm>>) target(%arg9 : memref<72xi32, #tpu.memory_space<vmem>>) target_semaphore(%arg28 : memref<!tpu.dma_semaphore, #tpu.memory_space<semaphore_mem>>)
    %dma_start3A_136 = arith.constant 0 : i32
    %dma_start3A_137 = tpu.memref_slice %arg5[%add3A, %min3A_129, %dma_start3A_136] : memref<32x140x72xi32, #tpu.memory_space<hbm>> -> memref<1x1x72xi32, #tpu.memory_space<hbm>>
    %dma_start3A_138 = tpu.memref_squeeze %dma_start3A_137 : memref<1x1x72xi32, #tpu.memory_space<hbm>> -> memref<72xi32, #tpu.memory_space<hbm>>
    %dma_start3A_139 = arith.constant 0 : i32
    %dma_start3A_140 = tpu.memref_slice %arg5[%add3A, %min3A_129, %dma_start3A_139] : memref<32x140x72xi32, #tpu.memory_space<hbm>> -> memref<1x1x72xi32, #tpu.memory_space<hbm>>
    %dma_start3A_141 = tpu.memref_squeeze %dma_start3A_140 : memref<1x1x72xi32, #tpu.memory_space<hbm>> -> memref<72xi32, #tpu.memory_space<hbm>>
    tpu.enqueue_dma source(%dma_start3A_141 : memref<72xi32, #tpu.memory_space<hbm>>) target(%arg13 : memref<72xi32, #tpu.memory_space<vmem>>) target_semaphore(%arg28 : memref<!tpu.dma_semaphore, #tpu.memory_space<semaphore_mem>>)
    %scan3A_142 = arith.constant 0 : i32
    %scan3A_143 = arith.constant 0 : i32
    %scan3A_144 = arith.constant 72 : i32
    %scan3A_145 = arith.addi %scan3A_143, %scan3A_144 : i32
    %scan3A_146 = arith.constant 1 : i32
    scf.for %scan3A_362 = %scan3A_143 to %scan3A_145 step %scan3A_146  : i32 {
      %get3A = arith.index_cast %scan3A_362 : i32 to index
      %get3A_363 = arith.constant 64 : index
      %get3A_364 = tpu.vector_load %arg15[%get3A, %get3A_363] {strides = array<i32>} : memref<72x80xf32, #tpu.memory_space<vmem>>, vector<1x16xf32>,
      %get3A_365 = vector.shape_cast %get3A_364 : vector<1x16xf32> to vector<16xf32>
      %get3A_366 = arith.index_cast %scan3A_362 : i32 to index
      %get3A_367 = arith.constant 0 : index
      %get3A_368 = tpu.vector_load %arg19[%get3A_366, %get3A_367] {strides = array<i32>} : memref<72x16xf32, #tpu.memory_space<vmem>>, vector<1x16xf32>,
      %get3A_369 = vector.shape_cast %get3A_368 : vector<1x16xf32> to vector<16xf32>
      %add3A_370 = arith.addf %get3A_365, %get3A_369 : vector<16xf32>
      %ge3A = arith.constant 0.000000e+00 : f32
      %ge3A_371 = vector.broadcast %ge3A : f32 to vector<16xf32>
      %ge3A_372 = arith.cmpf oge, %add3A_370, %ge3A_371 : vector<16xf32>
      %mul3A_373 = arith.constant 2.000000e-01 : f32
      %mul3A_374 = vector.broadcast %mul3A_373 : f32 to vector<16xf32>
      %mul3A_375 = arith.mulf %mul3A_374, %add3A_370 : vector<16xf32>
      %select_n3A = arith.select %ge3A_372, %add3A_370, %mul3A_375 : vector<16xi1>, vector<16xf32>
      %sub3A = arith.subf %select_n3A, %get3A_369 : vector<16xf32>
      %exp3A = math.exp %sub3A : vector<16xf32>
      %jit3A = arith.constant 0.000000e+00 : f32
      %broadcast_in_dim3A_376 = vector.broadcast %jit3A : f32 to vector<16xf32>
      %select_n3A_377 = arith.select %lt3A_2, %exp3A, %broadcast_in_dim3A_376 : vector<16xi1>, vector<16xf32>
      %swap3A = arith.index_cast %scan3A_362 : i32 to index
      %swap3A_378 = arith.constant 128 : index
      %swap3A_379 = tpu.vector_load %arg17[%swap3A, %swap3A_378] {strides = array<i32>} : memref<72x144xf32, #tpu.memory_space<vmem>>, vector<1x16xf32>,
      %swap3A_380 = vector.shape_cast %swap3A_379 : vector<1x16xf32> to vector<16xf32>
      %swap3A_381 = vector.shape_cast %select_n3A_377 : vector<16xf32> to vector<1x16xf32>
      tpu.vector_store %arg17[%swap3A, %swap3A_378], %swap3A_381 {strides = array<i32>} : memref<72x144xf32, #tpu.memory_space<vmem>>, vector<1x16xf32>,
      %get3A_382 = arith.index_cast %scan3A_362 : i32 to index
      %get3A_383 = arith.constant 0 : index
      %get3A_384 = tpu.vector_load %arg15[%get3A_382, %get3A_383] {strides = array<i32>} : memref<72x80xf32, #tpu.memory_space<vmem>>, vector<1x16xf32>,
      %get3A_385 = vector.shape_cast %get3A_384 : vector<1x16xf32> to vector<16xf32>
      %bitcast_convert_type3A = tpu.bitcast %get3A_385 : vector<16xf32> -> vector<16xi32>
      %shift_left3A = arith.constant 16 : i32
      %shift_left3A_386 = vector.broadcast %shift_left3A : i32 to vector<16xi32>
      %shift_left3A_387 = arith.shli %bitcast_convert_type3A, %shift_left3A_386 : vector<16xi32>
      %bitcast_convert_type3A_388 = tpu.bitcast %shift_left3A_387 : vector<16xi32> -> vector<16xf32>
      %and3A = arith.constant -65536 : i32
      %and3A_389 = vector.broadcast %and3A : i32 to vector<16xi32>
      %and3A_390 = arith.andi %bitcast_convert_type3A, %and3A_389 : vector<16xi32>
      %bitcast_convert_type3A_391 = tpu.bitcast %and3A_390 : vector<16xi32> -> vector<16xf32>
      %slice3A = vector.extract_strided_slice %select_n3A_377 {offsets = [0], sizes = [1], strides = [1]} : vector<16xf32> to vector<1xf32>
      %squeeze3A = vector.extract %slice3A[0] : f32 from vector<1xf32>
      %slice3A_392 = vector.extract_strided_slice %select_n3A_377 {offsets = [1], sizes = [1], strides = [1]} : vector<16xf32> to vector<1xf32>
      %squeeze3A_393 = vector.extract %slice3A_392[0] : f32 from vector<1xf32>
      %broadcast_in_dim3A_394 = vector.broadcast %squeeze3A : f32 to vector<16xf32>
      %broadcast_in_dim3A_395 = vector.broadcast %squeeze3A_393 : f32 to vector<16xf32>
      %select_n3A_396 = arith.select %lt3A_5, %broadcast_in_dim3A_394, %broadcast_in_dim3A_395 : vector<16xi1>, vector<16xf32>
      %mul3A_397 = arith.mulf %bitcast_convert_type3A_388, %select_n3A_396 : vector<16xf32>
      %swap3A_398 = arith.index_cast %scan3A_362 : i32 to index
      %swap3A_399 = arith.constant 0 : index
      %swap3A_400 = tpu.vector_load %arg17[%swap3A_398, %swap3A_399] {strides = array<i32>} : memref<72x144xf32, #tpu.memory_space<vmem>>, vector<1x16xf32>,
      %swap3A_401 = vector.shape_cast %swap3A_400 : vector<1x16xf32> to vector<16xf32>
      %swap3A_402 = vector.shape_cast %mul3A_397 : vector<16xf32> to vector<1x16xf32>
      tpu.vector_store %arg17[%swap3A_398, %swap3A_399], %swap3A_402 {strides = array<i32>} : memref<72x144xf32, #tpu.memory_space<vmem>>, vector<1x16xf32>,
      %mul3A_403 = arith.mulf %bitcast_convert_type3A_391, %select_n3A_396 : vector<16xf32>
      %swap3A_404 = arith.index_cast %scan3A_362 : i32 to index
      %swap3A_405 = arith.constant 64 : index
      %swap3A_406 = tpu.vector_load %arg17[%swap3A_404, %swap3A_405] {strides = array<i32>} : memref<72x144xf32, #tpu.memory_space<vmem>>, vector<1x16xf32>,
      %swap3A_407 = vector.shape_cast %swap3A_406 : vector<1x16xf32> to vector<16xf32>
      %swap3A_408 = vector.shape_cast %mul3A_403 : vector<16xf32> to vector<1x16xf32>
      tpu.vector_store %arg17[%swap3A_404, %swap3A_405], %swap3A_408 {strides = array<i32>} : memref<72x144xf32, #tpu.memory_space<vmem>>, vector<1x16xf32>,
      %get3A_409 = arith.index_cast %scan3A_362 : i32 to index
      %get3A_410 = arith.constant 16 : index
      %get3A_411 = tpu.vector_load %arg15[%get3A_409, %get3A_410] {strides = array<i32>} : memref<72x80xf32, #tpu.memory_space<vmem>>, vector<1x16xf32>,
      %get3A_412 = vector.shape_cast %get3A_411 : vector<1x16xf32> to vector<16xf32>
      %bitcast_convert_type3A_413 = tpu.bitcast %get3A_412 : vector<16xf32> -> vector<16xi32>
      %shift_left3A_414 = arith.constant 16 : i32
      %shift_left3A_415 = vector.broadcast %shift_left3A_414 : i32 to vector<16xi32>
      %shift_left3A_416 = arith.shli %bitcast_convert_type3A_413, %shift_left3A_415 : vector<16xi32>
      %bitcast_convert_type3A_417 = tpu.bitcast %shift_left3A_416 : vector<16xi32> -> vector<16xf32>
      %and3A_418 = arith.constant -65536 : i32
      %and3A_419 = vector.broadcast %and3A_418 : i32 to vector<16xi32>
      %and3A_420 = arith.andi %bitcast_convert_type3A_413, %and3A_419 : vector<16xi32>
      %bitcast_convert_type3A_421 = tpu.bitcast %and3A_420 : vector<16xi32> -> vector<16xf32>
      %slice3A_422 = vector.extract_strided_slice %select_n3A_377 {offsets = [2], sizes = [1], strides = [1]} : vector<16xf32> to vector<1xf32>
      %squeeze3A_423 = vector.extract %slice3A_422[0] : f32 from vector<1xf32>
      %slice3A_424 = vector.extract_strided_slice %select_n3A_377 {offsets = [3], sizes = [1], strides = [1]} : vector<16xf32> to vector<1xf32>
      %squeeze3A_425 = vector.extract %slice3A_424[0] : f32 from vector<1xf32>
      %broadcast_in_dim3A_426 = vector.broadcast %squeeze3A_423 : f32 to vector<16xf32>
      %broadcast_in_dim3A_427 = vector.broadcast %squeeze3A_425 : f32 to vector<16xf32>
      %select_n3A_428 = arith.select %lt3A_5, %broadcast_in_dim3A_426, %broadcast_in_dim3A_427 : vector<16xi1>, vector<16xf32>
      %mul3A_429 = arith.mulf %bitcast_convert_type3A_417, %select_n3A_428 : vector<16xf32>
      %swap3A_430 = arith.index_cast %scan3A_362 : i32 to index
      %swap3A_431 = arith.constant 16 : index
      %swap3A_432 = tpu.vector_load %arg17[%swap3A_430, %swap3A_431] {strides = array<i32>} : memref<72x144xf32, #tpu.memory_space<vmem>>, vector<1x16xf32>,
      %swap3A_433 = vector.shape_cast %swap3A_432 : vector<1x16xf32> to vector<16xf32>
      %swap3A_434 = vector.shape_cast %mul3A_429 : vector<16xf32> to vector<1x16xf32>
      tpu.vector_store %arg17[%swap3A_430, %swap3A_431], %swap3A_434 {strides = array<i32>} : memref<72x144xf32, #tpu.memory_space<vmem>>, vector<1x16xf32>,
      %mul3A_435 = arith.mulf %bitcast_convert_type3A_421, %select_n3A_428 : vector<16xf32>
      %swap3A_436 = arith.index_cast %scan3A_362 : i32 to index
      %swap3A_437 = arith.constant 80 : index
      %swap3A_438 = tpu.vector_load %arg17[%swap3A_436, %swap3A_437] {strides = array<i32>} : memref<72x144xf32, #tpu.memory_space<vmem>>, vector<1x16xf32>,
      %swap3A_439 = vector.shape_cast %swap3A_438 : vector<1x16xf32> to vector<16xf32>
      %swap3A_440 = vector.shape_cast %mul3A_435 : vector<16xf32> to vector<1x16xf32>
      tpu.vector_store %arg17[%swap3A_436, %swap3A_437], %swap3A_440 {strides = array<i32>} : memref<72x144xf32, #tpu.memory_space<vmem>>, vector<1x16xf32>,
      %get3A_441 = arith.index_cast %scan3A_362 : i32 to index
      %get3A_442 = arith.constant 32 : index
      %get3A_443 = tpu.vector_load %arg15[%get3A_441, %get3A_442] {strides = array<i32>} : memref<72x80xf32, #tpu.memory_space<vmem>>, vector<1x16xf32>,
      %get3A_444 = vector.shape_cast %get3A_443 : vector<1x16xf32> to vector<16xf32>
      %bitcast_convert_type3A_445 = tpu.bitcast %get3A_444 : vector<16xf32> -> vector<16xi32>
      %shift_left3A_446 = arith.constant 16 : i32
      %shift_left3A_447 = vector.broadcast %shift_left3A_446 : i32 to vector<16xi32>
      %shift_left3A_448 = arith.shli %bitcast_convert_type3A_445, %shift_left3A_447 : vector<16xi32>
      %bitcast_convert_type3A_449 = tpu.bitcast %shift_left3A_448 : vector<16xi32> -> vector<16xf32>
      %and3A_450 = arith.constant -65536 : i32
      %and3A_451 = vector.broadcast %and3A_450 : i32 to vector<16xi32>
      %and3A_452 = arith.andi %bitcast_convert_type3A_445, %and3A_451 : vector<16xi32>
      %bitcast_convert_type3A_453 = tpu.bitcast %and3A_452 : vector<16xi32> -> vector<16xf32>
      %slice3A_454 = vector.extract_strided_slice %select_n3A_377 {offsets = [4], sizes = [1], strides = [1]} : vector<16xf32> to vector<1xf32>
      %squeeze3A_455 = vector.extract %slice3A_454[0] : f32 from vector<1xf32>
      %slice3A_456 = vector.extract_strided_slice %select_n3A_377 {offsets = [5], sizes = [1], strides = [1]} : vector<16xf32> to vector<1xf32>
      %squeeze3A_457 = vector.extract %slice3A_456[0] : f32 from vector<1xf32>
      %broadcast_in_dim3A_458 = vector.broadcast %squeeze3A_455 : f32 to vector<16xf32>
      %broadcast_in_dim3A_459 = vector.broadcast %squeeze3A_457 : f32 to vector<16xf32>
      %select_n3A_460 = arith.select %lt3A_5, %broadcast_in_dim3A_458, %broadcast_in_dim3A_459 : vector<16xi1>, vector<16xf32>
      %mul3A_461 = arith.mulf %bitcast_convert_type3A_449, %select_n3A_460 : vector<16xf32>
      %swap3A_462 = arith.index_cast %scan3A_362 : i32 to index
      %swap3A_463 = arith.constant 32 : index
      %swap3A_464 = tpu.vector_load %arg17[%swap3A_462, %swap3A_463] {strides = array<i32>} : memref<72x144xf32, #tpu.memory_space<vmem>>, vector<1x16xf32>,
      %swap3A_465 = vector.shape_cast %swap3A_464 : vector<1x16xf32> to vector<16xf32>
      %swap3A_466 = vector.shape_cast %mul3A_461 : vector<16xf32> to vector<1x16xf32>
      tpu.vector_store %arg17[%swap3A_462, %swap3A_463], %swap3A_466 {strides = array<i32>} : memref<72x144xf32, #tpu.memory_space<vmem>>, vector<1x16xf32>,
      %mul3A_467 = arith.mulf %bitcast_convert_type3A_453, %select_n3A_460 : vector<16xf32>
      %swap3A_468 = arith.index_cast %scan3A_362 : i32 to index
      %swap3A_469 = arith.constant 96 : index
      %swap3A_470 = tpu.vector_load %arg17[%swap3A_468, %swap3A_469] {strides = array<i32>} : memref<72x144xf32, #tpu.memory_space<vmem>>, vector<1x16xf32>,
      %swap3A_471 = vector.shape_cast %swap3A_470 : vector<1x16xf32> to vector<16xf32>
      %swap3A_472 = vector.shape_cast %mul3A_467 : vector<16xf32> to vector<1x16xf32>
      tpu.vector_store %arg17[%swap3A_468, %swap3A_469], %swap3A_472 {strides = array<i32>} : memref<72x144xf32, #tpu.memory_space<vmem>>, vector<1x16xf32>,
      %get3A_473 = arith.index_cast %scan3A_362 : i32 to index
      %get3A_474 = arith.constant 48 : index
      %get3A_475 = tpu.vector_load %arg15[%get3A_473, %get3A_474] {strides = array<i32>} : memref<72x80xf32, #tpu.memory_space<vmem>>, vector<1x16xf32>,
      %get3A_476 = vector.shape_cast %get3A_475 : vector<1x16xf32> to vector<16xf32>
      %bitcast_convert_type3A_477 = tpu.bitcast %get3A_476 : vector<16xf32> -> vector<16xi32>
      %shift_left3A_478 = arith.constant 16 : i32
      %shift_left3A_479 = vector.broadcast %shift_left3A_478 : i32 to vector<16xi32>
      %shift_left3A_480 = arith.shli %bitcast_convert_type3A_477, %shift_left3A_479 : vector<16xi32>
      %bitcast_convert_type3A_481 = tpu.bitcast %shift_left3A_480 : vector<16xi32> -> vector<16xf32>
      %and3A_482 = arith.constant -65536 : i32
      %and3A_483 = vector.broadcast %and3A_482 : i32 to vector<16xi32>
      %and3A_484 = arith.andi %bitcast_convert_type3A_477, %and3A_483 : vector<16xi32>
      %bitcast_convert_type3A_485 = tpu.bitcast %and3A_484 : vector<16xi32> -> vector<16xf32>
      %slice3A_486 = vector.extract_strided_slice %select_n3A_377 {offsets = [6], sizes = [1], strides = [1]} : vector<16xf32> to vector<1xf32>
      %squeeze3A_487 = vector.extract %slice3A_486[0] : f32 from vector<1xf32>
      %slice3A_488 = vector.extract_strided_slice %select_n3A_377 {offsets = [7], sizes = [1], strides = [1]} : vector<16xf32> to vector<1xf32>
      %squeeze3A_489 = vector.extract %slice3A_488[0] : f32 from vector<1xf32>
      %broadcast_in_dim3A_490 = vector.broadcast %squeeze3A_487 : f32 to vector<16xf32>
      %broadcast_in_dim3A_491 = vector.broadcast %squeeze3A_489 : f32 to vector<16xf32>
      %select_n3A_492 = arith.select %lt3A_5, %broadcast_in_dim3A_490, %broadcast_in_dim3A_491 : vector<16xi1>, vector<16xf32>
      %mul3A_493 = arith.mulf %bitcast_convert_type3A_481, %select_n3A_492 : vector<16xf32>
      %swap3A_494 = arith.index_cast %scan3A_362 : i32 to index
      %swap3A_495 = arith.constant 48 : index
      %swap3A_496 = tpu.vector_load %arg17[%swap3A_494, %swap3A_495] {strides = array<i32>} : memref<72x144xf32, #tpu.memory_space<vmem>>, vector<1x16xf32>,
      %swap3A_497 = vector.shape_cast %swap3A_496 : vector<1x16xf32> to vector<16xf32>
      %swap3A_498 = vector.shape_cast %mul3A_493 : vector<16xf32> to vector<1x16xf32>
      tpu.vector_store %arg17[%swap3A_494, %swap3A_495], %swap3A_498 {strides = array<i32>} : memref<72x144xf32, #tpu.memory_space<vmem>>, vector<1x16xf32>,
      %mul3A_499 = arith.mulf %bitcast_convert_type3A_485, %select_n3A_492 : vector<16xf32>
      %swap3A_500 = arith.index_cast %scan3A_362 : i32 to index
      %swap3A_501 = arith.constant 112 : index
      %swap3A_502 = tpu.vector_load %arg17[%swap3A_500, %swap3A_501] {strides = array<i32>} : memref<72x144xf32, #tpu.memory_space<vmem>>, vector<1x16xf32>,
      %swap3A_503 = vector.shape_cast %swap3A_502 : vector<1x16xf32> to vector<16xf32>
      %swap3A_504 = vector.shape_cast %mul3A_499 : vector<16xf32> to vector<1x16xf32>
      tpu.vector_store %arg17[%swap3A_500, %swap3A_501], %swap3A_504 {strides = array<i32>} : memref<72x144xf32, #tpu.memory_space<vmem>>, vector<1x16xf32>,
    }
    %scan3A_147 = arith.constant 72 : i32
    %dma_start3A_148 = arith.constant 0 : i32
    %dma_start3A_149 = arith.constant 0 : i32
    %dma_start3A_150 = tpu.memref_slice %arg21[%dma_start3A_148, %dma_start3A_149] : memref<10240x144xf32, #tpu.memory_space<vmem_shared>> -> memref<10240x144xf32, #tpu.memory_space<vmem_shared>>
    tpu.enqueue_indirect_dma source(%arg17 : memref<72x144xf32, #tpu.memory_space<vmem>>) target(%dma_start3A_150 : memref<10240x144xf32, #tpu.memory_space<vmem_shared>>) offsets(%arg11 : memref<72xi32, #tpu.memory_space<vmem>>) semaphore(%arg24 : memref<!tpu.dma_semaphore, #tpu.memory_space<semaphore_mem>>) {add = true}
    %dma_wait3A_151 = arith.constant 0 : i32
    %dma_wait3A_152 = arith.constant 0 : i32
    %dma_wait3A_153 = tpu.memref_slice %arg4[%add3A, %dma_wait3A_151, %dma_wait3A_152] : memref<32x140x72xi32, #tpu.memory_space<hbm>> -> memref<1x1x72xi32, #tpu.memory_space<hbm>>
    %dma_wait3A_154 = tpu.memref_squeeze %dma_wait3A_153 : memref<1x1x72xi32, #tpu.memory_space<hbm>> -> memref<72xi32, #tpu.memory_space<hbm>>
    %dma_wait3A_155 = arith.constant 0 : i32
    %dma_wait3A_156 = tpu.memref_slice %arg4[%add3A, %dma_wait3A_151, %dma_wait3A_155] : memref<32x140x72xi32, #tpu.memory_space<hbm>> -> memref<1x1x72xi32, #tpu.memory_space<hbm>>
    %dma_wait3A_157 = tpu.memref_squeeze %dma_wait3A_156 : memref<1x1x72xi32, #tpu.memory_space<hbm>> -> memref<72xi32, #tpu.memory_space<hbm>>
    tpu.wait_dma2 semaphore(%arg28 : memref<!tpu.dma_semaphore, #tpu.memory_space<semaphore_mem>>) src(%dma_wait3A_157 : memref<72xi32, #tpu.memory_space<hbm>>) dst(%arg9 : memref<72xi32, #tpu.memory_space<vmem>>)
    %dma_wait3A_158 = arith.constant 0 : i32
    %dma_wait3A_159 = arith.constant 0 : i32
    %dma_wait3A_160 = tpu.memref_slice %arg5[%add3A, %dma_wait3A_158, %dma_wait3A_159] : memref<32x140x72xi32, #tpu.memory_space<hbm>> -> memref<1x1x72xi32, #tpu.memory_space<hbm>>
    %dma_wait3A_161 = tpu.memref_squeeze %dma_wait3A_160 : memref<1x1x72xi32, #tpu.memory_space<hbm>> -> memref<72xi32, #tpu.memory_space<hbm>>
    %dma_wait3A_162 = arith.constant 0 : i32
    %dma_wait3A_163 = tpu.memref_slice %arg5[%add3A, %dma_wait3A_158, %dma_wait3A_162] : memref<32x140x72xi32, #tpu.memory_space<hbm>> -> memref<1x1x72xi32, #tpu.memory_space<hbm>>
    %dma_wait3A_164 = tpu.memref_squeeze %dma_wait3A_163 : memref<1x1x72xi32, #tpu.memory_space<hbm>> -> memref<72xi32, #tpu.memory_space<hbm>>
    tpu.wait_dma2 semaphore(%arg28 : memref<!tpu.dma_semaphore, #tpu.memory_space<semaphore_mem>>) src(%dma_wait3A_164 : memref<72xi32, #tpu.memory_space<hbm>>) dst(%arg13 : memref<72xi32, #tpu.memory_space<vmem>>)
    %dma_start3A_165 = arith.constant 0 : i32
    %dma_start3A_166 = arith.constant 0 : i32
    %dma_start3A_167 = tpu.memref_slice %arg2[%dma_start3A_165, %dma_start3A_166] : memref<10000x80xf32, #tpu.memory_space<hbm>> -> memref<10000x80xf32, #tpu.memory_space<hbm>>
    tpu.enqueue_indirect_dma source(%dma_start3A_167 : memref<10000x80xf32, #tpu.memory_space<hbm>>) target(%arg15 : memref<72x80xf32, #tpu.memory_space<vmem>>) offsets(%arg9 : memref<72xi32, #tpu.memory_space<vmem>>) semaphore(%arg22 : memref<!tpu.dma_semaphore, #tpu.memory_space<semaphore_mem>>)
    %dma_start3A_168 = arith.constant 0 : i32
    %dma_start3A_169 = arith.constant 0 : i32
    %dma_start3A_170 = tpu.memref_slice %arg3[%dma_start3A_168, %dma_start3A_169] : memref<10240x16xf32, #tpu.memory_space<hbm>> -> memref<10240x16xf32, #tpu.memory_space<hbm>>
    tpu.enqueue_indirect_dma source(%dma_start3A_170 : memref<10240x16xf32, #tpu.memory_space<hbm>>) target(%arg19 : memref<72x16xf32, #tpu.memory_space<vmem>>) offsets(%arg13 : memref<72xi32, #tpu.memory_space<vmem>>) semaphore(%arg22 : memref<!tpu.dma_semaphore, #tpu.memory_space<semaphore_mem>>)
    %dma_wait3A_171 = arith.constant 0 : i32
    %dma_wait3A_172 = arith.constant 0 : i32
    %dma_wait3A_173 = tpu.memref_slice %arg2[%dma_wait3A_171, %dma_wait3A_172] : memref<10000x80xf32, #tpu.memory_space<hbm>> -> memref<10000x80xf32, #tpu.memory_space<hbm>>
    tpu.wait_indirect_dma semaphore(%arg23 : memref<!tpu.dma_semaphore, #tpu.memory_space<semaphore_mem>>) src(%dma_wait3A_173 : memref<10000x80xf32, #tpu.memory_space<hbm>>) dst(%arg16 : memref<72x80xf32, #tpu.memory_space<vmem>>)
    %dma_wait3A_174 = arith.constant 0 : i32
    %dma_wait3A_175 = arith.constant 0 : i32
    %dma_wait3A_176 = tpu.memref_slice %arg3[%dma_wait3A_174, %dma_wait3A_175] : memref<10240x16xf32, #tpu.memory_space<hbm>> -> memref<10240x16xf32, #tpu.memory_space<hbm>>
    tpu.wait_indirect_dma semaphore(%arg23 : memref<!tpu.dma_semaphore, #tpu.memory_space<semaphore_mem>>) src(%dma_wait3A_176 : memref<10240x16xf32, #tpu.memory_space<hbm>>) dst(%arg20 : memref<72x16xf32, #tpu.memory_space<vmem>>)
    %add3A_177 = arith.constant 1 : i32
    %add3A_178 = arith.constant 2 : i32
    %add3A_179 = arith.addi %add3A_177, %add3A_178 : i32
    %min3A_180 = arith.constant 139 : i32
    %min3A_181 = arith.minsi %add3A_179, %min3A_180 : i32
    %dma_start3A_182 = arith.constant 0 : i32
    %dma_start3A_183 = tpu.memref_slice %arg4[%add3A, %min3A_181, %dma_start3A_182] : memref<32x140x72xi32, #tpu.memory_space<hbm>> -> memref<1x1x72xi32, #tpu.memory_space<hbm>>
    %dma_start3A_184 = tpu.memref_squeeze %dma_start3A_183 : memref<1x1x72xi32, #tpu.memory_space<hbm>> -> memref<72xi32, #tpu.memory_space<hbm>>
    %dma_start3A_185 = arith.constant 0 : i32
    %dma_start3A_186 = tpu.memref_slice %arg4[%add3A, %min3A_181, %dma_start3A_185] : memref<32x140x72xi32, #tpu.memory_space<hbm>> -> memref<1x1x72xi32, #tpu.memory_space<hbm>>
    %dma_start3A_187 = tpu.memref_squeeze %dma_start3A_186 : memref<1x1x72xi32, #tpu.memory_space<hbm>> -> memref<72xi32, #tpu.memory_space<hbm>>
    tpu.enqueue_dma source(%dma_start3A_187 : memref<72xi32, #tpu.memory_space<hbm>>) target(%arg10 : memref<72xi32, #tpu.memory_space<vmem>>) target_semaphore(%arg29 : memref<!tpu.dma_semaphore, #tpu.memory_space<semaphore_mem>>)
    %dma_start3A_188 = arith.constant 0 : i32
    %dma_start3A_189 = tpu.memref_slice %arg5[%add3A, %min3A_181, %dma_start3A_188] : memref<32x140x72xi32, #tpu.memory_space<hbm>> -> memref<1x1x72xi32, #tpu.memory_space<hbm>>
    %dma_start3A_190 = tpu.memref_squeeze %dma_start3A_189 : memref<1x1x72xi32, #tpu.memory_space<hbm>> -> memref<72xi32, #tpu.memory_space<hbm>>
    %dma_start3A_191 = arith.constant 0 : i32
    %dma_start3A_192 = tpu.memref_slice %arg5[%add3A, %min3A_181, %dma_start3A_191] : memref<32x140x72xi32, #tpu.memory_space<hbm>> -> memref<1x1x72xi32, #tpu.memory_space<hbm>>
    %dma_start3A_193 = tpu.memref_squeeze %dma_start3A_192 : memref<1x1x72xi32, #tpu.memory_space<hbm>> -> memref<72xi32, #tpu.memory_space<hbm>>
    tpu.enqueue_dma source(%dma_start3A_193 : memref<72xi32, #tpu.memory_space<hbm>>) target(%arg14 : memref<72xi32, #tpu.memory_space<vmem>>) target_semaphore(%arg29 : memref<!tpu.dma_semaphore, #tpu.memory_space<semaphore_mem>>)
    %scan3A_194 = arith.constant 0 : i32
    %scan3A_195 = arith.constant 0 : i32
    %scan3A_196 = arith.constant 72 : i32
    %scan3A_197 = arith.addi %scan3A_195, %scan3A_196 : i32
    %scan3A_198 = arith.constant 1 : i32
    scf.for %scan3A_362 = %scan3A_195 to %scan3A_197 step %scan3A_198  : i32 {
      %get3A = arith.index_cast %scan3A_362 : i32 to index
      %get3A_363 = arith.constant 64 : index
      %get3A_364 = tpu.vector_load %arg16[%get3A, %get3A_363] {strides = array<i32>} : memref<72x80xf32, #tpu.memory_space<vmem>>, vector<1x16xf32>,
      %get3A_365 = vector.shape_cast %get3A_364 : vector<1x16xf32> to vector<16xf32>
      %get3A_366 = arith.index_cast %scan3A_362 : i32 to index
      %get3A_367 = arith.constant 0 : index
      %get3A_368 = tpu.vector_load %arg20[%get3A_366, %get3A_367] {strides = array<i32>} : memref<72x16xf32, #tpu.memory_space<vmem>>, vector<1x16xf32>,
      %get3A_369 = vector.shape_cast %get3A_368 : vector<1x16xf32> to vector<16xf32>
      %add3A_370 = arith.addf %get3A_365, %get3A_369 : vector<16xf32>
      %ge3A = arith.constant 0.000000e+00 : f32
      %ge3A_371 = vector.broadcast %ge3A : f32 to vector<16xf32>
      %ge3A_372 = arith.cmpf oge, %add3A_370, %ge3A_371 : vector<16xf32>
      %mul3A_373 = arith.constant 2.000000e-01 : f32
      %mul3A_374 = vector.broadcast %mul3A_373 : f32 to vector<16xf32>
      %mul3A_375 = arith.mulf %mul3A_374, %add3A_370 : vector<16xf32>
      %select_n3A = arith.select %ge3A_372, %add3A_370, %mul3A_375 : vector<16xi1>, vector<16xf32>
      %sub3A = arith.subf %select_n3A, %get3A_369 : vector<16xf32>
      %exp3A = math.exp %sub3A : vector<16xf32>
      %jit3A = arith.constant 0.000000e+00 : f32
      %broadcast_in_dim3A_376 = vector.broadcast %jit3A : f32 to vector<16xf32>
      %select_n3A_377 = arith.select %lt3A_2, %exp3A, %broadcast_in_dim3A_376 : vector<16xi1>, vector<16xf32>
      %swap3A = arith.index_cast %scan3A_362 : i32 to index
      %swap3A_378 = arith.constant 128 : index
      %swap3A_379 = tpu.vector_load %arg18[%swap3A, %swap3A_378] {strides = array<i32>} : memref<72x144xf32, #tpu.memory_space<vmem>>, vector<1x16xf32>,
      %swap3A_380 = vector.shape_cast %swap3A_379 : vector<1x16xf32> to vector<16xf32>
      %swap3A_381 = vector.shape_cast %select_n3A_377 : vector<16xf32> to vector<1x16xf32>
      tpu.vector_store %arg18[%swap3A, %swap3A_378], %swap3A_381 {strides = array<i32>} : memref<72x144xf32, #tpu.memory_space<vmem>>, vector<1x16xf32>,
      %get3A_382 = arith.index_cast %scan3A_362 : i32 to index
      %get3A_383 = arith.constant 0 : index
      %get3A_384 = tpu.vector_load %arg16[%get3A_382, %get3A_383] {strides = array<i32>} : memref<72x80xf32, #tpu.memory_space<vmem>>, vector<1x16xf32>,
      %get3A_385 = vector.shape_cast %get3A_384 : vector<1x16xf32> to vector<16xf32>
      %bitcast_convert_type3A = tpu.bitcast %get3A_385 : vector<16xf32> -> vector<16xi32>
      %shift_left3A = arith.constant 16 : i32
      %shift_left3A_386 = vector.broadcast %shift_left3A : i32 to vector<16xi32>
      %shift_left3A_387 = arith.shli %bitcast_convert_type3A, %shift_left3A_386 : vector<16xi32>
      %bitcast_convert_type3A_388 = tpu.bitcast %shift_left3A_387 : vector<16xi32> -> vector<16xf32>
      %and3A = arith.constant -65536 : i32
      %and3A_389 = vector.broadcast %and3A : i32 to vector<16xi32>
      %and3A_390 = arith.andi %bitcast_convert_type3A, %and3A_389 : vector<16xi32>
      %bitcast_convert_type3A_391 = tpu.bitcast %and3A_390 : vector<16xi32> -> vector<16xf32>
      %slice3A = vector.extract_strided_slice %select_n3A_377 {offsets = [0], sizes = [1], strides = [1]} : vector<16xf32> to vector<1xf32>
      %squeeze3A = vector.extract %slice3A[0] : f32 from vector<1xf32>
      %slice3A_392 = vector.extract_strided_slice %select_n3A_377 {offsets = [1], sizes = [1], strides = [1]} : vector<16xf32> to vector<1xf32>
      %squeeze3A_393 = vector.extract %slice3A_392[0] : f32 from vector<1xf32>
      %broadcast_in_dim3A_394 = vector.broadcast %squeeze3A : f32 to vector<16xf32>
      %broadcast_in_dim3A_395 = vector.broadcast %squeeze3A_393 : f32 to vector<16xf32>
      %select_n3A_396 = arith.select %lt3A_5, %broadcast_in_dim3A_394, %broadcast_in_dim3A_395 : vector<16xi1>, vector<16xf32>
      %mul3A_397 = arith.mulf %bitcast_convert_type3A_388, %select_n3A_396 : vector<16xf32>
      %swap3A_398 = arith.index_cast %scan3A_362 : i32 to index
      %swap3A_399 = arith.constant 0 : index
      %swap3A_400 = tpu.vector_load %arg18[%swap3A_398, %swap3A_399] {strides = array<i32>} : memref<72x144xf32, #tpu.memory_space<vmem>>, vector<1x16xf32>,
      %swap3A_401 = vector.shape_cast %swap3A_400 : vector<1x16xf32> to vector<16xf32>
      %swap3A_402 = vector.shape_cast %mul3A_397 : vector<16xf32> to vector<1x16xf32>
      tpu.vector_store %arg18[%swap3A_398, %swap3A_399], %swap3A_402 {strides = array<i32>} : memref<72x144xf32, #tpu.memory_space<vmem>>, vector<1x16xf32>,
      %mul3A_403 = arith.mulf %bitcast_convert_type3A_391, %select_n3A_396 : vector<16xf32>
      %swap3A_404 = arith.index_cast %scan3A_362 : i32 to index
      %swap3A_405 = arith.constant 64 : index
      %swap3A_406 = tpu.vector_load %arg18[%swap3A_404, %swap3A_405] {strides = array<i32>} : memref<72x144xf32, #tpu.memory_space<vmem>>, vector<1x16xf32>,
      %swap3A_407 = vector.shape_cast %swap3A_406 : vector<1x16xf32> to vector<16xf32>
      %swap3A_408 = vector.shape_cast %mul3A_403 : vector<16xf32> to vector<1x16xf32>
      tpu.vector_store %arg18[%swap3A_404, %swap3A_405], %swap3A_408 {strides = array<i32>} : memref<72x144xf32, #tpu.memory_space<vmem>>, vector<1x16xf32>,
      %get3A_409 = arith.index_cast %scan3A_362 : i32 to index
      %get3A_410 = arith.constant 16 : index
      %get3A_411 = tpu.vector_load %arg16[%get3A_409, %get3A_410] {strides = array<i32>} : memref<72x80xf32, #tpu.memory_space<vmem>>, vector<1x16xf32>,
      %get3A_412 = vector.shape_cast %get3A_411 : vector<1x16xf32> to vector<16xf32>
      %bitcast_convert_type3A_413 = tpu.bitcast %get3A_412 : vector<16xf32> -> vector<16xi32>
      %shift_left3A_414 = arith.constant 16 : i32
      %shift_left3A_415 = vector.broadcast %shift_left3A_414 : i32 to vector<16xi32>
      %shift_left3A_416 = arith.shli %bitcast_convert_type3A_413, %shift_left3A_415 : vector<16xi32>
      %bitcast_convert_type3A_417 = tpu.bitcast %shift_left3A_416 : vector<16xi32> -> vector<16xf32>
      %and3A_418 = arith.constant -65536 : i32
      %and3A_419 = vector.broadcast %and3A_418 : i32 to vector<16xi32>
      %and3A_420 = arith.andi %bitcast_convert_type3A_413, %and3A_419 : vector<16xi32>
      %bitcast_convert_type3A_421 = tpu.bitcast %and3A_420 : vector<16xi32> -> vector<16xf32>
      %slice3A_422 = vector.extract_strided_slice %select_n3A_377 {offsets = [2], sizes = [1], strides = [1]} : vector<16xf32> to vector<1xf32>
      %squeeze3A_423 = vector.extract %slice3A_422[0] : f32 from vector<1xf32>
      %slice3A_424 = vector.extract_strided_slice %select_n3A_377 {offsets = [3], sizes = [1], strides = [1]} : vector<16xf32> to vector<1xf32>
      %squeeze3A_425 = vector.extract %slice3A_424[0] : f32 from vector<1xf32>
      %broadcast_in_dim3A_426 = vector.broadcast %squeeze3A_423 : f32 to vector<16xf32>
      %broadcast_in_dim3A_427 = vector.broadcast %squeeze3A_425 : f32 to vector<16xf32>
      %select_n3A_428 = arith.select %lt3A_5, %broadcast_in_dim3A_426, %broadcast_in_dim3A_427 : vector<16xi1>, vector<16xf32>
      %mul3A_429 = arith.mulf %bitcast_convert_type3A_417, %select_n3A_428 : vector<16xf32>
      %swap3A_430 = arith.index_cast %scan3A_362 : i32 to index
      %swap3A_431 = arith.constant 16 : index
      %swap3A_432 = tpu.vector_load %arg18[%swap3A_430, %swap3A_431] {strides = array<i32>} : memref<72x144xf32, #tpu.memory_space<vmem>>, vector<1x16xf32>,
      %swap3A_433 = vector.shape_cast %swap3A_432 : vector<1x16xf32> to vector<16xf32>
      %swap3A_434 = vector.shape_cast %mul3A_429 : vector<16xf32> to vector<1x16xf32>
      tpu.vector_store %arg18[%swap3A_430, %swap3A_431], %swap3A_434 {strides = array<i32>} : memref<72x144xf32, #tpu.memory_space<vmem>>, vector<1x16xf32>,
      %mul3A_435 = arith.mulf %bitcast_convert_type3A_421, %select_n3A_428 : vector<16xf32>
      %swap3A_436 = arith.index_cast %scan3A_362 : i32 to index
      %swap3A_437 = arith.constant 80 : index
      %swap3A_438 = tpu.vector_load %arg18[%swap3A_436, %swap3A_437] {strides = array<i32>} : memref<72x144xf32, #tpu.memory_space<vmem>>, vector<1x16xf32>,
      %swap3A_439 = vector.shape_cast %swap3A_438 : vector<1x16xf32> to vector<16xf32>
      %swap3A_440 = vector.shape_cast %mul3A_435 : vector<16xf32> to vector<1x16xf32>
      tpu.vector_store %arg18[%swap3A_436, %swap3A_437], %swap3A_440 {strides = array<i32>} : memref<72x144xf32, #tpu.memory_space<vmem>>, vector<1x16xf32>,
      %get3A_441 = arith.index_cast %scan3A_362 : i32 to index
      %get3A_442 = arith.constant 32 : index
      %get3A_443 = tpu.vector_load %arg16[%get3A_441, %get3A_442] {strides = array<i32>} : memref<72x80xf32, #tpu.memory_space<vmem>>, vector<1x16xf32>,
      %get3A_444 = vector.shape_cast %get3A_443 : vector<1x16xf32> to vector<16xf32>
      %bitcast_convert_type3A_445 = tpu.bitcast %get3A_444 : vector<16xf32> -> vector<16xi32>
      %shift_left3A_446 = arith.constant 16 : i32
      %shift_left3A_447 = vector.broadcast %shift_left3A_446 : i32 to vector<16xi32>
      %shift_left3A_448 = arith.shli %bitcast_convert_type3A_445, %shift_left3A_447 : vector<16xi32>
      %bitcast_convert_type3A_449 = tpu.bitcast %shift_left3A_448 : vector<16xi32> -> vector<16xf32>
      %and3A_450 = arith.constant -65536 : i32
      %and3A_451 = vector.broadcast %and3A_450 : i32 to vector<16xi32>
      %and3A_452 = arith.andi %bitcast_convert_type3A_445, %and3A_451 : vector<16xi32>
      %bitcast_convert_type3A_453 = tpu.bitcast %and3A_452 : vector<16xi32> -> vector<16xf32>
      %slice3A_454 = vector.extract_strided_slice %select_n3A_377 {offsets = [4], sizes = [1], strides = [1]} : vector<16xf32> to vector<1xf32>
      %squeeze3A_455 = vector.extract %slice3A_454[0] : f32 from vector<1xf32>
      %slice3A_456 = vector.extract_strided_slice %select_n3A_377 {offsets = [5], sizes = [1], strides = [1]} : vector<16xf32> to vector<1xf32>
      %squeeze3A_457 = vector.extract %slice3A_456[0] : f32 from vector<1xf32>
      %broadcast_in_dim3A_458 = vector.broadcast %squeeze3A_455 : f32 to vector<16xf32>
      %broadcast_in_dim3A_459 = vector.broadcast %squeeze3A_457 : f32 to vector<16xf32>
      %select_n3A_460 = arith.select %lt3A_5, %broadcast_in_dim3A_458, %broadcast_in_dim3A_459 : vector<16xi1>, vector<16xf32>
      %mul3A_461 = arith.mulf %bitcast_convert_type3A_449, %select_n3A_460 : vector<16xf32>
      %swap3A_462 = arith.index_cast %scan3A_362 : i32 to index
      %swap3A_463 = arith.constant 32 : index
      %swap3A_464 = tpu.vector_load %arg18[%swap3A_462, %swap3A_463] {strides = array<i32>} : memref<72x144xf32, #tpu.memory_space<vmem>>, vector<1x16xf32>,
      %swap3A_465 = vector.shape_cast %swap3A_464 : vector<1x16xf32> to vector<16xf32>
      %swap3A_466 = vector.shape_cast %mul3A_461 : vector<16xf32> to vector<1x16xf32>
      tpu.vector_store %arg18[%swap3A_462, %swap3A_463], %swap3A_466 {strides = array<i32>} : memref<72x144xf32, #tpu.memory_space<vmem>>, vector<1x16xf32>,
      %mul3A_467 = arith.mulf %bitcast_convert_type3A_453, %select_n3A_460 : vector<16xf32>
      %swap3A_468 = arith.index_cast %scan3A_362 : i32 to index
      %swap3A_469 = arith.constant 96 : index
      %swap3A_470 = tpu.vector_load %arg18[%swap3A_468, %swap3A_469] {strides = array<i32>} : memref<72x144xf32, #tpu.memory_space<vmem>>, vector<1x16xf32>,
      %swap3A_471 = vector.shape_cast %swap3A_470 : vector<1x16xf32> to vector<16xf32>
      %swap3A_472 = vector.shape_cast %mul3A_467 : vector<16xf32> to vector<1x16xf32>
      tpu.vector_store %arg18[%swap3A_468, %swap3A_469], %swap3A_472 {strides = array<i32>} : memref<72x144xf32, #tpu.memory_space<vmem>>, vector<1x16xf32>,
      %get3A_473 = arith.index_cast %scan3A_362 : i32 to index
      %get3A_474 = arith.constant 48 : index
      %get3A_475 = tpu.vector_load %arg16[%get3A_473, %get3A_474] {strides = array<i32>} : memref<72x80xf32, #tpu.memory_space<vmem>>, vector<1x16xf32>,
      %get3A_476 = vector.shape_cast %get3A_475 : vector<1x16xf32> to vector<16xf32>
      %bitcast_convert_type3A_477 = tpu.bitcast %get3A_476 : vector<16xf32> -> vector<16xi32>
      %shift_left3A_478 = arith.constant 16 : i32
      %shift_left3A_479 = vector.broadcast %shift_left3A_478 : i32 to vector<16xi32>
      %shift_left3A_480 = arith.shli %bitcast_convert_type3A_477, %shift_left3A_479 : vector<16xi32>
      %bitcast_convert_type3A_481 = tpu.bitcast %shift_left3A_480 : vector<16xi32> -> vector<16xf32>
      %and3A_482 = arith.constant -65536 : i32
      %and3A_483 = vector.broadcast %and3A_482 : i32 to vector<16xi32>
      %and3A_484 = arith.andi %bitcast_convert_type3A_477, %and3A_483 : vector<16xi32>
      %bitcast_convert_type3A_485 = tpu.bitcast %and3A_484 : vector<16xi32> -> vector<16xf32>
      %slice3A_486 = vector.extract_strided_slice %select_n3A_377 {offsets = [6], sizes = [1], strides = [1]} : vector<16xf32> to vector<1xf32>
      %squeeze3A_487 = vector.extract %slice3A_486[0] : f32 from vector<1xf32>
      %slice3A_488 = vector.extract_strided_slice %select_n3A_377 {offsets = [7], sizes = [1], strides = [1]} : vector<16xf32> to vector<1xf32>
      %squeeze3A_489 = vector.extract %slice3A_488[0] : f32 from vector<1xf32>
      %broadcast_in_dim3A_490 = vector.broadcast %squeeze3A_487 : f32 to vector<16xf32>
      %broadcast_in_dim3A_491 = vector.broadcast %squeeze3A_489 : f32 to vector<16xf32>
      %select_n3A_492 = arith.select %lt3A_5, %broadcast_in_dim3A_490, %broadcast_in_dim3A_491 : vector<16xi1>, vector<16xf32>
      %mul3A_493 = arith.mulf %bitcast_convert_type3A_481, %select_n3A_492 : vector<16xf32>
      %swap3A_494 = arith.index_cast %scan3A_362 : i32 to index
      %swap3A_495 = arith.constant 48 : index
      %swap3A_496 = tpu.vector_load %arg18[%swap3A_494, %swap3A_495] {strides = array<i32>} : memref<72x144xf32, #tpu.memory_space<vmem>>, vector<1x16xf32>,
      %swap3A_497 = vector.shape_cast %swap3A_496 : vector<1x16xf32> to vector<16xf32>
      %swap3A_498 = vector.shape_cast %mul3A_493 : vector<16xf32> to vector<1x16xf32>
      tpu.vector_store %arg18[%swap3A_494, %swap3A_495], %swap3A_498 {strides = array<i32>} : memref<72x144xf32, #tpu.memory_space<vmem>>, vector<1x16xf32>,
      %mul3A_499 = arith.mulf %bitcast_convert_type3A_485, %select_n3A_492 : vector<16xf32>
      %swap3A_500 = arith.index_cast %scan3A_362 : i32 to index
      %swap3A_501 = arith.constant 112 : index
      %swap3A_502 = tpu.vector_load %arg18[%swap3A_500, %swap3A_501] {strides = array<i32>} : memref<72x144xf32, #tpu.memory_space<vmem>>, vector<1x16xf32>,
      %swap3A_503 = vector.shape_cast %swap3A_502 : vector<1x16xf32> to vector<16xf32>
      %swap3A_504 = vector.shape_cast %mul3A_499 : vector<16xf32> to vector<1x16xf32>
      tpu.vector_store %arg18[%swap3A_500, %swap3A_501], %swap3A_504 {strides = array<i32>} : memref<72x144xf32, #tpu.memory_space<vmem>>, vector<1x16xf32>,
    }
    %scan3A_199 = arith.constant 72 : i32
    %dma_start3A_200 = arith.constant 0 : i32
    %dma_start3A_201 = arith.constant 0 : i32
    %dma_start3A_202 = tpu.memref_slice %arg21[%dma_start3A_200, %dma_start3A_201] : memref<10240x144xf32, #tpu.memory_space<vmem_shared>> -> memref<10240x144xf32, #tpu.memory_space<vmem_shared>>
    tpu.enqueue_indirect_dma source(%arg18 : memref<72x144xf32, #tpu.memory_space<vmem>>) target(%dma_start3A_202 : memref<10240x144xf32, #tpu.memory_space<vmem_shared>>) offsets(%arg12 : memref<72xi32, #tpu.memory_space<vmem>>) semaphore(%arg25 : memref<!tpu.dma_semaphore, #tpu.memory_space<semaphore_mem>>) {add = true}
    %dma_wait3A_203 = arith.constant 0 : i32
    %dma_wait3A_204 = arith.constant 0 : i32
    %dma_wait3A_205 = tpu.memref_slice %arg4[%add3A, %dma_wait3A_203, %dma_wait3A_204] : memref<32x140x72xi32, #tpu.memory_space<hbm>> -> memref<1x1x72xi32, #tpu.memory_space<hbm>>
    %dma_wait3A_206 = tpu.memref_squeeze %dma_wait3A_205 : memref<1x1x72xi32, #tpu.memory_space<hbm>> -> memref<72xi32, #tpu.memory_space<hbm>>
    %dma_wait3A_207 = arith.constant 0 : i32
    %dma_wait3A_208 = tpu.memref_slice %arg4[%add3A, %dma_wait3A_203, %dma_wait3A_207] : memref<32x140x72xi32, #tpu.memory_space<hbm>> -> memref<1x1x72xi32, #tpu.memory_space<hbm>>
    %dma_wait3A_209 = tpu.memref_squeeze %dma_wait3A_208 : memref<1x1x72xi32, #tpu.memory_space<hbm>> -> memref<72xi32, #tpu.memory_space<hbm>>
    tpu.wait_dma2 semaphore(%arg29 : memref<!tpu.dma_semaphore, #tpu.memory_space<semaphore_mem>>) src(%dma_wait3A_209 : memref<72xi32, #tpu.memory_space<hbm>>) dst(%arg10 : memref<72xi32, #tpu.memory_space<vmem>>)
    %dma_wait3A_210 = arith.constant 0 : i32
    %dma_wait3A_211 = arith.constant 0 : i32
    %dma_wait3A_212 = tpu.memref_slice %arg5[%add3A, %dma_wait3A_210, %dma_wait3A_211] : memref<32x140x72xi32, #tpu.memory_space<hbm>> -> memref<1x1x72xi32, #tpu.memory_space<hbm>>
    %dma_wait3A_213 = tpu.memref_squeeze %dma_wait3A_212 : memref<1x1x72xi32, #tpu.memory_space<hbm>> -> memref<72xi32, #tpu.memory_space<hbm>>
    %dma_wait3A_214 = arith.constant 0 : i32
    %dma_wait3A_215 = tpu.memref_slice %arg5[%add3A, %dma_wait3A_210, %dma_wait3A_214] : memref<32x140x72xi32, #tpu.memory_space<hbm>> -> memref<1x1x72xi32, #tpu.memory_space<hbm>>
    %dma_wait3A_216 = tpu.memref_squeeze %dma_wait3A_215 : memref<1x1x72xi32, #tpu.memory_space<hbm>> -> memref<72xi32, #tpu.memory_space<hbm>>
    tpu.wait_dma2 semaphore(%arg29 : memref<!tpu.dma_semaphore, #tpu.memory_space<semaphore_mem>>) src(%dma_wait3A_216 : memref<72xi32, #tpu.memory_space<hbm>>) dst(%arg14 : memref<72xi32, #tpu.memory_space<vmem>>)
    %dma_start3A_217 = arith.constant 0 : i32
    %dma_start3A_218 = arith.constant 0 : i32
    %dma_start3A_219 = tpu.memref_slice %arg2[%dma_start3A_217, %dma_start3A_218] : memref<10000x80xf32, #tpu.memory_space<hbm>> -> memref<10000x80xf32, #tpu.memory_space<hbm>>
    tpu.enqueue_indirect_dma source(%dma_start3A_219 : memref<10000x80xf32, #tpu.memory_space<hbm>>) target(%arg16 : memref<72x80xf32, #tpu.memory_space<vmem>>) offsets(%arg10 : memref<72xi32, #tpu.memory_space<vmem>>) semaphore(%arg23 : memref<!tpu.dma_semaphore, #tpu.memory_space<semaphore_mem>>)
    %dma_start3A_220 = arith.constant 0 : i32
    %dma_start3A_221 = arith.constant 0 : i32
    %dma_start3A_222 = tpu.memref_slice %arg3[%dma_start3A_220, %dma_start3A_221] : memref<10240x16xf32, #tpu.memory_space<hbm>> -> memref<10240x16xf32, #tpu.memory_space<hbm>>
    tpu.enqueue_indirect_dma source(%dma_start3A_222 : memref<10240x16xf32, #tpu.memory_space<hbm>>) target(%arg20 : memref<72x16xf32, #tpu.memory_space<vmem>>) offsets(%arg14 : memref<72xi32, #tpu.memory_space<vmem>>) semaphore(%arg23 : memref<!tpu.dma_semaphore, #tpu.memory_space<semaphore_mem>>)
    %dma_wait3A_223 = arith.constant 0 : i32
    %dma_wait3A_224 = arith.constant 0 : i32
    %dma_wait3A_225 = tpu.memref_slice %arg2[%dma_wait3A_223, %dma_wait3A_224] : memref<10000x80xf32, #tpu.memory_space<hbm>> -> memref<10000x80xf32, #tpu.memory_space<hbm>>
    tpu.wait_indirect_dma semaphore(%arg22 : memref<!tpu.dma_semaphore, #tpu.memory_space<semaphore_mem>>) src(%dma_wait3A_225 : memref<10000x80xf32, #tpu.memory_space<hbm>>) dst(%arg15 : memref<72x80xf32, #tpu.memory_space<vmem>>)
    %dma_wait3A_226 = arith.constant 0 : i32
    %dma_wait3A_227 = arith.constant 0 : i32
    %dma_wait3A_228 = tpu.memref_slice %arg3[%dma_wait3A_226, %dma_wait3A_227] : memref<10240x16xf32, #tpu.memory_space<hbm>> -> memref<10240x16xf32, #tpu.memory_space<hbm>>
    tpu.wait_indirect_dma semaphore(%arg22 : memref<!tpu.dma_semaphore, #tpu.memory_space<semaphore_mem>>) src(%dma_wait3A_228 : memref<10240x16xf32, #tpu.memory_space<hbm>>) dst(%arg19 : memref<72x16xf32, #tpu.memory_space<vmem>>)
    %dma_wait3A_229 = arith.constant 0 : i32
    %dma_wait3A_230 = arith.constant 0 : i32
    %dma_wait3A_231 = tpu.memref_slice %arg21[%dma_wait3A_229, %dma_wait3A_230] : memref<10240x144xf32, #tpu.memory_space<vmem_shared>> -> memref<10240x144xf32, #tpu.memory_space<vmem_shared>>
    tpu.wait_indirect_dma semaphore(%arg24 : memref<!tpu.dma_semaphore, #tpu.memory_space<semaphore_mem>>) src(%arg17 : memref<72x144xf32, #tpu.memory_space<vmem>>) dst(%dma_wait3A_231 : memref<10240x144xf32, #tpu.memory_space<vmem_shared>>)
    %add3A_232 = arith.constant 2 : i32
    %add3A_233 = arith.constant 2 : i32
    %add3A_234 = arith.addi %add3A_232, %add3A_233 : i32
    %min3A_235 = arith.constant 139 : i32
    %min3A_236 = arith.minsi %add3A_234, %min3A_235 : i32
    %dma_start3A_237 = arith.constant 0 : i32
    %dma_start3A_238 = tpu.memref_slice %arg4[%add3A, %min3A_236, %dma_start3A_237] : memref<32x140x72xi32, #tpu.memory_space<hbm>> -> memref<1x1x72xi32, #tpu.memory_space<hbm>>
    %dma_start3A_239 = tpu.memref_squeeze %dma_start3A_238 : memref<1x1x72xi32, #tpu.memory_space<hbm>> -> memref<72xi32, #tpu.memory_space<hbm>>
    %dma_start3A_240 = arith.constant 0 : i32
    %dma_start3A_241 = tpu.memref_slice %arg4[%add3A, %min3A_236, %dma_start3A_240] : memref<32x140x72xi32, #tpu.memory_space<hbm>> -> memref<1x1x72xi32, #tpu.memory_space<hbm>>
    %dma_start3A_242 = tpu.memref_squeeze %dma_start3A_241 : memref<1x1x72xi32, #tpu.memory_space<hbm>> -> memref<72xi32, #tpu.memory_space<hbm>>
    tpu.enqueue_dma source(%dma_start3A_242 : memref<72xi32, #tpu.memory_space<hbm>>) target(%arg7 : memref<72xi32, #tpu.memory_space<vmem>>) target_semaphore(%arg26 : memref<!tpu.dma_semaphore, #tpu.memory_space<semaphore_mem>>)
    %dma_start3A_243 = arith.constant 0 : i32
    %dma_start3A_244 = tpu.memref_slice %arg5[%add3A, %min3A_236, %dma_start3A_243] : memref<32x140x72xi32, #tpu.memory_space<hbm>> -> memref<1x1x72xi32, #tpu.memory_space<hbm>>
    %dma_start3A_245 = tpu.memref_squeeze %dma_start3A_244 : memref<1x1x72xi32, #tpu.memory_space<hbm>> -> memref<72xi32, #tpu.memory_space<hbm>>
    %dma_start3A_246 = arith.constant 0 : i32
    %dma_start3A_247 = tpu.memref_slice %arg5[%add3A, %min3A_236, %dma_start3A_246] : memref<32x140x72xi32, #tpu.memory_space<hbm>> -> memref<1x1x72xi32, #tpu.memory_space<hbm>>
    %dma_start3A_248 = tpu.memref_squeeze %dma_start3A_247 : memref<1x1x72xi32, #tpu.memory_space<hbm>> -> memref<72xi32, #tpu.memory_space<hbm>>
    tpu.enqueue_dma source(%dma_start3A_248 : memref<72xi32, #tpu.memory_space<hbm>>) target(%arg11 : memref<72xi32, #tpu.memory_space<vmem>>) target_semaphore(%arg26 : memref<!tpu.dma_semaphore, #tpu.memory_space<semaphore_mem>>)
    %scan3A_249 = arith.constant 0 : i32
    %scan3A_250 = arith.constant 0 : i32
    %scan3A_251 = arith.constant 72 : i32
    %scan3A_252 = arith.addi %scan3A_250, %scan3A_251 : i32
    %scan3A_253 = arith.constant 1 : i32
    scf.for %scan3A_362 = %scan3A_250 to %scan3A_252 step %scan3A_253  : i32 {
      %get3A = arith.index_cast %scan3A_362 : i32 to index
      %get3A_363 = arith.constant 64 : index
      %get3A_364 = tpu.vector_load %arg15[%get3A, %get3A_363] {strides = array<i32>} : memref<72x80xf32, #tpu.memory_space<vmem>>, vector<1x16xf32>,
      %get3A_365 = vector.shape_cast %get3A_364 : vector<1x16xf32> to vector<16xf32>
      %get3A_366 = arith.index_cast %scan3A_362 : i32 to index
      %get3A_367 = arith.constant 0 : index
      %get3A_368 = tpu.vector_load %arg19[%get3A_366, %get3A_367] {strides = array<i32>} : memref<72x16xf32, #tpu.memory_space<vmem>>, vector<1x16xf32>,
      %get3A_369 = vector.shape_cast %get3A_368 : vector<1x16xf32> to vector<16xf32>
      %add3A_370 = arith.addf %get3A_365, %get3A_369 : vector<16xf32>
      %ge3A = arith.constant 0.000000e+00 : f32
      %ge3A_371 = vector.broadcast %ge3A : f32 to vector<16xf32>
      %ge3A_372 = arith.cmpf oge, %add3A_370, %ge3A_371 : vector<16xf32>
      %mul3A_373 = arith.constant 2.000000e-01 : f32
      %mul3A_374 = vector.broadcast %mul3A_373 : f32 to vector<16xf32>
      %mul3A_375 = arith.mulf %mul3A_374, %add3A_370 : vector<16xf32>
      %select_n3A = arith.select %ge3A_372, %add3A_370, %mul3A_375 : vector<16xi1>, vector<16xf32>
      %sub3A = arith.subf %select_n3A, %get3A_369 : vector<16xf32>
      %exp3A = math.exp %sub3A : vector<16xf32>
      %jit3A = arith.constant 0.000000e+00 : f32
      %broadcast_in_dim3A_376 = vector.broadcast %jit3A : f32 to vector<16xf32>
      %select_n3A_377 = arith.select %lt3A_2, %exp3A, %broadcast_in_dim3A_376 : vector<16xi1>, vector<16xf32>
      %swap3A = arith.index_cast %scan3A_362 : i32 to index
      %swap3A_378 = arith.constant 128 : index
      %swap3A_379 = tpu.vector_load %arg17[%swap3A, %swap3A_378] {strides = array<i32>} : memref<72x144xf32, #tpu.memory_space<vmem>>, vector<1x16xf32>,
      %swap3A_380 = vector.shape_cast %swap3A_379 : vector<1x16xf32> to vector<16xf32>
      %swap3A_381 = vector.shape_cast %select_n3A_377 : vector<16xf32> to vector<1x16xf32>
      tpu.vector_store %arg17[%swap3A, %swap3A_378], %swap3A_381 {strides = array<i32>} : memref<72x144xf32, #tpu.memory_space<vmem>>, vector<1x16xf32>,
      %get3A_382 = arith.index_cast %scan3A_362 : i32 to index
      %get3A_383 = arith.constant 0 : index
      %get3A_384 = tpu.vector_load %arg15[%get3A_382, %get3A_383] {strides = array<i32>} : memref<72x80xf32, #tpu.memory_space<vmem>>, vector<1x16xf32>,
      %get3A_385 = vector.shape_cast %get3A_384 : vector<1x16xf32> to vector<16xf32>
      %bitcast_convert_type3A = tpu.bitcast %get3A_385 : vector<16xf32> -> vector<16xi32>
      %shift_left3A = arith.constant 16 : i32
      %shift_left3A_386 = vector.broadcast %shift_left3A : i32 to vector<16xi32>
      %shift_left3A_387 = arith.shli %bitcast_convert_type3A, %shift_left3A_386 : vector<16xi32>
      %bitcast_convert_type3A_388 = tpu.bitcast %shift_left3A_387 : vector<16xi32> -> vector<16xf32>
      %and3A = arith.constant -65536 : i32
      %and3A_389 = vector.broadcast %and3A : i32 to vector<16xi32>
      %and3A_390 = arith.andi %bitcast_convert_type3A, %and3A_389 : vector<16xi32>
      %bitcast_convert_type3A_391 = tpu.bitcast %and3A_390 : vector<16xi32> -> vector<16xf32>
      %slice3A = vector.extract_strided_slice %select_n3A_377 {offsets = [0], sizes = [1], strides = [1]} : vector<16xf32> to vector<1xf32>
      %squeeze3A = vector.extract %slice3A[0] : f32 from vector<1xf32>
      %slice3A_392 = vector.extract_strided_slice %select_n3A_377 {offsets = [1], sizes = [1], strides = [1]} : vector<16xf32> to vector<1xf32>
      %squeeze3A_393 = vector.extract %slice3A_392[0] : f32 from vector<1xf32>
      %broadcast_in_dim3A_394 = vector.broadcast %squeeze3A : f32 to vector<16xf32>
      %broadcast_in_dim3A_395 = vector.broadcast %squeeze3A_393 : f32 to vector<16xf32>
      %select_n3A_396 = arith.select %lt3A_5, %broadcast_in_dim3A_394, %broadcast_in_dim3A_395 : vector<16xi1>, vector<16xf32>
      %mul3A_397 = arith.mulf %bitcast_convert_type3A_388, %select_n3A_396 : vector<16xf32>
      %swap3A_398 = arith.index_cast %scan3A_362 : i32 to index
      %swap3A_399 = arith.constant 0 : index
      %swap3A_400 = tpu.vector_load %arg17[%swap3A_398, %swap3A_399] {strides = array<i32>} : memref<72x144xf32, #tpu.memory_space<vmem>>, vector<1x16xf32>,
      %swap3A_401 = vector.shape_cast %swap3A_400 : vector<1x16xf32> to vector<16xf32>
      %swap3A_402 = vector.shape_cast %mul3A_397 : vector<16xf32> to vector<1x16xf32>
      tpu.vector_store %arg17[%swap3A_398, %swap3A_399], %swap3A_402 {strides = array<i32>} : memref<72x144xf32, #tpu.memory_space<vmem>>, vector<1x16xf32>,
      %mul3A_403 = arith.mulf %bitcast_convert_type3A_391, %select_n3A_396 : vector<16xf32>
      %swap3A_404 = arith.index_cast %scan3A_362 : i32 to index
      %swap3A_405 = arith.constant 64 : index
      %swap3A_406 = tpu.vector_load %arg17[%swap3A_404, %swap3A_405] {strides = array<i32>} : memref<72x144xf32, #tpu.memory_space<vmem>>, vector<1x16xf32>,
      %swap3A_407 = vector.shape_cast %swap3A_406 : vector<1x16xf32> to vector<16xf32>
      %swap3A_408 = vector.shape_cast %mul3A_403 : vector<16xf32> to vector<1x16xf32>
      tpu.vector_store %arg17[%swap3A_404, %swap3A_405], %swap3A_408 {strides = array<i32>} : memref<72x144xf32, #tpu.memory_space<vmem>>, vector<1x16xf32>,
      %get3A_409 = arith.index_cast %scan3A_362 : i32 to index
      %get3A_410 = arith.constant 16 : index
      %get3A_411 = tpu.vector_load %arg15[%get3A_409, %get3A_410] {strides = array<i32>} : memref<72x80xf32, #tpu.memory_space<vmem>>, vector<1x16xf32>,
      %get3A_412 = vector.shape_cast %get3A_411 : vector<1x16xf32> to vector<16xf32>
      %bitcast_convert_type3A_413 = tpu.bitcast %get3A_412 : vector<16xf32> -> vector<16xi32>
      %shift_left3A_414 = arith.constant 16 : i32
      %shift_left3A_415 = vector.broadcast %shift_left3A_414 : i32 to vector<16xi32>
      %shift_left3A_416 = arith.shli %bitcast_convert_type3A_413, %shift_left3A_415 : vector<16xi32>
      %bitcast_convert_type3A_417 = tpu.bitcast %shift_left3A_416 : vector<16xi32> -> vector<16xf32>
      %and3A_418 = arith.constant -65536 : i32
      %and3A_419 = vector.broadcast %and3A_418 : i32 to vector<16xi32>
      %and3A_420 = arith.andi %bitcast_convert_type3A_413, %and3A_419 : vector<16xi32>
      %bitcast_convert_type3A_421 = tpu.bitcast %and3A_420 : vector<16xi32> -> vector<16xf32>
      %slice3A_422 = vector.extract_strided_slice %select_n3A_377 {offsets = [2], sizes = [1], strides = [1]} : vector<16xf32> to vector<1xf32>
      %squeeze3A_423 = vector.extract %slice3A_422[0] : f32 from vector<1xf32>
      %slice3A_424 = vector.extract_strided_slice %select_n3A_377 {offsets = [3], sizes = [1], strides = [1]} : vector<16xf32> to vector<1xf32>
      %squeeze3A_425 = vector.extract %slice3A_424[0] : f32 from vector<1xf32>
      %broadcast_in_dim3A_426 = vector.broadcast %squeeze3A_423 : f32 to vector<16xf32>
      %broadcast_in_dim3A_427 = vector.broadcast %squeeze3A_425 : f32 to vector<16xf32>
      %select_n3A_428 = arith.select %lt3A_5, %broadcast_in_dim3A_426, %broadcast_in_dim3A_427 : vector<16xi1>, vector<16xf32>
      %mul3A_429 = arith.mulf %bitcast_convert_type3A_417, %select_n3A_428 : vector<16xf32>
      %swap3A_430 = arith.index_cast %scan3A_362 : i32 to index
      %swap3A_431 = arith.constant 16 : index
      %swap3A_432 = tpu.vector_load %arg17[%swap3A_430, %swap3A_431] {strides = array<i32>} : memref<72x144xf32, #tpu.memory_space<vmem>>, vector<1x16xf32>,
      %swap3A_433 = vector.shape_cast %swap3A_432 : vector<1x16xf32> to vector<16xf32>
      %swap3A_434 = vector.shape_cast %mul3A_429 : vector<16xf32> to vector<1x16xf32>
      tpu.vector_store %arg17[%swap3A_430, %swap3A_431], %swap3A_434 {strides = array<i32>} : memref<72x144xf32, #tpu.memory_space<vmem>>, vector<1x16xf32>,
      %mul3A_435 = arith.mulf %bitcast_convert_type3A_421, %select_n3A_428 : vector<16xf32>
      %swap3A_436 = arith.index_cast %scan3A_362 : i32 to index
      %swap3A_437 = arith.constant 80 : index
      %swap3A_438 = tpu.vector_load %arg17[%swap3A_436, %swap3A_437] {strides = array<i32>} : memref<72x144xf32, #tpu.memory_space<vmem>>, vector<1x16xf32>,
      %swap3A_439 = vector.shape_cast %swap3A_438 : vector<1x16xf32> to vector<16xf32>
      %swap3A_440 = vector.shape_cast %mul3A_435 : vector<16xf32> to vector<1x16xf32>
      tpu.vector_store %arg17[%swap3A_436, %swap3A_437], %swap3A_440 {strides = array<i32>} : memref<72x144xf32, #tpu.memory_space<vmem>>, vector<1x16xf32>,
      %get3A_441 = arith.index_cast %scan3A_362 : i32 to index
      %get3A_442 = arith.constant 32 : index
      %get3A_443 = tpu.vector_load %arg15[%get3A_441, %get3A_442] {strides = array<i32>} : memref<72x80xf32, #tpu.memory_space<vmem>>, vector<1x16xf32>,
      %get3A_444 = vector.shape_cast %get3A_443 : vector<1x16xf32> to vector<16xf32>
      %bitcast_convert_type3A_445 = tpu.bitcast %get3A_444 : vector<16xf32> -> vector<16xi32>
      %shift_left3A_446 = arith.constant 16 : i32
      %shift_left3A_447 = vector.broadcast %shift_left3A_446 : i32 to vector<16xi32>
      %shift_left3A_448 = arith.shli %bitcast_convert_type3A_445, %shift_left3A_447 : vector<16xi32>
      %bitcast_convert_type3A_449 = tpu.bitcast %shift_left3A_448 : vector<16xi32> -> vector<16xf32>
      %and3A_450 = arith.constant -65536 : i32
      %and3A_451 = vector.broadcast %and3A_450 : i32 to vector<16xi32>
      %and3A_452 = arith.andi %bitcast_convert_type3A_445, %and3A_451 : vector<16xi32>
      %bitcast_convert_type3A_453 = tpu.bitcast %and3A_452 : vector<16xi32> -> vector<16xf32>
      %slice3A_454 = vector.extract_strided_slice %select_n3A_377 {offsets = [4], sizes = [1], strides = [1]} : vector<16xf32> to vector<1xf32>
      %squeeze3A_455 = vector.extract %slice3A_454[0] : f32 from vector<1xf32>
      %slice3A_456 = vector.extract_strided_slice %select_n3A_377 {offsets = [5], sizes = [1], strides = [1]} : vector<16xf32> to vector<1xf32>
      %squeeze3A_457 = vector.extract %slice3A_456[0] : f32 from vector<1xf32>
      %broadcast_in_dim3A_458 = vector.broadcast %squeeze3A_455 : f32 to vector<16xf32>
      %broadcast_in_dim3A_459 = vector.broadcast %squeeze3A_457 : f32 to vector<16xf32>
      %select_n3A_460 = arith.select %lt3A_5, %broadcast_in_dim3A_458, %broadcast_in_dim3A_459 : vector<16xi1>, vector<16xf32>
      %mul3A_461 = arith.mulf %bitcast_convert_type3A_449, %select_n3A_460 : vector<16xf32>
      %swap3A_462 = arith.index_cast %scan3A_362 : i32 to index
      %swap3A_463 = arith.constant 32 : index
      %swap3A_464 = tpu.vector_load %arg17[%swap3A_462, %swap3A_463] {strides = array<i32>} : memref<72x144xf32, #tpu.memory_space<vmem>>, vector<1x16xf32>,
      %swap3A_465 = vector.shape_cast %swap3A_464 : vector<1x16xf32> to vector<16xf32>
      %swap3A_466 = vector.shape_cast %mul3A_461 : vector<16xf32> to vector<1x16xf32>
      tpu.vector_store %arg17[%swap3A_462, %swap3A_463], %swap3A_466 {strides = array<i32>} : memref<72x144xf32, #tpu.memory_space<vmem>>, vector<1x16xf32>,
      %mul3A_467 = arith.mulf %bitcast_convert_type3A_453, %select_n3A_460 : vector<16xf32>
      %swap3A_468 = arith.index_cast %scan3A_362 : i32 to index
      %swap3A_469 = arith.constant 96 : index
      %swap3A_470 = tpu.vector_load %arg17[%swap3A_468, %swap3A_469] {strides = array<i32>} : memref<72x144xf32, #tpu.memory_space<vmem>>, vector<1x16xf32>,
      %swap3A_471 = vector.shape_cast %swap3A_470 : vector<1x16xf32> to vector<16xf32>
      %swap3A_472 = vector.shape_cast %mul3A_467 : vector<16xf32> to vector<1x16xf32>
      tpu.vector_store %arg17[%swap3A_468, %swap3A_469], %swap3A_472 {strides = array<i32>} : memref<72x144xf32, #tpu.memory_space<vmem>>, vector<1x16xf32>,
      %get3A_473 = arith.index_cast %scan3A_362 : i32 to index
      %get3A_474 = arith.constant 48 : index
      %get3A_475 = tpu.vector_load %arg15[%get3A_473, %get3A_474] {strides = array<i32>} : memref<72x80xf32, #tpu.memory_space<vmem>>, vector<1x16xf32>,
      %get3A_476 = vector.shape_cast %get3A_475 : vector<1x16xf32> to vector<16xf32>
      %bitcast_convert_type3A_477 = tpu.bitcast %get3A_476 : vector<16xf32> -> vector<16xi32>
      %shift_left3A_478 = arith.constant 16 : i32
      %shift_left3A_479 = vector.broadcast %shift_left3A_478 : i32 to vector<16xi32>
      %shift_left3A_480 = arith.shli %bitcast_convert_type3A_477, %shift_left3A_479 : vector<16xi32>
      %bitcast_convert_type3A_481 = tpu.bitcast %shift_left3A_480 : vector<16xi32> -> vector<16xf32>
      %and3A_482 = arith.constant -65536 : i32
      %and3A_483 = vector.broadcast %and3A_482 : i32 to vector<16xi32>
      %and3A_484 = arith.andi %bitcast_convert_type3A_477, %and3A_483 : vector<16xi32>
      %bitcast_convert_type3A_485 = tpu.bitcast %and3A_484 : vector<16xi32> -> vector<16xf32>
      %slice3A_486 = vector.extract_strided_slice %select_n3A_377 {offsets = [6], sizes = [1], strides = [1]} : vector<16xf32> to vector<1xf32>
      %squeeze3A_487 = vector.extract %slice3A_486[0] : f32 from vector<1xf32>
      %slice3A_488 = vector.extract_strided_slice %select_n3A_377 {offsets = [7], sizes = [1], strides = [1]} : vector<16xf32> to vector<1xf32>
      %squeeze3A_489 = vector.extract %slice3A_488[0] : f32 from vector<1xf32>
      %broadcast_in_dim3A_490 = vector.broadcast %squeeze3A_487 : f32 to vector<16xf32>
      %broadcast_in_dim3A_491 = vector.broadcast %squeeze3A_489 : f32 to vector<16xf32>
      %select_n3A_492 = arith.select %lt3A_5, %broadcast_in_dim3A_490, %broadcast_in_dim3A_491 : vector<16xi1>, vector<16xf32>
      %mul3A_493 = arith.mulf %bitcast_convert_type3A_481, %select_n3A_492 : vector<16xf32>
      %swap3A_494 = arith.index_cast %scan3A_362 : i32 to index
      %swap3A_495 = arith.constant 48 : index
      %swap3A_496 = tpu.vector_load %arg17[%swap3A_494, %swap3A_495] {strides = array<i32>} : memref<72x144xf32, #tpu.memory_space<vmem>>, vector<1x16xf32>,
      %swap3A_497 = vector.shape_cast %swap3A_496 : vector<1x16xf32> to vector<16xf32>
      %swap3A_498 = vector.shape_cast %mul3A_493 : vector<16xf32> to vector<1x16xf32>
      tpu.vector_store %arg17[%swap3A_494, %swap3A_495], %swap3A_498 {strides = array<i32>} : memref<72x144xf32, #tpu.memory_space<vmem>>, vector<1x16xf32>,
      %mul3A_499 = arith.mulf %bitcast_convert_type3A_485, %select_n3A_492 : vector<16xf32>
      %swap3A_500 = arith.index_cast %scan3A_362 : i32 to index
      %swap3A_501 = arith.constant 112 : index
      %swap3A_502 = tpu.vector_load %arg17[%swap3A_500, %swap3A_501] {strides = array<i32>} : memref<72x144xf32, #tpu.memory_space<vmem>>, vector<1x16xf32>,
      %swap3A_503 = vector.shape_cast %swap3A_502 : vector<1x16xf32> to vector<16xf32>
      %swap3A_504 = vector.shape_cast %mul3A_499 : vector<16xf32> to vector<1x16xf32>
      tpu.vector_store %arg17[%swap3A_500, %swap3A_501], %swap3A_504 {strides = array<i32>} : memref<72x144xf32, #tpu.memory_space<vmem>>, vector<1x16xf32>,
    }
    %scan3A_254 = arith.constant 72 : i32
    %dma_start3A_255 = arith.constant 0 : i32
    %dma_start3A_256 = arith.constant 0 : i32
    %dma_start3A_257 = tpu.memref_slice %arg21[%dma_start3A_255, %dma_start3A_256] : memref<10240x144xf32, #tpu.memory_space<vmem_shared>> -> memref<10240x144xf32, #tpu.memory_space<vmem_shared>>
    tpu.enqueue_indirect_dma source(%arg17 : memref<72x144xf32, #tpu.memory_space<vmem>>) target(%dma_start3A_257 : memref<10240x144xf32, #tpu.memory_space<vmem_shared>>) offsets(%arg13 : memref<72xi32, #tpu.memory_space<vmem>>) semaphore(%arg24 : memref<!tpu.dma_semaphore, #tpu.memory_space<semaphore_mem>>) {add = true}
    %dma_wait3A_258 = arith.constant 0 : i32
    %dma_wait3A_259 = arith.constant 0 : i32
    %dma_wait3A_260 = tpu.memref_slice %arg4[%add3A, %dma_wait3A_258, %dma_wait3A_259] : memref<32x140x72xi32, #tpu.memory_space<hbm>> -> memref<1x1x72xi32, #tpu.memory_space<hbm>>
    %dma_wait3A_261 = tpu.memref_squeeze %dma_wait3A_260 : memref<1x1x72xi32, #tpu.memory_space<hbm>> -> memref<72xi32, #tpu.memory_space<hbm>>
    %dma_wait3A_262 = arith.constant 0 : i32
    %dma_wait3A_263 = tpu.memref_slice %arg4[%add3A, %dma_wait3A_258, %dma_wait3A_262] : memref<32x140x72xi32, #tpu.memory_space<hbm>> -> memref<1x1x72xi32, #tpu.memory_space<hbm>>
    %dma_wait3A_264 = tpu.memref_squeeze %dma_wait3A_263 : memref<1x1x72xi32, #tpu.memory_space<hbm>> -> memref<72xi32, #tpu.memory_space<hbm>>
    tpu.wait_dma2 semaphore(%arg26 : memref<!tpu.dma_semaphore, #tpu.memory_space<semaphore_mem>>) src(%dma_wait3A_264 : memref<72xi32, #tpu.memory_space<hbm>>) dst(%arg7 : memref<72xi32, #tpu.memory_space<vmem>>)
    %dma_wait3A_265 = arith.constant 0 : i32
    %dma_wait3A_266 = arith.constant 0 : i32
    %dma_wait3A_267 = tpu.memref_slice %arg5[%add3A, %dma_wait3A_265, %dma_wait3A_266] : memref<32x140x72xi32, #tpu.memory_space<hbm>> -> memref<1x1x72xi32, #tpu.memory_space<hbm>>
    %dma_wait3A_268 = tpu.memref_squeeze %dma_wait3A_267 : memref<1x1x72xi32, #tpu.memory_space<hbm>> -> memref<72xi32, #tpu.memory_space<hbm>>
    %dma_wait3A_269 = arith.constant 0 : i32
    %dma_wait3A_270 = tpu.memref_slice %arg5[%add3A, %dma_wait3A_265, %dma_wait3A_269] : memref<32x140x72xi32, #tpu.memory_space<hbm>> -> memref<1x1x72xi32, #tpu.memory_space<hbm>>
    %dma_wait3A_271 = tpu.memref_squeeze %dma_wait3A_270 : memref<1x1x72xi32, #tpu.memory_space<hbm>> -> memref<72xi32, #tpu.memory_space<hbm>>
    tpu.wait_dma2 semaphore(%arg26 : memref<!tpu.dma_semaphore, #tpu.memory_space<semaphore_mem>>) src(%dma_wait3A_271 : memref<72xi32, #tpu.memory_space<hbm>>) dst(%arg11 : memref<72xi32, #tpu.memory_space<vmem>>)
    %dma_start3A_272 = arith.constant 0 : i32
    %dma_start3A_273 = arith.constant 0 : i32
    %dma_start3A_274 = tpu.memref_slice %arg2[%dma_start3A_272, %dma_start3A_273] : memref<10000x80xf32, #tpu.memory_space<hbm>> -> memref<10000x80xf32, #tpu.memory_space<hbm>>
    tpu.enqueue_indirect_dma source(%dma_start3A_274 : memref<10000x80xf32, #tpu.memory_space<hbm>>) target(%arg15 : memref<72x80xf32, #tpu.memory_space<vmem>>) offsets(%arg7 : memref<72xi32, #tpu.memory_space<vmem>>) semaphore(%arg22 : memref<!tpu.dma_semaphore, #tpu.memory_space<semaphore_mem>>)
    %dma_start3A_275 = arith.constant 0 : i32
    %dma_start3A_276 = arith.constant 0 : i32
    %dma_start3A_277 = tpu.memref_slice %arg3[%dma_start3A_275, %dma_start3A_276] : memref<10240x16xf32, #tpu.memory_space<hbm>> -> memref<10240x16xf32, #tpu.memory_space<hbm>>
    tpu.enqueue_indirect_dma source(%dma_start3A_277 : memref<10240x16xf32, #tpu.memory_space<hbm>>) target(%arg19 : memref<72x16xf32, #tpu.memory_space<vmem>>) offsets(%arg11 : memref<72xi32, #tpu.memory_space<vmem>>) semaphore(%arg22 : memref<!tpu.dma_semaphore, #tpu.memory_space<semaphore_mem>>)
    %dma_wait3A_278 = arith.constant 0 : i32
    %dma_wait3A_279 = arith.constant 0 : i32
    %dma_wait3A_280 = tpu.memref_slice %arg2[%dma_wait3A_278, %dma_wait3A_279] : memref<10000x80xf32, #tpu.memory_space<hbm>> -> memref<10000x80xf32, #tpu.memory_space<hbm>>
    tpu.wait_indirect_dma semaphore(%arg23 : memref<!tpu.dma_semaphore, #tpu.memory_space<semaphore_mem>>) src(%dma_wait3A_280 : memref<10000x80xf32, #tpu.memory_space<hbm>>) dst(%arg16 : memref<72x80xf32, #tpu.memory_space<vmem>>)
    %dma_wait3A_281 = arith.constant 0 : i32
    %dma_wait3A_282 = arith.constant 0 : i32
    %dma_wait3A_283 = tpu.memref_slice %arg3[%dma_wait3A_281, %dma_wait3A_282] : memref<10240x16xf32, #tpu.memory_space<hbm>> -> memref<10240x16xf32, #tpu.memory_space<hbm>>
    tpu.wait_indirect_dma semaphore(%arg23 : memref<!tpu.dma_semaphore, #tpu.memory_space<semaphore_mem>>) src(%dma_wait3A_283 : memref<10240x16xf32, #tpu.memory_space<hbm>>) dst(%arg20 : memref<72x16xf32, #tpu.memory_space<vmem>>)
    %dma_wait3A_284 = arith.constant 0 : i32
    %dma_wait3A_285 = arith.constant 0 : i32
    %dma_wait3A_286 = tpu.memref_slice %arg21[%dma_wait3A_284, %dma_wait3A_285] : memref<10240x144xf32, #tpu.memory_space<vmem_shared>> -> memref<10240x144xf32, #tpu.memory_space<vmem_shared>>
    tpu.wait_indirect_dma semaphore(%arg25 : memref<!tpu.dma_semaphore, #tpu.memory_space<semaphore_mem>>) src(%arg18 : memref<72x144xf32, #tpu.memory_space<vmem>>) dst(%dma_wait3A_286 : memref<10240x144xf32, #tpu.memory_space<vmem_shared>>)
    %add3A_287 = arith.constant 3 : i32
    %add3A_288 = arith.constant 2 : i32
    %add3A_289 = arith.addi %add3A_287, %add3A_288 : i32
    %min3A_290 = arith.constant 139 : i32
    %min3A_291 = arith.minsi %add3A_289, %min3A_290 : i32
    %dma_start3A_292 = arith.constant 0 : i32
    %dma_start3A_293 = tpu.memref_slice %arg4[%add3A, %min3A_291, %dma_start3A_292] : memref<32x140x72xi32, #tpu.memory_space<hbm>> -> memref<1x1x72xi32, #tpu.memory_space<hbm>>
    %dma_start3A_294 = tpu.memref_squeeze %dma_start3A_293 : memref<1x1x72xi32, #tpu.memory_space<hbm>> -> memref<72xi32, #tpu.memory_space<hbm>>
    %dma_start3A_295 = arith.constant 0 : i32
    %dma_start3A_296 = tpu.memref_slice %arg4[%add3A, %min3A_291, %dma_start3A_295] : memref<32x140x72xi32, #tpu.memory_space<hbm>> -> memref<1x1x72xi32, #tpu.memory_space<hbm>>
    %dma_start3A_297 = tpu.memref_squeeze %dma_start3A_296 : memref<1x1x72xi32, #tpu.memory_space<hbm>> -> memref<72xi32, #tpu.memory_space<hbm>>
    tpu.enqueue_dma source(%dma_start3A_297 : memref<72xi32, #tpu.memory_space<hbm>>) target(%arg8 : memref<72xi32, #tpu.memory_space<vmem>>) target_semaphore(%arg27 : memref<!tpu.dma_semaphore, #tpu.memory_space<semaphore_mem>>)
    %dma_start3A_298 = arith.constant 0 : i32
    %dma_start3A_299 = tpu.memref_slice %arg5[%add3A, %min3A_291, %dma_start3A_298] : memref<32x140x72xi32, #tpu.memory_space<hbm>> -> memref<1x1x72xi32, #tpu.memory_space<hbm>>
    %dma_start3A_300 = tpu.memref_squeeze %dma_start3A_299 : memref<1x1x72xi32, #tpu.memory_space<hbm>> -> memref<72xi32, #tpu.memory_space<hbm>>
    %dma_start3A_301 = arith.constant 0 : i32
    %dma_start3A_302 = tpu.memref_slice %arg5[%add3A, %min3A_291, %dma_start3A_301] : memref<32x140x72xi32, #tpu.memory_space<hbm>> -> memref<1x1x72xi32, #tpu.memory_space<hbm>>
    %dma_start3A_303 = tpu.memref_squeeze %dma_start3A_302 : memref<1x1x72xi32, #tpu.memory_space<hbm>> -> memref<72xi32, #tpu.memory_space<hbm>>
    tpu.enqueue_dma source(%dma_start3A_303 : memref<72xi32, #tpu.memory_space<hbm>>) target(%arg12 : memref<72xi32, #tpu.memory_space<vmem>>) target_semaphore(%arg27 : memref<!tpu.dma_semaphore, #tpu.memory_space<semaphore_mem>>)
    %scan3A_304 = arith.constant 0 : i32
    %scan3A_305 = arith.constant 0 : i32
    %scan3A_306 = arith.constant 72 : i32
    %scan3A_307 = arith.addi %scan3A_305, %scan3A_306 : i32
    %scan3A_308 = arith.constant 1 : i32
    scf.for %scan3A_362 = %scan3A_305 to %scan3A_307 step %scan3A_308  : i32 {
      %get3A = arith.index_cast %scan3A_362 : i32 to index
      %get3A_363 = arith.constant 64 : index
      %get3A_364 = tpu.vector_load %arg16[%get3A, %get3A_363] {strides = array<i32>} : memref<72x80xf32, #tpu.memory_space<vmem>>, vector<1x16xf32>,
      %get3A_365 = vector.shape_cast %get3A_364 : vector<1x16xf32> to vector<16xf32>
      %get3A_366 = arith.index_cast %scan3A_362 : i32 to index
      %get3A_367 = arith.constant 0 : index
      %get3A_368 = tpu.vector_load %arg20[%get3A_366, %get3A_367] {strides = array<i32>} : memref<72x16xf32, #tpu.memory_space<vmem>>, vector<1x16xf32>,
      %get3A_369 = vector.shape_cast %get3A_368 : vector<1x16xf32> to vector<16xf32>
      %add3A_370 = arith.addf %get3A_365, %get3A_369 : vector<16xf32>
      %ge3A = arith.constant 0.000000e+00 : f32
      %ge3A_371 = vector.broadcast %ge3A : f32 to vector<16xf32>
      %ge3A_372 = arith.cmpf oge, %add3A_370, %ge3A_371 : vector<16xf32>
      %mul3A_373 = arith.constant 2.000000e-01 : f32
      %mul3A_374 = vector.broadcast %mul3A_373 : f32 to vector<16xf32>
      %mul3A_375 = arith.mulf %mul3A_374, %add3A_370 : vector<16xf32>
      %select_n3A = arith.select %ge3A_372, %add3A_370, %mul3A_375 : vector<16xi1>, vector<16xf32>
      %sub3A = arith.subf %select_n3A, %get3A_369 : vector<16xf32>
      %exp3A = math.exp %sub3A : vector<16xf32>
      %jit3A = arith.constant 0.000000e+00 : f32
      %broadcast_in_dim3A_376 = vector.broadcast %jit3A : f32 to vector<16xf32>
      %select_n3A_377 = arith.select %lt3A_2, %exp3A, %broadcast_in_dim3A_376 : vector<16xi1>, vector<16xf32>
      %swap3A = arith.index_cast %scan3A_362 : i32 to index
      %swap3A_378 = arith.constant 128 : index
      %swap3A_379 = tpu.vector_load %arg18[%swap3A, %swap3A_378] {strides = array<i32>} : memref<72x144xf32, #tpu.memory_space<vmem>>, vector<1x16xf32>,
      %swap3A_380 = vector.shape_cast %swap3A_379 : vector<1x16xf32> to vector<16xf32>
      %swap3A_381 = vector.shape_cast %select_n3A_377 : vector<16xf32> to vector<1x16xf32>
      tpu.vector_store %arg18[%swap3A, %swap3A_378], %swap3A_381 {strides = array<i32>} : memref<72x144xf32, #tpu.memory_space<vmem>>, vector<1x16xf32>,
      %get3A_382 = arith.index_cast %scan3A_362 : i32 to index
      %get3A_383 = arith.constant 0 : index
      %get3A_384 = tpu.vector_load %arg16[%get3A_382, %get3A_383] {strides = array<i32>} : memref<72x80xf32, #tpu.memory_space<vmem>>, vector<1x16xf32>,
      %get3A_385 = vector.shape_cast %get3A_384 : vector<1x16xf32> to vector<16xf32>
      %bitcast_convert_type3A = tpu.bitcast %get3A_385 : vector<16xf32> -> vector<16xi32>
      %shift_left3A = arith.constant 16 : i32
      %shift_left3A_386 = vector.broadcast %shift_left3A : i32 to vector<16xi32>
      %shift_left3A_387 = arith.shli %bitcast_convert_type3A, %shift_left3A_386 : vector<16xi32>
      %bitcast_convert_type3A_388 = tpu.bitcast %shift_left3A_387 : vector<16xi32> -> vector<16xf32>
      %and3A = arith.constant -65536 : i32
      %and3A_389 = vector.broadcast %and3A : i32 to vector<16xi32>
      %and3A_390 = arith.andi %bitcast_convert_type3A, %and3A_389 : vector<16xi32>
      %bitcast_convert_type3A_391 = tpu.bitcast %and3A_390 : vector<16xi32> -> vector<16xf32>
      %slice3A = vector.extract_strided_slice %select_n3A_377 {offsets = [0], sizes = [1], strides = [1]} : vector<16xf32> to vector<1xf32>
      %squeeze3A = vector.extract %slice3A[0] : f32 from vector<1xf32>
      %slice3A_392 = vector.extract_strided_slice %select_n3A_377 {offsets = [1], sizes = [1], strides = [1]} : vector<16xf32> to vector<1xf32>
      %squeeze3A_393 = vector.extract %slice3A_392[0] : f32 from vector<1xf32>
      %broadcast_in_dim3A_394 = vector.broadcast %squeeze3A : f32 to vector<16xf32>
      %broadcast_in_dim3A_395 = vector.broadcast %squeeze3A_393 : f32 to vector<16xf32>
      %select_n3A_396 = arith.select %lt3A_5, %broadcast_in_dim3A_394, %broadcast_in_dim3A_395 : vector<16xi1>, vector<16xf32>
      %mul3A_397 = arith.mulf %bitcast_convert_type3A_388, %select_n3A_396 : vector<16xf32>
      %swap3A_398 = arith.index_cast %scan3A_362 : i32 to index
      %swap3A_399 = arith.constant 0 : index
      %swap3A_400 = tpu.vector_load %arg18[%swap3A_398, %swap3A_399] {strides = array<i32>} : memref<72x144xf32, #tpu.memory_space<vmem>>, vector<1x16xf32>,
      %swap3A_401 = vector.shape_cast %swap3A_400 : vector<1x16xf32> to vector<16xf32>
      %swap3A_402 = vector.shape_cast %mul3A_397 : vector<16xf32> to vector<1x16xf32>
      tpu.vector_store %arg18[%swap3A_398, %swap3A_399], %swap3A_402 {strides = array<i32>} : memref<72x144xf32, #tpu.memory_space<vmem>>, vector<1x16xf32>,
      %mul3A_403 = arith.mulf %bitcast_convert_type3A_391, %select_n3A_396 : vector<16xf32>
      %swap3A_404 = arith.index_cast %scan3A_362 : i32 to index
      %swap3A_405 = arith.constant 64 : index
      %swap3A_406 = tpu.vector_load %arg18[%swap3A_404, %swap3A_405] {strides = array<i32>} : memref<72x144xf32, #tpu.memory_space<vmem>>, vector<1x16xf32>,
      %swap3A_407 = vector.shape_cast %swap3A_406 : vector<1x16xf32> to vector<16xf32>
      %swap3A_408 = vector.shape_cast %mul3A_403 : vector<16xf32> to vector<1x16xf32>
      tpu.vector_store %arg18[%swap3A_404, %swap3A_405], %swap3A_408 {strides = array<i32>} : memref<72x144xf32, #tpu.memory_space<vmem>>, vector<1x16xf32>,
      %get3A_409 = arith.index_cast %scan3A_362 : i32 to index
      %get3A_410 = arith.constant 16 : index
      %get3A_411 = tpu.vector_load %arg16[%get3A_409, %get3A_410] {strides = array<i32>} : memref<72x80xf32, #tpu.memory_space<vmem>>, vector<1x16xf32>,
      %get3A_412 = vector.shape_cast %get3A_411 : vector<1x16xf32> to vector<16xf32>
      %bitcast_convert_type3A_413 = tpu.bitcast %get3A_412 : vector<16xf32> -> vector<16xi32>
      %shift_left3A_414 = arith.constant 16 : i32
      %shift_left3A_415 = vector.broadcast %shift_left3A_414 : i32 to vector<16xi32>
      %shift_left3A_416 = arith.shli %bitcast_convert_type3A_413, %shift_left3A_415 : vector<16xi32>
      %bitcast_convert_type3A_417 = tpu.bitcast %shift_left3A_416 : vector<16xi32> -> vector<16xf32>
      %and3A_418 = arith.constant -65536 : i32
      %and3A_419 = vector.broadcast %and3A_418 : i32 to vector<16xi32>
      %and3A_420 = arith.andi %bitcast_convert_type3A_413, %and3A_419 : vector<16xi32>
      %bitcast_convert_type3A_421 = tpu.bitcast %and3A_420 : vector<16xi32> -> vector<16xf32>
      %slice3A_422 = vector.extract_strided_slice %select_n3A_377 {offsets = [2], sizes = [1], strides = [1]} : vector<16xf32> to vector<1xf32>
      %squeeze3A_423 = vector.extract %slice3A_422[0] : f32 from vector<1xf32>
      %slice3A_424 = vector.extract_strided_slice %select_n3A_377 {offsets = [3], sizes = [1], strides = [1]} : vector<16xf32> to vector<1xf32>
      %squeeze3A_425 = vector.extract %slice3A_424[0] : f32 from vector<1xf32>
      %broadcast_in_dim3A_426 = vector.broadcast %squeeze3A_423 : f32 to vector<16xf32>
      %broadcast_in_dim3A_427 = vector.broadcast %squeeze3A_425 : f32 to vector<16xf32>
      %select_n3A_428 = arith.select %lt3A_5, %broadcast_in_dim3A_426, %broadcast_in_dim3A_427 : vector<16xi1>, vector<16xf32>
      %mul3A_429 = arith.mulf %bitcast_convert_type3A_417, %select_n3A_428 : vector<16xf32>
      %swap3A_430 = arith.index_cast %scan3A_362 : i32 to index
      %swap3A_431 = arith.constant 16 : index
      %swap3A_432 = tpu.vector_load %arg18[%swap3A_430, %swap3A_431] {strides = array<i32>} : memref<72x144xf32, #tpu.memory_space<vmem>>, vector<1x16xf32>,
      %swap3A_433 = vector.shape_cast %swap3A_432 : vector<1x16xf32> to vector<16xf32>
      %swap3A_434 = vector.shape_cast %mul3A_429 : vector<16xf32> to vector<1x16xf32>
      tpu.vector_store %arg18[%swap3A_430, %swap3A_431], %swap3A_434 {strides = array<i32>} : memref<72x144xf32, #tpu.memory_space<vmem>>, vector<1x16xf32>,
      %mul3A_435 = arith.mulf %bitcast_convert_type3A_421, %select_n3A_428 : vector<16xf32>
      %swap3A_436 = arith.index_cast %scan3A_362 : i32 to index
      %swap3A_437 = arith.constant 80 : index
      %swap3A_438 = tpu.vector_load %arg18[%swap3A_436, %swap3A_437] {strides = array<i32>} : memref<72x144xf32, #tpu.memory_space<vmem>>, vector<1x16xf32>,
      %swap3A_439 = vector.shape_cast %swap3A_438 : vector<1x16xf32> to vector<16xf32>
      %swap3A_440 = vector.shape_cast %mul3A_435 : vector<16xf32> to vector<1x16xf32>
      tpu.vector_store %arg18[%swap3A_436, %swap3A_437], %swap3A_440 {strides = array<i32>} : memref<72x144xf32, #tpu.memory_space<vmem>>, vector<1x16xf32>,
      %get3A_441 = arith.index_cast %scan3A_362 : i32 to index
      %get3A_442 = arith.constant 32 : index
      %get3A_443 = tpu.vector_load %arg16[%get3A_441, %get3A_442] {strides = array<i32>} : memref<72x80xf32, #tpu.memory_space<vmem>>, vector<1x16xf32>,
      %get3A_444 = vector.shape_cast %get3A_443 : vector<1x16xf32> to vector<16xf32>
      %bitcast_convert_type3A_445 = tpu.bitcast %get3A_444 : vector<16xf32> -> vector<16xi32>
      %shift_left3A_446 = arith.constant 16 : i32
      %shift_left3A_447 = vector.broadcast %shift_left3A_446 : i32 to vector<16xi32>
      %shift_left3A_448 = arith.shli %bitcast_convert_type3A_445, %shift_left3A_447 : vector<16xi32>
      %bitcast_convert_type3A_449 = tpu.bitcast %shift_left3A_448 : vector<16xi32> -> vector<16xf32>
      %and3A_450 = arith.constant -65536 : i32
      %and3A_451 = vector.broadcast %and3A_450 : i32 to vector<16xi32>
      %and3A_452 = arith.andi %bitcast_convert_type3A_445, %and3A_451 : vector<16xi32>
      %bitcast_convert_type3A_453 = tpu.bitcast %and3A_452 : vector<16xi32> -> vector<16xf32>
      %slice3A_454 = vector.extract_strided_slice %select_n3A_377 {offsets = [4], sizes = [1], strides = [1]} : vector<16xf32> to vector<1xf32>
      %squeeze3A_455 = vector.extract %slice3A_454[0] : f32 from vector<1xf32>
      %slice3A_456 = vector.extract_strided_slice %select_n3A_377 {offsets = [5], sizes = [1], strides = [1]} : vector<16xf32> to vector<1xf32>
      %squeeze3A_457 = vector.extract %slice3A_456[0] : f32 from vector<1xf32>
      %broadcast_in_dim3A_458 = vector.broadcast %squeeze3A_455 : f32 to vector<16xf32>
      %broadcast_in_dim3A_459 = vector.broadcast %squeeze3A_457 : f32 to vector<16xf32>
      %select_n3A_460 = arith.select %lt3A_5, %broadcast_in_dim3A_458, %broadcast_in_dim3A_459 : vector<16xi1>, vector<16xf32>
      %mul3A_461 = arith.mulf %bitcast_convert_type3A_449, %select_n3A_460 : vector<16xf32>
      %swap3A_462 = arith.index_cast %scan3A_362 : i32 to index
      %swap3A_463 = arith.constant 32 : index
      %swap3A_464 = tpu.vector_load %arg18[%swap3A_462, %swap3A_463] {strides = array<i32>} : memref<72x144xf32, #tpu.memory_space<vmem>>, vector<1x16xf32>,
      %swap3A_465 = vector.shape_cast %swap3A_464 : vector<1x16xf32> to vector<16xf32>
      %swap3A_466 = vector.shape_cast %mul3A_461 : vector<16xf32> to vector<1x16xf32>
      tpu.vector_store %arg18[%swap3A_462, %swap3A_463], %swap3A_466 {strides = array<i32>} : memref<72x144xf32, #tpu.memory_space<vmem>>, vector<1x16xf32>,
      %mul3A_467 = arith.mulf %bitcast_convert_type3A_453, %select_n3A_460 : vector<16xf32>
      %swap3A_468 = arith.index_cast %scan3A_362 : i32 to index
      %swap3A_469 = arith.constant 96 : index
      %swap3A_470 = tpu.vector_load %arg18[%swap3A_468, %swap3A_469] {strides = array<i32>} : memref<72x144xf32, #tpu.memory_space<vmem>>, vector<1x16xf32>,
      %swap3A_471 = vector.shape_cast %swap3A_470 : vector<1x16xf32> to vector<16xf32>
      %swap3A_472 = vector.shape_cast %mul3A_467 : vector<16xf32> to vector<1x16xf32>
      tpu.vector_store %arg18[%swap3A_468, %swap3A_469], %swap3A_472 {strides = array<i32>} : memref<72x144xf32, #tpu.memory_space<vmem>>, vector<1x16xf32>,
      %get3A_473 = arith.index_cast %scan3A_362 : i32 to index
      %get3A_474 = arith.constant 48 : index
      %get3A_475 = tpu.vector_load %arg16[%get3A_473, %get3A_474] {strides = array<i32>} : memref<72x80xf32, #tpu.memory_space<vmem>>, vector<1x16xf32>,
      %get3A_476 = vector.shape_cast %get3A_475 : vector<1x16xf32> to vector<16xf32>
      %bitcast_convert_type3A_477 = tpu.bitcast %get3A_476 : vector<16xf32> -> vector<16xi32>
      %shift_left3A_478 = arith.constant 16 : i32
      %shift_left3A_479 = vector.broadcast %shift_left3A_478 : i32 to vector<16xi32>
      %shift_left3A_480 = arith.shli %bitcast_convert_type3A_477, %shift_left3A_479 : vector<16xi32>
      %bitcast_convert_type3A_481 = tpu.bitcast %shift_left3A_480 : vector<16xi32> -> vector<16xf32>
      %and3A_482 = arith.constant -65536 : i32
      %and3A_483 = vector.broadcast %and3A_482 : i32 to vector<16xi32>
      %and3A_484 = arith.andi %bitcast_convert_type3A_477, %and3A_483 : vector<16xi32>
      %bitcast_convert_type3A_485 = tpu.bitcast %and3A_484 : vector<16xi32> -> vector<16xf32>
      %slice3A_486 = vector.extract_strided_slice %select_n3A_377 {offsets = [6], sizes = [1], strides = [1]} : vector<16xf32> to vector<1xf32>
      %squeeze3A_487 = vector.extract %slice3A_486[0] : f32 from vector<1xf32>
      %slice3A_488 = vector.extract_strided_slice %select_n3A_377 {offsets = [7], sizes = [1], strides = [1]} : vector<16xf32> to vector<1xf32>
      %squeeze3A_489 = vector.extract %slice3A_488[0] : f32 from vector<1xf32>
      %broadcast_in_dim3A_490 = vector.broadcast %squeeze3A_487 : f32 to vector<16xf32>
      %broadcast_in_dim3A_491 = vector.broadcast %squeeze3A_489 : f32 to vector<16xf32>
      %select_n3A_492 = arith.select %lt3A_5, %broadcast_in_dim3A_490, %broadcast_in_dim3A_491 : vector<16xi1>, vector<16xf32>
      %mul3A_493 = arith.mulf %bitcast_convert_type3A_481, %select_n3A_492 : vector<16xf32>
      %swap3A_494 = arith.index_cast %scan3A_362 : i32 to index
      %swap3A_495 = arith.constant 48 : index
      %swap3A_496 = tpu.vector_load %arg18[%swap3A_494, %swap3A_495] {strides = array<i32>} : memref<72x144xf32, #tpu.memory_space<vmem>>, vector<1x16xf32>,
      %swap3A_497 = vector.shape_cast %swap3A_496 : vector<1x16xf32> to vector<16xf32>
      %swap3A_498 = vector.shape_cast %mul3A_493 : vector<16xf32> to vector<1x16xf32>
      tpu.vector_store %arg18[%swap3A_494, %swap3A_495], %swap3A_498 {strides = array<i32>} : memref<72x144xf32, #tpu.memory_space<vmem>>, vector<1x16xf32>,
      %mul3A_499 = arith.mulf %bitcast_convert_type3A_485, %select_n3A_492 : vector<16xf32>
      %swap3A_500 = arith.index_cast %scan3A_362 : i32 to index
      %swap3A_501 = arith.constant 112 : index
      %swap3A_502 = tpu.vector_load %arg18[%swap3A_500, %swap3A_501] {strides = array<i32>} : memref<72x144xf32, #tpu.memory_space<vmem>>, vector<1x16xf32>,
      %swap3A_503 = vector.shape_cast %swap3A_502 : vector<1x16xf32> to vector<16xf32>
      %swap3A_504 = vector.shape_cast %mul3A_499 : vector<16xf32> to vector<1x16xf32>
      tpu.vector_store %arg18[%swap3A_500, %swap3A_501], %swap3A_504 {strides = array<i32>} : memref<72x144xf32, #tpu.memory_space<vmem>>, vector<1x16xf32>,
    }
    %scan3A_309 = arith.constant 72 : i32
    %dma_start3A_310 = arith.constant 0 : i32
    %dma_start3A_311 = arith.constant 0 : i32
    %dma_start3A_312 = tpu.memref_slice %arg21[%dma_start3A_310, %dma_start3A_311] : memref<10240x144xf32, #tpu.memory_space<vmem_shared>> -> memref<10240x144xf32, #tpu.memory_space<vmem_shared>>
    tpu.enqueue_indirect_dma source(%arg18 : memref<72x144xf32, #tpu.memory_space<vmem>>) target(%dma_start3A_312 : memref<10240x144xf32, #tpu.memory_space<vmem_shared>>) offsets(%arg14 : memref<72xi32, #tpu.memory_space<vmem>>) semaphore(%arg25 : memref<!tpu.dma_semaphore, #tpu.memory_space<semaphore_mem>>) {add = true}
    %dma_wait3A_313 = arith.constant 0 : i32
    %dma_wait3A_314 = arith.constant 0 : i32
    %dma_wait3A_315 = tpu.memref_slice %arg4[%add3A, %dma_wait3A_313, %dma_wait3A_314] : memref<32x140x72xi32, #tpu.memory_space<hbm>> -> memref<1x1x72xi32, #tpu.memory_space<hbm>>
    %dma_wait3A_316 = tpu.memref_squeeze %dma_wait3A_315 : memref<1x1x72xi32, #tpu.memory_space<hbm>> -> memref<72xi32, #tpu.memory_space<hbm>>
    %dma_wait3A_317 = arith.constant 0 : i32
    %dma_wait3A_318 = tpu.memref_slice %arg4[%add3A, %dma_wait3A_313, %dma_wait3A_317] : memref<32x140x72xi32, #tpu.memory_space<hbm>> -> memref<1x1x72xi32, #tpu.memory_space<hbm>>
    %dma_wait3A_319 = tpu.memref_squeeze %dma_wait3A_318 : memref<1x1x72xi32, #tpu.memory_space<hbm>> -> memref<72xi32, #tpu.memory_space<hbm>>
    tpu.wait_dma2 semaphore(%arg27 : memref<!tpu.dma_semaphore, #tpu.memory_space<semaphore_mem>>) src(%dma_wait3A_319 : memref<72xi32, #tpu.memory_space<hbm>>) dst(%arg8 : memref<72xi32, #tpu.memory_space<vmem>>)
    %dma_wait3A_320 = arith.constant 0 : i32
    %dma_wait3A_321 = arith.constant 0 : i32
    %dma_wait3A_322 = tpu.memref_slice %arg5[%add3A, %dma_wait3A_320, %dma_wait3A_321] : memref<32x140x72xi32, #tpu.memory_space<hbm>> -> memref<1x1x72xi32, #tpu.memory_space<hbm>>
    %dma_wait3A_323 = tpu.memref_squeeze %dma_wait3A_322 : memref<1x1x72xi32, #tpu.memory_space<hbm>> -> memref<72xi32, #tpu.memory_space<hbm>>
    %dma_wait3A_324 = arith.constant 0 : i32
    %dma_wait3A_325 = tpu.memref_slice %arg5[%add3A, %dma_wait3A_320, %dma_wait3A_324] : memref<32x140x72xi32, #tpu.memory_space<hbm>> -> memref<1x1x72xi32, #tpu.memory_space<hbm>>
    %dma_wait3A_326 = tpu.memref_squeeze %dma_wait3A_325 : memref<1x1x72xi32, #tpu.memory_space<hbm>> -> memref<72xi32, #tpu.memory_space<hbm>>
    tpu.wait_dma2 semaphore(%arg27 : memref<!tpu.dma_semaphore, #tpu.memory_space<semaphore_mem>>) src(%dma_wait3A_326 : memref<72xi32, #tpu.memory_space<hbm>>) dst(%arg12 : memref<72xi32, #tpu.memory_space<vmem>>)
    %dma_start3A_327 = arith.constant 0 : i32
    %dma_start3A_328 = arith.constant 0 : i32
    %dma_start3A_329 = tpu.memref_slice %arg2[%dma_start3A_327, %dma_start3A_328] : memref<10000x80xf32, #tpu.memory_space<hbm>> -> memref<10000x80xf32, #tpu.memory_space<hbm>>
    tpu.enqueue_indirect_dma source(%dma_start3A_329 : memref<10000x80xf32, #tpu.memory_space<hbm>>) target(%arg16 : memref<72x80xf32, #tpu.memory_space<vmem>>) offsets(%arg8 : memref<72xi32, #tpu.memory_space<vmem>>) semaphore(%arg23 : memref<!tpu.dma_semaphore, #tpu.memory_space<semaphore_mem>>)
    %dma_start3A_330 = arith.constant 0 : i32
    %dma_start3A_331 = arith.constant 0 : i32
    %dma_start3A_332 = tpu.memref_slice %arg3[%dma_start3A_330, %dma_start3A_331] : memref<10240x16xf32, #tpu.memory_space<hbm>> -> memref<10240x16xf32, #tpu.memory_space<hbm>>
    tpu.enqueue_indirect_dma source(%dma_start3A_332 : memref<10240x16xf32, #tpu.memory_space<hbm>>) target(%arg20 : memref<72x16xf32, #tpu.memory_space<vmem>>) offsets(%arg12 : memref<72xi32, #tpu.memory_space<vmem>>) semaphore(%arg23 : memref<!tpu.dma_semaphore, #tpu.memory_space<semaphore_mem>>)
    %scan3A_333 = arith.constant 0 : i32
    %scan3A_334 = arith.constant 1 : i32
    %scan3A_335 = arith.constant 34 : i32
    %scan3A_336 = arith.addi %scan3A_334, %scan3A_335 : i32
    %scan3A_337 = arith.constant 1 : i32
    scf.for %scan3A_362 = %scan3A_334 to %scan3A_336 step %scan3A_337  : i32 {
      %mul3A_363 = arith.constant 4 : i32
      %mul3A_364 = arith.muli %mul3A_363, %scan3A_362 : i32
      %add3A_365 = arith.constant 0 : i32
      %add3A_366 = arith.addi %mul3A_364, %add3A_365 : i32
      %dma_wait3A_367 = arith.constant 0 : i32
      %dma_wait3A_368 = arith.constant 0 : i32
      %dma_wait3A_369 = tpu.memref_slice %arg2[%dma_wait3A_367, %dma_wait3A_368] : memref<10000x80xf32, #tpu.memory_space<hbm>> -> memref<10000x80xf32, #tpu.memory_space<hbm>>
      tpu.wait_indirect_dma semaphore(%arg22 : memref<!tpu.dma_semaphore, #tpu.memory_space<semaphore_mem>>) src(%dma_wait3A_369 : memref<10000x80xf32, #tpu.memory_space<hbm>>) dst(%arg15 : memref<72x80xf32, #tpu.memory_space<vmem>>)
      %dma_wait3A_370 = arith.constant 0 : i32
      %dma_wait3A_371 = arith.constant 0 : i32
      %dma_wait3A_372 = tpu.memref_slice %arg3[%dma_wait3A_370, %dma_wait3A_371] : memref<10240x16xf32, #tpu.memory_space<hbm>> -> memref<10240x16xf32, #tpu.memory_space<hbm>>
      tpu.wait_indirect_dma semaphore(%arg22 : memref<!tpu.dma_semaphore, #tpu.memory_space<semaphore_mem>>) src(%dma_wait3A_372 : memref<10240x16xf32, #tpu.memory_space<hbm>>) dst(%arg19 : memref<72x16xf32, #tpu.memory_space<vmem>>)
      %dma_wait3A_373 = arith.constant 0 : i32
      %dma_wait3A_374 = arith.constant 0 : i32
      %dma_wait3A_375 = tpu.memref_slice %arg21[%dma_wait3A_373, %dma_wait3A_374] : memref<10240x144xf32, #tpu.memory_space<vmem_shared>> -> memref<10240x144xf32, #tpu.memory_space<vmem_shared>>
      tpu.wait_indirect_dma semaphore(%arg24 : memref<!tpu.dma_semaphore, #tpu.memory_space<semaphore_mem>>) src(%arg17 : memref<72x144xf32, #tpu.memory_space<vmem>>) dst(%dma_wait3A_375 : memref<10240x144xf32, #tpu.memory_space<vmem_shared>>)
      %add3A_376 = arith.constant 2 : i32
      %add3A_377 = arith.addi %add3A_366, %add3A_376 : i32
      %min3A_378 = arith.constant 139 : i32
      %min3A_379 = arith.minsi %add3A_377, %min3A_378 : i32
      %dma_start3A_380 = arith.constant 0 : i32
      %dma_start3A_381 = tpu.memref_slice %arg4[%add3A, %min3A_379, %dma_start3A_380] : memref<32x140x72xi32, #tpu.memory_space<hbm>> -> memref<1x1x72xi32, #tpu.memory_space<hbm>>
      %dma_start3A_382 = tpu.memref_squeeze %dma_start3A_381 : memref<1x1x72xi32, #tpu.memory_space<hbm>> -> memref<72xi32, #tpu.memory_space<hbm>>
      %dma_start3A_383 = arith.constant 0 : i32
      %dma_start3A_384 = tpu.memref_slice %arg4[%add3A, %min3A_379, %dma_start3A_383] : memref<32x140x72xi32, #tpu.memory_space<hbm>> -> memref<1x1x72xi32, #tpu.memory_space<hbm>>
      %dma_start3A_385 = tpu.memref_squeeze %dma_start3A_384 : memref<1x1x72xi32, #tpu.memory_space<hbm>> -> memref<72xi32, #tpu.memory_space<hbm>>
      tpu.enqueue_dma source(%dma_start3A_385 : memref<72xi32, #tpu.memory_space<hbm>>) target(%arg9 : memref<72xi32, #tpu.memory_space<vmem>>) target_semaphore(%arg28 : memref<!tpu.dma_semaphore, #tpu.memory_space<semaphore_mem>>)
      %dma_start3A_386 = arith.constant 0 : i32
      %dma_start3A_387 = tpu.memref_slice %arg5[%add3A, %min3A_379, %dma_start3A_386] : memref<32x140x72xi32, #tpu.memory_space<hbm>> -> memref<1x1x72xi32, #tpu.memory_space<hbm>>
      %dma_start3A_388 = tpu.memref_squeeze %dma_start3A_387 : memref<1x1x72xi32, #tpu.memory_space<hbm>> -> memref<72xi32, #tpu.memory_space<hbm>>
      %dma_start3A_389 = arith.constant 0 : i32
      %dma_start3A_390 = tpu.memref_slice %arg5[%add3A, %min3A_379, %dma_start3A_389] : memref<32x140x72xi32, #tpu.memory_space<hbm>> -> memref<1x1x72xi32, #tpu.memory_space<hbm>>
      %dma_start3A_391 = tpu.memref_squeeze %dma_start3A_390 : memref<1x1x72xi32, #tpu.memory_space<hbm>> -> memref<72xi32, #tpu.memory_space<hbm>>
      tpu.enqueue_dma source(%dma_start3A_391 : memref<72xi32, #tpu.memory_space<hbm>>) target(%arg13 : memref<72xi32, #tpu.memory_space<vmem>>) target_semaphore(%arg28 : memref<!tpu.dma_semaphore, #tpu.memory_space<semaphore_mem>>)
      %scan3A_392 = arith.constant 0 : i32
      %scan3A_393 = arith.constant 0 : i32
      %scan3A_394 = arith.constant 72 : i32
      %scan3A_395 = arith.addi %scan3A_393, %scan3A_394 : i32
      %scan3A_396 = arith.constant 1 : i32
      scf.for %scan3A_589 = %scan3A_393 to %scan3A_395 step %scan3A_396  : i32 {
        %get3A = arith.index_cast %scan3A_589 : i32 to index
        %get3A_590 = arith.constant 64 : index
        %get3A_591 = tpu.vector_load %arg15[%get3A, %get3A_590] {strides = array<i32>} : memref<72x80xf32, #tpu.memory_space<vmem>>, vector<1x16xf32>,
        %get3A_592 = vector.shape_cast %get3A_591 : vector<1x16xf32> to vector<16xf32>
        %get3A_593 = arith.index_cast %scan3A_589 : i32 to index
        %get3A_594 = arith.constant 0 : index
        %get3A_595 = tpu.vector_load %arg19[%get3A_593, %get3A_594] {strides = array<i32>} : memref<72x16xf32, #tpu.memory_space<vmem>>, vector<1x16xf32>,
        %get3A_596 = vector.shape_cast %get3A_595 : vector<1x16xf32> to vector<16xf32>
        %add3A_597 = arith.addf %get3A_592, %get3A_596 : vector<16xf32>
        %ge3A = arith.constant 0.000000e+00 : f32
        %ge3A_598 = vector.broadcast %ge3A : f32 to vector<16xf32>
        %ge3A_599 = arith.cmpf oge, %add3A_597, %ge3A_598 : vector<16xf32>
        %mul3A_600 = arith.constant 2.000000e-01 : f32
        %mul3A_601 = vector.broadcast %mul3A_600 : f32 to vector<16xf32>
        %mul3A_602 = arith.mulf %mul3A_601, %add3A_597 : vector<16xf32>
        %select_n3A = arith.select %ge3A_599, %add3A_597, %mul3A_602 : vector<16xi1>, vector<16xf32>
        %sub3A = arith.subf %select_n3A, %get3A_596 : vector<16xf32>
        %exp3A = math.exp %sub3A : vector<16xf32>
        %jit3A = arith.constant 0.000000e+00 : f32
        %broadcast_in_dim3A_603 = vector.broadcast %jit3A : f32 to vector<16xf32>
        %select_n3A_604 = arith.select %lt3A_2, %exp3A, %broadcast_in_dim3A_603 : vector<16xi1>, vector<16xf32>
        %swap3A = arith.index_cast %scan3A_589 : i32 to index
        %swap3A_605 = arith.constant 128 : index
        %swap3A_606 = tpu.vector_load %arg17[%swap3A, %swap3A_605] {strides = array<i32>} : memref<72x144xf32, #tpu.memory_space<vmem>>, vector<1x16xf32>,
        %swap3A_607 = vector.shape_cast %swap3A_606 : vector<1x16xf32> to vector<16xf32>
        %swap3A_608 = vector.shape_cast %select_n3A_604 : vector<16xf32> to vector<1x16xf32>
        tpu.vector_store %arg17[%swap3A, %swap3A_605], %swap3A_608 {strides = array<i32>} : memref<72x144xf32, #tpu.memory_space<vmem>>, vector<1x16xf32>,
        %get3A_609 = arith.index_cast %scan3A_589 : i32 to index
        %get3A_610 = arith.constant 0 : index
        %get3A_611 = tpu.vector_load %arg15[%get3A_609, %get3A_610] {strides = array<i32>} : memref<72x80xf32, #tpu.memory_space<vmem>>, vector<1x16xf32>,
        %get3A_612 = vector.shape_cast %get3A_611 : vector<1x16xf32> to vector<16xf32>
        %bitcast_convert_type3A = tpu.bitcast %get3A_612 : vector<16xf32> -> vector<16xi32>
        %shift_left3A = arith.constant 16 : i32
        %shift_left3A_613 = vector.broadcast %shift_left3A : i32 to vector<16xi32>
        %shift_left3A_614 = arith.shli %bitcast_convert_type3A, %shift_left3A_613 : vector<16xi32>
        %bitcast_convert_type3A_615 = tpu.bitcast %shift_left3A_614 : vector<16xi32> -> vector<16xf32>
        %and3A = arith.constant -65536 : i32
        %and3A_616 = vector.broadcast %and3A : i32 to vector<16xi32>
        %and3A_617 = arith.andi %bitcast_convert_type3A, %and3A_616 : vector<16xi32>
        %bitcast_convert_type3A_618 = tpu.bitcast %and3A_617 : vector<16xi32> -> vector<16xf32>
        %slice3A = vector.extract_strided_slice %select_n3A_604 {offsets = [0], sizes = [1], strides = [1]} : vector<16xf32> to vector<1xf32>
        %squeeze3A = vector.extract %slice3A[0] : f32 from vector<1xf32>
        %slice3A_619 = vector.extract_strided_slice %select_n3A_604 {offsets = [1], sizes = [1], strides = [1]} : vector<16xf32> to vector<1xf32>
        %squeeze3A_620 = vector.extract %slice3A_619[0] : f32 from vector<1xf32>
        %broadcast_in_dim3A_621 = vector.broadcast %squeeze3A : f32 to vector<16xf32>
        %broadcast_in_dim3A_622 = vector.broadcast %squeeze3A_620 : f32 to vector<16xf32>
        %select_n3A_623 = arith.select %lt3A_5, %broadcast_in_dim3A_621, %broadcast_in_dim3A_622 : vector<16xi1>, vector<16xf32>
        %mul3A_624 = arith.mulf %bitcast_convert_type3A_615, %select_n3A_623 : vector<16xf32>
        %swap3A_625 = arith.index_cast %scan3A_589 : i32 to index
        %swap3A_626 = arith.constant 0 : index
        %swap3A_627 = tpu.vector_load %arg17[%swap3A_625, %swap3A_626] {strides = array<i32>} : memref<72x144xf32, #tpu.memory_space<vmem>>, vector<1x16xf32>,
        %swap3A_628 = vector.shape_cast %swap3A_627 : vector<1x16xf32> to vector<16xf32>
        %swap3A_629 = vector.shape_cast %mul3A_624 : vector<16xf32> to vector<1x16xf32>
        tpu.vector_store %arg17[%swap3A_625, %swap3A_626], %swap3A_629 {strides = array<i32>} : memref<72x144xf32, #tpu.memory_space<vmem>>, vector<1x16xf32>,
        %mul3A_630 = arith.mulf %bitcast_convert_type3A_618, %select_n3A_623 : vector<16xf32>
        %swap3A_631 = arith.index_cast %scan3A_589 : i32 to index
        %swap3A_632 = arith.constant 64 : index
        %swap3A_633 = tpu.vector_load %arg17[%swap3A_631, %swap3A_632] {strides = array<i32>} : memref<72x144xf32, #tpu.memory_space<vmem>>, vector<1x16xf32>,
        %swap3A_634 = vector.shape_cast %swap3A_633 : vector<1x16xf32> to vector<16xf32>
        %swap3A_635 = vector.shape_cast %mul3A_630 : vector<16xf32> to vector<1x16xf32>
        tpu.vector_store %arg17[%swap3A_631, %swap3A_632], %swap3A_635 {strides = array<i32>} : memref<72x144xf32, #tpu.memory_space<vmem>>, vector<1x16xf32>,
        %get3A_636 = arith.index_cast %scan3A_589 : i32 to index
        %get3A_637 = arith.constant 16 : index
        %get3A_638 = tpu.vector_load %arg15[%get3A_636, %get3A_637] {strides = array<i32>} : memref<72x80xf32, #tpu.memory_space<vmem>>, vector<1x16xf32>,
        %get3A_639 = vector.shape_cast %get3A_638 : vector<1x16xf32> to vector<16xf32>
        %bitcast_convert_type3A_640 = tpu.bitcast %get3A_639 : vector<16xf32> -> vector<16xi32>
        %shift_left3A_641 = arith.constant 16 : i32
        %shift_left3A_642 = vector.broadcast %shift_left3A_641 : i32 to vector<16xi32>
        %shift_left3A_643 = arith.shli %bitcast_convert_type3A_640, %shift_left3A_642 : vector<16xi32>
        %bitcast_convert_type3A_644 = tpu.bitcast %shift_left3A_643 : vector<16xi32> -> vector<16xf32>
        %and3A_645 = arith.constant -65536 : i32
        %and3A_646 = vector.broadcast %and3A_645 : i32 to vector<16xi32>
        %and3A_647 = arith.andi %bitcast_convert_type3A_640, %and3A_646 : vector<16xi32>
        %bitcast_convert_type3A_648 = tpu.bitcast %and3A_647 : vector<16xi32> -> vector<16xf32>
        %slice3A_649 = vector.extract_strided_slice %select_n3A_604 {offsets = [2], sizes = [1], strides = [1]} : vector<16xf32> to vector<1xf32>
        %squeeze3A_650 = vector.extract %slice3A_649[0] : f32 from vector<1xf32>
        %slice3A_651 = vector.extract_strided_slice %select_n3A_604 {offsets = [3], sizes = [1], strides = [1]} : vector<16xf32> to vector<1xf32>
        %squeeze3A_652 = vector.extract %slice3A_651[0] : f32 from vector<1xf32>
        %broadcast_in_dim3A_653 = vector.broadcast %squeeze3A_650 : f32 to vector<16xf32>
        %broadcast_in_dim3A_654 = vector.broadcast %squeeze3A_652 : f32 to vector<16xf32>
        %select_n3A_655 = arith.select %lt3A_5, %broadcast_in_dim3A_653, %broadcast_in_dim3A_654 : vector<16xi1>, vector<16xf32>
        %mul3A_656 = arith.mulf %bitcast_convert_type3A_644, %select_n3A_655 : vector<16xf32>
        %swap3A_657 = arith.index_cast %scan3A_589 : i32 to index
        %swap3A_658 = arith.constant 16 : index
        %swap3A_659 = tpu.vector_load %arg17[%swap3A_657, %swap3A_658] {strides = array<i32>} : memref<72x144xf32, #tpu.memory_space<vmem>>, vector<1x16xf32>,
        %swap3A_660 = vector.shape_cast %swap3A_659 : vector<1x16xf32> to vector<16xf32>
        %swap3A_661 = vector.shape_cast %mul3A_656 : vector<16xf32> to vector<1x16xf32>
        tpu.vector_store %arg17[%swap3A_657, %swap3A_658], %swap3A_661 {strides = array<i32>} : memref<72x144xf32, #tpu.memory_space<vmem>>, vector<1x16xf32>,
        %mul3A_662 = arith.mulf %bitcast_convert_type3A_648, %select_n3A_655 : vector<16xf32>
        %swap3A_663 = arith.index_cast %scan3A_589 : i32 to index
        %swap3A_664 = arith.constant 80 : index
        %swap3A_665 = tpu.vector_load %arg17[%swap3A_663, %swap3A_664] {strides = array<i32>} : memref<72x144xf32, #tpu.memory_space<vmem>>, vector<1x16xf32>,
        %swap3A_666 = vector.shape_cast %swap3A_665 : vector<1x16xf32> to vector<16xf32>
        %swap3A_667 = vector.shape_cast %mul3A_662 : vector<16xf32> to vector<1x16xf32>
        tpu.vector_store %arg17[%swap3A_663, %swap3A_664], %swap3A_667 {strides = array<i32>} : memref<72x144xf32, #tpu.memory_space<vmem>>, vector<1x16xf32>,
        %get3A_668 = arith.index_cast %scan3A_589 : i32 to index
        %get3A_669 = arith.constant 32 : index
        %get3A_670 = tpu.vector_load %arg15[%get3A_668, %get3A_669] {strides = array<i32>} : memref<72x80xf32, #tpu.memory_space<vmem>>, vector<1x16xf32>,
        %get3A_671 = vector.shape_cast %get3A_670 : vector<1x16xf32> to vector<16xf32>
        %bitcast_convert_type3A_672 = tpu.bitcast %get3A_671 : vector<16xf32> -> vector<16xi32>
        %shift_left3A_673 = arith.constant 16 : i32
        %shift_left3A_674 = vector.broadcast %shift_left3A_673 : i32 to vector<16xi32>
        %shift_left3A_675 = arith.shli %bitcast_convert_type3A_672, %shift_left3A_674 : vector<16xi32>
        %bitcast_convert_type3A_676 = tpu.bitcast %shift_left3A_675 : vector<16xi32> -> vector<16xf32>
        %and3A_677 = arith.constant -65536 : i32
        %and3A_678 = vector.broadcast %and3A_677 : i32 to vector<16xi32>
        %and3A_679 = arith.andi %bitcast_convert_type3A_672, %and3A_678 : vector<16xi32>
        %bitcast_convert_type3A_680 = tpu.bitcast %and3A_679 : vector<16xi32> -> vector<16xf32>
        %slice3A_681 = vector.extract_strided_slice %select_n3A_604 {offsets = [4], sizes = [1], strides = [1]} : vector<16xf32> to vector<1xf32>
        %squeeze3A_682 = vector.extract %slice3A_681[0] : f32 from vector<1xf32>
        %slice3A_683 = vector.extract_strided_slice %select_n3A_604 {offsets = [5], sizes = [1], strides = [1]} : vector<16xf32> to vector<1xf32>
        %squeeze3A_684 = vector.extract %slice3A_683[0] : f32 from vector<1xf32>
        %broadcast_in_dim3A_685 = vector.broadcast %squeeze3A_682 : f32 to vector<16xf32>
        %broadcast_in_dim3A_686 = vector.broadcast %squeeze3A_684 : f32 to vector<16xf32>
        %select_n3A_687 = arith.select %lt3A_5, %broadcast_in_dim3A_685, %broadcast_in_dim3A_686 : vector<16xi1>, vector<16xf32>
        %mul3A_688 = arith.mulf %bitcast_convert_type3A_676, %select_n3A_687 : vector<16xf32>
        %swap3A_689 = arith.index_cast %scan3A_589 : i32 to index
        %swap3A_690 = arith.constant 32 : index
        %swap3A_691 = tpu.vector_load %arg17[%swap3A_689, %swap3A_690] {strides = array<i32>} : memref<72x144xf32, #tpu.memory_space<vmem>>, vector<1x16xf32>,
        %swap3A_692 = vector.shape_cast %swap3A_691 : vector<1x16xf32> to vector<16xf32>
        %swap3A_693 = vector.shape_cast %mul3A_688 : vector<16xf32> to vector<1x16xf32>
        tpu.vector_store %arg17[%swap3A_689, %swap3A_690], %swap3A_693 {strides = array<i32>} : memref<72x144xf32, #tpu.memory_space<vmem>>, vector<1x16xf32>,
        %mul3A_694 = arith.mulf %bitcast_convert_type3A_680, %select_n3A_687 : vector<16xf32>
        %swap3A_695 = arith.index_cast %scan3A_589 : i32 to index
        %swap3A_696 = arith.constant 96 : index
        %swap3A_697 = tpu.vector_load %arg17[%swap3A_695, %swap3A_696] {strides = array<i32>} : memref<72x144xf32, #tpu.memory_space<vmem>>, vector<1x16xf32>,
        %swap3A_698 = vector.shape_cast %swap3A_697 : vector<1x16xf32> to vector<16xf32>
        %swap3A_699 = vector.shape_cast %mul3A_694 : vector<16xf32> to vector<1x16xf32>
        tpu.vector_store %arg17[%swap3A_695, %swap3A_696], %swap3A_699 {strides = array<i32>} : memref<72x144xf32, #tpu.memory_space<vmem>>, vector<1x16xf32>,
        %get3A_700 = arith.index_cast %scan3A_589 : i32 to index
        %get3A_701 = arith.constant 48 : index
        %get3A_702 = tpu.vector_load %arg15[%get3A_700, %get3A_701] {strides = array<i32>} : memref<72x80xf32, #tpu.memory_space<vmem>>, vector<1x16xf32>,
        %get3A_703 = vector.shape_cast %get3A_702 : vector<1x16xf32> to vector<16xf32>
        %bitcast_convert_type3A_704 = tpu.bitcast %get3A_703 : vector<16xf32> -> vector<16xi32>
        %shift_left3A_705 = arith.constant 16 : i32
        %shift_left3A_706 = vector.broadcast %shift_left3A_705 : i32 to vector<16xi32>
        %shift_left3A_707 = arith.shli %bitcast_convert_type3A_704, %shift_left3A_706 : vector<16xi32>
        %bitcast_convert_type3A_708 = tpu.bitcast %shift_left3A_707 : vector<16xi32> -> vector<16xf32>
        %and3A_709 = arith.constant -65536 : i32
        %and3A_710 = vector.broadcast %and3A_709 : i32 to vector<16xi32>
        %and3A_711 = arith.andi %bitcast_convert_type3A_704, %and3A_710 : vector<16xi32>
        %bitcast_convert_type3A_712 = tpu.bitcast %and3A_711 : vector<16xi32> -> vector<16xf32>
        %slice3A_713 = vector.extract_strided_slice %select_n3A_604 {offsets = [6], sizes = [1], strides = [1]} : vector<16xf32> to vector<1xf32>
        %squeeze3A_714 = vector.extract %slice3A_713[0] : f32 from vector<1xf32>
        %slice3A_715 = vector.extract_strided_slice %select_n3A_604 {offsets = [7], sizes = [1], strides = [1]} : vector<16xf32> to vector<1xf32>
        %squeeze3A_716 = vector.extract %slice3A_715[0] : f32 from vector<1xf32>
        %broadcast_in_dim3A_717 = vector.broadcast %squeeze3A_714 : f32 to vector<16xf32>
        %broadcast_in_dim3A_718 = vector.broadcast %squeeze3A_716 : f32 to vector<16xf32>
        %select_n3A_719 = arith.select %lt3A_5, %broadcast_in_dim3A_717, %broadcast_in_dim3A_718 : vector<16xi1>, vector<16xf32>
        %mul3A_720 = arith.mulf %bitcast_convert_type3A_708, %select_n3A_719 : vector<16xf32>
        %swap3A_721 = arith.index_cast %scan3A_589 : i32 to index
        %swap3A_722 = arith.constant 48 : index
        %swap3A_723 = tpu.vector_load %arg17[%swap3A_721, %swap3A_722] {strides = array<i32>} : memref<72x144xf32, #tpu.memory_space<vmem>>, vector<1x16xf32>,
        %swap3A_724 = vector.shape_cast %swap3A_723 : vector<1x16xf32> to vector<16xf32>
        %swap3A_725 = vector.shape_cast %mul3A_720 : vector<16xf32> to vector<1x16xf32>
        tpu.vector_store %arg17[%swap3A_721, %swap3A_722], %swap3A_725 {strides = array<i32>} : memref<72x144xf32, #tpu.memory_space<vmem>>, vector<1x16xf32>,
        %mul3A_726 = arith.mulf %bitcast_convert_type3A_712, %select_n3A_719 : vector<16xf32>
        %swap3A_727 = arith.index_cast %scan3A_589 : i32 to index
        %swap3A_728 = arith.constant 112 : index
        %swap3A_729 = tpu.vector_load %arg17[%swap3A_727, %swap3A_728] {strides = array<i32>} : memref<72x144xf32, #tpu.memory_space<vmem>>, vector<1x16xf32>,
        %swap3A_730 = vector.shape_cast %swap3A_729 : vector<1x16xf32> to vector<16xf32>
        %swap3A_731 = vector.shape_cast %mul3A_726 : vector<16xf32> to vector<1x16xf32>
        tpu.vector_store %arg17[%swap3A_727, %swap3A_728], %swap3A_731 {strides = array<i32>} : memref<72x144xf32, #tpu.memory_space<vmem>>, vector<1x16xf32>,
      }
      %scan3A_397 = arith.constant 72 : i32
      %dma_start3A_398 = arith.constant 0 : i32
      %dma_start3A_399 = arith.constant 0 : i32
      %dma_start3A_400 = tpu.memref_slice %arg21[%dma_start3A_398, %dma_start3A_399] : memref<10240x144xf32, #tpu.memory_space<vmem_shared>> -> memref<10240x144xf32, #tpu.memory_space<vmem_shared>>
      tpu.enqueue_indirect_dma source(%arg17 : memref<72x144xf32, #tpu.memory_space<vmem>>) target(%dma_start3A_400 : memref<10240x144xf32, #tpu.memory_space<vmem_shared>>) offsets(%arg11 : memref<72xi32, #tpu.memory_space<vmem>>) semaphore(%arg24 : memref<!tpu.dma_semaphore, #tpu.memory_space<semaphore_mem>>) {add = true}
      %dma_wait3A_401 = arith.constant 0 : i32
      %dma_wait3A_402 = arith.constant 0 : i32
      %dma_wait3A_403 = tpu.memref_slice %arg4[%add3A, %dma_wait3A_401, %dma_wait3A_402] : memref<32x140x72xi32, #tpu.memory_space<hbm>> -> memref<1x1x72xi32, #tpu.memory_space<hbm>>
      %dma_wait3A_404 = tpu.memref_squeeze %dma_wait3A_403 : memref<1x1x72xi32, #tpu.memory_space<hbm>> -> memref<72xi32, #tpu.memory_space<hbm>>
      %dma_wait3A_405 = arith.constant 0 : i32
      %dma_wait3A_406 = tpu.memref_slice %arg4[%add3A, %dma_wait3A_401, %dma_wait3A_405] : memref<32x140x72xi32, #tpu.memory_space<hbm>> -> memref<1x1x72xi32, #tpu.memory_space<hbm>>
      %dma_wait3A_407 = tpu.memref_squeeze %dma_wait3A_406 : memref<1x1x72xi32, #tpu.memory_space<hbm>> -> memref<72xi32, #tpu.memory_space<hbm>>
      tpu.wait_dma2 semaphore(%arg28 : memref<!tpu.dma_semaphore, #tpu.memory_space<semaphore_mem>>) src(%dma_wait3A_407 : memref<72xi32, #tpu.memory_space<hbm>>) dst(%arg9 : memref<72xi32, #tpu.memory_space<vmem>>)
      %dma_wait3A_408 = arith.constant 0 : i32
      %dma_wait3A_409 = arith.constant 0 : i32
      %dma_wait3A_410 = tpu.memref_slice %arg5[%add3A, %dma_wait3A_408, %dma_wait3A_409] : memref<32x140x72xi32, #tpu.memory_space<hbm>> -> memref<1x1x72xi32, #tpu.memory_space<hbm>>
      %dma_wait3A_411 = tpu.memref_squeeze %dma_wait3A_410 : memref<1x1x72xi32, #tpu.memory_space<hbm>> -> memref<72xi32, #tpu.memory_space<hbm>>
      %dma_wait3A_412 = arith.constant 0 : i32
      %dma_wait3A_413 = tpu.memref_slice %arg5[%add3A, %dma_wait3A_408, %dma_wait3A_412] : memref<32x140x72xi32, #tpu.memory_space<hbm>> -> memref<1x1x72xi32, #tpu.memory_space<hbm>>
      %dma_wait3A_414 = tpu.memref_squeeze %dma_wait3A_413 : memref<1x1x72xi32, #tpu.memory_space<hbm>> -> memref<72xi32, #tpu.memory_space<hbm>>
      tpu.wait_dma2 semaphore(%arg28 : memref<!tpu.dma_semaphore, #tpu.memory_space<semaphore_mem>>) src(%dma_wait3A_414 : memref<72xi32, #tpu.memory_space<hbm>>) dst(%arg13 : memref<72xi32, #tpu.memory_space<vmem>>)
      %dma_start3A_415 = arith.constant 0 : i32
      %dma_start3A_416 = arith.constant 0 : i32
      %dma_start3A_417 = tpu.memref_slice %arg2[%dma_start3A_415, %dma_start3A_416] : memref<10000x80xf32, #tpu.memory_space<hbm>> -> memref<10000x80xf32, #tpu.memory_space<hbm>>
      tpu.enqueue_indirect_dma source(%dma_start3A_417 : memref<10000x80xf32, #tpu.memory_space<hbm>>) target(%arg15 : memref<72x80xf32, #tpu.memory_space<vmem>>) offsets(%arg9 : memref<72xi32, #tpu.memory_space<vmem>>) semaphore(%arg22 : memref<!tpu.dma_semaphore, #tpu.memory_space<semaphore_mem>>)
      %dma_start3A_418 = arith.constant 0 : i32
      %dma_start3A_419 = arith.constant 0 : i32
      %dma_start3A_420 = tpu.memref_slice %arg3[%dma_start3A_418, %dma_start3A_419] : memref<10240x16xf32, #tpu.memory_space<hbm>> -> memref<10240x16xf32, #tpu.memory_space<hbm>>
      tpu.enqueue_indirect_dma source(%dma_start3A_420 : memref<10240x16xf32, #tpu.memory_space<hbm>>) target(%arg19 : memref<72x16xf32, #tpu.memory_space<vmem>>) offsets(%arg13 : memref<72xi32, #tpu.memory_space<vmem>>) semaphore(%arg22 : memref<!tpu.dma_semaphore, #tpu.memory_space<semaphore_mem>>)
      %add3A_421 = arith.constant 1 : i32
      %add3A_422 = arith.addi %mul3A_364, %add3A_421 : i32
      %dma_wait3A_423 = arith.constant 0 : i32
      %dma_wait3A_424 = arith.constant 0 : i32
      %dma_wait3A_425 = tpu.memref_slice %arg2[%dma_wait3A_423, %dma_wait3A_424] : memref<10000x80xf32, #tpu.memory_space<hbm>> -> memref<10000x80xf32, #tpu.memory_space<hbm>>
      tpu.wait_indirect_dma semaphore(%arg23 : memref<!tpu.dma_semaphore, #tpu.memory_space<semaphore_mem>>) src(%dma_wait3A_425 : memref<10000x80xf32, #tpu.memory_space<hbm>>) dst(%arg16 : memref<72x80xf32, #tpu.memory_space<vmem>>)
      %dma_wait3A_426 = arith.constant 0 : i32
      %dma_wait3A_427 = arith.constant 0 : i32
      %dma_wait3A_428 = tpu.memref_slice %arg3[%dma_wait3A_426, %dma_wait3A_427] : memref<10240x16xf32, #tpu.memory_space<hbm>> -> memref<10240x16xf32, #tpu.memory_space<hbm>>
      tpu.wait_indirect_dma semaphore(%arg23 : memref<!tpu.dma_semaphore, #tpu.memory_space<semaphore_mem>>) src(%dma_wait3A_428 : memref<10240x16xf32, #tpu.memory_space<hbm>>) dst(%arg20 : memref<72x16xf32, #tpu.memory_space<vmem>>)
      %dma_wait3A_429 = arith.constant 0 : i32
      %dma_wait3A_430 = arith.constant 0 : i32
      %dma_wait3A_431 = tpu.memref_slice %arg21[%dma_wait3A_429, %dma_wait3A_430] : memref<10240x144xf32, #tpu.memory_space<vmem_shared>> -> memref<10240x144xf32, #tpu.memory_space<vmem_shared>>
      tpu.wait_indirect_dma semaphore(%arg25 : memref<!tpu.dma_semaphore, #tpu.memory_space<semaphore_mem>>) src(%arg18 : memref<72x144xf32, #tpu.memory_space<vmem>>) dst(%dma_wait3A_431 : memref<10240x144xf32, #tpu.memory_space<vmem_shared>>)
      %add3A_432 = arith.constant 2 : i32
      %add3A_433 = arith.addi %add3A_422, %add3A_432 : i32
      %min3A_434 = arith.constant 139 : i32
      %min3A_435 = arith.minsi %add3A_433, %min3A_434 : i32
      %dma_start3A_436 = arith.constant 0 : i32
      %dma_start3A_437 = tpu.memref_slice %arg4[%add3A, %min3A_435, %dma_start3A_436] : memref<32x140x72xi32, #tpu.memory_space<hbm>> -> memref<1x1x72xi32, #tpu.memory_space<hbm>>
      %dma_start3A_438 = tpu.memref_squeeze %dma_start3A_437 : memref<1x1x72xi32, #tpu.memory_space<hbm>> -> memref<72xi32, #tpu.memory_space<hbm>>
      %dma_start3A_439 = arith.constant 0 : i32
      %dma_start3A_440 = tpu.memref_slice %arg4[%add3A, %min3A_435, %dma_start3A_439] : memref<32x140x72xi32, #tpu.memory_space<hbm>> -> memref<1x1x72xi32, #tpu.memory_space<hbm>>
      %dma_start3A_441 = tpu.memref_squeeze %dma_start3A_440 : memref<1x1x72xi32, #tpu.memory_space<hbm>> -> memref<72xi32, #tpu.memory_space<hbm>>
      tpu.enqueue_dma source(%dma_start3A_441 : memref<72xi32, #tpu.memory_space<hbm>>) target(%arg10 : memref<72xi32, #tpu.memory_space<vmem>>) target_semaphore(%arg29 : memref<!tpu.dma_semaphore, #tpu.memory_space<semaphore_mem>>)
      %dma_start3A_442 = arith.constant 0 : i32
      %dma_start3A_443 = tpu.memref_slice %arg5[%add3A, %min3A_435, %dma_start3A_442] : memref<32x140x72xi32, #tpu.memory_space<hbm>> -> memref<1x1x72xi32, #tpu.memory_space<hbm>>
      %dma_start3A_444 = tpu.memref_squeeze %dma_start3A_443 : memref<1x1x72xi32, #tpu.memory_space<hbm>> -> memref<72xi32, #tpu.memory_space<hbm>>
      %dma_start3A_445 = arith.constant 0 : i32
      %dma_start3A_446 = tpu.memref_slice %arg5[%add3A, %min3A_435, %dma_start3A_445] : memref<32x140x72xi32, #tpu.memory_space<hbm>> -> memref<1x1x72xi32, #tpu.memory_space<hbm>>
      %dma_start3A_447 = tpu.memref_squeeze %dma_start3A_446 : memref<1x1x72xi32, #tpu.memory_space<hbm>> -> memref<72xi32, #tpu.memory_space<hbm>>
      tpu.enqueue_dma source(%dma_start3A_447 : memref<72xi32, #tpu.memory_space<hbm>>) target(%arg14 : memref<72xi32, #tpu.memory_space<vmem>>) target_semaphore(%arg29 : memref<!tpu.dma_semaphore, #tpu.memory_space<semaphore_mem>>)
      %scan3A_448 = arith.constant 0 : i32
      %scan3A_449 = arith.constant 0 : i32
      %scan3A_450 = arith.constant 72 : i32
      %scan3A_451 = arith.addi %scan3A_449, %scan3A_450 : i32
      %scan3A_452 = arith.constant 1 : i32
      scf.for %scan3A_589 = %scan3A_449 to %scan3A_451 step %scan3A_452  : i32 {
        %get3A = arith.index_cast %scan3A_589 : i32 to index
        %get3A_590 = arith.constant 64 : index
        %get3A_591 = tpu.vector_load %arg16[%get3A, %get3A_590] {strides = array<i32>} : memref<72x80xf32, #tpu.memory_space<vmem>>, vector<1x16xf32>,
        %get3A_592 = vector.shape_cast %get3A_591 : vector<1x16xf32> to vector<16xf32>
        %get3A_593 = arith.index_cast %scan3A_589 : i32 to index
        %get3A_594 = arith.constant 0 : index
        %get3A_595 = tpu.vector_load %arg20[%get3A_593, %get3A_594] {strides = array<i32>} : memref<72x16xf32, #tpu.memory_space<vmem>>, vector<1x16xf32>,
        %get3A_596 = vector.shape_cast %get3A_595 : vector<1x16xf32> to vector<16xf32>
        %add3A_597 = arith.addf %get3A_592, %get3A_596 : vector<16xf32>
        %ge3A = arith.constant 0.000000e+00 : f32
        %ge3A_598 = vector.broadcast %ge3A : f32 to vector<16xf32>
        %ge3A_599 = arith.cmpf oge, %add3A_597, %ge3A_598 : vector<16xf32>
        %mul3A_600 = arith.constant 2.000000e-01 : f32
        %mul3A_601 = vector.broadcast %mul3A_600 : f32 to vector<16xf32>
        %mul3A_602 = arith.mulf %mul3A_601, %add3A_597 : vector<16xf32>
        %select_n3A = arith.select %ge3A_599, %add3A_597, %mul3A_602 : vector<16xi1>, vector<16xf32>
        %sub3A = arith.subf %select_n3A, %get3A_596 : vector<16xf32>
        %exp3A = math.exp %sub3A : vector<16xf32>
        %jit3A = arith.constant 0.000000e+00 : f32
        %broadcast_in_dim3A_603 = vector.broadcast %jit3A : f32 to vector<16xf32>
        %select_n3A_604 = arith.select %lt3A_2, %exp3A, %broadcast_in_dim3A_603 : vector<16xi1>, vector<16xf32>
        %swap3A = arith.index_cast %scan3A_589 : i32 to index
        %swap3A_605 = arith.constant 128 : index
        %swap3A_606 = tpu.vector_load %arg18[%swap3A, %swap3A_605] {strides = array<i32>} : memref<72x144xf32, #tpu.memory_space<vmem>>, vector<1x16xf32>,
        %swap3A_607 = vector.shape_cast %swap3A_606 : vector<1x16xf32> to vector<16xf32>
        %swap3A_608 = vector.shape_cast %select_n3A_604 : vector<16xf32> to vector<1x16xf32>
        tpu.vector_store %arg18[%swap3A, %swap3A_605], %swap3A_608 {strides = array<i32>} : memref<72x144xf32, #tpu.memory_space<vmem>>, vector<1x16xf32>,
        %get3A_609 = arith.index_cast %scan3A_589 : i32 to index
        %get3A_610 = arith.constant 0 : index
        %get3A_611 = tpu.vector_load %arg16[%get3A_609, %get3A_610] {strides = array<i32>} : memref<72x80xf32, #tpu.memory_space<vmem>>, vector<1x16xf32>,
        %get3A_612 = vector.shape_cast %get3A_611 : vector<1x16xf32> to vector<16xf32>
        %bitcast_convert_type3A = tpu.bitcast %get3A_612 : vector<16xf32> -> vector<16xi32>
        %shift_left3A = arith.constant 16 : i32
        %shift_left3A_613 = vector.broadcast %shift_left3A : i32 to vector<16xi32>
        %shift_left3A_614 = arith.shli %bitcast_convert_type3A, %shift_left3A_613 : vector<16xi32>
        %bitcast_convert_type3A_615 = tpu.bitcast %shift_left3A_614 : vector<16xi32> -> vector<16xf32>
        %and3A = arith.constant -65536 : i32
        %and3A_616 = vector.broadcast %and3A : i32 to vector<16xi32>
        %and3A_617 = arith.andi %bitcast_convert_type3A, %and3A_616 : vector<16xi32>
        %bitcast_convert_type3A_618 = tpu.bitcast %and3A_617 : vector<16xi32> -> vector<16xf32>
        %slice3A = vector.extract_strided_slice %select_n3A_604 {offsets = [0], sizes = [1], strides = [1]} : vector<16xf32> to vector<1xf32>
        %squeeze3A = vector.extract %slice3A[0] : f32 from vector<1xf32>
        %slice3A_619 = vector.extract_strided_slice %select_n3A_604 {offsets = [1], sizes = [1], strides = [1]} : vector<16xf32> to vector<1xf32>
        %squeeze3A_620 = vector.extract %slice3A_619[0] : f32 from vector<1xf32>
        %broadcast_in_dim3A_621 = vector.broadcast %squeeze3A : f32 to vector<16xf32>
        %broadcast_in_dim3A_622 = vector.broadcast %squeeze3A_620 : f32 to vector<16xf32>
        %select_n3A_623 = arith.select %lt3A_5, %broadcast_in_dim3A_621, %broadcast_in_dim3A_622 : vector<16xi1>, vector<16xf32>
        %mul3A_624 = arith.mulf %bitcast_convert_type3A_615, %select_n3A_623 : vector<16xf32>
        %swap3A_625 = arith.index_cast %scan3A_589 : i32 to index
        %swap3A_626 = arith.constant 0 : index
        %swap3A_627 = tpu.vector_load %arg18[%swap3A_625, %swap3A_626] {strides = array<i32>} : memref<72x144xf32, #tpu.memory_space<vmem>>, vector<1x16xf32>,
        %swap3A_628 = vector.shape_cast %swap3A_627 : vector<1x16xf32> to vector<16xf32>
        %swap3A_629 = vector.shape_cast %mul3A_624 : vector<16xf32> to vector<1x16xf32>
        tpu.vector_store %arg18[%swap3A_625, %swap3A_626], %swap3A_629 {strides = array<i32>} : memref<72x144xf32, #tpu.memory_space<vmem>>, vector<1x16xf32>,
        %mul3A_630 = arith.mulf %bitcast_convert_type3A_618, %select_n3A_623 : vector<16xf32>
        %swap3A_631 = arith.index_cast %scan3A_589 : i32 to index
        %swap3A_632 = arith.constant 64 : index
        %swap3A_633 = tpu.vector_load %arg18[%swap3A_631, %swap3A_632] {strides = array<i32>} : memref<72x144xf32, #tpu.memory_space<vmem>>, vector<1x16xf32>,
        %swap3A_634 = vector.shape_cast %swap3A_633 : vector<1x16xf32> to vector<16xf32>
        %swap3A_635 = vector.shape_cast %mul3A_630 : vector<16xf32> to vector<1x16xf32>
        tpu.vector_store %arg18[%swap3A_631, %swap3A_632], %swap3A_635 {strides = array<i32>} : memref<72x144xf32, #tpu.memory_space<vmem>>, vector<1x16xf32>,
        %get3A_636 = arith.index_cast %scan3A_589 : i32 to index
        %get3A_637 = arith.constant 16 : index
        %get3A_638 = tpu.vector_load %arg16[%get3A_636, %get3A_637] {strides = array<i32>} : memref<72x80xf32, #tpu.memory_space<vmem>>, vector<1x16xf32>,
        %get3A_639 = vector.shape_cast %get3A_638 : vector<1x16xf32> to vector<16xf32>
        %bitcast_convert_type3A_640 = tpu.bitcast %get3A_639 : vector<16xf32> -> vector<16xi32>
        %shift_left3A_641 = arith.constant 16 : i32
        %shift_left3A_642 = vector.broadcast %shift_left3A_641 : i32 to vector<16xi32>
        %shift_left3A_643 = arith.shli %bitcast_convert_type3A_640, %shift_left3A_642 : vector<16xi32>
        %bitcast_convert_type3A_644 = tpu.bitcast %shift_left3A_643 : vector<16xi32> -> vector<16xf32>
        %and3A_645 = arith.constant -65536 : i32
        %and3A_646 = vector.broadcast %and3A_645 : i32 to vector<16xi32>
        %and3A_647 = arith.andi %bitcast_convert_type3A_640, %and3A_646 : vector<16xi32>
        %bitcast_convert_type3A_648 = tpu.bitcast %and3A_647 : vector<16xi32> -> vector<16xf32>
        %slice3A_649 = vector.extract_strided_slice %select_n3A_604 {offsets = [2], sizes = [1], strides = [1]} : vector<16xf32> to vector<1xf32>
        %squeeze3A_650 = vector.extract %slice3A_649[0] : f32 from vector<1xf32>
        %slice3A_651 = vector.extract_strided_slice %select_n3A_604 {offsets = [3], sizes = [1], strides = [1]} : vector<16xf32> to vector<1xf32>
        %squeeze3A_652 = vector.extract %slice3A_651[0] : f32 from vector<1xf32>
        %broadcast_in_dim3A_653 = vector.broadcast %squeeze3A_650 : f32 to vector<16xf32>
        %broadcast_in_dim3A_654 = vector.broadcast %squeeze3A_652 : f32 to vector<16xf32>
        %select_n3A_655 = arith.select %lt3A_5, %broadcast_in_dim3A_653, %broadcast_in_dim3A_654 : vector<16xi1>, vector<16xf32>
        %mul3A_656 = arith.mulf %bitcast_convert_type3A_644, %select_n3A_655 : vector<16xf32>
        %swap3A_657 = arith.index_cast %scan3A_589 : i32 to index
        %swap3A_658 = arith.constant 16 : index
        %swap3A_659 = tpu.vector_load %arg18[%swap3A_657, %swap3A_658] {strides = array<i32>} : memref<72x144xf32, #tpu.memory_space<vmem>>, vector<1x16xf32>,
        %swap3A_660 = vector.shape_cast %swap3A_659 : vector<1x16xf32> to vector<16xf32>
        %swap3A_661 = vector.shape_cast %mul3A_656 : vector<16xf32> to vector<1x16xf32>
        tpu.vector_store %arg18[%swap3A_657, %swap3A_658], %swap3A_661 {strides = array<i32>} : memref<72x144xf32, #tpu.memory_space<vmem>>, vector<1x16xf32>,
        %mul3A_662 = arith.mulf %bitcast_convert_type3A_648, %select_n3A_655 : vector<16xf32>
        %swap3A_663 = arith.index_cast %scan3A_589 : i32 to index
        %swap3A_664 = arith.constant 80 : index
        %swap3A_665 = tpu.vector_load %arg18[%swap3A_663, %swap3A_664] {strides = array<i32>} : memref<72x144xf32, #tpu.memory_space<vmem>>, vector<1x16xf32>,
        %swap3A_666 = vector.shape_cast %swap3A_665 : vector<1x16xf32> to vector<16xf32>
        %swap3A_667 = vector.shape_cast %mul3A_662 : vector<16xf32> to vector<1x16xf32>
        tpu.vector_store %arg18[%swap3A_663, %swap3A_664], %swap3A_667 {strides = array<i32>} : memref<72x144xf32, #tpu.memory_space<vmem>>, vector<1x16xf32>,
        %get3A_668 = arith.index_cast %scan3A_589 : i32 to index
        %get3A_669 = arith.constant 32 : index
        %get3A_670 = tpu.vector_load %arg16[%get3A_668, %get3A_669] {strides = array<i32>} : memref<72x80xf32, #tpu.memory_space<vmem>>, vector<1x16xf32>,
        %get3A_671 = vector.shape_cast %get3A_670 : vector<1x16xf32> to vector<16xf32>
        %bitcast_convert_type3A_672 = tpu.bitcast %get3A_671 : vector<16xf32> -> vector<16xi32>
        %shift_left3A_673 = arith.constant 16 : i32
        %shift_left3A_674 = vector.broadcast %shift_left3A_673 : i32 to vector<16xi32>
        %shift_left3A_675 = arith.shli %bitcast_convert_type3A_672, %shift_left3A_674 : vector<16xi32>
        %bitcast_convert_type3A_676 = tpu.bitcast %shift_left3A_675 : vector<16xi32> -> vector<16xf32>
        %and3A_677 = arith.constant -65536 : i32
        %and3A_678 = vector.broadcast %and3A_677 : i32 to vector<16xi32>
        %and3A_679 = arith.andi %bitcast_convert_type3A_672, %and3A_678 : vector<16xi32>
        %bitcast_convert_type3A_680 = tpu.bitcast %and3A_679 : vector<16xi32> -> vector<16xf32>
        %slice3A_681 = vector.extract_strided_slice %select_n3A_604 {offsets = [4], sizes = [1], strides = [1]} : vector<16xf32> to vector<1xf32>
        %squeeze3A_682 = vector.extract %slice3A_681[0] : f32 from vector<1xf32>
        %slice3A_683 = vector.extract_strided_slice %select_n3A_604 {offsets = [5], sizes = [1], strides = [1]} : vector<16xf32> to vector<1xf32>
        %squeeze3A_684 = vector.extract %slice3A_683[0] : f32 from vector<1xf32>
        %broadcast_in_dim3A_685 = vector.broadcast %squeeze3A_682 : f32 to vector<16xf32>
        %broadcast_in_dim3A_686 = vector.broadcast %squeeze3A_684 : f32 to vector<16xf32>
        %select_n3A_687 = arith.select %lt3A_5, %broadcast_in_dim3A_685, %broadcast_in_dim3A_686 : vector<16xi1>, vector<16xf32>
        %mul3A_688 = arith.mulf %bitcast_convert_type3A_676, %select_n3A_687 : vector<16xf32>
        %swap3A_689 = arith.index_cast %scan3A_589 : i32 to index
        %swap3A_690 = arith.constant 32 : index
        %swap3A_691 = tpu.vector_load %arg18[%swap3A_689, %swap3A_690] {strides = array<i32>} : memref<72x144xf32, #tpu.memory_space<vmem>>, vector<1x16xf32>,
        %swap3A_692 = vector.shape_cast %swap3A_691 : vector<1x16xf32> to vector<16xf32>
        %swap3A_693 = vector.shape_cast %mul3A_688 : vector<16xf32> to vector<1x16xf32>
        tpu.vector_store %arg18[%swap3A_689, %swap3A_690], %swap3A_693 {strides = array<i32>} : memref<72x144xf32, #tpu.memory_space<vmem>>, vector<1x16xf32>,
        %mul3A_694 = arith.mulf %bitcast_convert_type3A_680, %select_n3A_687 : vector<16xf32>
        %swap3A_695 = arith.index_cast %scan3A_589 : i32 to index
        %swap3A_696 = arith.constant 96 : index
        %swap3A_697 = tpu.vector_load %arg18[%swap3A_695, %swap3A_696] {strides = array<i32>} : memref<72x144xf32, #tpu.memory_space<vmem>>, vector<1x16xf32>,
        %swap3A_698 = vector.shape_cast %swap3A_697 : vector<1x16xf32> to vector<16xf32>
        %swap3A_699 = vector.shape_cast %mul3A_694 : vector<16xf32> to vector<1x16xf32>
        tpu.vector_store %arg18[%swap3A_695, %swap3A_696], %swap3A_699 {strides = array<i32>} : memref<72x144xf32, #tpu.memory_space<vmem>>, vector<1x16xf32>,
        %get3A_700 = arith.index_cast %scan3A_589 : i32 to index
        %get3A_701 = arith.constant 48 : index
        %get3A_702 = tpu.vector_load %arg16[%get3A_700, %get3A_701] {strides = array<i32>} : memref<72x80xf32, #tpu.memory_space<vmem>>, vector<1x16xf32>,
        %get3A_703 = vector.shape_cast %get3A_702 : vector<1x16xf32> to vector<16xf32>
        %bitcast_convert_type3A_704 = tpu.bitcast %get3A_703 : vector<16xf32> -> vector<16xi32>
        %shift_left3A_705 = arith.constant 16 : i32
        %shift_left3A_706 = vector.broadcast %shift_left3A_705 : i32 to vector<16xi32>
        %shift_left3A_707 = arith.shli %bitcast_convert_type3A_704, %shift_left3A_706 : vector<16xi32>
        %bitcast_convert_type3A_708 = tpu.bitcast %shift_left3A_707 : vector<16xi32> -> vector<16xf32>
        %and3A_709 = arith.constant -65536 : i32
        %and3A_710 = vector.broadcast %and3A_709 : i32 to vector<16xi32>
        %and3A_711 = arith.andi %bitcast_convert_type3A_704, %and3A_710 : vector<16xi32>
        %bitcast_convert_type3A_712 = tpu.bitcast %and3A_711 : vector<16xi32> -> vector<16xf32>
        %slice3A_713 = vector.extract_strided_slice %select_n3A_604 {offsets = [6], sizes = [1], strides = [1]} : vector<16xf32> to vector<1xf32>
        %squeeze3A_714 = vector.extract %slice3A_713[0] : f32 from vector<1xf32>
        %slice3A_715 = vector.extract_strided_slice %select_n3A_604 {offsets = [7], sizes = [1], strides = [1]} : vector<16xf32> to vector<1xf32>
        %squeeze3A_716 = vector.extract %slice3A_715[0] : f32 from vector<1xf32>
        %broadcast_in_dim3A_717 = vector.broadcast %squeeze3A_714 : f32 to vector<16xf32>
        %broadcast_in_dim3A_718 = vector.broadcast %squeeze3A_716 : f32 to vector<16xf32>
        %select_n3A_719 = arith.select %lt3A_5, %broadcast_in_dim3A_717, %broadcast_in_dim3A_718 : vector<16xi1>, vector<16xf32>
        %mul3A_720 = arith.mulf %bitcast_convert_type3A_708, %select_n3A_719 : vector<16xf32>
        %swap3A_721 = arith.index_cast %scan3A_589 : i32 to index
        %swap3A_722 = arith.constant 48 : index
        %swap3A_723 = tpu.vector_load %arg18[%swap3A_721, %swap3A_722] {strides = array<i32>} : memref<72x144xf32, #tpu.memory_space<vmem>>, vector<1x16xf32>,
        %swap3A_724 = vector.shape_cast %swap3A_723 : vector<1x16xf32> to vector<16xf32>
        %swap3A_725 = vector.shape_cast %mul3A_720 : vector<16xf32> to vector<1x16xf32>
        tpu.vector_store %arg18[%swap3A_721, %swap3A_722], %swap3A_725 {strides = array<i32>} : memref<72x144xf32, #tpu.memory_space<vmem>>, vector<1x16xf32>,
        %mul3A_726 = arith.mulf %bitcast_convert_type3A_712, %select_n3A_719 : vector<16xf32>
        %swap3A_727 = arith.index_cast %scan3A_589 : i32 to index
        %swap3A_728 = arith.constant 112 : index
        %swap3A_729 = tpu.vector_load %arg18[%swap3A_727, %swap3A_728] {strides = array<i32>} : memref<72x144xf32, #tpu.memory_space<vmem>>, vector<1x16xf32>,
        %swap3A_730 = vector.shape_cast %swap3A_729 : vector<1x16xf32> to vector<16xf32>
        %swap3A_731 = vector.shape_cast %mul3A_726 : vector<16xf32> to vector<1x16xf32>
        tpu.vector_store %arg18[%swap3A_727, %swap3A_728], %swap3A_731 {strides = array<i32>} : memref<72x144xf32, #tpu.memory_space<vmem>>, vector<1x16xf32>,
      }
      %scan3A_453 = arith.constant 72 : i32
      %dma_start3A_454 = arith.constant 0 : i32
      %dma_start3A_455 = arith.constant 0 : i32
      %dma_start3A_456 = tpu.memref_slice %arg21[%dma_start3A_454, %dma_start3A_455] : memref<10240x144xf32, #tpu.memory_space<vmem_shared>> -> memref<10240x144xf32, #tpu.memory_space<vmem_shared>>
      tpu.enqueue_indirect_dma source(%arg18 : memref<72x144xf32, #tpu.memory_space<vmem>>) target(%dma_start3A_456 : memref<10240x144xf32, #tpu.memory_space<vmem_shared>>) offsets(%arg12 : memref<72xi32, #tpu.memory_space<vmem>>) semaphore(%arg25 : memref<!tpu.dma_semaphore, #tpu.memory_space<semaphore_mem>>) {add = true}
      %dma_wait3A_457 = arith.constant 0 : i32
      %dma_wait3A_458 = arith.constant 0 : i32
      %dma_wait3A_459 = tpu.memref_slice %arg4[%add3A, %dma_wait3A_457, %dma_wait3A_458] : memref<32x140x72xi32, #tpu.memory_space<hbm>> -> memref<1x1x72xi32, #tpu.memory_space<hbm>>
      %dma_wait3A_460 = tpu.memref_squeeze %dma_wait3A_459 : memref<1x1x72xi32, #tpu.memory_space<hbm>> -> memref<72xi32, #tpu.memory_space<hbm>>
      %dma_wait3A_461 = arith.constant 0 : i32
      %dma_wait3A_462 = tpu.memref_slice %arg4[%add3A, %dma_wait3A_457, %dma_wait3A_461] : memref<32x140x72xi32, #tpu.memory_space<hbm>> -> memref<1x1x72xi32, #tpu.memory_space<hbm>>
      %dma_wait3A_463 = tpu.memref_squeeze %dma_wait3A_462 : memref<1x1x72xi32, #tpu.memory_space<hbm>> -> memref<72xi32, #tpu.memory_space<hbm>>
      tpu.wait_dma2 semaphore(%arg29 : memref<!tpu.dma_semaphore, #tpu.memory_space<semaphore_mem>>) src(%dma_wait3A_463 : memref<72xi32, #tpu.memory_space<hbm>>) dst(%arg10 : memref<72xi32, #tpu.memory_space<vmem>>)
      %dma_wait3A_464 = arith.constant 0 : i32
      %dma_wait3A_465 = arith.constant 0 : i32
      %dma_wait3A_466 = tpu.memref_slice %arg5[%add3A, %dma_wait3A_464, %dma_wait3A_465] : memref<32x140x72xi32, #tpu.memory_space<hbm>> -> memref<1x1x72xi32, #tpu.memory_space<hbm>>
      %dma_wait3A_467 = tpu.memref_squeeze %dma_wait3A_466 : memref<1x1x72xi32, #tpu.memory_space<hbm>> -> memref<72xi32, #tpu.memory_space<hbm>>
      %dma_wait3A_468 = arith.constant 0 : i32
      %dma_wait3A_469 = tpu.memref_slice %arg5[%add3A, %dma_wait3A_464, %dma_wait3A_468] : memref<32x140x72xi32, #tpu.memory_space<hbm>> -> memref<1x1x72xi32, #tpu.memory_space<hbm>>
      %dma_wait3A_470 = tpu.memref_squeeze %dma_wait3A_469 : memref<1x1x72xi32, #tpu.memory_space<hbm>> -> memref<72xi32, #tpu.memory_space<hbm>>
      tpu.wait_dma2 semaphore(%arg29 : memref<!tpu.dma_semaphore, #tpu.memory_space<semaphore_mem>>) src(%dma_wait3A_470 : memref<72xi32, #tpu.memory_space<hbm>>) dst(%arg14 : memref<72xi32, #tpu.memory_space<vmem>>)
      %dma_start3A_471 = arith.constant 0 : i32
      %dma_start3A_472 = arith.constant 0 : i32
      %dma_start3A_473 = tpu.memref_slice %arg2[%dma_start3A_471, %dma_start3A_472] : memref<10000x80xf32, #tpu.memory_space<hbm>> -> memref<10000x80xf32, #tpu.memory_space<hbm>>
      tpu.enqueue_indirect_dma source(%dma_start3A_473 : memref<10000x80xf32, #tpu.memory_space<hbm>>) target(%arg16 : memref<72x80xf32, #tpu.memory_space<vmem>>) offsets(%arg10 : memref<72xi32, #tpu.memory_space<vmem>>) semaphore(%arg23 : memref<!tpu.dma_semaphore, #tpu.memory_space<semaphore_mem>>)
      %dma_start3A_474 = arith.constant 0 : i32
      %dma_start3A_475 = arith.constant 0 : i32
      %dma_start3A_476 = tpu.memref_slice %arg3[%dma_start3A_474, %dma_start3A_475] : memref<10240x16xf32, #tpu.memory_space<hbm>> -> memref<10240x16xf32, #tpu.memory_space<hbm>>
      tpu.enqueue_indirect_dma source(%dma_start3A_476 : memref<10240x16xf32, #tpu.memory_space<hbm>>) target(%arg20 : memref<72x16xf32, #tpu.memory_space<vmem>>) offsets(%arg14 : memref<72xi32, #tpu.memory_space<vmem>>) semaphore(%arg23 : memref<!tpu.dma_semaphore, #tpu.memory_space<semaphore_mem>>)
      %add3A_477 = arith.constant 2 : i32
      %add3A_478 = arith.addi %mul3A_364, %add3A_477 : i32
      %dma_wait3A_479 = arith.constant 0 : i32
      %dma_wait3A_480 = arith.constant 0 : i32
      %dma_wait3A_481 = tpu.memref_slice %arg2[%dma_wait3A_479, %dma_wait3A_480] : memref<10000x80xf32, #tpu.memory_space<hbm>> -> memref<10000x80xf32, #tpu.memory_space<hbm>>
      tpu.wait_indirect_dma semaphore(%arg22 : memref<!tpu.dma_semaphore, #tpu.memory_space<semaphore_mem>>) src(%dma_wait3A_481 : memref<10000x80xf32, #tpu.memory_space<hbm>>) dst(%arg15 : memref<72x80xf32, #tpu.memory_space<vmem>>)
      %dma_wait3A_482 = arith.constant 0 : i32
      %dma_wait3A_483 = arith.constant 0 : i32
      %dma_wait3A_484 = tpu.memref_slice %arg3[%dma_wait3A_482, %dma_wait3A_483] : memref<10240x16xf32, #tpu.memory_space<hbm>> -> memref<10240x16xf32, #tpu.memory_space<hbm>>
      tpu.wait_indirect_dma semaphore(%arg22 : memref<!tpu.dma_semaphore, #tpu.memory_space<semaphore_mem>>) src(%dma_wait3A_484 : memref<10240x16xf32, #tpu.memory_space<hbm>>) dst(%arg19 : memref<72x16xf32, #tpu.memory_space<vmem>>)
      %dma_wait3A_485 = arith.constant 0 : i32
      %dma_wait3A_486 = arith.constant 0 : i32
      %dma_wait3A_487 = tpu.memref_slice %arg21[%dma_wait3A_485, %dma_wait3A_486] : memref<10240x144xf32, #tpu.memory_space<vmem_shared>> -> memref<10240x144xf32, #tpu.memory_space<vmem_shared>>
      tpu.wait_indirect_dma semaphore(%arg24 : memref<!tpu.dma_semaphore, #tpu.memory_space<semaphore_mem>>) src(%arg17 : memref<72x144xf32, #tpu.memory_space<vmem>>) dst(%dma_wait3A_487 : memref<10240x144xf32, #tpu.memory_space<vmem_shared>>)
      %add3A_488 = arith.constant 2 : i32
      %add3A_489 = arith.addi %add3A_478, %add3A_488 : i32
      %min3A_490 = arith.constant 139 : i32
      %min3A_491 = arith.minsi %add3A_489, %min3A_490 : i32
      %dma_start3A_492 = arith.constant 0 : i32
      %dma_start3A_493 = tpu.memref_slice %arg4[%add3A, %min3A_491, %dma_start3A_492] : memref<32x140x72xi32, #tpu.memory_space<hbm>> -> memref<1x1x72xi32, #tpu.memory_space<hbm>>
      %dma_start3A_494 = tpu.memref_squeeze %dma_start3A_493 : memref<1x1x72xi32, #tpu.memory_space<hbm>> -> memref<72xi32, #tpu.memory_space<hbm>>
      %dma_start3A_495 = arith.constant 0 : i32
      %dma_start3A_496 = tpu.memref_slice %arg4[%add3A, %min3A_491, %dma_start3A_495] : memref<32x140x72xi32, #tpu.memory_space<hbm>> -> memref<1x1x72xi32, #tpu.memory_space<hbm>>
      %dma_start3A_497 = tpu.memref_squeeze %dma_start3A_496 : memref<1x1x72xi32, #tpu.memory_space<hbm>> -> memref<72xi32, #tpu.memory_space<hbm>>
      tpu.enqueue_dma source(%dma_start3A_497 : memref<72xi32, #tpu.memory_space<hbm>>) target(%arg7 : memref<72xi32, #tpu.memory_space<vmem>>) target_semaphore(%arg26 : memref<!tpu.dma_semaphore, #tpu.memory_space<semaphore_mem>>)
      %dma_start3A_498 = arith.constant 0 : i32
      %dma_start3A_499 = tpu.memref_slice %arg5[%add3A, %min3A_491, %dma_start3A_498] : memref<32x140x72xi32, #tpu.memory_space<hbm>> -> memref<1x1x72xi32, #tpu.memory_space<hbm>>
      %dma_start3A_500 = tpu.memref_squeeze %dma_start3A_499 : memref<1x1x72xi32, #tpu.memory_space<hbm>> -> memref<72xi32, #tpu.memory_space<hbm>>
      %dma_start3A_501 = arith.constant 0 : i32
      %dma_start3A_502 = tpu.memref_slice %arg5[%add3A, %min3A_491, %dma_start3A_501] : memref<32x140x72xi32, #tpu.memory_space<hbm>> -> memref<1x1x72xi32, #tpu.memory_space<hbm>>
      %dma_start3A_503 = tpu.memref_squeeze %dma_start3A_502 : memref<1x1x72xi32, #tpu.memory_space<hbm>> -> memref<72xi32, #tpu.memory_space<hbm>>
      tpu.enqueue_dma source(%dma_start3A_503 : memref<72xi32, #tpu.memory_space<hbm>>) target(%arg11 : memref<72xi32, #tpu.memory_space<vmem>>) target_semaphore(%arg26 : memref<!tpu.dma_semaphore, #tpu.memory_space<semaphore_mem>>)
      %scan3A_504 = arith.constant 0 : i32
      %scan3A_505 = arith.constant 0 : i32
      %scan3A_506 = arith.constant 72 : i32
      %scan3A_507 = arith.addi %scan3A_505, %scan3A_506 : i32
      %scan3A_508 = arith.constant 1 : i32
      scf.for %scan3A_589 = %scan3A_505 to %scan3A_507 step %scan3A_508  : i32 {
        %get3A = arith.index_cast %scan3A_589 : i32 to index
        %get3A_590 = arith.constant 64 : index
        %get3A_591 = tpu.vector_load %arg15[%get3A, %get3A_590] {strides = array<i32>} : memref<72x80xf32, #tpu.memory_space<vmem>>, vector<1x16xf32>,
        %get3A_592 = vector.shape_cast %get3A_591 : vector<1x16xf32> to vector<16xf32>
        %get3A_593 = arith.index_cast %scan3A_589 : i32 to index
        %get3A_594 = arith.constant 0 : index
        %get3A_595 = tpu.vector_load %arg19[%get3A_593, %get3A_594] {strides = array<i32>} : memref<72x16xf32, #tpu.memory_space<vmem>>, vector<1x16xf32>,
        %get3A_596 = vector.shape_cast %get3A_595 : vector<1x16xf32> to vector<16xf32>
        %add3A_597 = arith.addf %get3A_592, %get3A_596 : vector<16xf32>
        %ge3A = arith.constant 0.000000e+00 : f32
        %ge3A_598 = vector.broadcast %ge3A : f32 to vector<16xf32>
        %ge3A_599 = arith.cmpf oge, %add3A_597, %ge3A_598 : vector<16xf32>
        %mul3A_600 = arith.constant 2.000000e-01 : f32
        %mul3A_601 = vector.broadcast %mul3A_600 : f32 to vector<16xf32>
        %mul3A_602 = arith.mulf %mul3A_601, %add3A_597 : vector<16xf32>
        %select_n3A = arith.select %ge3A_599, %add3A_597, %mul3A_602 : vector<16xi1>, vector<16xf32>
        %sub3A = arith.subf %select_n3A, %get3A_596 : vector<16xf32>
        %exp3A = math.exp %sub3A : vector<16xf32>
        %jit3A = arith.constant 0.000000e+00 : f32
        %broadcast_in_dim3A_603 = vector.broadcast %jit3A : f32 to vector<16xf32>
        %select_n3A_604 = arith.select %lt3A_2, %exp3A, %broadcast_in_dim3A_603 : vector<16xi1>, vector<16xf32>
        %swap3A = arith.index_cast %scan3A_589 : i32 to index
        %swap3A_605 = arith.constant 128 : index
        %swap3A_606 = tpu.vector_load %arg17[%swap3A, %swap3A_605] {strides = array<i32>} : memref<72x144xf32, #tpu.memory_space<vmem>>, vector<1x16xf32>,
        %swap3A_607 = vector.shape_cast %swap3A_606 : vector<1x16xf32> to vector<16xf32>
        %swap3A_608 = vector.shape_cast %select_n3A_604 : vector<16xf32> to vector<1x16xf32>
        tpu.vector_store %arg17[%swap3A, %swap3A_605], %swap3A_608 {strides = array<i32>} : memref<72x144xf32, #tpu.memory_space<vmem>>, vector<1x16xf32>,
        %get3A_609 = arith.index_cast %scan3A_589 : i32 to index
        %get3A_610 = arith.constant 0 : index
        %get3A_611 = tpu.vector_load %arg15[%get3A_609, %get3A_610] {strides = array<i32>} : memref<72x80xf32, #tpu.memory_space<vmem>>, vector<1x16xf32>,
        %get3A_612 = vector.shape_cast %get3A_611 : vector<1x16xf32> to vector<16xf32>
        %bitcast_convert_type3A = tpu.bitcast %get3A_612 : vector<16xf32> -> vector<16xi32>
        %shift_left3A = arith.constant 16 : i32
        %shift_left3A_613 = vector.broadcast %shift_left3A : i32 to vector<16xi32>
        %shift_left3A_614 = arith.shli %bitcast_convert_type3A, %shift_left3A_613 : vector<16xi32>
        %bitcast_convert_type3A_615 = tpu.bitcast %shift_left3A_614 : vector<16xi32> -> vector<16xf32>
        %and3A = arith.constant -65536 : i32
        %and3A_616 = vector.broadcast %and3A : i32 to vector<16xi32>
        %and3A_617 = arith.andi %bitcast_convert_type3A, %and3A_616 : vector<16xi32>
        %bitcast_convert_type3A_618 = tpu.bitcast %and3A_617 : vector<16xi32> -> vector<16xf32>
        %slice3A = vector.extract_strided_slice %select_n3A_604 {offsets = [0], sizes = [1], strides = [1]} : vector<16xf32> to vector<1xf32>
        %squeeze3A = vector.extract %slice3A[0] : f32 from vector<1xf32>
        %slice3A_619 = vector.extract_strided_slice %select_n3A_604 {offsets = [1], sizes = [1], strides = [1]} : vector<16xf32> to vector<1xf32>
        %squeeze3A_620 = vector.extract %slice3A_619[0] : f32 from vector<1xf32>
        %broadcast_in_dim3A_621 = vector.broadcast %squeeze3A : f32 to vector<16xf32>
        %broadcast_in_dim3A_622 = vector.broadcast %squeeze3A_620 : f32 to vector<16xf32>
        %select_n3A_623 = arith.select %lt3A_5, %broadcast_in_dim3A_621, %broadcast_in_dim3A_622 : vector<16xi1>, vector<16xf32>
        %mul3A_624 = arith.mulf %bitcast_convert_type3A_615, %select_n3A_623 : vector<16xf32>
        %swap3A_625 = arith.index_cast %scan3A_589 : i32 to index
        %swap3A_626 = arith.constant 0 : index
        %swap3A_627 = tpu.vector_load %arg17[%swap3A_625, %swap3A_626] {strides = array<i32>} : memref<72x144xf32, #tpu.memory_space<vmem>>, vector<1x16xf32>,
        %swap3A_628 = vector.shape_cast %swap3A_627 : vector<1x16xf32> to vector<16xf32>
        %swap3A_629 = vector.shape_cast %mul3A_624 : vector<16xf32> to vector<1x16xf32>
        tpu.vector_store %arg17[%swap3A_625, %swap3A_626], %swap3A_629 {strides = array<i32>} : memref<72x144xf32, #tpu.memory_space<vmem>>, vector<1x16xf32>,
        %mul3A_630 = arith.mulf %bitcast_convert_type3A_618, %select_n3A_623 : vector<16xf32>
        %swap3A_631 = arith.index_cast %scan3A_589 : i32 to index
        %swap3A_632 = arith.constant 64 : index
        %swap3A_633 = tpu.vector_load %arg17[%swap3A_631, %swap3A_632] {strides = array<i32>} : memref<72x144xf32, #tpu.memory_space<vmem>>, vector<1x16xf32>,
        %swap3A_634 = vector.shape_cast %swap3A_633 : vector<1x16xf32> to vector<16xf32>
        %swap3A_635 = vector.shape_cast %mul3A_630 : vector<16xf32> to vector<1x16xf32>
        tpu.vector_store %arg17[%swap3A_631, %swap3A_632], %swap3A_635 {strides = array<i32>} : memref<72x144xf32, #tpu.memory_space<vmem>>, vector<1x16xf32>,
        %get3A_636 = arith.index_cast %scan3A_589 : i32 to index
        %get3A_637 = arith.constant 16 : index
        %get3A_638 = tpu.vector_load %arg15[%get3A_636, %get3A_637] {strides = array<i32>} : memref<72x80xf32, #tpu.memory_space<vmem>>, vector<1x16xf32>,
        %get3A_639 = vector.shape_cast %get3A_638 : vector<1x16xf32> to vector<16xf32>
        %bitcast_convert_type3A_640 = tpu.bitcast %get3A_639 : vector<16xf32> -> vector<16xi32>
        %shift_left3A_641 = arith.constant 16 : i32
        %shift_left3A_642 = vector.broadcast %shift_left3A_641 : i32 to vector<16xi32>
        %shift_left3A_643 = arith.shli %bitcast_convert_type3A_640, %shift_left3A_642 : vector<16xi32>
        %bitcast_convert_type3A_644 = tpu.bitcast %shift_left3A_643 : vector<16xi32> -> vector<16xf32>
        %and3A_645 = arith.constant -65536 : i32
        %and3A_646 = vector.broadcast %and3A_645 : i32 to vector<16xi32>
        %and3A_647 = arith.andi %bitcast_convert_type3A_640, %and3A_646 : vector<16xi32>
        %bitcast_convert_type3A_648 = tpu.bitcast %and3A_647 : vector<16xi32> -> vector<16xf32>
        %slice3A_649 = vector.extract_strided_slice %select_n3A_604 {offsets = [2], sizes = [1], strides = [1]} : vector<16xf32> to vector<1xf32>
        %squeeze3A_650 = vector.extract %slice3A_649[0] : f32 from vector<1xf32>
        %slice3A_651 = vector.extract_strided_slice %select_n3A_604 {offsets = [3], sizes = [1], strides = [1]} : vector<16xf32> to vector<1xf32>
        %squeeze3A_652 = vector.extract %slice3A_651[0] : f32 from vector<1xf32>
        %broadcast_in_dim3A_653 = vector.broadcast %squeeze3A_650 : f32 to vector<16xf32>
        %broadcast_in_dim3A_654 = vector.broadcast %squeeze3A_652 : f32 to vector<16xf32>
        %select_n3A_655 = arith.select %lt3A_5, %broadcast_in_dim3A_653, %broadcast_in_dim3A_654 : vector<16xi1>, vector<16xf32>
        %mul3A_656 = arith.mulf %bitcast_convert_type3A_644, %select_n3A_655 : vector<16xf32>
        %swap3A_657 = arith.index_cast %scan3A_589 : i32 to index
        %swap3A_658 = arith.constant 16 : index
        %swap3A_659 = tpu.vector_load %arg17[%swap3A_657, %swap3A_658] {strides = array<i32>} : memref<72x144xf32, #tpu.memory_space<vmem>>, vector<1x16xf32>,
        %swap3A_660 = vector.shape_cast %swap3A_659 : vector<1x16xf32> to vector<16xf32>
        %swap3A_661 = vector.shape_cast %mul3A_656 : vector<16xf32> to vector<1x16xf32>
        tpu.vector_store %arg17[%swap3A_657, %swap3A_658], %swap3A_661 {strides = array<i32>} : memref<72x144xf32, #tpu.memory_space<vmem>>, vector<1x16xf32>,
        %mul3A_662 = arith.mulf %bitcast_convert_type3A_648, %select_n3A_655 : vector<16xf32>
        %swap3A_663 = arith.index_cast %scan3A_589 : i32 to index
        %swap3A_664 = arith.constant 80 : index
        %swap3A_665 = tpu.vector_load %arg17[%swap3A_663, %swap3A_664] {strides = array<i32>} : memref<72x144xf32, #tpu.memory_space<vmem>>, vector<1x16xf32>,
        %swap3A_666 = vector.shape_cast %swap3A_665 : vector<1x16xf32> to vector<16xf32>
        %swap3A_667 = vector.shape_cast %mul3A_662 : vector<16xf32> to vector<1x16xf32>
        tpu.vector_store %arg17[%swap3A_663, %swap3A_664], %swap3A_667 {strides = array<i32>} : memref<72x144xf32, #tpu.memory_space<vmem>>, vector<1x16xf32>,
        %get3A_668 = arith.index_cast %scan3A_589 : i32 to index
        %get3A_669 = arith.constant 32 : index
        %get3A_670 = tpu.vector_load %arg15[%get3A_668, %get3A_669] {strides = array<i32>} : memref<72x80xf32, #tpu.memory_space<vmem>>, vector<1x16xf32>,
        %get3A_671 = vector.shape_cast %get3A_670 : vector<1x16xf32> to vector<16xf32>
        %bitcast_convert_type3A_672 = tpu.bitcast %get3A_671 : vector<16xf32> -> vector<16xi32>
        %shift_left3A_673 = arith.constant 16 : i32
        %shift_left3A_674 = vector.broadcast %shift_left3A_673 : i32 to vector<16xi32>
        %shift_left3A_675 = arith.shli %bitcast_convert_type3A_672, %shift_left3A_674 : vector<16xi32>
        %bitcast_convert_type3A_676 = tpu.bitcast %shift_left3A_675 : vector<16xi32> -> vector<16xf32>
        %and3A_677 = arith.constant -65536 : i32
        %and3A_678 = vector.broadcast %and3A_677 : i32 to vector<16xi32>
        %and3A_679 = arith.andi %bitcast_convert_type3A_672, %and3A_678 : vector<16xi32>
        %bitcast_convert_type3A_680 = tpu.bitcast %and3A_679 : vector<16xi32> -> vector<16xf32>
        %slice3A_681 = vector.extract_strided_slice %select_n3A_604 {offsets = [4], sizes = [1], strides = [1]} : vector<16xf32> to vector<1xf32>
        %squeeze3A_682 = vector.extract %slice3A_681[0] : f32 from vector<1xf32>
        %slice3A_683 = vector.extract_strided_slice %select_n3A_604 {offsets = [5], sizes = [1], strides = [1]} : vector<16xf32> to vector<1xf32>
        %squeeze3A_684 = vector.extract %slice3A_683[0] : f32 from vector<1xf32>
        %broadcast_in_dim3A_685 = vector.broadcast %squeeze3A_682 : f32 to vector<16xf32>
        %broadcast_in_dim3A_686 = vector.broadcast %squeeze3A_684 : f32 to vector<16xf32>
        %select_n3A_687 = arith.select %lt3A_5, %broadcast_in_dim3A_685, %broadcast_in_dim3A_686 : vector<16xi1>, vector<16xf32>
        %mul3A_688 = arith.mulf %bitcast_convert_type3A_676, %select_n3A_687 : vector<16xf32>
        %swap3A_689 = arith.index_cast %scan3A_589 : i32 to index
        %swap3A_690 = arith.constant 32 : index
        %swap3A_691 = tpu.vector_load %arg17[%swap3A_689, %swap3A_690] {strides = array<i32>} : memref<72x144xf32, #tpu.memory_space<vmem>>, vector<1x16xf32>,
        %swap3A_692 = vector.shape_cast %swap3A_691 : vector<1x16xf32> to vector<16xf32>
        %swap3A_693 = vector.shape_cast %mul3A_688 : vector<16xf32> to vector<1x16xf32>
        tpu.vector_store %arg17[%swap3A_689, %swap3A_690], %swap3A_693 {strides = array<i32>} : memref<72x144xf32, #tpu.memory_space<vmem>>, vector<1x16xf32>,
        %mul3A_694 = arith.mulf %bitcast_convert_type3A_680, %select_n3A_687 : vector<16xf32>
        %swap3A_695 = arith.index_cast %scan3A_589 : i32 to index
        %swap3A_696 = arith.constant 96 : index
        %swap3A_697 = tpu.vector_load %arg17[%swap3A_695, %swap3A_696] {strides = array<i32>} : memref<72x144xf32, #tpu.memory_space<vmem>>, vector<1x16xf32>,
        %swap3A_698 = vector.shape_cast %swap3A_697 : vector<1x16xf32> to vector<16xf32>
        %swap3A_699 = vector.shape_cast %mul3A_694 : vector<16xf32> to vector<1x16xf32>
        tpu.vector_store %arg17[%swap3A_695, %swap3A_696], %swap3A_699 {strides = array<i32>} : memref<72x144xf32, #tpu.memory_space<vmem>>, vector<1x16xf32>,
        %get3A_700 = arith.index_cast %scan3A_589 : i32 to index
        %get3A_701 = arith.constant 48 : index
        %get3A_702 = tpu.vector_load %arg15[%get3A_700, %get3A_701] {strides = array<i32>} : memref<72x80xf32, #tpu.memory_space<vmem>>, vector<1x16xf32>,
        %get3A_703 = vector.shape_cast %get3A_702 : vector<1x16xf32> to vector<16xf32>
        %bitcast_convert_type3A_704 = tpu.bitcast %get3A_703 : vector<16xf32> -> vector<16xi32>
        %shift_left3A_705 = arith.constant 16 : i32
        %shift_left3A_706 = vector.broadcast %shift_left3A_705 : i32 to vector<16xi32>
        %shift_left3A_707 = arith.shli %bitcast_convert_type3A_704, %shift_left3A_706 : vector<16xi32>
        %bitcast_convert_type3A_708 = tpu.bitcast %shift_left3A_707 : vector<16xi32> -> vector<16xf32>
        %and3A_709 = arith.constant -65536 : i32
        %and3A_710 = vector.broadcast %and3A_709 : i32 to vector<16xi32>
        %and3A_711 = arith.andi %bitcast_convert_type3A_704, %and3A_710 : vector<16xi32>
        %bitcast_convert_type3A_712 = tpu.bitcast %and3A_711 : vector<16xi32> -> vector<16xf32>
        %slice3A_713 = vector.extract_strided_slice %select_n3A_604 {offsets = [6], sizes = [1], strides = [1]} : vector<16xf32> to vector<1xf32>
        %squeeze3A_714 = vector.extract %slice3A_713[0] : f32 from vector<1xf32>
        %slice3A_715 = vector.extract_strided_slice %select_n3A_604 {offsets = [7], sizes = [1], strides = [1]} : vector<16xf32> to vector<1xf32>
        %squeeze3A_716 = vector.extract %slice3A_715[0] : f32 from vector<1xf32>
        %broadcast_in_dim3A_717 = vector.broadcast %squeeze3A_714 : f32 to vector<16xf32>
        %broadcast_in_dim3A_718 = vector.broadcast %squeeze3A_716 : f32 to vector<16xf32>
        %select_n3A_719 = arith.select %lt3A_5, %broadcast_in_dim3A_717, %broadcast_in_dim3A_718 : vector<16xi1>, vector<16xf32>
        %mul3A_720 = arith.mulf %bitcast_convert_type3A_708, %select_n3A_719 : vector<16xf32>
        %swap3A_721 = arith.index_cast %scan3A_589 : i32 to index
        %swap3A_722 = arith.constant 48 : index
        %swap3A_723 = tpu.vector_load %arg17[%swap3A_721, %swap3A_722] {strides = array<i32>} : memref<72x144xf32, #tpu.memory_space<vmem>>, vector<1x16xf32>,
        %swap3A_724 = vector.shape_cast %swap3A_723 : vector<1x16xf32> to vector<16xf32>
        %swap3A_725 = vector.shape_cast %mul3A_720 : vector<16xf32> to vector<1x16xf32>
        tpu.vector_store %arg17[%swap3A_721, %swap3A_722], %swap3A_725 {strides = array<i32>} : memref<72x144xf32, #tpu.memory_space<vmem>>, vector<1x16xf32>,
        %mul3A_726 = arith.mulf %bitcast_convert_type3A_712, %select_n3A_719 : vector<16xf32>
        %swap3A_727 = arith.index_cast %scan3A_589 : i32 to index
        %swap3A_728 = arith.constant 112 : index
        %swap3A_729 = tpu.vector_load %arg17[%swap3A_727, %swap3A_728] {strides = array<i32>} : memref<72x144xf32, #tpu.memory_space<vmem>>, vector<1x16xf32>,
        %swap3A_730 = vector.shape_cast %swap3A_729 : vector<1x16xf32> to vector<16xf32>
        %swap3A_731 = vector.shape_cast %mul3A_726 : vector<16xf32> to vector<1x16xf32>
        tpu.vector_store %arg17[%swap3A_727, %swap3A_728], %swap3A_731 {strides = array<i32>} : memref<72x144xf32, #tpu.memory_space<vmem>>, vector<1x16xf32>,
      }
      %scan3A_509 = arith.constant 72 : i32
      %dma_start3A_510 = arith.constant 0 : i32
      %dma_start3A_511 = arith.constant 0 : i32
      %dma_start3A_512 = tpu.memref_slice %arg21[%dma_start3A_510, %dma_start3A_511] : memref<10240x144xf32, #tpu.memory_space<vmem_shared>> -> memref<10240x144xf32, #tpu.memory_space<vmem_shared>>
      tpu.enqueue_indirect_dma source(%arg17 : memref<72x144xf32, #tpu.memory_space<vmem>>) target(%dma_start3A_512 : memref<10240x144xf32, #tpu.memory_space<vmem_shared>>) offsets(%arg13 : memref<72xi32, #tpu.memory_space<vmem>>) semaphore(%arg24 : memref<!tpu.dma_semaphore, #tpu.memory_space<semaphore_mem>>) {add = true}
      %dma_wait3A_513 = arith.constant 0 : i32
      %dma_wait3A_514 = arith.constant 0 : i32
      %dma_wait3A_515 = tpu.memref_slice %arg4[%add3A, %dma_wait3A_513, %dma_wait3A_514] : memref<32x140x72xi32, #tpu.memory_space<hbm>> -> memref<1x1x72xi32, #tpu.memory_space<hbm>>
      %dma_wait3A_516 = tpu.memref_squeeze %dma_wait3A_515 : memref<1x1x72xi32, #tpu.memory_space<hbm>> -> memref<72xi32, #tpu.memory_space<hbm>>
      %dma_wait3A_517 = arith.constant 0 : i32
      %dma_wait3A_518 = tpu.memref_slice %arg4[%add3A, %dma_wait3A_513, %dma_wait3A_517] : memref<32x140x72xi32, #tpu.memory_space<hbm>> -> memref<1x1x72xi32, #tpu.memory_space<hbm>>
      %dma_wait3A_519 = tpu.memref_squeeze %dma_wait3A_518 : memref<1x1x72xi32, #tpu.memory_space<hbm>> -> memref<72xi32, #tpu.memory_space<hbm>>
      tpu.wait_dma2 semaphore(%arg26 : memref<!tpu.dma_semaphore, #tpu.memory_space<semaphore_mem>>) src(%dma_wait3A_519 : memref<72xi32, #tpu.memory_space<hbm>>) dst(%arg7 : memref<72xi32, #tpu.memory_space<vmem>>)
      %dma_wait3A_520 = arith.constant 0 : i32
      %dma_wait3A_521 = arith.constant 0 : i32
      %dma_wait3A_522 = tpu.memref_slice %arg5[%add3A, %dma_wait3A_520, %dma_wait3A_521] : memref<32x140x72xi32, #tpu.memory_space<hbm>> -> memref<1x1x72xi32, #tpu.memory_space<hbm>>
      %dma_wait3A_523 = tpu.memref_squeeze %dma_wait3A_522 : memref<1x1x72xi32, #tpu.memory_space<hbm>> -> memref<72xi32, #tpu.memory_space<hbm>>
      %dma_wait3A_524 = arith.constant 0 : i32
      %dma_wait3A_525 = tpu.memref_slice %arg5[%add3A, %dma_wait3A_520, %dma_wait3A_524] : memref<32x140x72xi32, #tpu.memory_space<hbm>> -> memref<1x1x72xi32, #tpu.memory_space<hbm>>
      %dma_wait3A_526 = tpu.memref_squeeze %dma_wait3A_525 : memref<1x1x72xi32, #tpu.memory_space<hbm>> -> memref<72xi32, #tpu.memory_space<hbm>>
      tpu.wait_dma2 semaphore(%arg26 : memref<!tpu.dma_semaphore, #tpu.memory_space<semaphore_mem>>) src(%dma_wait3A_526 : memref<72xi32, #tpu.memory_space<hbm>>) dst(%arg11 : memref<72xi32, #tpu.memory_space<vmem>>)
      %dma_start3A_527 = arith.constant 0 : i32
      %dma_start3A_528 = arith.constant 0 : i32
      %dma_start3A_529 = tpu.memref_slice %arg2[%dma_start3A_527, %dma_start3A_528] : memref<10000x80xf32, #tpu.memory_space<hbm>> -> memref<10000x80xf32, #tpu.memory_space<hbm>>
      tpu.enqueue_indirect_dma source(%dma_start3A_529 : memref<10000x80xf32, #tpu.memory_space<hbm>>) target(%arg15 : memref<72x80xf32, #tpu.memory_space<vmem>>) offsets(%arg7 : memref<72xi32, #tpu.memory_space<vmem>>) semaphore(%arg22 : memref<!tpu.dma_semaphore, #tpu.memory_space<semaphore_mem>>)
      %dma_start3A_530 = arith.constant 0 : i32
      %dma_start3A_531 = arith.constant 0 : i32
      %dma_start3A_532 = tpu.memref_slice %arg3[%dma_start3A_530, %dma_start3A_531] : memref<10240x16xf32, #tpu.memory_space<hbm>> -> memref<10240x16xf32, #tpu.memory_space<hbm>>
      tpu.enqueue_indirect_dma source(%dma_start3A_532 : memref<10240x16xf32, #tpu.memory_space<hbm>>) target(%arg19 : memref<72x16xf32, #tpu.memory_space<vmem>>) offsets(%arg11 : memref<72xi32, #tpu.memory_space<vmem>>) semaphore(%arg22 : memref<!tpu.dma_semaphore, #tpu.memory_space<semaphore_mem>>)
      %add3A_533 = arith.constant 3 : i32
      %add3A_534 = arith.addi %mul3A_364, %add3A_533 : i32
      %dma_wait3A_535 = arith.constant 0 : i32
      %dma_wait3A_536 = arith.constant 0 : i32
      %dma_wait3A_537 = tpu.memref_slice %arg2[%dma_wait3A_535, %dma_wait3A_536] : memref<10000x80xf32, #tpu.memory_space<hbm>> -> memref<10000x80xf32, #tpu.memory_space<hbm>>
      tpu.wait_indirect_dma semaphore(%arg23 : memref<!tpu.dma_semaphore, #tpu.memory_space<semaphore_mem>>) src(%dma_wait3A_537 : memref<10000x80xf32, #tpu.memory_space<hbm>>) dst(%arg16 : memref<72x80xf32, #tpu.memory_space<vmem>>)
      %dma_wait3A_538 = arith.constant 0 : i32
      %dma_wait3A_539 = arith.constant 0 : i32
      %dma_wait3A_540 = tpu.memref_slice %arg3[%dma_wait3A_538, %dma_wait3A_539] : memref<10240x16xf32, #tpu.memory_space<hbm>> -> memref<10240x16xf32, #tpu.memory_space<hbm>>
      tpu.wait_indirect_dma semaphore(%arg23 : memref<!tpu.dma_semaphore, #tpu.memory_space<semaphore_mem>>) src(%dma_wait3A_540 : memref<10240x16xf32, #tpu.memory_space<hbm>>) dst(%arg20 : memref<72x16xf32, #tpu.memory_space<vmem>>)
      %dma_wait3A_541 = arith.constant 0 : i32
      %dma_wait3A_542 = arith.constant 0 : i32
      %dma_wait3A_543 = tpu.memref_slice %arg21[%dma_wait3A_541, %dma_wait3A_542] : memref<10240x144xf32, #tpu.memory_space<vmem_shared>> -> memref<10240x144xf32, #tpu.memory_space<vmem_shared>>
      tpu.wait_indirect_dma semaphore(%arg25 : memref<!tpu.dma_semaphore, #tpu.memory_space<semaphore_mem>>) src(%arg18 : memref<72x144xf32, #tpu.memory_space<vmem>>) dst(%dma_wait3A_543 : memref<10240x144xf32, #tpu.memory_space<vmem_shared>>)
      %add3A_544 = arith.constant 2 : i32
      %add3A_545 = arith.addi %add3A_534, %add3A_544 : i32
      %min3A_546 = arith.constant 139 : i32
      %min3A_547 = arith.minsi %add3A_545, %min3A_546 : i32
      %dma_start3A_548 = arith.constant 0 : i32
      %dma_start3A_549 = tpu.memref_slice %arg4[%add3A, %min3A_547, %dma_start3A_548] : memref<32x140x72xi32, #tpu.memory_space<hbm>> -> memref<1x1x72xi32, #tpu.memory_space<hbm>>
      %dma_start3A_550 = tpu.memref_squeeze %dma_start3A_549 : memref<1x1x72xi32, #tpu.memory_space<hbm>> -> memref<72xi32, #tpu.memory_space<hbm>>
      %dma_start3A_551 = arith.constant 0 : i32
      %dma_start3A_552 = tpu.memref_slice %arg4[%add3A, %min3A_547, %dma_start3A_551] : memref<32x140x72xi32, #tpu.memory_space<hbm>> -> memref<1x1x72xi32, #tpu.memory_space<hbm>>
      %dma_start3A_553 = tpu.memref_squeeze %dma_start3A_552 : memref<1x1x72xi32, #tpu.memory_space<hbm>> -> memref<72xi32, #tpu.memory_space<hbm>>
      tpu.enqueue_dma source(%dma_start3A_553 : memref<72xi32, #tpu.memory_space<hbm>>) target(%arg8 : memref<72xi32, #tpu.memory_space<vmem>>) target_semaphore(%arg27 : memref<!tpu.dma_semaphore, #tpu.memory_space<semaphore_mem>>)
      %dma_start3A_554 = arith.constant 0 : i32
      %dma_start3A_555 = tpu.memref_slice %arg5[%add3A, %min3A_547, %dma_start3A_554] : memref<32x140x72xi32, #tpu.memory_space<hbm>> -> memref<1x1x72xi32, #tpu.memory_space<hbm>>
      %dma_start3A_556 = tpu.memref_squeeze %dma_start3A_555 : memref<1x1x72xi32, #tpu.memory_space<hbm>> -> memref<72xi32, #tpu.memory_space<hbm>>
      %dma_start3A_557 = arith.constant 0 : i32
      %dma_start3A_558 = tpu.memref_slice %arg5[%add3A, %min3A_547, %dma_start3A_557] : memref<32x140x72xi32, #tpu.memory_space<hbm>> -> memref<1x1x72xi32, #tpu.memory_space<hbm>>
      %dma_start3A_559 = tpu.memref_squeeze %dma_start3A_558 : memref<1x1x72xi32, #tpu.memory_space<hbm>> -> memref<72xi32, #tpu.memory_space<hbm>>
      tpu.enqueue_dma source(%dma_start3A_559 : memref<72xi32, #tpu.memory_space<hbm>>) target(%arg12 : memref<72xi32, #tpu.memory_space<vmem>>) target_semaphore(%arg27 : memref<!tpu.dma_semaphore, #tpu.memory_space<semaphore_mem>>)
      %scan3A_560 = arith.constant 0 : i32
      %scan3A_561 = arith.constant 0 : i32
      %scan3A_562 = arith.constant 72 : i32
      %scan3A_563 = arith.addi %scan3A_561, %scan3A_562 : i32
      %scan3A_564 = arith.constant 1 : i32
      scf.for %scan3A_589 = %scan3A_561 to %scan3A_563 step %scan3A_564  : i32 {
        %get3A = arith.index_cast %scan3A_589 : i32 to index
        %get3A_590 = arith.constant 64 : index
        %get3A_591 = tpu.vector_load %arg16[%get3A, %get3A_590] {strides = array<i32>} : memref<72x80xf32, #tpu.memory_space<vmem>>, vector<1x16xf32>,
        %get3A_592 = vector.shape_cast %get3A_591 : vector<1x16xf32> to vector<16xf32>
        %get3A_593 = arith.index_cast %scan3A_589 : i32 to index
        %get3A_594 = arith.constant 0 : index
        %get3A_595 = tpu.vector_load %arg20[%get3A_593, %get3A_594] {strides = array<i32>} : memref<72x16xf32, #tpu.memory_space<vmem>>, vector<1x16xf32>,
        %get3A_596 = vector.shape_cast %get3A_595 : vector<1x16xf32> to vector<16xf32>
        %add3A_597 = arith.addf %get3A_592, %get3A_596 : vector<16xf32>
        %ge3A = arith.constant 0.000000e+00 : f32
        %ge3A_598 = vector.broadcast %ge3A : f32 to vector<16xf32>
        %ge3A_599 = arith.cmpf oge, %add3A_597, %ge3A_598 : vector<16xf32>
        %mul3A_600 = arith.constant 2.000000e-01 : f32
        %mul3A_601 = vector.broadcast %mul3A_600 : f32 to vector<16xf32>
        %mul3A_602 = arith.mulf %mul3A_601, %add3A_597 : vector<16xf32>
        %select_n3A = arith.select %ge3A_599, %add3A_597, %mul3A_602 : vector<16xi1>, vector<16xf32>
        %sub3A = arith.subf %select_n3A, %get3A_596 : vector<16xf32>
        %exp3A = math.exp %sub3A : vector<16xf32>
        %jit3A = arith.constant 0.000000e+00 : f32
        %broadcast_in_dim3A_603 = vector.broadcast %jit3A : f32 to vector<16xf32>
        %select_n3A_604 = arith.select %lt3A_2, %exp3A, %broadcast_in_dim3A_603 : vector<16xi1>, vector<16xf32>
        %swap3A = arith.index_cast %scan3A_589 : i32 to index
        %swap3A_605 = arith.constant 128 : index
        %swap3A_606 = tpu.vector_load %arg18[%swap3A, %swap3A_605] {strides = array<i32>} : memref<72x144xf32, #tpu.memory_space<vmem>>, vector<1x16xf32>,
        %swap3A_607 = vector.shape_cast %swap3A_606 : vector<1x16xf32> to vector<16xf32>
        %swap3A_608 = vector.shape_cast %select_n3A_604 : vector<16xf32> to vector<1x16xf32>
        tpu.vector_store %arg18[%swap3A, %swap3A_605], %swap3A_608 {strides = array<i32>} : memref<72x144xf32, #tpu.memory_space<vmem>>, vector<1x16xf32>,
        %get3A_609 = arith.index_cast %scan3A_589 : i32 to index
        %get3A_610 = arith.constant 0 : index
        %get3A_611 = tpu.vector_load %arg16[%get3A_609, %get3A_610] {strides = array<i32>} : memref<72x80xf32, #tpu.memory_space<vmem>>, vector<1x16xf32>,
        %get3A_612 = vector.shape_cast %get3A_611 : vector<1x16xf32> to vector<16xf32>
        %bitcast_convert_type3A = tpu.bitcast %get3A_612 : vector<16xf32> -> vector<16xi32>
        %shift_left3A = arith.constant 16 : i32
        %shift_left3A_613 = vector.broadcast %shift_left3A : i32 to vector<16xi32>
        %shift_left3A_614 = arith.shli %bitcast_convert_type3A, %shift_left3A_613 : vector<16xi32>
        %bitcast_convert_type3A_615 = tpu.bitcast %shift_left3A_614 : vector<16xi32> -> vector<16xf32>
        %and3A = arith.constant -65536 : i32
        %and3A_616 = vector.broadcast %and3A : i32 to vector<16xi32>
        %and3A_617 = arith.andi %bitcast_convert_type3A, %and3A_616 : vector<16xi32>
        %bitcast_convert_type3A_618 = tpu.bitcast %and3A_617 : vector<16xi32> -> vector<16xf32>
        %slice3A = vector.extract_strided_slice %select_n3A_604 {offsets = [0], sizes = [1], strides = [1]} : vector<16xf32> to vector<1xf32>
        %squeeze3A = vector.extract %slice3A[0] : f32 from vector<1xf32>
        %slice3A_619 = vector.extract_strided_slice %select_n3A_604 {offsets = [1], sizes = [1], strides = [1]} : vector<16xf32> to vector<1xf32>
        %squeeze3A_620 = vector.extract %slice3A_619[0] : f32 from vector<1xf32>
        %broadcast_in_dim3A_621 = vector.broadcast %squeeze3A : f32 to vector<16xf32>
        %broadcast_in_dim3A_622 = vector.broadcast %squeeze3A_620 : f32 to vector<16xf32>
        %select_n3A_623 = arith.select %lt3A_5, %broadcast_in_dim3A_621, %broadcast_in_dim3A_622 : vector<16xi1>, vector<16xf32>
        %mul3A_624 = arith.mulf %bitcast_convert_type3A_615, %select_n3A_623 : vector<16xf32>
        %swap3A_625 = arith.index_cast %scan3A_589 : i32 to index
        %swap3A_626 = arith.constant 0 : index
        %swap3A_627 = tpu.vector_load %arg18[%swap3A_625, %swap3A_626] {strides = array<i32>} : memref<72x144xf32, #tpu.memory_space<vmem>>, vector<1x16xf32>,
        %swap3A_628 = vector.shape_cast %swap3A_627 : vector<1x16xf32> to vector<16xf32>
        %swap3A_629 = vector.shape_cast %mul3A_624 : vector<16xf32> to vector<1x16xf32>
        tpu.vector_store %arg18[%swap3A_625, %swap3A_626], %swap3A_629 {strides = array<i32>} : memref<72x144xf32, #tpu.memory_space<vmem>>, vector<1x16xf32>,
        %mul3A_630 = arith.mulf %bitcast_convert_type3A_618, %select_n3A_623 : vector<16xf32>
        %swap3A_631 = arith.index_cast %scan3A_589 : i32 to index
        %swap3A_632 = arith.constant 64 : index
        %swap3A_633 = tpu.vector_load %arg18[%swap3A_631, %swap3A_632] {strides = array<i32>} : memref<72x144xf32, #tpu.memory_space<vmem>>, vector<1x16xf32>,
        %swap3A_634 = vector.shape_cast %swap3A_633 : vector<1x16xf32> to vector<16xf32>
        %swap3A_635 = vector.shape_cast %mul3A_630 : vector<16xf32> to vector<1x16xf32>
        tpu.vector_store %arg18[%swap3A_631, %swap3A_632], %swap3A_635 {strides = array<i32>} : memref<72x144xf32, #tpu.memory_space<vmem>>, vector<1x16xf32>,
        %get3A_636 = arith.index_cast %scan3A_589 : i32 to index
        %get3A_637 = arith.constant 16 : index
        %get3A_638 = tpu.vector_load %arg16[%get3A_636, %get3A_637] {strides = array<i32>} : memref<72x80xf32, #tpu.memory_space<vmem>>, vector<1x16xf32>,
        %get3A_639 = vector.shape_cast %get3A_638 : vector<1x16xf32> to vector<16xf32>
        %bitcast_convert_type3A_640 = tpu.bitcast %get3A_639 : vector<16xf32> -> vector<16xi32>
        %shift_left3A_641 = arith.constant 16 : i32
        %shift_left3A_642 = vector.broadcast %shift_left3A_641 : i32 to vector<16xi32>
        %shift_left3A_643 = arith.shli %bitcast_convert_type3A_640, %shift_left3A_642 : vector<16xi32>
        %bitcast_convert_type3A_644 = tpu.bitcast %shift_left3A_643 : vector<16xi32> -> vector<16xf32>
        %and3A_645 = arith.constant -65536 : i32
        %and3A_646 = vector.broadcast %and3A_645 : i32 to vector<16xi32>
        %and3A_647 = arith.andi %bitcast_convert_type3A_640, %and3A_646 : vector<16xi32>
        %bitcast_convert_type3A_648 = tpu.bitcast %and3A_647 : vector<16xi32> -> vector<16xf32>
        %slice3A_649 = vector.extract_strided_slice %select_n3A_604 {offsets = [2], sizes = [1], strides = [1]} : vector<16xf32> to vector<1xf32>
        %squeeze3A_650 = vector.extract %slice3A_649[0] : f32 from vector<1xf32>
        %slice3A_651 = vector.extract_strided_slice %select_n3A_604 {offsets = [3], sizes = [1], strides = [1]} : vector<16xf32> to vector<1xf32>
        %squeeze3A_652 = vector.extract %slice3A_651[0] : f32 from vector<1xf32>
        %broadcast_in_dim3A_653 = vector.broadcast %squeeze3A_650 : f32 to vector<16xf32>
        %broadcast_in_dim3A_654 = vector.broadcast %squeeze3A_652 : f32 to vector<16xf32>
        %select_n3A_655 = arith.select %lt3A_5, %broadcast_in_dim3A_653, %broadcast_in_dim3A_654 : vector<16xi1>, vector<16xf32>
        %mul3A_656 = arith.mulf %bitcast_convert_type3A_644, %select_n3A_655 : vector<16xf32>
        %swap3A_657 = arith.index_cast %scan3A_589 : i32 to index
        %swap3A_658 = arith.constant 16 : index
        %swap3A_659 = tpu.vector_load %arg18[%swap3A_657, %swap3A_658] {strides = array<i32>} : memref<72x144xf32, #tpu.memory_space<vmem>>, vector<1x16xf32>,
        %swap3A_660 = vector.shape_cast %swap3A_659 : vector<1x16xf32> to vector<16xf32>
        %swap3A_661 = vector.shape_cast %mul3A_656 : vector<16xf32> to vector<1x16xf32>
        tpu.vector_store %arg18[%swap3A_657, %swap3A_658], %swap3A_661 {strides = array<i32>} : memref<72x144xf32, #tpu.memory_space<vmem>>, vector<1x16xf32>,
        %mul3A_662 = arith.mulf %bitcast_convert_type3A_648, %select_n3A_655 : vector<16xf32>
        %swap3A_663 = arith.index_cast %scan3A_589 : i32 to index
        %swap3A_664 = arith.constant 80 : index
        %swap3A_665 = tpu.vector_load %arg18[%swap3A_663, %swap3A_664] {strides = array<i32>} : memref<72x144xf32, #tpu.memory_space<vmem>>, vector<1x16xf32>,
        %swap3A_666 = vector.shape_cast %swap3A_665 : vector<1x16xf32> to vector<16xf32>
        %swap3A_667 = vector.shape_cast %mul3A_662 : vector<16xf32> to vector<1x16xf32>
        tpu.vector_store %arg18[%swap3A_663, %swap3A_664], %swap3A_667 {strides = array<i32>} : memref<72x144xf32, #tpu.memory_space<vmem>>, vector<1x16xf32>,
        %get3A_668 = arith.index_cast %scan3A_589 : i32 to index
        %get3A_669 = arith.constant 32 : index
        %get3A_670 = tpu.vector_load %arg16[%get3A_668, %get3A_669] {strides = array<i32>} : memref<72x80xf32, #tpu.memory_space<vmem>>, vector<1x16xf32>,
        %get3A_671 = vector.shape_cast %get3A_670 : vector<1x16xf32> to vector<16xf32>
        %bitcast_convert_type3A_672 = tpu.bitcast %get3A_671 : vector<16xf32> -> vector<16xi32>
        %shift_left3A_673 = arith.constant 16 : i32
        %shift_left3A_674 = vector.broadcast %shift_left3A_673 : i32 to vector<16xi32>
        %shift_left3A_675 = arith.shli %bitcast_convert_type3A_672, %shift_left3A_674 : vector<16xi32>
        %bitcast_convert_type3A_676 = tpu.bitcast %shift_left3A_675 : vector<16xi32> -> vector<16xf32>
        %and3A_677 = arith.constant -65536 : i32
        %and3A_678 = vector.broadcast %and3A_677 : i32 to vector<16xi32>
        %and3A_679 = arith.andi %bitcast_convert_type3A_672, %and3A_678 : vector<16xi32>
        %bitcast_convert_type3A_680 = tpu.bitcast %and3A_679 : vector<16xi32> -> vector<16xf32>
        %slice3A_681 = vector.extract_strided_slice %select_n3A_604 {offsets = [4], sizes = [1], strides = [1]} : vector<16xf32> to vector<1xf32>
        %squeeze3A_682 = vector.extract %slice3A_681[0] : f32 from vector<1xf32>
        %slice3A_683 = vector.extract_strided_slice %select_n3A_604 {offsets = [5], sizes = [1], strides = [1]} : vector<16xf32> to vector<1xf32>
        %squeeze3A_684 = vector.extract %slice3A_683[0] : f32 from vector<1xf32>
        %broadcast_in_dim3A_685 = vector.broadcast %squeeze3A_682 : f32 to vector<16xf32>
        %broadcast_in_dim3A_686 = vector.broadcast %squeeze3A_684 : f32 to vector<16xf32>
        %select_n3A_687 = arith.select %lt3A_5, %broadcast_in_dim3A_685, %broadcast_in_dim3A_686 : vector<16xi1>, vector<16xf32>
        %mul3A_688 = arith.mulf %bitcast_convert_type3A_676, %select_n3A_687 : vector<16xf32>
        %swap3A_689 = arith.index_cast %scan3A_589 : i32 to index
        %swap3A_690 = arith.constant 32 : index
        %swap3A_691 = tpu.vector_load %arg18[%swap3A_689, %swap3A_690] {strides = array<i32>} : memref<72x144xf32, #tpu.memory_space<vmem>>, vector<1x16xf32>,
        %swap3A_692 = vector.shape_cast %swap3A_691 : vector<1x16xf32> to vector<16xf32>
        %swap3A_693 = vector.shape_cast %mul3A_688 : vector<16xf32> to vector<1x16xf32>
        tpu.vector_store %arg18[%swap3A_689, %swap3A_690], %swap3A_693 {strides = array<i32>} : memref<72x144xf32, #tpu.memory_space<vmem>>, vector<1x16xf32>,
        %mul3A_694 = arith.mulf %bitcast_convert_type3A_680, %select_n3A_687 : vector<16xf32>
        %swap3A_695 = arith.index_cast %scan3A_589 : i32 to index
        %swap3A_696 = arith.constant 96 : index
        %swap3A_697 = tpu.vector_load %arg18[%swap3A_695, %swap3A_696] {strides = array<i32>} : memref<72x144xf32, #tpu.memory_space<vmem>>, vector<1x16xf32>,
        %swap3A_698 = vector.shape_cast %swap3A_697 : vector<1x16xf32> to vector<16xf32>
        %swap3A_699 = vector.shape_cast %mul3A_694 : vector<16xf32> to vector<1x16xf32>
        tpu.vector_store %arg18[%swap3A_695, %swap3A_696], %swap3A_699 {strides = array<i32>} : memref<72x144xf32, #tpu.memory_space<vmem>>, vector<1x16xf32>,
        %get3A_700 = arith.index_cast %scan3A_589 : i32 to index
        %get3A_701 = arith.constant 48 : index
        %get3A_702 = tpu.vector_load %arg16[%get3A_700, %get3A_701] {strides = array<i32>} : memref<72x80xf32, #tpu.memory_space<vmem>>, vector<1x16xf32>,
        %get3A_703 = vector.shape_cast %get3A_702 : vector<1x16xf32> to vector<16xf32>
        %bitcast_convert_type3A_704 = tpu.bitcast %get3A_703 : vector<16xf32> -> vector<16xi32>
        %shift_left3A_705 = arith.constant 16 : i32
        %shift_left3A_706 = vector.broadcast %shift_left3A_705 : i32 to vector<16xi32>
        %shift_left3A_707 = arith.shli %bitcast_convert_type3A_704, %shift_left3A_706 : vector<16xi32>
        %bitcast_convert_type3A_708 = tpu.bitcast %shift_left3A_707 : vector<16xi32> -> vector<16xf32>
        %and3A_709 = arith.constant -65536 : i32
        %and3A_710 = vector.broadcast %and3A_709 : i32 to vector<16xi32>
        %and3A_711 = arith.andi %bitcast_convert_type3A_704, %and3A_710 : vector<16xi32>
        %bitcast_convert_type3A_712 = tpu.bitcast %and3A_711 : vector<16xi32> -> vector<16xf32>
        %slice3A_713 = vector.extract_strided_slice %select_n3A_604 {offsets = [6], sizes = [1], strides = [1]} : vector<16xf32> to vector<1xf32>
        %squeeze3A_714 = vector.extract %slice3A_713[0] : f32 from vector<1xf32>
        %slice3A_715 = vector.extract_strided_slice %select_n3A_604 {offsets = [7], sizes = [1], strides = [1]} : vector<16xf32> to vector<1xf32>
        %squeeze3A_716 = vector.extract %slice3A_715[0] : f32 from vector<1xf32>
        %broadcast_in_dim3A_717 = vector.broadcast %squeeze3A_714 : f32 to vector<16xf32>
        %broadcast_in_dim3A_718 = vector.broadcast %squeeze3A_716 : f32 to vector<16xf32>
        %select_n3A_719 = arith.select %lt3A_5, %broadcast_in_dim3A_717, %broadcast_in_dim3A_718 : vector<16xi1>, vector<16xf32>
        %mul3A_720 = arith.mulf %bitcast_convert_type3A_708, %select_n3A_719 : vector<16xf32>
        %swap3A_721 = arith.index_cast %scan3A_589 : i32 to index
        %swap3A_722 = arith.constant 48 : index
        %swap3A_723 = tpu.vector_load %arg18[%swap3A_721, %swap3A_722] {strides = array<i32>} : memref<72x144xf32, #tpu.memory_space<vmem>>, vector<1x16xf32>,
        %swap3A_724 = vector.shape_cast %swap3A_723 : vector<1x16xf32> to vector<16xf32>
        %swap3A_725 = vector.shape_cast %mul3A_720 : vector<16xf32> to vector<1x16xf32>
        tpu.vector_store %arg18[%swap3A_721, %swap3A_722], %swap3A_725 {strides = array<i32>} : memref<72x144xf32, #tpu.memory_space<vmem>>, vector<1x16xf32>,
        %mul3A_726 = arith.mulf %bitcast_convert_type3A_712, %select_n3A_719 : vector<16xf32>
        %swap3A_727 = arith.index_cast %scan3A_589 : i32 to index
        %swap3A_728 = arith.constant 112 : index
        %swap3A_729 = tpu.vector_load %arg18[%swap3A_727, %swap3A_728] {strides = array<i32>} : memref<72x144xf32, #tpu.memory_space<vmem>>, vector<1x16xf32>,
        %swap3A_730 = vector.shape_cast %swap3A_729 : vector<1x16xf32> to vector<16xf32>
        %swap3A_731 = vector.shape_cast %mul3A_726 : vector<16xf32> to vector<1x16xf32>
        tpu.vector_store %arg18[%swap3A_727, %swap3A_728], %swap3A_731 {strides = array<i32>} : memref<72x144xf32, #tpu.memory_space<vmem>>, vector<1x16xf32>,
      }
      %scan3A_565 = arith.constant 72 : i32
      %dma_start3A_566 = arith.constant 0 : i32
      %dma_start3A_567 = arith.constant 0 : i32
      %dma_start3A_568 = tpu.memref_slice %arg21[%dma_start3A_566, %dma_start3A_567] : memref<10240x144xf32, #tpu.memory_space<vmem_shared>> -> memref<10240x144xf32, #tpu.memory_space<vmem_shared>>
      tpu.enqueue_indirect_dma source(%arg18 : memref<72x144xf32, #tpu.memory_space<vmem>>) target(%dma_start3A_568 : memref<10240x144xf32, #tpu.memory_space<vmem_shared>>) offsets(%arg14 : memref<72xi32, #tpu.memory_space<vmem>>) semaphore(%arg25 : memref<!tpu.dma_semaphore, #tpu.memory_space<semaphore_mem>>) {add = true}
      %dma_wait3A_569 = arith.constant 0 : i32
      %dma_wait3A_570 = arith.constant 0 : i32
      %dma_wait3A_571 = tpu.memref_slice %arg4[%add3A, %dma_wait3A_569, %dma_wait3A_570] : memref<32x140x72xi32, #tpu.memory_space<hbm>> -> memref<1x1x72xi32, #tpu.memory_space<hbm>>
      %dma_wait3A_572 = tpu.memref_squeeze %dma_wait3A_571 : memref<1x1x72xi32, #tpu.memory_space<hbm>> -> memref<72xi32, #tpu.memory_space<hbm>>
      %dma_wait3A_573 = arith.constant 0 : i32
      %dma_wait3A_574 = tpu.memref_slice %arg4[%add3A, %dma_wait3A_569, %dma_wait3A_573] : memref<32x140x72xi32, #tpu.memory_space<hbm>> -> memref<1x1x72xi32, #tpu.memory_space<hbm>>
      %dma_wait3A_575 = tpu.memref_squeeze %dma_wait3A_574 : memref<1x1x72xi32, #tpu.memory_space<hbm>> -> memref<72xi32, #tpu.memory_space<hbm>>
      tpu.wait_dma2 semaphore(%arg27 : memref<!tpu.dma_semaphore, #tpu.memory_space<semaphore_mem>>) src(%dma_wait3A_575 : memref<72xi32, #tpu.memory_space<hbm>>) dst(%arg8 : memref<72xi32, #tpu.memory_space<vmem>>)
      %dma_wait3A_576 = arith.constant 0 : i32
      %dma_wait3A_577 = arith.constant 0 : i32
      %dma_wait3A_578 = tpu.memref_slice %arg5[%add3A, %dma_wait3A_576, %dma_wait3A_577] : memref<32x140x72xi32, #tpu.memory_space<hbm>> -> memref<1x1x72xi32, #tpu.memory_space<hbm>>
      %dma_wait3A_579 = tpu.memref_squeeze %dma_wait3A_578 : memref<1x1x72xi32, #tpu.memory_space<hbm>> -> memref<72xi32, #tpu.memory_space<hbm>>
      %dma_wait3A_580 = arith.constant 0 : i32
      %dma_wait3A_581 = tpu.memref_slice %arg5[%add3A, %dma_wait3A_576, %dma_wait3A_580] : memref<32x140x72xi32, #tpu.memory_space<hbm>> -> memref<1x1x72xi32, #tpu.memory_space<hbm>>
      %dma_wait3A_582 = tpu.memref_squeeze %dma_wait3A_581 : memref<1x1x72xi32, #tpu.memory_space<hbm>> -> memref<72xi32, #tpu.memory_space<hbm>>
      tpu.wait_dma2 semaphore(%arg27 : memref<!tpu.dma_semaphore, #tpu.memory_space<semaphore_mem>>) src(%dma_wait3A_582 : memref<72xi32, #tpu.memory_space<hbm>>) dst(%arg12 : memref<72xi32, #tpu.memory_space<vmem>>)
      %dma_start3A_583 = arith.constant 0 : i32
      %dma_start3A_584 = arith.constant 0 : i32
      %dma_start3A_585 = tpu.memref_slice %arg2[%dma_start3A_583, %dma_start3A_584] : memref<10000x80xf32, #tpu.memory_space<hbm>> -> memref<10000x80xf32, #tpu.memory_space<hbm>>
      tpu.enqueue_indirect_dma source(%dma_start3A_585 : memref<10000x80xf32, #tpu.memory_space<hbm>>) target(%arg16 : memref<72x80xf32, #tpu.memory_space<vmem>>) offsets(%arg8 : memref<72xi32, #tpu.memory_space<vmem>>) semaphore(%arg23 : memref<!tpu.dma_semaphore, #tpu.memory_space<semaphore_mem>>)
      %dma_start3A_586 = arith.constant 0 : i32
      %dma_start3A_587 = arith.constant 0 : i32
      %dma_start3A_588 = tpu.memref_slice %arg3[%dma_start3A_586, %dma_start3A_587] : memref<10240x16xf32, #tpu.memory_space<hbm>> -> memref<10240x16xf32, #tpu.memory_space<hbm>>
      tpu.enqueue_indirect_dma source(%dma_start3A_588 : memref<10240x16xf32, #tpu.memory_space<hbm>>) target(%arg20 : memref<72x16xf32, #tpu.memory_space<vmem>>) offsets(%arg12 : memref<72xi32, #tpu.memory_space<vmem>>) semaphore(%arg23 : memref<!tpu.dma_semaphore, #tpu.memory_space<semaphore_mem>>)
    }
    %scan3A_338 = arith.constant 34 : i32
    %dma_wait3A_339 = arith.constant 0 : i32
    %dma_wait3A_340 = arith.constant 0 : i32
    %dma_wait3A_341 = tpu.memref_slice %arg21[%dma_wait3A_339, %dma_wait3A_340] : memref<10240x144xf32, #tpu.memory_space<vmem_shared>> -> memref<10240x144xf32, #tpu.memory_space<vmem_shared>>
    tpu.wait_indirect_dma semaphore(%arg24 : memref<!tpu.dma_semaphore, #tpu.memory_space<semaphore_mem>>) src(%arg17 : memref<72x144xf32, #tpu.memory_space<vmem>>) dst(%dma_wait3A_341 : memref<10240x144xf32, #tpu.memory_space<vmem_shared>>)
    %dma_wait3A_342 = arith.constant 0 : i32
    %dma_wait3A_343 = arith.constant 0 : i32
    %dma_wait3A_344 = tpu.memref_slice %arg21[%dma_wait3A_342, %dma_wait3A_343] : memref<10240x144xf32, #tpu.memory_space<vmem_shared>> -> memref<10240x144xf32, #tpu.memory_space<vmem_shared>>
    tpu.wait_indirect_dma semaphore(%arg25 : memref<!tpu.dma_semaphore, #tpu.memory_space<semaphore_mem>>) src(%arg18 : memref<72x144xf32, #tpu.memory_space<vmem>>) dst(%dma_wait3A_344 : memref<10240x144xf32, #tpu.memory_space<vmem_shared>>)
    %dma_wait3A_345 = arith.constant 0 : i32
    %dma_wait3A_346 = arith.constant 0 : i32
    %dma_wait3A_347 = tpu.memref_slice %arg2[%dma_wait3A_345, %dma_wait3A_346] : memref<10000x80xf32, #tpu.memory_space<hbm>> -> memref<10000x80xf32, #tpu.memory_space<hbm>>
    tpu.wait_indirect_dma semaphore(%arg22 : memref<!tpu.dma_semaphore, #tpu.memory_space<semaphore_mem>>) src(%dma_wait3A_347 : memref<10000x80xf32, #tpu.memory_space<hbm>>) dst(%arg15 : memref<72x80xf32, #tpu.memory_space<vmem>>)
    %dma_wait3A_348 = arith.constant 0 : i32
    %dma_wait3A_349 = arith.constant 0 : i32
    %dma_wait3A_350 = tpu.memref_slice %arg3[%dma_wait3A_348, %dma_wait3A_349] : memref<10240x16xf32, #tpu.memory_space<hbm>> -> memref<10240x16xf32, #tpu.memory_space<hbm>>
    tpu.wait_indirect_dma semaphore(%arg22 : memref<!tpu.dma_semaphore, #tpu.memory_space<semaphore_mem>>) src(%dma_wait3A_350 : memref<10240x16xf32, #tpu.memory_space<hbm>>) dst(%arg19 : memref<72x16xf32, #tpu.memory_space<vmem>>)
    %dma_wait3A_351 = arith.constant 0 : i32
    %dma_wait3A_352 = arith.constant 0 : i32
    %dma_wait3A_353 = tpu.memref_slice %arg2[%dma_wait3A_351, %dma_wait3A_352] : memref<10000x80xf32, #tpu.memory_space<hbm>> -> memref<10000x80xf32, #tpu.memory_space<hbm>>
    tpu.wait_indirect_dma semaphore(%arg23 : memref<!tpu.dma_semaphore, #tpu.memory_space<semaphore_mem>>) src(%dma_wait3A_353 : memref<10000x80xf32, #tpu.memory_space<hbm>>) dst(%arg16 : memref<72x80xf32, #tpu.memory_space<vmem>>)
    %dma_wait3A_354 = arith.constant 0 : i32
    %dma_wait3A_355 = arith.constant 0 : i32
    %dma_wait3A_356 = tpu.memref_slice %arg3[%dma_wait3A_354, %dma_wait3A_355] : memref<10240x16xf32, #tpu.memory_space<hbm>> -> memref<10240x16xf32, #tpu.memory_space<hbm>>
    tpu.wait_indirect_dma semaphore(%arg23 : memref<!tpu.dma_semaphore, #tpu.memory_space<semaphore_mem>>) src(%dma_wait3A_356 : memref<10240x16xf32, #tpu.memory_space<hbm>>) dst(%arg20 : memref<72x16xf32, #tpu.memory_space<vmem>>)
    %barrier3A_357 = arith.constant 0 : index
    tpu.barrier barrier_id(%barrier3A_357)
    %mul3A_358 = arith.constant 640 : i32
    %mul3A_359 = arith.muli %arg1, %mul3A_358 : i32
    %mul3A_360 = arith.constant 640 : i32
    %mul3A_361 = arith.muli %arg1, %mul3A_360 : i32
    "tpu.region"() ({
      %run_scoped3A = tpu.sem_alloc : memref<!tpu.dma_semaphore, #tpu.memory_space<semaphore_mem>>
      %dma_start3A_362 = arith.constant 0 : i32
      %dma_start3A_363 = tpu.memref_slice %arg6[%arg0, %mul3A_361, %dma_start3A_362] : memref<2x10240x144xf32, #tpu.memory_space<hbm>> -> memref<1x640x144xf32, #tpu.memory_space<hbm>>
      %dma_start3A_364 = tpu.memref_squeeze %dma_start3A_363 : memref<1x640x144xf32, #tpu.memory_space<hbm>> -> memref<640x144xf32, #tpu.memory_space<hbm>>
      %dma_start3A_365 = arith.constant 0 : i32
      %dma_start3A_366 = tpu.memref_slice %arg21[%mul3A_359, %dma_start3A_365] : memref<10240x144xf32, #tpu.memory_space<vmem_shared>> -> memref<640x144xf32, #tpu.memory_space<vmem_shared>>
      tpu.enqueue_dma source(%dma_start3A_366 : memref<640x144xf32, #tpu.memory_space<vmem_shared>>) target(%dma_start3A_364 : memref<640x144xf32, #tpu.memory_space<hbm>>) target_semaphore(%run_scoped3A : memref<!tpu.dma_semaphore, #tpu.memory_space<semaphore_mem>>)
      %dma_wait3A_367 = arith.constant 0 : i32
      %dma_wait3A_368 = tpu.memref_slice %arg6[%arg0, %mul3A_361, %dma_wait3A_367] : memref<2x10240x144xf32, #tpu.memory_space<hbm>> -> memref<1x640x144xf32, #tpu.memory_space<hbm>>
      %dma_wait3A_369 = tpu.memref_squeeze %dma_wait3A_368 : memref<1x640x144xf32, #tpu.memory_space<hbm>> -> memref<640x144xf32, #tpu.memory_space<hbm>>
      %dma_wait3A_370 = arith.constant 0 : i32
      %dma_wait3A_371 = tpu.memref_slice %arg21[%mul3A_359, %dma_wait3A_370] : memref<10240x144xf32, #tpu.memory_space<vmem_shared>> -> memref<640x144xf32, #tpu.memory_space<vmem_shared>>
      tpu.wait_dma2 semaphore(%run_scoped3A : memref<!tpu.dma_semaphore, #tpu.memory_space<semaphore_mem>>) src(%dma_wait3A_371 : memref<640x144xf32, #tpu.memory_space<vmem_shared>>) dst(%dma_wait3A_369 : memref<640x144xf32, #tpu.memory_space<hbm>>)
      tpu.yield
    }) : () -> ()
    return
  }
}

module attributes {stable_mosaic.version = 14 : i64} {
  func.func @_pre_body(%arg0: i32, %arg1: memref<1000x128xf32, #tpu.memory_space<vmem>>, %arg2: memref<128x128xf32, #tpu.memory_space<vmem>>, %arg3: memref<128x128xf32, #tpu.memory_space<vmem>>, %arg4: memref<128x128xf32, #tpu.memory_space<vmem>>, %arg5: memref<1x128xf32, #tpu.memory_space<vmem>>, %arg6: memref<1x128xf32, #tpu.memory_space<vmem>>, %arg7: memref<1x128xf32, #tpu.memory_space<vmem>>, %arg8: memref<1x128xf32, #tpu.memory_space<vmem>>, %arg9: memref<1000x80xf32, #tpu.memory_space<vmem>>, %arg10: memref<1000x16xf32, #tpu.memory_space<vmem>>) attributes {dimension_semantics = [#tpu.dimension_semantics<arbitrary>], iteration_bounds = array<i64: 10>, scalar_prefetch = 0 : i64, scratch_operands = 0 : i64, tpu.core_type = #tpu.core_type<tc>, window_params = [{transform_indices = @transform_0, window_bounds = array<i64: 1000, 128>}, {pipeline_mode = #tpu.pipeline_mode<synchronous>, transform_indices = @transform_1, window_bounds = array<i64: 128, 128>}, {pipeline_mode = #tpu.pipeline_mode<synchronous>, transform_indices = @transform_2, window_bounds = array<i64: 128, 128>}, {pipeline_mode = #tpu.pipeline_mode<synchronous>, transform_indices = @transform_3, window_bounds = array<i64: 128, 128>}, {pipeline_mode = #tpu.pipeline_mode<synchronous>, transform_indices = @transform_4, window_bounds = array<i64: 1, 128>}, {pipeline_mode = #tpu.pipeline_mode<synchronous>, transform_indices = @transform_5, window_bounds = array<i64: 1, 128>}, {pipeline_mode = #tpu.pipeline_mode<synchronous>, transform_indices = @transform_6, window_bounds = array<i64: 1, 128>}, {pipeline_mode = #tpu.pipeline_mode<synchronous>, transform_indices = @transform_7, window_bounds = array<i64: 1, 128>}, {transform_indices = @transform_8, window_bounds = array<i64: 1000, 80>}, {transform_indices = @transform_9, window_bounds = array<i64: 1000, 16>}]} {
    %get3A = arith.constant 0 : index
    %get3A_0 = arith.constant 0 : index
    %get3A_1 = vector.load %arg1[%get3A, %get3A_0] : memref<1000x128xf32, #tpu.memory_space<vmem>>, vector<1000x128xf32>
    %get3A_2 = arith.constant 0 : index
    %get3A_3 = arith.constant 0 : index
    %get3A_4 = vector.load %arg7[%get3A_2, %get3A_3] : memref<1x128xf32, #tpu.memory_space<vmem>>, vector<1x128xf32>
    %get3A_5 = arith.constant 0 : index
    %get3A_6 = arith.constant 0 : index
    %get3A_7 = vector.load %arg8[%get3A_5, %get3A_6] : memref<1x128xf32, #tpu.memory_space<vmem>>, vector<1x128xf32>
    %reduce_sum3A = arith.constant dense<0.000000e+00> : vector<1000xf32>
    %reduce_sum3A_8 = vector.multi_reduction <add>, %get3A_1, %reduce_sum3A [1] : vector<1000x128xf32> to vector<1000xf32>
    %broadcast_in_dim3A = vector.shape_cast %reduce_sum3A_8 : vector<1000xf32> to vector<1000x1xf32>
    %div3A = arith.constant 1.280000e+02 : f32
    %div3A_9 = vector.broadcast %div3A : f32 to vector<1000x1xf32>
    %div3A_10 = arith.divf %broadcast_in_dim3A, %div3A_9 : vector<1000x1xf32>
    %sub3A = vector.broadcast %div3A_10 : vector<1000x1xf32> to vector<1000x128xf32>
    %sub3A_11 = arith.subf %get3A_1, %sub3A : vector<1000x128xf32>
    %mul3A = arith.mulf %sub3A_11, %sub3A_11 : vector<1000x128xf32>
    %reduce_sum3A_12 = arith.constant dense<0.000000e+00> : vector<1000xf32>
    %reduce_sum3A_13 = vector.multi_reduction <add>, %mul3A, %reduce_sum3A_12 [1] : vector<1000x128xf32> to vector<1000xf32>
    %broadcast_in_dim3A_14 = vector.shape_cast %reduce_sum3A_13 : vector<1000xf32> to vector<1000x1xf32>
    %mul3A_15 = arith.constant 0.00787401571 : f32
    %mul3A_16 = vector.broadcast %mul3A_15 : f32 to vector<1000x1xf32>
    %mul3A_17 = arith.mulf %broadcast_in_dim3A_14, %mul3A_16 : vector<1000x1xf32>
    %mul3A_18 = vector.broadcast %get3A_4 : vector<1x128xf32> to vector<1000x128xf32>
    %mul3A_19 = arith.mulf %mul3A_18, %sub3A_11 : vector<1000x128xf32>
    %sqrt3A = math.sqrt %mul3A_17 : vector<1000x1xf32>
    %add3A = arith.constant 9.99999997E-7 : f32
    %add3A_20 = vector.broadcast %add3A : f32 to vector<1000x1xf32>
    %add3A_21 = arith.addf %sqrt3A, %add3A_20 : vector<1000x1xf32>
    %div3A_22 = vector.broadcast %add3A_21 : vector<1000x1xf32> to vector<1000x128xf32>
    %div3A_23 = arith.divf %mul3A_19, %div3A_22 : vector<1000x128xf32>
    %add3A_24 = vector.broadcast %get3A_7 : vector<1x128xf32> to vector<1000x128xf32>
    %add3A_25 = arith.addf %div3A_23, %add3A_24 : vector<1000x128xf32>
    %get3A_26 = arith.constant 0 : index
    %get3A_27 = arith.constant 0 : index
    %get3A_28 = vector.load %arg2[%get3A_26, %get3A_27] : memref<128x128xf32, #tpu.memory_space<vmem>>, vector<128x128xf32>
    %dot_general3A = arith.constant dense<0.000000e+00> : vector<1000x128xf32>
    %dot_general3A_29 = tpu.matmul %add3A_25, %get3A_28, %dot_general3A {dimension_numbers = #tpu.dot_dimension_numbers<[1], [1], [0], [0], [0, 0, 1, 0], [], []>, transpose_lhs_hint = false} : vector<1000x128xf32>, vector<128x128xf32>, vector<1000x128xf32> -> vector<1000x128xf32>
    %tanh3A = math.tanh %dot_general3A_29 : vector<1000x128xf32>
    %get3A_30 = arith.constant 0 : index
    %get3A_31 = arith.constant 0 : index
    %get3A_32 = vector.load %arg3[%get3A_30, %get3A_31] : memref<128x128xf32, #tpu.memory_space<vmem>>, vector<128x128xf32>
    %dot_general3A_33 = arith.constant dense<0.000000e+00> : vector<1000x128xf32>
    %dot_general3A_34 = tpu.matmul %add3A_25, %get3A_32, %dot_general3A_33 {dimension_numbers = #tpu.dot_dimension_numbers<[1], [1], [0], [0], [0, 0, 1, 0], [], []>, transpose_lhs_hint = false} : vector<1000x128xf32>, vector<128x128xf32>, vector<1000x128xf32> -> vector<1000x128xf32>
    %tanh3A_35 = math.tanh %dot_general3A_34 : vector<1000x128xf32>
    %get3A_36 = arith.constant 0 : index
    %get3A_37 = arith.constant 0 : index
    %get3A_38 = vector.load %arg4[%get3A_36, %get3A_37] : memref<128x128xf32, #tpu.memory_space<vmem>>, vector<128x128xf32>
    %dot_general3A_39 = arith.constant dense<0.000000e+00> : vector<1000x128xf32>
    %dot_general3A_40 = tpu.matmul %add3A_25, %get3A_38, %dot_general3A_39 {dimension_numbers = #tpu.dot_dimension_numbers<[1], [1], [0], [0], [0, 0, 1, 0], [], []>, transpose_lhs_hint = false} : vector<1000x128xf32>, vector<128x128xf32>, vector<1000x128xf32> -> vector<1000x128xf32>
    %iota3A = tpu.iota {dimensions = array<i32: 0>} : vector<128x8xi32>
    %jit3A = arith.constant 16 : i32
    %div3A_41 = vector.broadcast %jit3A : i32 to vector<128x8xi32>
    %div3A_42 = arith.divsi %iota3A, %div3A_41 : vector<128x8xi32>
    %sign3A = arith.constant 0 : i32
    %sign3A_43 = vector.broadcast %sign3A : i32 to vector<128x8xi32>
    %sign3A_44 = arith.cmpi sgt, %iota3A, %sign3A_43 : vector<128x8xi32>
    %sign3A_45 = arith.extui %sign3A_44 : vector<128x8xi1> to vector<128x8xi32>
    %sign3A_46 = arith.constant 0 : i32
    %sign3A_47 = vector.broadcast %sign3A_46 : i32 to vector<128x8xi32>
    %sign3A_48 = arith.cmpi slt, %iota3A, %sign3A_47 : vector<128x8xi32>
    %sign3A_49 = arith.extui %sign3A_48 : vector<128x8xi1> to vector<128x8xi32>
    %sign3A_50 = arith.subi %sign3A_45, %sign3A_49 : vector<128x8xi32>
    %sign3A_51 = arith.constant 0 : i32
    %sign3A_52 = arith.cmpi sgt, %jit3A, %sign3A_51 : i32
    %sign3A_53 = arith.extui %sign3A_52 : i1 to i32
    %sign3A_54 = arith.constant 0 : i32
    %sign3A_55 = arith.cmpi slt, %jit3A, %sign3A_54 : i32
    %sign3A_56 = arith.extui %sign3A_55 : i1 to i32
    %sign3A_57 = arith.subi %sign3A_53, %sign3A_56 : i32
    %ne3A = vector.broadcast %sign3A_57 : i32 to vector<128x8xi32>
    %ne3A_58 = arith.cmpi ne, %sign3A_50, %ne3A : vector<128x8xi32>
    %rem3A = vector.broadcast %jit3A : i32 to vector<128x8xi32>
    %rem3A_59 = arith.remsi %iota3A, %rem3A : vector<128x8xi32>
    %ne3A_60 = arith.constant 0 : i32
    %ne3A_61 = vector.broadcast %ne3A_60 : i32 to vector<128x8xi32>
    %ne3A_62 = arith.cmpi ne, %rem3A_59, %ne3A_61 : vector<128x8xi32>
    %and3A = arith.andi %ne3A_58, %ne3A_62 : vector<128x8xi1>
    %sub3A_63 = arith.constant 1 : i32
    %sub3A_64 = vector.broadcast %sub3A_63 : i32 to vector<128x8xi32>
    %sub3A_65 = arith.subi %div3A_42, %sub3A_64 : vector<128x8xi32>
    %select_n3A = arith.select %and3A, %sub3A_65, %div3A_42 : vector<128x8xi1>, vector<128x8xi32>
    %iota3A_66 = tpu.iota {dimensions = array<i32: 1>} : vector<128x8xi32>
    %eq3A = arith.cmpi eq, %select_n3A, %iota3A_66 : vector<128x8xi32>
    %convert_element_type3A = arith.extui %eq3A : vector<128x8xi1> to vector<128x8xi32>
    %convert_element_type3A_67 = arith.sitofp %convert_element_type3A : vector<128x8xi32> to vector<128x8xf32>
    %get3A_68 = arith.constant 0 : index
    %get3A_69 = arith.constant 0 : index
    %get3A_70 = vector.load %arg5[%get3A_68, %get3A_69] : memref<1x128xf32, #tpu.memory_space<vmem>>, vector<1x128xf32>
    %mul3A_71 = vector.broadcast %get3A_70 : vector<1x128xf32> to vector<1000x128xf32>
    %mul3A_72 = arith.mulf %tanh3A, %mul3A_71 : vector<1000x128xf32>
    %dot_general3A_73 = arith.constant dense<0.000000e+00> : vector<1000x8xf32>
    %dot_general3A_74 = tpu.matmul %mul3A_72, %convert_element_type3A_67, %dot_general3A_73 {dimension_numbers = #tpu.dot_dimension_numbers<[1], [0], [0], [1], [0, 0, 1, 1], [], []>, transpose_lhs_hint = false} : vector<1000x128xf32>, vector<128x8xf32>, vector<1000x8xf32> -> vector<1000x8xf32>
    %get3A_75 = arith.constant 0 : index
    %get3A_76 = arith.constant 0 : index
    %get3A_77 = vector.load %arg6[%get3A_75, %get3A_76] : memref<1x128xf32, #tpu.memory_space<vmem>>, vector<1x128xf32>
    %mul3A_78 = vector.broadcast %get3A_77 : vector<1x128xf32> to vector<1000x128xf32>
    %mul3A_79 = arith.mulf %tanh3A_35, %mul3A_78 : vector<1000x128xf32>
    %dot_general3A_80 = arith.constant dense<0.000000e+00> : vector<1000x8xf32>
    %dot_general3A_81 = tpu.matmul %mul3A_79, %convert_element_type3A_67, %dot_general3A_80 {dimension_numbers = #tpu.dot_dimension_numbers<[1], [0], [0], [1], [0, 0, 1, 1], [], []>, transpose_lhs_hint = false} : vector<1000x128xf32>, vector<128x8xf32>, vector<1000x8xf32> -> vector<1000x8xf32>
    %iota3A_82 = tpu.iota {dimensions = array<i32: 0>} : vector<128x64xi32>
    %iota3A_83 = tpu.iota {dimensions = array<i32: 1>} : vector<128x64xi32>
    %mul3A_84 = arith.constant 2 : i32
    %mul3A_85 = vector.broadcast %mul3A_84 : i32 to vector<128x64xi32>
    %mul3A_86 = arith.muli %mul3A_85, %iota3A_83 : vector<128x64xi32>
    %eq3A_87 = arith.cmpi eq, %iota3A_82, %mul3A_86 : vector<128x64xi32>
    %convert_element_type3A_88 = arith.extui %eq3A_87 : vector<128x64xi1> to vector<128x64xi32>
    %convert_element_type3A_89 = arith.sitofp %convert_element_type3A_88 : vector<128x64xi32> to vector<128x64xf32>
    %mul3A_90 = arith.constant 2 : i32
    %mul3A_91 = vector.broadcast %mul3A_90 : i32 to vector<128x64xi32>
    %mul3A_92 = arith.muli %mul3A_91, %iota3A_83 : vector<128x64xi32>
    %add3A_93 = arith.constant 1 : i32
    %add3A_94 = vector.broadcast %add3A_93 : i32 to vector<128x64xi32>
    %add3A_95 = arith.addi %mul3A_92, %add3A_94 : vector<128x64xi32>
    %eq3A_96 = arith.cmpi eq, %iota3A_82, %add3A_95 : vector<128x64xi32>
    %convert_element_type3A_97 = arith.extui %eq3A_96 : vector<128x64xi1> to vector<128x64xi32>
    %convert_element_type3A_98 = arith.sitofp %convert_element_type3A_97 : vector<128x64xi32> to vector<128x64xf32>
    %dot_general3A_99 = arith.constant dense<0.000000e+00> : vector<1000x64xf32>
    %dot_general3A_100 = tpu.matmul %dot_general3A_40, %convert_element_type3A_89, %dot_general3A_99 {dimension_numbers = #tpu.dot_dimension_numbers<[1], [0], [0], [1], [0, 0, 1, 1], [], []>, transpose_lhs_hint = false} : vector<1000x128xf32>, vector<128x64xf32>, vector<1000x64xf32> -> vector<1000x64xf32>
    %dot_general3A_101 = arith.constant dense<0.000000e+00> : vector<1000x64xf32>
    %dot_general3A_102 = tpu.matmul %dot_general3A_40, %convert_element_type3A_98, %dot_general3A_101 {dimension_numbers = #tpu.dot_dimension_numbers<[1], [0], [0], [1], [0, 0, 1, 1], [], []>, transpose_lhs_hint = false} : vector<1000x128xf32>, vector<128x64xf32>, vector<1000x64xf32> -> vector<1000x64xf32>
    %convert_element_type3A_103 = arith.truncf %dot_general3A_100 : vector<1000x64xf32> to vector<1000x64xbf16>
    %bitcast_convert_type3A = tpu.bitcast %convert_element_type3A_103 : vector<1000x64xbf16> -> vector<1000x64xi16>
    %convert_element_type3A_104 = arith.extui %bitcast_convert_type3A : vector<1000x64xi16> to vector<1000x64xi32>
    %convert_element_type3A_105 = arith.truncf %dot_general3A_102 : vector<1000x64xf32> to vector<1000x64xbf16>
    %bitcast_convert_type3A_106 = tpu.bitcast %convert_element_type3A_105 : vector<1000x64xbf16> -> vector<1000x64xi16>
    %convert_element_type3A_107 = arith.extui %bitcast_convert_type3A_106 : vector<1000x64xi16> to vector<1000x64xi32>
    %shift_left3A = arith.constant 16 : i32
    %shift_left3A_108 = vector.broadcast %shift_left3A : i32 to vector<1000x64xi32>
    %shift_left3A_109 = arith.shli %convert_element_type3A_107, %shift_left3A_108 : vector<1000x64xi32>
    %or3A = arith.ori %shift_left3A_109, %convert_element_type3A_104 : vector<1000x64xi32>
    %bitcast_convert_type3A_110 = tpu.bitcast %or3A : vector<1000x64xi32> -> vector<1000x64xf32>
    %broadcast_in_dim3A_111 = arith.constant 0.000000e+00 : f32
    %broadcast_in_dim3A_112 = vector.broadcast %broadcast_in_dim3A_111 : f32 to vector<1000x8xf32>
    %concatenate3A = tpu.concatenate %bitcast_convert_type3A_110, %dot_general3A_74, %broadcast_in_dim3A_112 in 1 : vector<1000x64xf32>, vector<1000x8xf32>, vector<1000x8xf32> -> vector<1000x80xf32>
    %swap3A = arith.constant 0 : index
    %swap3A_113 = arith.constant 0 : index
    %swap3A_114 = vector.load %arg9[%swap3A, %swap3A_113] : memref<1000x80xf32, #tpu.memory_space<vmem>>, vector<1000x80xf32>
    tpu.vector_store %arg9[%swap3A, %swap3A_113], %concatenate3A {strides = array<i32>} : memref<1000x80xf32, #tpu.memory_space<vmem>>, vector<1000x80xf32>,
    %concatenate3A_115 = tpu.concatenate %dot_general3A_81, %broadcast_in_dim3A_112 in 1 : vector<1000x8xf32>, vector<1000x8xf32> -> vector<1000x16xf32>
    %swap3A_116 = arith.constant 0 : index
    %swap3A_117 = arith.constant 0 : index
    %swap3A_118 = vector.load %arg10[%swap3A_116, %swap3A_117] : memref<1000x16xf32, #tpu.memory_space<vmem>>, vector<1000x16xf32>
    tpu.vector_store %arg10[%swap3A_116, %swap3A_117], %concatenate3A_115 {strides = array<i32>} : memref<1000x16xf32, #tpu.memory_space<vmem>>, vector<1000x16xf32>,
    return
  }
  func.func @transform_0(%arg0: i32) -> (i32, i32) {
    %c0_i32 = arith.constant 0 : i32
    %c0_i32_0 = arith.constant 0 : i32
    return %arg0, %c0_i32 : i32, i32
  }
  func.func @transform_1(%arg0: i32) -> (i32, i32) {
    %c0_i32 = arith.constant 0 : i32
    %c0_i32_0 = arith.constant 0 : i32
    %c0_i32_1 = arith.constant 0 : i32
    return %c0_i32, %c0_i32_0 : i32, i32
  }
  func.func @transform_2(%arg0: i32) -> (i32, i32) {
    %c0_i32 = arith.constant 0 : i32
    %c0_i32_0 = arith.constant 0 : i32
    %c0_i32_1 = arith.constant 0 : i32
    return %c0_i32, %c0_i32_0 : i32, i32
  }
  func.func @transform_3(%arg0: i32) -> (i32, i32) {
    %c0_i32 = arith.constant 0 : i32
    %c0_i32_0 = arith.constant 0 : i32
    %c0_i32_1 = arith.constant 0 : i32
    return %c0_i32, %c0_i32_0 : i32, i32
  }
  func.func @transform_4(%arg0: i32) -> (i32, i32) {
    %c0_i32 = arith.constant 0 : i32
    %c0_i32_0 = arith.constant 0 : i32
    %c0_i32_1 = arith.constant 0 : i32
    return %c0_i32, %c0_i32_0 : i32, i32
  }
  func.func @transform_5(%arg0: i32) -> (i32, i32) {
    %c0_i32 = arith.constant 0 : i32
    %c0_i32_0 = arith.constant 0 : i32
    %c0_i32_1 = arith.constant 0 : i32
    return %c0_i32, %c0_i32_0 : i32, i32
  }
  func.func @transform_6(%arg0: i32) -> (i32, i32) {
    %c0_i32 = arith.constant 0 : i32
    %c0_i32_0 = arith.constant 0 : i32
    %c0_i32_1 = arith.constant 0 : i32
    return %c0_i32, %c0_i32_0 : i32, i32
  }
  func.func @transform_7(%arg0: i32) -> (i32, i32) {
    %c0_i32 = arith.constant 0 : i32
    %c0_i32_0 = arith.constant 0 : i32
    %c0_i32_1 = arith.constant 0 : i32
    return %c0_i32, %c0_i32_0 : i32, i32
  }
  func.func @transform_8(%arg0: i32) -> (i32, i32) {
    %c0_i32 = arith.constant 0 : i32
    %c0_i32_0 = arith.constant 0 : i32
    return %arg0, %c0_i32 : i32, i32
  }
  func.func @transform_9(%arg0: i32) -> (i32, i32) {
    %c0_i32 = arith.constant 0 : i32
    %c0_i32_0 = arith.constant 0 : i32
    return %arg0, %c0_i32 : i32, i32
  }
}

module attributes {stable_mosaic.version = 14 : i64} {
  func.func @_post_body(%arg0: i32, %arg1: memref<1000x128xf32, #tpu.memory_space<vmem>>, %arg2: memref<1000x144xf32, #tpu.memory_space<vmem>>, %arg3: memref<1000x144xf32, #tpu.memory_space<vmem>>, %arg4: memref<1x128xf32, #tpu.memory_space<vmem>>, %arg5: memref<1x128xf32, #tpu.memory_space<vmem>>, %arg6: memref<512x128xf32, #tpu.memory_space<vmem>>, %arg7: memref<1x512xf32, #tpu.memory_space<vmem>>, %arg8: memref<128x512xf32, #tpu.memory_space<vmem>>, %arg9: memref<1x128xf32, #tpu.memory_space<vmem>>, %arg10: memref<1000x128xf32, #tpu.memory_space<vmem>>) attributes {dimension_semantics = [#tpu.dimension_semantics<arbitrary>], iteration_bounds = array<i64: 10>, scalar_prefetch = 0 : i64, scratch_operands = 0 : i64, tpu.core_type = #tpu.core_type<tc>, window_params = [{transform_indices = @transform_0, window_bounds = array<i64: 1000, 128>}, {transform_indices = @transform_1, window_bounds = array<i64: 1000, 144>}, {transform_indices = @transform_2, window_bounds = array<i64: 1000, 144>}, {pipeline_mode = #tpu.pipeline_mode<synchronous>, transform_indices = @transform_3, window_bounds = array<i64: 1, 128>}, {pipeline_mode = #tpu.pipeline_mode<synchronous>, transform_indices = @transform_4, window_bounds = array<i64: 1, 128>}, {pipeline_mode = #tpu.pipeline_mode<synchronous>, transform_indices = @transform_5, window_bounds = array<i64: 512, 128>}, {pipeline_mode = #tpu.pipeline_mode<synchronous>, transform_indices = @transform_6, window_bounds = array<i64: 1, 512>}, {pipeline_mode = #tpu.pipeline_mode<synchronous>, transform_indices = @transform_7, window_bounds = array<i64: 128, 512>}, {pipeline_mode = #tpu.pipeline_mode<synchronous>, transform_indices = @transform_8, window_bounds = array<i64: 1, 128>}, {transform_indices = @transform_9, window_bounds = array<i64: 1000, 128>}]} {
    %get3A = arith.constant 0 : index
    %get3A_0 = arith.constant 0 : index
    %get3A_1 = vector.load %arg2[%get3A, %get3A_0] : memref<1000x144xf32, #tpu.memory_space<vmem>>, vector<1000x144xf32>
    %get3A_2 = arith.constant 0 : index
    %get3A_3 = arith.constant 0 : index
    %get3A_4 = vector.load %arg3[%get3A_2, %get3A_3] : memref<1000x144xf32, #tpu.memory_space<vmem>>, vector<1000x144xf32>
    %add3A = arith.addf %get3A_1, %get3A_4 : vector<1000x144xf32>
    %slice3A = vector.extract_strided_slice %add3A {offsets = [0, 0], sizes = [1000, 128], strides = [1, 1]} : vector<1000x144xf32> to vector<1000x128xf32>
    %slice3A_5 = vector.extract_strided_slice %add3A {offsets = [0, 128], sizes = [1000, 8], strides = [1, 1]} : vector<1000x144xf32> to vector<1000x8xf32>
    %gt3A = arith.constant 0.000000e+00 : f32
    %gt3A_6 = vector.broadcast %gt3A : f32 to vector<1000x8xf32>
    %gt3A_7 = arith.cmpf ogt, %slice3A_5, %gt3A_6 : vector<1000x8xf32>
    %div3A = arith.constant 1.000000e+00 : f32
    %div3A_8 = vector.broadcast %div3A : f32 to vector<1000x8xf32>
    %div3A_9 = arith.divf %div3A_8, %slice3A_5 : vector<1000x8xf32>
    %jit3A = arith.constant 0.000000e+00 : f32
    %broadcast_in_dim3A = vector.broadcast %jit3A : f32 to vector<1000x8xf32>
    %select_n3A = arith.select %gt3A_7, %div3A_9, %broadcast_in_dim3A : vector<1000x8xi1>, vector<1000x8xf32>
    %iota3A = tpu.iota {dimensions = array<i32: 1>} : vector<8x128xi32>
    %jit3A_10 = arith.constant 64 : i32
    %eq3A = arith.constant 0 : i32
    %eq3A_11 = arith.cmpi eq, %jit3A_10, %eq3A : i32
    %jit3A_12 = arith.constant 1 : i32
    %select_n3A_13 = arith.select %eq3A_11, %jit3A_12, %jit3A_10 : i32
    %rem3A = vector.broadcast %select_n3A_13 : i32 to vector<8x128xi32>
    %rem3A_14 = arith.remsi %iota3A, %rem3A : vector<8x128xi32>
    %ne3A = arith.constant 0 : i32
    %ne3A_15 = vector.broadcast %ne3A : i32 to vector<8x128xi32>
    %ne3A_16 = arith.cmpi ne, %rem3A_14, %ne3A_15 : vector<8x128xi32>
    %lt3A = arith.constant 0 : i32
    %lt3A_17 = vector.broadcast %lt3A : i32 to vector<8x128xi32>
    %lt3A_18 = arith.cmpi slt, %rem3A_14, %lt3A_17 : vector<8x128xi32>
    %lt3A_19 = arith.constant 0 : i32
    %lt3A_20 = arith.cmpi slt, %select_n3A_13, %lt3A_19 : i32
    %ne3A_21 = vector.broadcast %lt3A_20 : i1 to vector<8x128xi1>
    %ne3A_22 = vector.broadcast %ne3A_21 : vector<8x128xi1> to vector<8x128xi1>
    %ne3A_23 = arith.xori %lt3A_18, %ne3A_22 : vector<8x128xi1>
    %and3A = arith.andi %ne3A_23, %ne3A_16 : vector<8x128xi1>
    %add3A_24 = vector.broadcast %select_n3A_13 : i32 to vector<8x128xi32>
    %add3A_25 = arith.addi %rem3A_14, %add3A_24 : vector<8x128xi32>
    %select_n3A_26 = arith.select %and3A, %add3A_25, %rem3A_14 : vector<8x128xi1>, vector<8x128xi32>
    %jit3A_27 = arith.constant 16 : i32
    %div3A_28 = vector.broadcast %jit3A_27 : i32 to vector<8x128xi32>
    %div3A_29 = arith.divsi %select_n3A_26, %div3A_28 : vector<8x128xi32>
    %sign3A = arith.constant 0 : i32
    %sign3A_30 = vector.broadcast %sign3A : i32 to vector<8x128xi32>
    %sign3A_31 = arith.cmpi sgt, %select_n3A_26, %sign3A_30 : vector<8x128xi32>
    %sign3A_32 = arith.extui %sign3A_31 : vector<8x128xi1> to vector<8x128xi32>
    %sign3A_33 = arith.constant 0 : i32
    %sign3A_34 = vector.broadcast %sign3A_33 : i32 to vector<8x128xi32>
    %sign3A_35 = arith.cmpi slt, %select_n3A_26, %sign3A_34 : vector<8x128xi32>
    %sign3A_36 = arith.extui %sign3A_35 : vector<8x128xi1> to vector<8x128xi32>
    %sign3A_37 = arith.subi %sign3A_32, %sign3A_36 : vector<8x128xi32>
    %sign3A_38 = arith.constant 0 : i32
    %sign3A_39 = arith.cmpi sgt, %jit3A_27, %sign3A_38 : i32
    %sign3A_40 = arith.extui %sign3A_39 : i1 to i32
    %sign3A_41 = arith.constant 0 : i32
    %sign3A_42 = arith.cmpi slt, %jit3A_27, %sign3A_41 : i32
    %sign3A_43 = arith.extui %sign3A_42 : i1 to i32
    %sign3A_44 = arith.subi %sign3A_40, %sign3A_43 : i32
    %ne3A_45 = vector.broadcast %sign3A_44 : i32 to vector<8x128xi32>
    %ne3A_46 = arith.cmpi ne, %sign3A_37, %ne3A_45 : vector<8x128xi32>
    %rem3A_47 = vector.broadcast %jit3A_27 : i32 to vector<8x128xi32>
    %rem3A_48 = arith.remsi %select_n3A_26, %rem3A_47 : vector<8x128xi32>
    %ne3A_49 = arith.constant 0 : i32
    %ne3A_50 = vector.broadcast %ne3A_49 : i32 to vector<8x128xi32>
    %ne3A_51 = arith.cmpi ne, %rem3A_48, %ne3A_50 : vector<8x128xi32>
    %and3A_52 = arith.andi %ne3A_46, %ne3A_51 : vector<8x128xi1>
    %sub3A = arith.constant 1 : i32
    %sub3A_53 = vector.broadcast %sub3A : i32 to vector<8x128xi32>
    %sub3A_54 = arith.subi %div3A_29, %sub3A_53 : vector<8x128xi32>
    %select_n3A_55 = arith.select %and3A_52, %sub3A_54, %div3A_29 : vector<8x128xi1>, vector<8x128xi32>
    %mul3A = arith.constant 32 : i32
    %mul3A_56 = vector.broadcast %mul3A : i32 to vector<8x128xi32>
    %mul3A_57 = arith.muli %mul3A_56, %select_n3A_55 : vector<8x128xi32>
    %jit3A_58 = arith.constant 16 : i32
    %eq3A_59 = arith.constant 0 : i32
    %eq3A_60 = arith.cmpi eq, %jit3A_58, %eq3A_59 : i32
    %jit3A_61 = arith.constant 1 : i32
    %select_n3A_62 = arith.select %eq3A_60, %jit3A_61, %jit3A_58 : i32
    %rem3A_63 = vector.broadcast %select_n3A_62 : i32 to vector<8x128xi32>
    %rem3A_64 = arith.remsi %iota3A, %rem3A_63 : vector<8x128xi32>
    %ne3A_65 = arith.constant 0 : i32
    %ne3A_66 = vector.broadcast %ne3A_65 : i32 to vector<8x128xi32>
    %ne3A_67 = arith.cmpi ne, %rem3A_64, %ne3A_66 : vector<8x128xi32>
    %lt3A_68 = arith.constant 0 : i32
    %lt3A_69 = vector.broadcast %lt3A_68 : i32 to vector<8x128xi32>
    %lt3A_70 = arith.cmpi slt, %rem3A_64, %lt3A_69 : vector<8x128xi32>
    %lt3A_71 = arith.constant 0 : i32
    %lt3A_72 = arith.cmpi slt, %select_n3A_62, %lt3A_71 : i32
    %ne3A_73 = vector.broadcast %lt3A_72 : i1 to vector<8x128xi1>
    %ne3A_74 = vector.broadcast %ne3A_73 : vector<8x128xi1> to vector<8x128xi1>
    %ne3A_75 = arith.xori %lt3A_70, %ne3A_74 : vector<8x128xi1>
    %and3A_76 = arith.andi %ne3A_75, %ne3A_67 : vector<8x128xi1>
    %add3A_77 = vector.broadcast %select_n3A_62 : i32 to vector<8x128xi32>
    %add3A_78 = arith.addi %rem3A_64, %add3A_77 : vector<8x128xi32>
    %select_n3A_79 = arith.select %and3A_76, %add3A_78, %rem3A_64 : vector<8x128xi1>, vector<8x128xi32>
    %mul3A_80 = arith.constant 2 : i32
    %mul3A_81 = vector.broadcast %mul3A_80 : i32 to vector<8x128xi32>
    %mul3A_82 = arith.muli %mul3A_81, %select_n3A_79 : vector<8x128xi32>
    %add3A_83 = arith.addi %mul3A_57, %mul3A_82 : vector<8x128xi32>
    %ge3A = arith.constant 64 : i32
    %ge3A_84 = vector.broadcast %ge3A : i32 to vector<8x128xi32>
    %ge3A_85 = arith.cmpi sge, %iota3A, %ge3A_84 : vector<8x128xi32>
    %convert_element_type3A = arith.extui %ge3A_85 : vector<8x128xi1> to vector<8x128xi32>
    %add3A_86 = arith.addi %add3A_83, %convert_element_type3A : vector<8x128xi32>
    %iota3A_87 = tpu.iota {dimensions = array<i32: 0>} : vector<8x128xi32>
    %jit3A_88 = arith.constant 16 : i32
    %div3A_89 = vector.broadcast %jit3A_88 : i32 to vector<8x128xi32>
    %div3A_90 = arith.divsi %add3A_86, %div3A_89 : vector<8x128xi32>
    %sign3A_91 = arith.constant 0 : i32
    %sign3A_92 = vector.broadcast %sign3A_91 : i32 to vector<8x128xi32>
    %sign3A_93 = arith.cmpi sgt, %add3A_86, %sign3A_92 : vector<8x128xi32>
    %sign3A_94 = arith.extui %sign3A_93 : vector<8x128xi1> to vector<8x128xi32>
    %sign3A_95 = arith.constant 0 : i32
    %sign3A_96 = vector.broadcast %sign3A_95 : i32 to vector<8x128xi32>
    %sign3A_97 = arith.cmpi slt, %add3A_86, %sign3A_96 : vector<8x128xi32>
    %sign3A_98 = arith.extui %sign3A_97 : vector<8x128xi1> to vector<8x128xi32>
    %sign3A_99 = arith.subi %sign3A_94, %sign3A_98 : vector<8x128xi32>
    %sign3A_100 = arith.constant 0 : i32
    %sign3A_101 = arith.cmpi sgt, %jit3A_88, %sign3A_100 : i32
    %sign3A_102 = arith.extui %sign3A_101 : i1 to i32
    %sign3A_103 = arith.constant 0 : i32
    %sign3A_104 = arith.cmpi slt, %jit3A_88, %sign3A_103 : i32
    %sign3A_105 = arith.extui %sign3A_104 : i1 to i32
    %sign3A_106 = arith.subi %sign3A_102, %sign3A_105 : i32
    %ne3A_107 = vector.broadcast %sign3A_106 : i32 to vector<8x128xi32>
    %ne3A_108 = arith.cmpi ne, %sign3A_99, %ne3A_107 : vector<8x128xi32>
    %rem3A_109 = vector.broadcast %jit3A_88 : i32 to vector<8x128xi32>
    %rem3A_110 = arith.remsi %add3A_86, %rem3A_109 : vector<8x128xi32>
    %ne3A_111 = arith.constant 0 : i32
    %ne3A_112 = vector.broadcast %ne3A_111 : i32 to vector<8x128xi32>
    %ne3A_113 = arith.cmpi ne, %rem3A_110, %ne3A_112 : vector<8x128xi32>
    %and3A_114 = arith.andi %ne3A_108, %ne3A_113 : vector<8x128xi1>
    %sub3A_115 = arith.constant 1 : i32
    %sub3A_116 = vector.broadcast %sub3A_115 : i32 to vector<8x128xi32>
    %sub3A_117 = arith.subi %div3A_90, %sub3A_116 : vector<8x128xi32>
    %select_n3A_118 = arith.select %and3A_114, %sub3A_117, %div3A_90 : vector<8x128xi1>, vector<8x128xi32>
    %eq3A_119 = arith.cmpi eq, %select_n3A_118, %iota3A_87 : vector<8x128xi32>
    %convert_element_type3A_120 = arith.extui %eq3A_119 : vector<8x128xi1> to vector<8x128xi32>
    %convert_element_type3A_121 = arith.sitofp %convert_element_type3A_120 : vector<8x128xi32> to vector<8x128xf32>
    %dot_general3A = arith.constant dense<0.000000e+00> : vector<1000x128xf32>
    %dot_general3A_122 = tpu.matmul %select_n3A, %convert_element_type3A_121, %dot_general3A {dimension_numbers = #tpu.dot_dimension_numbers<[1], [0], [0], [1], [0, 0, 1, 1], [], []>, transpose_lhs_hint = false} : vector<1000x8xf32>, vector<8x128xf32>, vector<1000x128xf32> -> vector<1000x128xf32>
    %iota3A_123 = tpu.iota {dimensions = array<i32: 0>} : vector<128x128xi32>
    %iota3A_124 = tpu.iota {dimensions = array<i32: 1>} : vector<128x128xi32>
    %jit3A_125 = arith.constant 64 : i32
    %eq3A_126 = arith.constant 0 : i32
    %eq3A_127 = arith.cmpi eq, %jit3A_125, %eq3A_126 : i32
    %jit3A_128 = arith.constant 1 : i32
    %select_n3A_129 = arith.select %eq3A_127, %jit3A_128, %jit3A_125 : i32
    %rem3A_130 = vector.broadcast %select_n3A_129 : i32 to vector<128x128xi32>
    %rem3A_131 = arith.remsi %iota3A_123, %rem3A_130 : vector<128x128xi32>
    %ne3A_132 = arith.constant 0 : i32
    %ne3A_133 = vector.broadcast %ne3A_132 : i32 to vector<128x128xi32>
    %ne3A_134 = arith.cmpi ne, %rem3A_131, %ne3A_133 : vector<128x128xi32>
    %lt3A_135 = arith.constant 0 : i32
    %lt3A_136 = vector.broadcast %lt3A_135 : i32 to vector<128x128xi32>
    %lt3A_137 = arith.cmpi slt, %rem3A_131, %lt3A_136 : vector<128x128xi32>
    %lt3A_138 = arith.constant 0 : i32
    %lt3A_139 = arith.cmpi slt, %select_n3A_129, %lt3A_138 : i32
    %ne3A_140 = vector.broadcast %lt3A_139 : i1 to vector<128x128xi1>
    %ne3A_141 = vector.broadcast %ne3A_140 : vector<128x128xi1> to vector<128x128xi1>
    %ne3A_142 = arith.xori %lt3A_137, %ne3A_141 : vector<128x128xi1>
    %and3A_143 = arith.andi %ne3A_142, %ne3A_134 : vector<128x128xi1>
    %add3A_144 = vector.broadcast %select_n3A_129 : i32 to vector<128x128xi32>
    %add3A_145 = arith.addi %rem3A_131, %add3A_144 : vector<128x128xi32>
    %select_n3A_146 = arith.select %and3A_143, %add3A_145, %rem3A_131 : vector<128x128xi1>, vector<128x128xi32>
    %jit3A_147 = arith.constant 16 : i32
    %div3A_148 = vector.broadcast %jit3A_147 : i32 to vector<128x128xi32>
    %div3A_149 = arith.divsi %select_n3A_146, %div3A_148 : vector<128x128xi32>
    %sign3A_150 = arith.constant 0 : i32
    %sign3A_151 = vector.broadcast %sign3A_150 : i32 to vector<128x128xi32>
    %sign3A_152 = arith.cmpi sgt, %select_n3A_146, %sign3A_151 : vector<128x128xi32>
    %sign3A_153 = arith.extui %sign3A_152 : vector<128x128xi1> to vector<128x128xi32>
    %sign3A_154 = arith.constant 0 : i32
    %sign3A_155 = vector.broadcast %sign3A_154 : i32 to vector<128x128xi32>
    %sign3A_156 = arith.cmpi slt, %select_n3A_146, %sign3A_155 : vector<128x128xi32>
    %sign3A_157 = arith.extui %sign3A_156 : vector<128x128xi1> to vector<128x128xi32>
    %sign3A_158 = arith.subi %sign3A_153, %sign3A_157 : vector<128x128xi32>
    %sign3A_159 = arith.constant 0 : i32
    %sign3A_160 = arith.cmpi sgt, %jit3A_147, %sign3A_159 : i32
    %sign3A_161 = arith.extui %sign3A_160 : i1 to i32
    %sign3A_162 = arith.constant 0 : i32
    %sign3A_163 = arith.cmpi slt, %jit3A_147, %sign3A_162 : i32
    %sign3A_164 = arith.extui %sign3A_163 : i1 to i32
    %sign3A_165 = arith.subi %sign3A_161, %sign3A_164 : i32
    %ne3A_166 = vector.broadcast %sign3A_165 : i32 to vector<128x128xi32>
    %ne3A_167 = arith.cmpi ne, %sign3A_158, %ne3A_166 : vector<128x128xi32>
    %rem3A_168 = vector.broadcast %jit3A_147 : i32 to vector<128x128xi32>
    %rem3A_169 = arith.remsi %select_n3A_146, %rem3A_168 : vector<128x128xi32>
    %ne3A_170 = arith.constant 0 : i32
    %ne3A_171 = vector.broadcast %ne3A_170 : i32 to vector<128x128xi32>
    %ne3A_172 = arith.cmpi ne, %rem3A_169, %ne3A_171 : vector<128x128xi32>
    %and3A_173 = arith.andi %ne3A_167, %ne3A_172 : vector<128x128xi1>
    %sub3A_174 = arith.constant 1 : i32
    %sub3A_175 = vector.broadcast %sub3A_174 : i32 to vector<128x128xi32>
    %sub3A_176 = arith.subi %div3A_149, %sub3A_175 : vector<128x128xi32>
    %select_n3A_177 = arith.select %and3A_173, %sub3A_176, %div3A_149 : vector<128x128xi1>, vector<128x128xi32>
    %mul3A_178 = arith.constant 32 : i32
    %mul3A_179 = vector.broadcast %mul3A_178 : i32 to vector<128x128xi32>
    %mul3A_180 = arith.muli %mul3A_179, %select_n3A_177 : vector<128x128xi32>
    %jit3A_181 = arith.constant 16 : i32
    %eq3A_182 = arith.constant 0 : i32
    %eq3A_183 = arith.cmpi eq, %jit3A_181, %eq3A_182 : i32
    %jit3A_184 = arith.constant 1 : i32
    %select_n3A_185 = arith.select %eq3A_183, %jit3A_184, %jit3A_181 : i32
    %rem3A_186 = vector.broadcast %select_n3A_185 : i32 to vector<128x128xi32>
    %rem3A_187 = arith.remsi %iota3A_123, %rem3A_186 : vector<128x128xi32>
    %ne3A_188 = arith.constant 0 : i32
    %ne3A_189 = vector.broadcast %ne3A_188 : i32 to vector<128x128xi32>
    %ne3A_190 = arith.cmpi ne, %rem3A_187, %ne3A_189 : vector<128x128xi32>
    %lt3A_191 = arith.constant 0 : i32
    %lt3A_192 = vector.broadcast %lt3A_191 : i32 to vector<128x128xi32>
    %lt3A_193 = arith.cmpi slt, %rem3A_187, %lt3A_192 : vector<128x128xi32>
    %lt3A_194 = arith.constant 0 : i32
    %lt3A_195 = arith.cmpi slt, %select_n3A_185, %lt3A_194 : i32
    %ne3A_196 = vector.broadcast %lt3A_195 : i1 to vector<128x128xi1>
    %ne3A_197 = vector.broadcast %ne3A_196 : vector<128x128xi1> to vector<128x128xi1>
    %ne3A_198 = arith.xori %lt3A_193, %ne3A_197 : vector<128x128xi1>
    %and3A_199 = arith.andi %ne3A_198, %ne3A_190 : vector<128x128xi1>
    %add3A_200 = vector.broadcast %select_n3A_185 : i32 to vector<128x128xi32>
    %add3A_201 = arith.addi %rem3A_187, %add3A_200 : vector<128x128xi32>
    %select_n3A_202 = arith.select %and3A_199, %add3A_201, %rem3A_187 : vector<128x128xi1>, vector<128x128xi32>
    %mul3A_203 = arith.constant 2 : i32
    %mul3A_204 = vector.broadcast %mul3A_203 : i32 to vector<128x128xi32>
    %mul3A_205 = arith.muli %mul3A_204, %select_n3A_202 : vector<128x128xi32>
    %add3A_206 = arith.addi %mul3A_180, %mul3A_205 : vector<128x128xi32>
    %ge3A_207 = arith.constant 64 : i32
    %ge3A_208 = vector.broadcast %ge3A_207 : i32 to vector<128x128xi32>
    %ge3A_209 = arith.cmpi sge, %iota3A_123, %ge3A_208 : vector<128x128xi32>
    %convert_element_type3A_210 = arith.extui %ge3A_209 : vector<128x128xi1> to vector<128x128xi32>
    %add3A_211 = arith.addi %add3A_206, %convert_element_type3A_210 : vector<128x128xi32>
    %eq3A_212 = arith.cmpi eq, %iota3A_124, %add3A_211 : vector<128x128xi32>
    %convert_element_type3A_213 = arith.extui %eq3A_212 : vector<128x128xi1> to vector<128x128xi32>
    %convert_element_type3A_214 = arith.sitofp %convert_element_type3A_213 : vector<128x128xi32> to vector<128x128xf32>
    %mul3A_215 = arith.mulf %slice3A, %dot_general3A_122 : vector<1000x128xf32>
    %dot_general3A_216 = arith.constant dense<0.000000e+00> : vector<1000x128xf32>
    %dot_general3A_217 = tpu.matmul %mul3A_215, %convert_element_type3A_214, %dot_general3A_216 {dimension_numbers = #tpu.dot_dimension_numbers<[1], [0], [0], [1], [0, 0, 1, 1], [], []>, transpose_lhs_hint = false} : vector<1000x128xf32>, vector<128x128xf32>, vector<1000x128xf32> -> vector<1000x128xf32>
    %get3A_218 = arith.constant 0 : index
    %get3A_219 = arith.constant 0 : index
    %get3A_220 = vector.load %arg1[%get3A_218, %get3A_219] : memref<1000x128xf32, #tpu.memory_space<vmem>>, vector<1000x128xf32>
    %add3A_221 = arith.addf %get3A_220, %dot_general3A_217 : vector<1000x128xf32>
    %get3A_222 = arith.constant 0 : index
    %get3A_223 = arith.constant 0 : index
    %get3A_224 = vector.load %arg4[%get3A_222, %get3A_223] : memref<1x128xf32, #tpu.memory_space<vmem>>, vector<1x128xf32>
    %get3A_225 = arith.constant 0 : index
    %get3A_226 = arith.constant 0 : index
    %get3A_227 = vector.load %arg5[%get3A_225, %get3A_226] : memref<1x128xf32, #tpu.memory_space<vmem>>, vector<1x128xf32>
    %reduce_sum3A = arith.constant dense<0.000000e+00> : vector<1000xf32>
    %reduce_sum3A_228 = vector.multi_reduction <add>, %add3A_221, %reduce_sum3A [1] : vector<1000x128xf32> to vector<1000xf32>
    %broadcast_in_dim3A_229 = vector.shape_cast %reduce_sum3A_228 : vector<1000xf32> to vector<1000x1xf32>
    %div3A_230 = arith.constant 1.280000e+02 : f32
    %div3A_231 = vector.broadcast %div3A_230 : f32 to vector<1000x1xf32>
    %div3A_232 = arith.divf %broadcast_in_dim3A_229, %div3A_231 : vector<1000x1xf32>
    %sub3A_233 = vector.broadcast %div3A_232 : vector<1000x1xf32> to vector<1000x128xf32>
    %sub3A_234 = arith.subf %add3A_221, %sub3A_233 : vector<1000x128xf32>
    %mul3A_235 = arith.mulf %sub3A_234, %sub3A_234 : vector<1000x128xf32>
    %reduce_sum3A_236 = arith.constant dense<0.000000e+00> : vector<1000xf32>
    %reduce_sum3A_237 = vector.multi_reduction <add>, %mul3A_235, %reduce_sum3A_236 [1] : vector<1000x128xf32> to vector<1000xf32>
    %broadcast_in_dim3A_238 = vector.shape_cast %reduce_sum3A_237 : vector<1000xf32> to vector<1000x1xf32>
    %mul3A_239 = arith.constant 0.00787401571 : f32
    %mul3A_240 = vector.broadcast %mul3A_239 : f32 to vector<1000x1xf32>
    %mul3A_241 = arith.mulf %broadcast_in_dim3A_238, %mul3A_240 : vector<1000x1xf32>
    %mul3A_242 = vector.broadcast %get3A_224 : vector<1x128xf32> to vector<1000x128xf32>
    %mul3A_243 = arith.mulf %mul3A_242, %sub3A_234 : vector<1000x128xf32>
    %sqrt3A = math.sqrt %mul3A_241 : vector<1000x1xf32>
    %add3A_244 = arith.constant 9.99999997E-7 : f32
    %add3A_245 = vector.broadcast %add3A_244 : f32 to vector<1000x1xf32>
    %add3A_246 = arith.addf %sqrt3A, %add3A_245 : vector<1000x1xf32>
    %div3A_247 = vector.broadcast %add3A_246 : vector<1000x1xf32> to vector<1000x128xf32>
    %div3A_248 = arith.divf %mul3A_243, %div3A_247 : vector<1000x128xf32>
    %add3A_249 = vector.broadcast %get3A_227 : vector<1x128xf32> to vector<1000x128xf32>
    %add3A_250 = arith.addf %div3A_248, %add3A_249 : vector<1000x128xf32>
    %get3A_251 = arith.constant 0 : index
    %get3A_252 = arith.constant 0 : index
    %get3A_253 = vector.load %arg6[%get3A_251, %get3A_252] : memref<512x128xf32, #tpu.memory_space<vmem>>, vector<512x128xf32>
    %dot_general3A_254 = arith.constant dense<0.000000e+00> : vector<1000x512xf32>
    %dot_general3A_255 = tpu.matmul %add3A_250, %get3A_253, %dot_general3A_254 {dimension_numbers = #tpu.dot_dimension_numbers<[1], [1], [0], [0], [0, 0, 1, 0], [], []>, transpose_lhs_hint = false} : vector<1000x128xf32>, vector<512x128xf32>, vector<1000x512xf32> -> vector<1000x512xf32>
    %get3A_256 = arith.constant 0 : index
    %get3A_257 = arith.constant 0 : index
    %get3A_258 = vector.load %arg7[%get3A_256, %get3A_257] : memref<1x512xf32, #tpu.memory_space<vmem>>, vector<1x512xf32>
    %add3A_259 = vector.broadcast %get3A_258 : vector<1x512xf32> to vector<1000x512xf32>
    %add3A_260 = arith.addf %dot_general3A_255, %add3A_259 : vector<1000x512xf32>
    %max3A = arith.constant 0.000000e+00 : f32
    %max3A_261 = vector.broadcast %max3A : f32 to vector<1000x512xf32>
    %max3A_262 = arith.maximumf %add3A_260, %max3A_261 : vector<1000x512xf32>
    %get3A_263 = arith.constant 0 : index
    %get3A_264 = arith.constant 0 : index
    %get3A_265 = vector.load %arg8[%get3A_263, %get3A_264] : memref<128x512xf32, #tpu.memory_space<vmem>>, vector<128x512xf32>
    %dot_general3A_266 = arith.constant dense<0.000000e+00> : vector<1000x128xf32>
    %dot_general3A_267 = tpu.matmul %max3A_262, %get3A_265, %dot_general3A_266 {dimension_numbers = #tpu.dot_dimension_numbers<[1], [1], [0], [0], [0, 0, 1, 0], [], []>, transpose_lhs_hint = false} : vector<1000x512xf32>, vector<128x512xf32>, vector<1000x128xf32> -> vector<1000x128xf32>
    %get3A_268 = arith.constant 0 : index
    %get3A_269 = arith.constant 0 : index
    %get3A_270 = vector.load %arg9[%get3A_268, %get3A_269] : memref<1x128xf32, #tpu.memory_space<vmem>>, vector<1x128xf32>
    %add3A_271 = vector.broadcast %get3A_270 : vector<1x128xf32> to vector<1000x128xf32>
    %add3A_272 = arith.addf %dot_general3A_267, %add3A_271 : vector<1000x128xf32>
    %add3A_273 = arith.addf %add3A_221, %add3A_272 : vector<1000x128xf32>
    %swap3A = arith.constant 0 : index
    %swap3A_274 = arith.constant 0 : index
    %swap3A_275 = vector.load %arg10[%swap3A, %swap3A_274] : memref<1000x128xf32, #tpu.memory_space<vmem>>, vector<1000x128xf32>
    tpu.vector_store %arg10[%swap3A, %swap3A_274], %add3A_273 {strides = array<i32>} : memref<1000x128xf32, #tpu.memory_space<vmem>>, vector<1000x128xf32>,
    return
  }
  func.func @transform_0(%arg0: i32) -> (i32, i32) {
    %c0_i32 = arith.constant 0 : i32
    %c0_i32_0 = arith.constant 0 : i32
    return %arg0, %c0_i32 : i32, i32
  }
  func.func @transform_1(%arg0: i32) -> (i32, i32) {
    %c0_i32 = arith.constant 0 : i32
    %c0_i32_0 = arith.constant 0 : i32
    return %arg0, %c0_i32 : i32, i32
  }
  func.func @transform_2(%arg0: i32) -> (i32, i32) {
    %c0_i32 = arith.constant 0 : i32
    %c0_i32_0 = arith.constant 0 : i32
    return %arg0, %c0_i32 : i32, i32
  }
  func.func @transform_3(%arg0: i32) -> (i32, i32) {
    %c0_i32 = arith.constant 0 : i32
    %c0_i32_0 = arith.constant 0 : i32
    %c0_i32_1 = arith.constant 0 : i32
    return %c0_i32, %c0_i32_0 : i32, i32
  }
  func.func @transform_4(%arg0: i32) -> (i32, i32) {
    %c0_i32 = arith.constant 0 : i32
    %c0_i32_0 = arith.constant 0 : i32
    %c0_i32_1 = arith.constant 0 : i32
    return %c0_i32, %c0_i32_0 : i32, i32
  }
  func.func @transform_5(%arg0: i32) -> (i32, i32) {
    %c0_i32 = arith.constant 0 : i32
    %c0_i32_0 = arith.constant 0 : i32
    %c0_i32_1 = arith.constant 0 : i32
    return %c0_i32, %c0_i32_0 : i32, i32
  }
  func.func @transform_6(%arg0: i32) -> (i32, i32) {
    %c0_i32 = arith.constant 0 : i32
    %c0_i32_0 = arith.constant 0 : i32
    %c0_i32_1 = arith.constant 0 : i32
    return %c0_i32, %c0_i32_0 : i32, i32
  }
  func.func @transform_7(%arg0: i32) -> (i32, i32) {
    %c0_i32 = arith.constant 0 : i32
    %c0_i32_0 = arith.constant 0 : i32
    %c0_i32_1 = arith.constant 0 : i32
    return %c0_i32, %c0_i32_0 : i32, i32
  }
  func.func @transform_8(%arg0: i32) -> (i32, i32) {
    %c0_i32 = arith.constant 0 : i32
    %c0_i32_0 = arith.constant 0 : i32
    %c0_i32_1 = arith.constant 0 : i32
    return %c0_i32, %c0_i32_0 : i32, i32
  }
  func.func @transform_9(%arg0: i32) -> (i32, i32) {
    %c0_i32 = arith.constant 0 : i32
    %c0_i32_0 = arith.constant 0 : i32
    return %arg0, %c0_i32 : i32, i32
  }
}

</mosaic_0001>

<sc_bundles>
// kernel: kernel.5.cloned.1.call-start
scs
__scs_entry_jumppad:
0x0: {  	(pc) =	sbr.rel $0x88, $3  }
0x1: {  	(tag) =	ssettag $0x0;
	lr =	simm.s32 $0x1  }
0x2: {  	[smem:$0x3F92] =	sst lr;
	_ =	strace $0xD0000000  }
0x3: {  	_ = 	snop  }
0x4: {  	_ = 	snop  }
0x5: {  	_ = 	snop  }
0x6: {  	_ = 	snop  }
0x7: {  	_ = 	snop  }
__scs_overlays_trampoline_lowered:
0x8: {  	[smem:$0x3FA1] =	sst s0  }
0x9: {  	[smem:$0x3FA2] =	sst s1  }
0xa: {  	[smem:$0x3FA3] =	sst s2  }
0xb: {  	[smem:$0x3FA4] =	sst s3  }
0xc: {  	[smem:$0x3FA5] =	sst s4  }
0xd: {  	[smem:$0x3FA6] =	sst s5  }
0xe: {  	[smem:$0x3FA7] =	sst s6  }
0xf: {  	[smem:$0x3FA8] =	sst s7  }
0x10: {  	[smem:$0x3FA9] =	sst s8  }
0x11: {  	[smem:$0x3FAA] =	sst s9;
	s0 =	simm.s32 @!p0 $0x0  }
0x12: {  	s1 =	sld [smem:$0x3F90];
	s0 =	simm.s32 @p0 $0x1  }
0x13: {  	[smem:$0x3FAB] =	sst s0;
	s0 =	simm.s32 @!p1 $0x0  }
0x14: {  	s2 =	sld [smem:$0x3F8F];
	s0 =	simm.s32 @p1 $0x1  }
0x15: {  	[smem:$0x3FAC] =	sst s0;
	s0 =	simm.s32 @!p2 $0x0  }
0x16: {  	s3 =	sld [smem:$0x3FDB];
	s0 =	simm.s32 @p2 $0x1  }
0x17: {  	s4 =	simm.s32 $0x1BF5;
	[smem:$0x3FAE] =	sst s0  }
0x18: {  	s0 =	sld [smem:$0x3F91];
	_ =	swait.ge [sflag:s4], $0x0  }
0x19: {  	s7 =	sld [smem:$0x3F92]  }
0x1a: {  	s8 =	sadd.s32 $0xFFFFE003, lr  }
0x1b: {  	s9 =	sadd.s32 $0xFFFFFEF7, lr;
	s5 =	simm.s32 $0xFFFFFFFF;
	p2 =	slt.u32 s8, $0xFFFFF086  }
0x1c: {  	p1 =	slt.u32 s9, $0xF7A;
	s5 =	simm.s32 @!p2 $0x0  }
0x1d: {  	s5 =	simm.s32 @p1 $0x1;
	p0 =	seq.s32 s7, s2  }
0x1e: {  	s7 =	smul.u32 @!p0 $0xF7A, s2;
	p2 =	seq.s32 @!p0 s5, $0x0  }
0x1f: {  	s9 =	smul.u32 $0xF7A, s1;
	s8 =	simm.s32 @!p0 $0x1BF5;
	p2 =	por !p2, p0  }
0x20: {  	[sflag:s8] =	ssyncset.s32 @!p0 $0xFFFFF086;
	s6 =	sadd.s32 @!p0 s3, s7;
	s7 =	simm.s32 @!p0 $0x108  }
0x21: {  	s3 =	sadd.s32 s3, s9;
	s6 =	sadd.s32 @!p0 $0x88, s6;
	s7 =	simm.s32 @p2 $0x1082  }
0x22: {  	[simem:s7], [sflag:s8] =	dma.local @!p0 [hbm:s6], $0xF7A  }
0x23: {  	s9 =	sor.u32 $0xD0000000, s2;
	s6 =	simm.s32 $0x108;
	_ =	swait.ge @!p0 [sflag:s8], $0x0  }
0x24: {  	s3 =	sadd.s32 $0x88, s3;
	s6 =	simm.s32 @!p1 $0x1082;
	[sflag:s4] =	ssyncset.s32 $0xFFFFF086  }
0x25: {  	[simem:s6], [sflag:s4] =	dma.local [hbm:s3], $0xF7A  }
0x26: {  	[smem:$0x3F92] =	sst s1;
	(tag) =	ssettag s2;
	_ =	strace s9  }
0x27: {  	s1 =	sld [smem:$0x3FA2]  }
0x28: {  	s2 =	sld [smem:$0x3FA3]  }
0x29: {  	s4 =	sld [smem:$0x3FA5]  }
0x2a: {  	p0 =	seq.s32 s5, $0x0;
	s5 =	sld [smem:$0x3FA6]  }
0x2b: {  	s6 =	sld [smem:$0x3FA7]  }
0x2c: {  	s7 =	sld [smem:$0x3FA8]  }
0x2d: {  	s3 =	simm.s32 $0x108;
	s8 =	sld [smem:$0x3FA9]  }
0x2e: {  	s3 =	simm.s32 @!p0 $0x1082;
	s9 =	sld [smem:$0x3FAA]  }
0x2f: {  	lr =	sadd.s32 s0, s3;
	s0 =	sld [smem:$0x3FA1]  }
0x30: {  	s3 =	sld [smem:$0x3FA4]  }
0x31: {  	[smem:$0x3FAD] =	sst s10  }
0x32: {  	s10 =	sld [smem:$0x3FAB];
	_ =	sdelay $0x3  }
0x33: {  	p0 =	seq.s32 s10, $0x1;
	s10 =	sld [smem:$0x3FAD];
	_ =	sdelay $0x3  }
0x34: {  	[smem:$0x3FAD] =	sst s10  }
0x35: {  	s10 =	sld [smem:$0x3FAC];
	_ =	sdelay $0x3  }
0x36: {  	p1 =	seq.s32 s10, $0x1;
	s10 =	sld [smem:$0x3FAD];
	_ =	sdelay $0x3  }
0x37: {  	[smem:$0x3FAD] =	sst s10  }
0x38: {  	s10 =	sld [smem:$0x3FAE]  }
0x39: {  	_ = 	snop;
	(pc) =	sbr.ind lr, $3  }
0x3a: {  	_ = 	snop  }
0x3b: {  	_ = 	snop  }
0x3c: {  	p2 =	seq.s32 s10, $0x1;
	s10 =	sld [smem:$0x3FAD]  }
0x3d: {  	_ =	shalt  }
0x3e: {  	_ =	shalt  }
0x3f: {  	_ =	shalt  }
0x40: {  	_ =	shalt  }
0x41: {  	_ =	shalt  }
0x42: {  	_ =	shalt  }
0x43: {  	_ =	shalt  }
0x44: {  	_ =	shalt  }
0x45: {  	_ =	shalt  }
0x46: {  	_ =	shalt  }
0x47: {  	_ =	shalt  }
0x48: {  	_ =	shalt  }
0x49: {  	_ =	shalt  }
0x4a: {  	_ =	shalt  }
0x4b: {  	_ =	shalt  }
0x4c: {  	_ =	shalt  }
0x4d: {  	_ =	shalt  }
0x4e: {  	_ =	shalt  }
0x4f: {  	_ =	shalt  }
0x50: {  	_ =	shalt  }
0x51: {  	_ =	shalt  }
0x52: {  	_ =	shalt  }
0x53: {  	_ =	shalt  }
0x54: {  	_ =	shalt  }
0x55: {  	_ =	shalt  }
0x56: {  	_ =	shalt  }
0x57: {  	_ =	shalt  }
0x58: {  	_ =	shalt  }
0x59: {  	_ =	shalt  }
0x5a: {  	_ =	shalt  }
0x5b: {  	_ =	shalt  }
0x5c: {  	_ =	shalt  }
0x5d: {  	_ =	shalt  }
0x5e: {  	_ =	shalt  }
0x5f: {  	_ =	shalt  }
0x60: {  	_ =	shalt  }
0x61: {  	_ =	shalt  }
0x62: {  	_ =	shalt  }
0x63: {  	_ =	shalt  }
0x64: {  	_ =	shalt  }
0x65: {  	_ =	shalt  }
0x66: {  	_ =	shalt  }
0x67: {  	_ =	shalt  }
0x68: {  	_ =	shalt  }
0x69: {  	_ =	shalt  }
0x6a: {  	_ =	shalt  }
0x6b: {  	_ =	shalt  }
0x6c: {  	_ =	shalt  }
0x6d: {  	_ =	shalt  }
0x6e: {  	_ =	shalt  }
0x6f: {  	_ =	shalt  }
0x70: {  	_ =	shalt  }
0x71: {  	_ =	shalt  }
0x72: {  	_ =	shalt  }
0x73: {  	_ =	shalt  }
0x74: {  	_ =	shalt  }
0x75: {  	_ =	shalt  }
0x76: {  	_ =	shalt  }
0x77: {  	_ =	shalt  }
0x78: {  	_ =	shalt  }
0x79: {  	_ =	shalt  }
0x7a: {  	_ =	shalt  }
0x7b: {  	_ =	shalt  }
0x7c: {  	_ =	shalt  }
0x7d: {  	_ =	shalt  }
0x7e: {  	_ =	shalt  }
0x7f: {  	_ =	shalt  }
0x80: {  	_ =	shalt  }
0x81: {  	_ =	shalt  }
0x82: {  	_ =	shalt  }
0x83: {  	_ =	shalt  }
0x84: {  	_ =	shalt  }
0x85: {  	_ =	shalt  }
0x86: {  	_ =	shalt  }
0x87: {  	_ =	shalt  }
.Lfunc_end0:
.L_simem_size_0:
called_computation_lowered:
.L_overlay_start_0:
0x88: {  	s2 =	sld [smem:$0x3FD9]  }
0x89: {  	s3 =	sld [smem:$0x3FFE];
	_ =	sdelay $0x1  }
0x8a: {  	s1 =	srdreg.scid  }
0x8b: {  	s0 =	sand.u32 $0x1, s1  }
0x8c: {  	s17 =	sshll.u32 s0, $0xA;
	s2 =	sadd.s32 s3, s2  }
0x8d: {  	s2 =	sadd.s32 s2, s17  }
0x8e: {  	[smem:$0x3FB9] =	sst s2  }
0x8f: {  	_ = 	snop  }
0x90: {  	s2 =	sld [smem:$0x3FD0];
	(tm) =	ssettm $0x1  }
0x91: {  	s18 =	sld [smem:$0x3FFB];
	_ =	sdelay $0x3  }
0x92: {  	_ =	strace s18  }
0x93: {  	s3 =	sld [smem:$0x3FFC];
	_ =	sdelay $0x3  }
0x94: {  	_ =	strace s3  }
0x95: {  	s3 =	sld [smem:$0x3FFD];
	_ =	sdelay $0x3  }
0x96: {  	_ =	strace s3  }
0x97: {  	_ =	strace $0x8FFFFFFF  }
0x98: {  	s19 =	sld [smem:$0x3FDB];
	_ =	sdelay $0x1  }
0x99: {  	s4 =	simm.s32 $_scs_section_size  }
0x9a: {  	s5 =	simm.s32 $_size__tile_overlayer_lowered;
	s6 =	simm.s32 $_tile_overlayer_lowered  }
0x9b: {  	s22 =	simm.s32 $0x1BFF;
	s21 =	sshll.u32 s6, $0x1;
	s3 =	sadd.s32 s4, s19  }
0x9c: {  	s7 =	simm.s32 $0x0;
	s20 =	sshll.u32 s5, $0x1;
	s5 =	sadd.s32 s21, s3  }
0x9d: {  	[timem:s7], [sflag:s22] =	dma.local [hbm:s5], s20  }
0x9e: {  	_ =	swait.ge [sflag:s22], s20  }
0x9f: {  	s4 =	ssub.s32 $0x0, s20;
	[sflag:s22] =	ssyncset.done $0x0  }
0xa0: {  	[sflag:s22] =	ssyncadd.s32 s4;
	_ =	sdelay $0x1  }
0xa1: {  	s23 =	simm.s32 $0x1B8B  }
0xa2: {  	_ =	swait.ge [sflag:s23], $0x1  }
0xa3: {  	[sflag:s23] =	ssyncset.done $0x0  }
0xa4: {  	s25 =	simm.s32 $0x1B8E;
	s24 =	sld [smem:$0x3FFE];
	[sflag:s23] =	ssyncadd.s32 $0xFFFFFFFF  }
0xa5: {  	s26 =	simm.s32 $execute0_lowered;
	[smem:$0x3FD2] =	sst s25  }
0xa6: {  	s5 =	sshll.u32 s26, $0x1;
	_ =	strace $0x80000046;
	[dreg:$0x1] =	wrdreg $0xFFFFFFFF  }
0xa7: {  	s28 =	simm.s32 $_size_execute0_lowered;
	s3 =	sadd.s32 s3, s5;
	[dreg:$0x0] =	wrdreg $0x0  }
0xa8: {  	s5 =	sshll.u32 s28, $0x1;
	[dreg:$0x2] =	wrdreg s3  }
0xa9: {  	[dreg:$0x3] =	wrdreg s5  }
0xaa: {  	[dreg:$0x4] =	wrdreg $0xC0  }
0xab: {  	_ =	task [dreg:s7], $0x5FFFF  }
0xac: {  	[dreg:$0x1] =	wrdreg $0xFFFFFFFF  }
0xad: {  	[dreg:$0x0] =	wrdreg $0x60  }
0xae: {  	[dreg:$0x2] =	wrdreg s2  }
0xaf: {  	[dreg:$0x3] =	wrdreg s24  }
0xb0: {  	[dreg:$0x4] =	wrdreg $0x89400  }
0xb1: {  	[dreg:$0x5] =	wrdreg $0x9  }
0xb2: {  	_ =	task.clear_ibuf [dreg:s7], $0x6FFFF;
	_ =	strace $0x90000046  }
0xb3: {  	s29 =	simm.s32 $0x9;
	_ =	strace $0x80000048  }
0xb4: {  	_ =	swait.ge [sflag:s29], $0x1  }
0xb5: {  	[sflag:s29] =	ssyncadd.s32 $0xFFFFFFFF  }
0xb6: {  	_ =	strace $0x90000048  }
0xb7: {  	_ =	sfence  }
0xb8: {  	s30 =	sld [smem:$0x0];
	_ =	sdelay $0x2  }
0xb9: {  	s31 =	sshll.u32 s1, $0xD;
	s1 =	sshrl.u32 s1, $0x2  }
0xba: {  	s3 =	sand.u32 $0x4000, s31;
	s1 =	sadd.s32 s1, s30  }
0xbb: {  	s0 =	sor.u32 s3, s0;
	s1 =	sshll.u32 s1, $0x11  }
0xbc: {  	s0 =	sor.u32 s1, s0  }
0xbd: {  	s0 =	sadd.s32 $0x8F2B, s0  }
0xbe: {  	[sflag:s0] =	ssyncadd.remote.s32 $0x1  }
0xbf: {  	_ =	sfence.sel $0xFFFF  }
0xc0: {  	[dreg:$0x0] =	wrdreg $0xFFFFFFFF;
	(pc) =	sbr.abs _section_cstart, $3  }
0xc1: {  	[dreg:$0x1] =	wrdreg $0xFFFFFFFF  }
0xc2: {  	_ =	task.clear_ibuf [dreg:s7], $0x2FFFF;
	_ =	strace $0x9FFFFFFF  }
0xc3: {  	(tm) =	ssettm $0x7FFFFFFF  }
tec
execute0_lowered:
.L_overlay_start_1:
0x0: {  	(tag) =	ssettag $0x1  }
0x1: {  	s1 =	rddreg [dreg:$0x0]  }
0x2: {  	s0 =	rddreg [dreg:$0x1]  }
0x3: {  	s3 =	rddreg [dreg:$0x2]  }
0x4: {  	s2 =	srdreg.scid;
	s11 =	stileid.u32  }
0x5: {  	s5 =	simm.s32 $0x0;
	s29 =	simm.s32 $0x1B0;
	s31 =	simm.s32 $0x7  }
0x6: {  	s2 =	sand.u32 $0x1, s2;
	s4 =	smul.u32 $0x16800, s11;
	[smem:$0x7FF] =	sst s5  }
0x7: {  	s7 =	sshll.u32 s11, $0x1;
	s5 =	sadd.s32 $0x1800, s0;
	s11 =	smul.u32 $0x5A000, s11  }
0x8: {  	s6 =	smul.u32 $0x168000, s2;
	_ =	strace $0x80000047;
	s7 =	sor.u32 s2, s7  }
0x9: {  	s2 =	ssub.s32 $0x2, s2;
	s9 =	smul.u32 $0x2760, s7;
	s7 =	sadd.s32 $0x6800, s0  }
0xa: {  	s23 =	sshrl.u32 s2, $0x1;
	s26 =	sshrl.u32 s11, $0x2;
	s22 =	sadd.s32 s4, s3  }
0xb: {  	s8 =	sadd.s32 s4, s6;
	s6 =	sadd.s32 $0x10600, s0;
	s30 =	sadd.s32 s26, s3  }
0xc: {  	s2 =	ssub.s32 s2, s23;
	[dreg:$0x8] =	wrdreg s22;
	s11 =	sadd.s32 $0x2400, s30  }
0xd: {  	s8 =	sshrl.u32 s8, $0x3;
	s12 =	sadd.s32 $0x4800, s30;
	[dreg:$0x9] =	wrdreg s11  }
0xe: {  	s10 =	sshrl.u32 s9, $0x3;
	s13 =	sadd.s32 $0x6C00, s30;
	[dreg:$0xa] =	wrdreg s12  }
0xf: {  	s25 =	sadd.s32 $0x48, s9;
	s14 =	sadd.s32 $0x9000, s30;
	[dreg:$0xb] =	wrdreg s13  }
0x10: {  	s15 =	sadd.s32 $0xB400, s30;
	s16 =	sadd.s32 $0xD800, s30;
	[dreg:$0xc] =	wrdreg s14  }
0x11: {  	s17 =	sadd.s32 $0xFC00, s30;
	s18 =	sadd.s32 $0x90, s9;
	[dreg:$0xd] =	wrdreg s15  }
0x12: {  	s19 =	sadd.s32 $0xD8, s9;
	s0 =	sadd.s32 s8, s0;
	[dreg:$0xe] =	wrdreg s16  }
0x13: {  	s24 =	sadd.s32 s6, s10;
	s10 =	sadd.s32 s7, s10;
	[dreg:$0xf] =	wrdreg s17  }
0x14: {  	s8 =	sshrl.u32 s25, $0x3;
	[dreg:$0x10] =	wrdreg s18;
	s4 =	sshrl.u32 s18, $0x3  }
0x15: {  	[dreg:$0x12] =	wrdreg s19;
	s21 =	sshrl.u32 s19, $0x3;
	s25 =	sadd.s32 $0x168, s9  }
0x16: {  	s11 =	simm.s32 $0x120;
	s13 =	simm.s32 $0x48;
	[dreg:$0x4] =	wrdreg s24  }
0x17: {  	s14 =	simm.s32 $0x168;
	s15 =	simm.s32 $0x2F40;
	[dreg:$0x5] =	wrdreg s10  }
0x18: {  	s17 =	simm.s32 $0x5;
	s28 =	sadd.s32 s6, s8;
	[dreg:$0x19] =	wrdreg s25  }
0x19: {  	s18 =	simm.s32 $0x240;
	s8 =	sadd.s32 s7, s8;
	[dreg:$0x6] =	wrdreg s28  }
0x1a: {  	s19 =	simm.s32 $0x8040;
	s10 =	sadd.s32 $0x12000, s30;
	[dreg:$0x7] =	wrdreg s8  }
0x1b: {  	s12 =	simm.s32 $0x4;
	s20 =	sadd.s32 s6, s4;
	[dreg:$0x11] =	wrdreg s10  }
0x1c: {  	s16 =	simm.s32 $0x0;
	s4 =	sadd.s32 s7, s4;
	[dreg:$0x14] =	wrdreg s20  }
0x1d: {  	s23 =	sadd.s32 s6, s21;
	s24 =	sadd.s32 $0x120, s9;
	[dreg:$0x15] =	wrdreg s4  }
0x1e: {  	s0 =	sadd.s32 $0x1A400, s0;
	s9 =	simm.s32 $0x57C0;
	[dreg:$0x16] =	wrdreg s23  }
0x1f: {  	s8 =	sadd.s32 $0x14400, s30;
	[dreg:$0x17] =	wrdreg s24;
	s4 =	sshrl.u32 s24, $0x3  }
0x20: {  	s28 =	sshrl.u32 s25, $0x3;
	[dreg:$0x1e] =	wrdreg s0;
	s30 =	smax.u32 s2, $0x1  }
0x21: {  	s23 =	simm.s32 $0x18C0;
	s24 =	simm.s32 $0x84C0;
	[dreg:$0x13] =	wrdreg s8  }
0x22: {  	s25 =	simm.s32 $0x1;
	s8 =	sadd.s32 s7, s21;
	[dreg:$0x1f] =	wrdreg s30  }
0x23: {  	s0 =	simm.s32 $0x2;
	s26 =	sadd.s32 s6, s4;
	[dreg:$0x18] =	wrdreg s8  }
0x24: {  	s10 =	simm.s32 $0x8;
	s4 =	sadd.s32 s7, s4;
	[dreg:$0x1a] =	wrdreg s26  }
0x25: {  	s21 =	simm.s32 $0x6;
	[dreg:$0x1b] =	wrdreg s4;
	s8 =	sadd.s32 s6, s28  }
0x26: {  	s4 =	sadd.s32 s7, s28;
	s26 =	simm.s32 $0x9;
	[dreg:$0x1c] =	wrdreg s8  }
0x27: {  	v0 =	vimm.f32 $0.0e+00;
	vm0 =	vmmov $0xff;
	[dreg:$0x1d] =	wrdreg s4;
	s8 =	simm.s32 $0x1F8;
	s4 =	simm.s32 $0x3  }
.LBB2_1:
0x28: {  	[smem:$0x7FD] =	sst s16  }
0x29: {  	s2 =	simm.s32 $0x0;
	s30 =	rddreg [dreg:$0x4]  }
0x2a: {  	[tilespmem:s2], [sflag:$0x5] =	stream.linear.gather [hbm4b:s30+s2], $0x48, $0x38;
	[tilespmem:$0x1F140] =	vst v63  }
0x2b: {  	s20 =	rddreg [dreg:$0x5]  }
0x2c: {  	[tilespmem:s11], [sflag:$0x5] =	stream.linear.gather [hbm4b:s20+s2], $0x48, $0x38;
	[tilespmem:$0x1F140] =	vst v63  }
0x2d: {  	s28 =	rddreg [dreg:$0x6]  }
0x2e: {  	[tilespmem:s13], [sflag:$0x6] =	stream.linear.gather [hbm4b:s28+s2], $0x48, $0x38;
	[tilespmem:$0x1F140] =	vst v63  }
0x2f: {  	s16 =	simm.s32 $0x0;
	s30 =	rddreg [dreg:$0x7];
	s20 =	simm.s32 $0x240  }
0x30: {  	[tilespmem:s14], [sflag:$0x6] =	stream.linear.gather [hbm4b:s30+s2], $0x48, $0x38;
	[tilespmem:$0x1F140] =	vst v63  }
.LBB2_2:
0x31: {  	p0 =	sne.s32 s20, $0x8DC0;
	[tilespmem:s16+$0x2FC0] =	vst v0  }
0x32: {  	[tilespmem:s16+$0x2F40] =	vst v0  }
0x33: {  	[tilespmem:s16+$0x2F50] =	vst v0  }
0x34: {  	[tilespmem:s16+$0x2F60] =	vst v0  }
.Ltmp0:
0x35: {  	[tilespmem:s16+$0x2F70] =	vst v0;
	(pc) =	sbr.rel @p0 .LBB2_2-.Ltmp0, $4  }
0x36: {  	[tilespmem:s16+$0x2F80] =	vst v0  }
0x37: {  	[tilespmem:s16+$0x2F90] =	vst v0  }
0x38: {  	[tilespmem:s16+$0x2FA0] =	vst v0  }
0x39: {  	[tilespmem:s16+$0x2FB0] =	vst v0;
	s16 =	sshra.s32 s20, $0x2;
	s20 =	sadd.s32 $0x240, s20  }
0x3a: {  	[tilespmem:s16+$0x2FC0] =	vst v0  }
0x3b: {  	[tilespmem:s16+$0x2F40] =	vst v0  }
0x3c: {  	[tilespmem:s16+$0x2F50] =	vst v0  }
0x3d: {  	[tilespmem:s16+$0x2F60] =	vst v0  }
0x3e: {  	[tilespmem:s16+$0x2F70] =	vst v0  }
0x3f: {  	[tilespmem:s16+$0x2F80] =	vst v0  }
0x40: {  	[tilespmem:s16+$0x2F90] =	vst v0  }
0x41: {  	[tilespmem:s16+$0x2FA0] =	vst v0  }
0x42: {  	[tilespmem:s16+$0x2FB0] =	vst v0  }
0x43: {  	[spmem:s22] =	stream.linear.scatter [tilespmem:s15], [sflag:$0x9], $0x2400, $0x38;
	[tilespmem:$0x1F140] =	vst v63  }
0x44: {  	_ =	swait.ge [sflag:s26], $0x2400  }
0x45: {  	[sflag:s26] =	ssyncset.done $0x0  }
0x46: {  	s2 =	rddreg [dreg:$0x9];
	[sflag:s26] =	ssyncadd.s32 $0xFFFFDC00  }
0x47: {  	[spmem:s2] =	stream.linear.scatter [tilespmem:s15], [sflag:$0x9], $0x2400, $0x38;
	[tilespmem:$0x1F140] =	vst v63  }
0x48: {  	_ =	swait.ge [sflag:s26], $0x2400  }
0x49: {  	[sflag:s26] =	ssyncset.done $0x0  }
0x4a: {  	s30 =	rddreg [dreg:$0xa];
	[sflag:s26] =	ssyncadd.s32 $0xFFFFDC00  }
0x4b: {  	[spmem:s30] =	stream.linear.scatter [tilespmem:s15], [sflag:$0x9], $0x2400, $0x38;
	[tilespmem:$0x1F140] =	vst v63  }
0x4c: {  	_ =	swait.ge [sflag:s26], $0x2400  }
0x4d: {  	[sflag:s26] =	ssyncset.done $0x0  }
0x4e: {  	s16 =	rddreg [dreg:$0xb];
	[sflag:s26] =	ssyncadd.s32 $0xFFFFDC00  }
0x4f: {  	[spmem:s16] =	stream.linear.scatter [tilespmem:s15], [sflag:$0x9], $0x2400, $0x38;
	[tilespmem:$0x1F140] =	vst v63  }
0x50: {  	_ =	swait.ge [sflag:s26], $0x2400  }
0x51: {  	[sflag:s26] =	ssyncset.done $0x0  }
0x52: {  	s20 =	rddreg [dreg:$0xc];
	[sflag:s26] =	ssyncadd.s32 $0xFFFFDC00  }
0x53: {  	[spmem:s20] =	stream.linear.scatter [tilespmem:s15], [sflag:$0x9], $0x2400, $0x38;
	[tilespmem:$0x1F140] =	vst v63  }
0x54: {  	_ =	swait.ge [sflag:s26], $0x2400  }
0x55: {  	[sflag:s26] =	ssyncset.done $0x0  }
0x56: {  	s22 =	rddreg [dreg:$0xd];
	[sflag:s26] =	ssyncadd.s32 $0xFFFFDC00  }
0x57: {  	[spmem:s22] =	stream.linear.scatter [tilespmem:s15], [sflag:$0x9], $0x2400, $0x38;
	[tilespmem:$0x1F140] =	vst v63  }
0x58: {  	_ =	swait.ge [sflag:s26], $0x2400  }
0x59: {  	[sflag:s26] =	ssyncset.done $0x0  }
0x5a: {  	s30 =	rddreg [dreg:$0xe];
	[sflag:s26] =	ssyncadd.s32 $0xFFFFDC00  }
0x5b: {  	[spmem:s30] =	stream.linear.scatter [tilespmem:s15], [sflag:$0x9], $0x2400, $0x38;
	[tilespmem:$0x1F140] =	vst v63  }
0x5c: {  	_ =	swait.ge [sflag:s26], $0x2400  }
0x5d: {  	[sflag:s26] =	ssyncset.done $0x0  }
0x5e: {  	s16 =	rddreg [dreg:$0xf];
	[sflag:s26] =	ssyncadd.s32 $0xFFFFDC00  }
0x5f: {  	[spmem:s16] =	stream.linear.scatter [tilespmem:s15], [sflag:$0x9], $0x2400, $0x38;
	[tilespmem:$0x1F140] =	vst v63  }
0x60: {  	_ =	swait.ge [sflag:s26], $0x2400  }
0x61: {  	[sflag:s26] =	ssyncset.done $0x0  }
0x62: {  	s20 =	rddreg [dreg:$0x11];
	[sflag:s26] =	ssyncadd.s32 $0xFFFFDC00  }
0x63: {  	[spmem:s20] =	stream.linear.scatter [tilespmem:s15], [sflag:$0x9], $0x2400, $0x38;
	[tilespmem:$0x1F140] =	vst v63  }
0x64: {  	_ =	swait.ge [sflag:s26], $0x2400  }
0x65: {  	[sflag:s26] =	ssyncset.done $0x0  }
0x66: {  	s22 =	rddreg [dreg:$0x13];
	[sflag:s26] =	ssyncadd.s32 $0xFFFFDC00  }
0x67: {  	[spmem:s22] =	stream.linear.scatter [tilespmem:s15], [sflag:$0x9], $0x2400, $0x38;
	[tilespmem:$0x1F140] =	vst v63  }
0x68: {  	_ =	swait.ge [sflag:s26], $0x2400  }
0x69: {  	[sflag:s26] =	ssyncset.done $0x0  }
0x6a: {  	[sflag:s26] =	ssyncadd.s32 $0xFFFFDC00  }
0x6b: {  	_ =	swait.ge [sflag:s17], $0x48  }
0x6c: {  	[sflag:s17] =	ssyncset.done $0x0  }
0x6d: {  	[sflag:s17] =	ssyncadd.s32 $0xFFFFFFB8  }
0x6e: {  	_ =	swait.ge [sflag:s17], $0x48  }
0x6f: {  	[sflag:s17] =	ssyncset.done $0x0  }
0x70: {  	s30 =	simm.s32 $0x0;
	[sflag:s17] =	ssyncadd.s32 $0xFFFFFFB8  }
0x71: {  	[tilespmem:s18], [sflag:$0x1] =	stream.indirect.gather [hbm4b:s1+s13], $0x50, s30, s13, $0xb8;
	[tilespmem:$0x1F140] =	vst v63  }
0x72: {  	_ = 	snop  }
0x73: {  	[tilespmem:s19], [sflag:$0x1] =	stream.indirect.gather [hbm4b:s5+s13], $0x10, s11, s13, $0xb8;
	[tilespmem:$0x1F140] =	vst v63  }
0x74: {  	_ =	swait.ge [sflag:s21], $0x48  }
0x75: {  	[sflag:s21] =	ssyncset.done $0x0  }
0x76: {  	[sflag:s21] =	ssyncadd.s32 $0xFFFFFFB8  }
0x77: {  	_ =	swait.ge [sflag:s21], $0x48  }
0x78: {  	[sflag:s21] =	ssyncset.done $0x0  }
0x79: {  	[sflag:s21] =	ssyncadd.s32 $0xFFFFFFB8  }
0x7a: {  	[tilespmem:s23], [sflag:$0x2] =	stream.indirect.gather [hbm4b:s1+s13], $0x50, s13, s13, $0xb8;
	[tilespmem:$0x1F140] =	vst v63  }
0x7b: {  	_ = 	snop  }
0x7c: {  	[tilespmem:s24], [sflag:$0x2] =	stream.indirect.gather [hbm4b:s5+s13], $0x10, s14, s13, $0xb8;
	[tilespmem:$0x1F140] =	vst v63  }
0x7d: {  	[bflag:$0x0] =	sbarrier.arrive $0xFFFF  }
0x7e: {  	_ =	swait.ge [sflag:s25], $0x1680  }
0x7f: {  	[sflag:s25] =	ssyncset.done $0x0  }
0x80: {  	[sflag:s25] =	ssyncadd.s32 $0xFFFFE980  }
0x81: {  	_ =	swait.ge [sflag:s25], $0x480  }
0x82: {  	[sflag:s25] =	ssyncset.done $0x0  }
0x83: {  	s20 =	simm.s32 $0x90;
	s22 =	rddreg [dreg:$0x14];
	[sflag:s25] =	ssyncadd.s32 $0xFFFFFB80  }
0x84: {  	[tilespmem:s20], [sflag:$0x7] =	stream.linear.gather [hbm4b:s22+s30], $0x48, $0x38;
	[tilespmem:$0x1F140] =	vst v63  }
0x85: {  	s16 =	simm.s32 $0x260;
	s26 =	rddreg [dreg:$0x15]  }
0x86: {  	[tilespmem:s29], [sflag:$0x7] =	stream.linear.gather [hbm4b:s26+s30], $0x48, $0x38;
	[tilespmem:$0x1F140] =	vst v63  }
0x87: {  	s30 =	simm.s32 $0x0;
	v1 =	vld [tilespmem:s16+$0x20]  }
0x88: {  	v2 =	vld [tilespmem:s30+$0x8040];
	_ =	sdelay $0x4  }
0x89: {  	v1 =	vadd.f32 v2, v1;
	_ =	sdelay $0x1  }
0x8a: {  	v3 =	vmul.f32 $2.000000030e-01, v1  }
0x8b: {  	vm1 =	vge.f32 v1, $0.0e+00  }
0x8c: {  	v1 =	vsel vm1, v1, v3  }
0x8d: {  	v1 =	vsub.f32 v1, v2;
	_ =	sdelay $0x1  }
0x8e: {  	v1 =	vmul.f32 $1.442695020e+00, v1;
	_ =	sdelay $0x1  }
0x8f: {  	(erf) = vpow2.f32 v1;
	_ =	sdelay $0x8  }
0x90: {  	v1 =	vpop (erf)  }
0x91: {  	s20 =	simm.s32 $0x2F80;
	v2 =	vnsel vm0, $0x0, v1  }
0x92: {  	[tilespmem:s20+$0x40] =	vst v2  }
0x93: {  	v2 =	vld [tilespmem:s16+$0xFFFFFFE0];
	_ =	sdelay $0x2  }
0x94: {  	v3 =	vbroadcast v1, $0x0;
	v4 =	vbroadcast v1, $0x1;
	_ =	sdelay $0x1  }
0x95: {  	v3 =	vsel vm0, v3, v4;
	v5 =	vshll.u32 v2, $0x10  }
0x96: {  	v2 =	vand.u32 $0xFFFF0000, v2;
	v4 =	vmul.f32 v5, v3  }
0x97: {  	v2 =	vmul.f32 v2, v3  }
0x98: {  	[tilespmem:s20+$0xFFFFFFC0] =	vst v4  }
0x99: {  	[tilespmem:s20+$0x0] =	vst v2  }
0x9a: {  	v2 =	vld [tilespmem:s16+$0xFFFFFFF0];
	_ =	sdelay $0x2  }
0x9b: {  	v60 =	vbroadcast v1, $0x3;
	v3 =	vbroadcast v1, $0x2;
	_ =	sdelay $0x1  }
0x9c: {  	v3 =	vsel vm0, v3, v60;
	v61 =	vshll.u32 v2, $0x10  }
0x9d: {  	v2 =	vand.u32 $0xFFFF0000, v2;
	v4 =	vmul.f32 v61, v3  }
0x9e: {  	v2 =	vmul.f32 v2, v3  }
0x9f: {  	[tilespmem:s20+$0xFFFFFFD0] =	vst v4  }
0xa0: {  	[tilespmem:s20+$0x10] =	vst v2  }
0xa1: {  	v2 =	vld [tilespmem:s16+$0x0];
	_ =	sdelay $0x2  }
0xa2: {  	v62 =	vbroadcast v1, $0x5;
	v3 =	vbroadcast v1, $0x4;
	_ =	sdelay $0x1  }
0xa3: {  	v3 =	vsel vm0, v3, v62;
	v63 =	vshll.u32 v2, $0x10  }
0xa4: {  	v2 =	vand.u32 $0xFFFF0000, v2;
	v4 =	vmul.f32 v63, v3  }
0xa5: {  	v2 =	vmul.f32 v2, v3  }
0xa6: {  	[tilespmem:s20+$0xFFFFFFE0] =	vst v4  }
0xa7: {  	[tilespmem:s20+$0x20] =	vst v2  }
0xa8: {  	v3 =	vbroadcast v1, $0x6;
	v1 =	vbroadcast v1, $0x7;
	v2 =	vld [tilespmem:s16+$0x10];
	_ =	sdelay $0x1  }
0xa9: {  	s28 =	simm.s32 $0x40;
	s22 =	simm.s32 $0x2F80;
	v1 =	vsel vm0, v3, v1  }
.LBB2_4:
0xaa: {  	_ =	sdelay $0x1  }
0xab: {  	p0 =	sne.s32 s28, $0x11C0;
	s16 =	sadd.s32 $0x50, s16;
	s20 =	sadd.s32 $0x90, s20;
	v3 =	vshll.u32 v2, $0x10;
	v2 =	vand.u32 $0xFFFF0000, v2  }
0xac: {  	s26 =	smov.u32 s28;
	s28 =	sadd.s32 $0x40, s28;
	v3 =	vmul.f32 v3, v1;
	v1 =	vmul.f32 v2, v1;
	_ =	sdelay $0x1  }
0xad: {  	[tilespmem:s22+$0xFFFFFFF0] =	vst v3  }
0xae: {  	[tilespmem:s22+$0x30] =	vst v1;
	s22 =	smov.u32 s20  }
0xaf: {  	s26 =	sshra.s32 s26, $0x2;
	v1 =	vld [tilespmem:s16+$0x20]  }
0xb0: {  	v2 =	vld [tilespmem:s26+$0x8040];
	_ =	sdelay $0x4  }
0xb1: {  	v1 =	vadd.f32 v2, v1;
	_ =	sdelay $0x1  }
0xb2: {  	v3 =	vmul.f32 $2.000000030e-01, v1  }
0xb3: {  	vm1 =	vge.f32 v1, $0.0e+00  }
0xb4: {  	v1 =	vsel vm1, v1, v3  }
0xb5: {  	v1 =	vsub.f32 v1, v2;
	_ =	sdelay $0x1  }
0xb6: {  	v1 =	vmul.f32 $1.442695020e+00, v1;
	_ =	sdelay $0x1  }
0xb7: {  	(erf) = vpow2.f32 v1;
	_ =	sdelay $0x8  }
0xb8: {  	v1 =	vpop (erf)  }
0xb9: {  	v2 =	vnsel vm0, $0x0, v1;
	v3 =	vbroadcast v1, $0x0;
	v4 =	vbroadcast v1, $0x1  }
0xba: {  	v5 =	vbroadcast v1, $0x4;
	[tilespmem:s20+$0x40] =	vst v2;
	v2 =	vbroadcast v1, $0x2  }
0xbb: {  	v7 =	vbroadcast v1, $0x5;
	v8 =	vbroadcast v1, $0x6;
	v6 =	vld [tilespmem:s16+$0xFFFFFFE0];
	_ =	sdelay $0x4  }
0xbc: {  	v3 =	vsel vm0, v3, v4;
	v9 =	vshll.u32 v6, $0x10;
	v6 =	vand.u32 $0xFFFF0000, v6  }
0xbd: {  	v4 =	vmul.f32 v9, v3;
	v3 =	vmul.f32 v6, v3;
	_ =	sdelay $0x1  }
0xbe: {  	[tilespmem:s20+$0xFFFFFFC0] =	vst v4  }
0xbf: {  	[tilespmem:s20+$0x0] =	vst v3  }
0xc0: {  	v3 =	vld [tilespmem:s16+$0xFFFFFFF0];
	_ =	sdelay $0x1  }
0xc1: {  	v4 =	vbroadcast v1, $0x3;
	_ =	sdelay $0x1  }
0xc2: {  	v2 =	vsel vm0, v2, v4  }
0xc3: {  	v4 =	vshll.u32 v3, $0x10;
	v3 =	vand.u32 $0xFFFF0000, v3  }
0xc4: {  	v4 =	vmul.f32 v4, v2;
	v2 =	vmul.f32 v3, v2;
	_ =	sdelay $0x1  }
0xc5: {  	[tilespmem:s20+$0xFFFFFFD0] =	vst v4  }
0xc6: {  	[tilespmem:s20+$0x10] =	vst v2  }
0xc7: {  	v2 =	vld [tilespmem:s16+$0x0];
	_ =	sdelay $0x2  }
0xc8: {  	v3 =	vsel vm0, v5, v7;
	_ =	sdelay $0x1  }
0xc9: {  	v4 =	vshll.u32 v2, $0x10;
	v2 =	vand.u32 $0xFFFF0000, v2  }
0xca: {  	v4 =	vmul.f32 v4, v3;
	v2 =	vmul.f32 v2, v3;
	_ =	sdelay $0x1  }
.Ltmp1:
0xcb: {  	[tilespmem:s20+$0xFFFFFFE0] =	vst v4;
	(pc) =	sbr.rel @p0 .LBB2_4-.Ltmp1, $3  }
0xcc: {  	[tilespmem:s20+$0x20] =	vst v2  }
0xcd: {  	v1 =	vbroadcast v1, $0x7;
	v2 =	vld [tilespmem:s16+$0x10];
	_ =	sdelay $0x1  }
0xce: {  	v1 =	vsel vm0, v8, v1  }
0xcf: {  	_ =	sdelay $0x1  }
0xd0: {  	v3 =	vshll.u32 v2, $0x10  }
0xd1: {  	v2 =	vand.u32 $0xFFFF0000, v2;
	v3 =	vmul.f32 v3, v1  }
0xd2: {  	v1 =	vmul.f32 v2, v1  }
0xd3: {  	[tilespmem:s22+$0xFFFFFFF0] =	vst v3  }
0xd4: {  	[tilespmem:s22+$0x30] =	vst v1  }
0xd5: {  	[spmem:s3] =	stream.indirect.scatter.add.f32 [tilespmem:s15], [sflag:$0x3], $0x90, s11, s13, $0xb8;
	[tilespmem:$0x1F140] =	vst v63  }
0xd6: {  	_ =	swait.ge [sflag:s31], $0x48  }
0xd7: {  	[sflag:s31] =	ssyncset.done $0x0  }
0xd8: {  	[sflag:s31] =	ssyncadd.s32 $0xFFFFFFB8  }
0xd9: {  	_ =	swait.ge [sflag:s31], $0x48  }
0xda: {  	[sflag:s31] =	ssyncset.done $0x0  }
0xdb: {  	s2 =	simm.s32 $0x90;
	[sflag:s31] =	ssyncadd.s32 $0xFFFFFFB8  }
0xdc: {  	[tilespmem:s18], [sflag:$0x1] =	stream.indirect.gather [hbm4b:s1+s13], $0x50, s2, s13, $0xb8;
	[tilespmem:$0x1F140] =	vst v63  }
0xdd: {  	_ = 	snop  }
0xde: {  	[tilespmem:s19], [sflag:$0x1] =	stream.indirect.gather [hbm4b:s5+s13], $0x10, s29, s13, $0xb8;
	[tilespmem:$0x1F140] =	vst v63  }
0xdf: {  	_ =	swait.ge [sflag:s0], $0x1680  }
0xe0: {  	[sflag:s0] =	ssyncset.done $0x0  }
0xe1: {  	[sflag:s0] =	ssyncadd.s32 $0xFFFFE980  }
0xe2: {  	_ =	swait.ge [sflag:s0], $0x480  }
0xe3: {  	s16 =	simm.s32 $0x0;
	[sflag:s0] =	ssyncset.done $0x0  }
0xe4: {  	s20 =	simm.s32 $0xD8;
	s22 =	rddreg [dreg:$0x16];
	[sflag:s0] =	ssyncadd.s32 $0xFFFFFB80  }
0xe5: {  	[tilespmem:s20], [sflag:$0x8] =	stream.linear.gather [hbm4b:s22+s16], $0x48, $0x38;
	[tilespmem:$0x1F140] =	vst v63  }
0xe6: {  	s26 =	rddreg [dreg:$0x18]  }
0xe7: {  	[tilespmem:s8], [sflag:$0x8] =	stream.linear.gather [hbm4b:s26+s16], $0x48, $0x38;
	[tilespmem:$0x1F140] =	vst v63  }
0xe8: {  	s16 =	simm.s32 $0x18E0  }
0xe9: {  	s30 =	simm.s32 $0x0;
	v1 =	vld [tilespmem:s16+$0x20]  }
0xea: {  	v2 =	vld [tilespmem:s30+$0x84C0];
	_ =	sdelay $0x4  }
0xeb: {  	v1 =	vadd.f32 v2, v1;
	_ =	sdelay $0x1  }
0xec: {  	v3 =	vmul.f32 $2.000000030e-01, v1  }
0xed: {  	vm1 =	vge.f32 v1, $0.0e+00  }
0xee: {  	v1 =	vsel vm1, v1, v3  }
0xef: {  	v1 =	vsub.f32 v1, v2;
	_ =	sdelay $0x1  }
0xf0: {  	v1 =	vmul.f32 $1.442695020e+00, v1;
	_ =	sdelay $0x1  }
0xf1: {  	(erf) = vpow2.f32 v1;
	_ =	sdelay $0x8  }
0xf2: {  	v1 =	vpop (erf)  }
0xf3: {  	s20 =	simm.s32 $0x5800;
	v2 =	vnsel vm0, $0x0, v1  }
0xf4: {  	[tilespmem:s20+$0x40] =	vst v2  }
0xf5: {  	v2 =	vld [tilespmem:s16+$0xFFFFFFE0];
	_ =	sdelay $0x2  }
0xf6: {  	v3 =	vbroadcast v1, $0x0;
	v4 =	vbroadcast v1, $0x1;
	_ =	sdelay $0x1  }
0xf7: {  	v3 =	vsel vm0, v3, v4;
	v5 =	vshll.u32 v2, $0x10  }
0xf8: {  	v2 =	vand.u32 $0xFFFF0000, v2;
	v4 =	vmul.f32 v5, v3  }
0xf9: {  	v2 =	vmul.f32 v2, v3  }
0xfa: {  	[tilespmem:s20+$0xFFFFFFC0] =	vst v4  }
0xfb: {  	[tilespmem:s20+$0x0] =	vst v2  }
0xfc: {  	v2 =	vld [tilespmem:s16+$0xFFFFFFF0];
	_ =	sdelay $0x2  }
0xfd: {  	v60 =	vbroadcast v1, $0x3;
	v3 =	vbroadcast v1, $0x2;
	_ =	sdelay $0x1  }
0xfe: {  	v3 =	vsel vm0, v3, v60;
	v61 =	vshll.u32 v2, $0x10  }
0xff: {  	v2 =	vand.u32 $0xFFFF0000, v2;
	v4 =	vmul.f32 v61, v3  }
0x100: {  	v2 =	vmul.f32 v2, v3  }
0x101: {  	[tilespmem:s20+$0xFFFFFFD0] =	vst v4  }
0x102: {  	[tilespmem:s20+$0x10] =	vst v2  }
0x103: {  	v2 =	vld [tilespmem:s16+$0x0];
	_ =	sdelay $0x2  }
0x104: {  	v62 =	vbroadcast v1, $0x5;
	v3 =	vbroadcast v1, $0x4;
	_ =	sdelay $0x1  }
0x105: {  	v3 =	vsel vm0, v3, v62;
	v63 =	vshll.u32 v2, $0x10  }
0x106: {  	v2 =	vand.u32 $0xFFFF0000, v2;
	v4 =	vmul.f32 v63, v3  }
0x107: {  	v2 =	vmul.f32 v2, v3  }
0x108: {  	[tilespmem:s20+$0xFFFFFFE0] =	vst v4  }
0x109: {  	[tilespmem:s20+$0x20] =	vst v2  }
0x10a: {  	v3 =	vbroadcast v1, $0x6;
	v1 =	vbroadcast v1, $0x7;
	v2 =	vld [tilespmem:s16+$0x10];
	_ =	sdelay $0x1  }
0x10b: {  	s28 =	simm.s32 $0x40;
	s22 =	simm.s32 $0x5800;
	v1 =	vsel vm0, v3, v1  }
.LBB2_6:
0x10c: {  	_ =	sdelay $0x1  }
0x10d: {  	p0 =	sne.s32 s28, $0x11C0;
	s16 =	sadd.s32 $0x50, s16;
	s20 =	sadd.s32 $0x90, s20;
	v3 =	vshll.u32 v2, $0x10;
	v2 =	vand.u32 $0xFFFF0000, v2  }
0x10e: {  	s26 =	smov.u32 s28;
	s28 =	sadd.s32 $0x40, s28;
	v3 =	vmul.f32 v3, v1;
	v1 =	vmul.f32 v2, v1;
	_ =	sdelay $0x1  }
0x10f: {  	[tilespmem:s22+$0xFFFFFFF0] =	vst v3  }
0x110: {  	[tilespmem:s22+$0x30] =	vst v1;
	s22 =	smov.u32 s20  }
0x111: {  	s26 =	sshra.s32 s26, $0x2;
	v1 =	vld [tilespmem:s16+$0x20]  }
0x112: {  	v2 =	vld [tilespmem:s26+$0x84C0];
	_ =	sdelay $0x4  }
0x113: {  	v1 =	vadd.f32 v2, v1;
	_ =	sdelay $0x1  }
0x114: {  	v3 =	vmul.f32 $2.000000030e-01, v1  }
0x115: {  	vm1 =	vge.f32 v1, $0.0e+00  }
0x116: {  	v1 =	vsel vm1, v1, v3  }
0x117: {  	v1 =	vsub.f32 v1, v2;
	_ =	sdelay $0x1  }
0x118: {  	v1 =	vmul.f32 $1.442695020e+00, v1;
	_ =	sdelay $0x1  }
0x119: {  	(erf) = vpow2.f32 v1;
	_ =	sdelay $0x8  }
0x11a: {  	v1 =	vpop (erf)  }
0x11b: {  	v2 =	vnsel vm0, $0x0, v1;
	v3 =	vbroadcast v1, $0x0;
	v4 =	vbroadcast v1, $0x1  }
0x11c: {  	v5 =	vbroadcast v1, $0x4;
	[tilespmem:s20+$0x40] =	vst v2;
	v2 =	vbroadcast v1, $0x2  }
0x11d: {  	v7 =	vbroadcast v1, $0x5;
	v8 =	vbroadcast v1, $0x6;
	v6 =	vld [tilespmem:s16+$0xFFFFFFE0];
	_ =	sdelay $0x4  }
0x11e: {  	v3 =	vsel vm0, v3, v4;
	v9 =	vshll.u32 v6, $0x10;
	v6 =	vand.u32 $0xFFFF0000, v6  }
0x11f: {  	v4 =	vmul.f32 v9, v3;
	v3 =	vmul.f32 v6, v3;
	_ =	sdelay $0x1  }
0x120: {  	[tilespmem:s20+$0xFFFFFFC0] =	vst v4  }
0x121: {  	[tilespmem:s20+$0x0] =	vst v3  }
0x122: {  	v3 =	vld [tilespmem:s16+$0xFFFFFFF0];
	_ =	sdelay $0x1  }
0x123: {  	v4 =	vbroadcast v1, $0x3;
	_ =	sdelay $0x1  }
0x124: {  	v2 =	vsel vm0, v2, v4  }
0x125: {  	v4 =	vshll.u32 v3, $0x10;
	v3 =	vand.u32 $0xFFFF0000, v3  }
0x126: {  	v4 =	vmul.f32 v4, v2;
	v2 =	vmul.f32 v3, v2;
	_ =	sdelay $0x1  }
0x127: {  	[tilespmem:s20+$0xFFFFFFD0] =	vst v4  }
0x128: {  	[tilespmem:s20+$0x10] =	vst v2  }
0x129: {  	v2 =	vld [tilespmem:s16+$0x0];
	_ =	sdelay $0x2  }
0x12a: {  	v3 =	vsel vm0, v5, v7;
	_ =	sdelay $0x1  }
0x12b: {  	v4 =	vshll.u32 v2, $0x10;
	v2 =	vand.u32 $0xFFFF0000, v2  }
0x12c: {  	v4 =	vmul.f32 v4, v3;
	v2 =	vmul.f32 v2, v3;
	_ =	sdelay $0x1  }
.Ltmp2:
0x12d: {  	[tilespmem:s20+$0xFFFFFFE0] =	vst v4;
	(pc) =	sbr.rel @p0 .LBB2_6-.Ltmp2, $3  }
0x12e: {  	[tilespmem:s20+$0x20] =	vst v2  }
0x12f: {  	v1 =	vbroadcast v1, $0x7;
	v2 =	vld [tilespmem:s16+$0x10];
	_ =	sdelay $0x1  }
0x130: {  	v1 =	vsel vm0, v8, v1  }
0x131: {  	_ =	sdelay $0x1  }
0x132: {  	v3 =	vshll.u32 v2, $0x10  }
0x133: {  	v2 =	vand.u32 $0xFFFF0000, v2;
	v3 =	vmul.f32 v3, v1  }
0x134: {  	v1 =	vmul.f32 v2, v1  }
0x135: {  	[tilespmem:s22+$0xFFFFFFF0] =	vst v3  }
0x136: {  	[tilespmem:s22+$0x30] =	vst v1  }
0x137: {  	[spmem:s3] =	stream.indirect.scatter.add.f32 [tilespmem:s9], [sflag:$0x4], $0x90, s14, s13, $0xb8;
	[tilespmem:$0x1F140] =	vst v63  }
0x138: {  	_ =	swait.ge [sflag:s10], $0x48  }
0x139: {  	[sflag:s10] =	ssyncset.done $0x0  }
0x13a: {  	[sflag:s10] =	ssyncadd.s32 $0xFFFFFFB8  }
0x13b: {  	_ =	swait.ge [sflag:s10], $0x48  }
0x13c: {  	[sflag:s10] =	ssyncset.done $0x0  }
0x13d: {  	s2 =	simm.s32 $0xD8;
	[sflag:s10] =	ssyncadd.s32 $0xFFFFFFB8  }
0x13e: {  	[tilespmem:s23], [sflag:$0x2] =	stream.indirect.gather [hbm4b:s1+s13], $0x50, s2, s13, $0xb8;
	[tilespmem:$0x1F140] =	vst v63  }
0x13f: {  	_ = 	snop  }
0x140: {  	[tilespmem:s24], [sflag:$0x2] =	stream.indirect.gather [hbm4b:s5+s13], $0x10, s8, s13, $0xb8;
	[tilespmem:$0x1F140] =	vst v63  }
0x141: {  	_ =	swait.ge [sflag:s25], $0x1680  }
0x142: {  	[sflag:s25] =	ssyncset.done $0x0  }
0x143: {  	[sflag:s25] =	ssyncadd.s32 $0xFFFFE980  }
0x144: {  	_ =	swait.ge [sflag:s25], $0x480  }
0x145: {  	[sflag:s25] =	ssyncset.done $0x0  }
0x146: {  	[sflag:s25] =	ssyncadd.s32 $0xFFFFFB80  }
0x147: {  	_ =	swait.ge [sflag:s4], $0x2880  }
0x148: {  	[sflag:s4] =	ssyncset.done $0x0  }
0x149: {  	s16 =	simm.s32 $0x0;
	s26 =	rddreg [dreg:$0x1a];
	[sflag:s4] =	ssyncadd.s32 $0xFFFFD780  }
0x14a: {  	[tilespmem:s16], [sflag:$0x5] =	stream.linear.gather [hbm4b:s26+s16], $0x48, $0x38;
	[tilespmem:$0x1F140] =	vst v63  }
0x14b: {  	s30 =	rddreg [dreg:$0x1b]  }
0x14c: {  	[tilespmem:s11], [sflag:$0x5] =	stream.linear.gather [hbm4b:s30+s16], $0x48, $0x38;
	[tilespmem:$0x1F140] =	vst v63  }
0x14d: {  	s16 =	simm.s32 $0x260  }
0x14e: {  	s20 =	simm.s32 $0x0;
	v1 =	vld [tilespmem:s16+$0x20]  }
0x14f: {  	v2 =	vld [tilespmem:s20+$0x8040];
	_ =	sdelay $0x4  }
0x150: {  	v1 =	vadd.f32 v2, v1;
	_ =	sdelay $0x1  }
0x151: {  	v3 =	vmul.f32 $2.000000030e-01, v1  }
0x152: {  	vm1 =	vge.f32 v1, $0.0e+00  }
0x153: {  	v1 =	vsel vm1, v1, v3  }
0x154: {  	v1 =	vsub.f32 v1, v2;
	_ =	sdelay $0x1  }
0x155: {  	v1 =	vmul.f32 $1.442695020e+00, v1;
	_ =	sdelay $0x1  }
0x156: {  	(erf) = vpow2.f32 v1;
	_ =	sdelay $0x8  }
0x157: {  	v1 =	vpop (erf)  }
0x158: {  	s20 =	simm.s32 $0x2F80;
	v2 =	vnsel vm0, $0x0, v1  }
0x159: {  	[tilespmem:s20+$0x40] =	vst v2  }
0x15a: {  	v2 =	vld [tilespmem:s16+$0xFFFFFFE0];
	_ =	sdelay $0x2  }
0x15b: {  	v3 =	vbroadcast v1, $0x0;
	v4 =	vbroadcast v1, $0x1;
	_ =	sdelay $0x1  }
0x15c: {  	v3 =	vsel vm0, v3, v4;
	v5 =	vshll.u32 v2, $0x10  }
0x15d: {  	v2 =	vand.u32 $0xFFFF0000, v2;
	v4 =	vmul.f32 v5, v3  }
0x15e: {  	v2 =	vmul.f32 v2, v3  }
0x15f: {  	[tilespmem:s20+$0xFFFFFFC0] =	vst v4  }
0x160: {  	[tilespmem:s20+$0x0] =	vst v2  }
0x161: {  	v2 =	vld [tilespmem:s16+$0xFFFFFFF0];
	_ =	sdelay $0x2  }
0x162: {  	v60 =	vbroadcast v1, $0x3;
	v3 =	vbroadcast v1, $0x2;
	_ =	sdelay $0x1  }
0x163: {  	v3 =	vsel vm0, v3, v60;
	v61 =	vshll.u32 v2, $0x10  }
0x164: {  	v2 =	vand.u32 $0xFFFF0000, v2;
	v4 =	vmul.f32 v61, v3  }
0x165: {  	v2 =	vmul.f32 v2, v3  }
0x166: {  	[tilespmem:s20+$0xFFFFFFD0] =	vst v4  }
0x167: {  	[tilespmem:s20+$0x10] =	vst v2  }
0x168: {  	v2 =	vld [tilespmem:s16+$0x0];
	_ =	sdelay $0x2  }
0x169: {  	v62 =	vbroadcast v1, $0x5;
	v3 =	vbroadcast v1, $0x4;
	_ =	sdelay $0x1  }
0x16a: {  	v3 =	vsel vm0, v3, v62;
	v63 =	vshll.u32 v2, $0x10  }
0x16b: {  	v2 =	vand.u32 $0xFFFF0000, v2;
	v4 =	vmul.f32 v63, v3  }
0x16c: {  	v2 =	vmul.f32 v2, v3  }
0x16d: {  	[tilespmem:s20+$0xFFFFFFE0] =	vst v4  }
0x16e: {  	[tilespmem:s20+$0x20] =	vst v2  }
0x16f: {  	v3 =	vbroadcast v1, $0x6;
	v1 =	vbroadcast v1, $0x7;
	v2 =	vld [tilespmem:s16+$0x10];
	_ =	sdelay $0x1  }
0x170: {  	s28 =	simm.s32 $0x40;
	s22 =	simm.s32 $0x2F80;
	v1 =	vsel vm0, v3, v1  }
.LBB2_8:
0x171: {  	_ =	sdelay $0x1  }
0x172: {  	p0 =	sne.s32 s28, $0x11C0;
	s16 =	sadd.s32 $0x50, s16;
	s20 =	sadd.s32 $0x90, s20;
	v3 =	vshll.u32 v2, $0x10;
	v2 =	vand.u32 $0xFFFF0000, v2  }
0x173: {  	s26 =	smov.u32 s28;
	s28 =	sadd.s32 $0x40, s28;
	v3 =	vmul.f32 v3, v1;
	v1 =	vmul.f32 v2, v1;
	_ =	sdelay $0x1  }
0x174: {  	[tilespmem:s22+$0xFFFFFFF0] =	vst v3  }
0x175: {  	[tilespmem:s22+$0x30] =	vst v1;
	s22 =	smov.u32 s20  }
0x176: {  	s26 =	sshra.s32 s26, $0x2;
	v1 =	vld [tilespmem:s16+$0x20]  }
0x177: {  	v2 =	vld [tilespmem:s26+$0x8040];
	_ =	sdelay $0x4  }
0x178: {  	v1 =	vadd.f32 v2, v1;
	_ =	sdelay $0x1  }
0x179: {  	v3 =	vmul.f32 $2.000000030e-01, v1  }
0x17a: {  	vm1 =	vge.f32 v1, $0.0e+00  }
0x17b: {  	v1 =	vsel vm1, v1, v3  }
0x17c: {  	v1 =	vsub.f32 v1, v2;
	_ =	sdelay $0x1  }
0x17d: {  	v1 =	vmul.f32 $1.442695020e+00, v1;
	_ =	sdelay $0x1  }
0x17e: {  	(erf) = vpow2.f32 v1;
	_ =	sdelay $0x8  }
0x17f: {  	v1 =	vpop (erf)  }
0x180: {  	v2 =	vnsel vm0, $0x0, v1;
	v3 =	vbroadcast v1, $0x0;
	v4 =	vbroadcast v1, $0x1  }
0x181: {  	v5 =	vbroadcast v1, $0x4;
	[tilespmem:s20+$0x40] =	vst v2;
	v2 =	vbroadcast v1, $0x2  }
0x182: {  	v7 =	vbroadcast v1, $0x5;
	v8 =	vbroadcast v1, $0x6;
	v6 =	vld [tilespmem:s16+$0xFFFFFFE0];
	_ =	sdelay $0x4  }
0x183: {  	v3 =	vsel vm0, v3, v4;
	v9 =	vshll.u32 v6, $0x10;
	v6 =	vand.u32 $0xFFFF0000, v6  }
0x184: {  	v4 =	vmul.f32 v9, v3;
	v3 =	vmul.f32 v6, v3;
	_ =	sdelay $0x1  }
0x185: {  	[tilespmem:s20+$0xFFFFFFC0] =	vst v4  }
0x186: {  	[tilespmem:s20+$0x0] =	vst v3  }
0x187: {  	v3 =	vld [tilespmem:s16+$0xFFFFFFF0];
	_ =	sdelay $0x1  }
0x188: {  	v4 =	vbroadcast v1, $0x3;
	_ =	sdelay $0x1  }
0x189: {  	v2 =	vsel vm0, v2, v4  }
0x18a: {  	v4 =	vshll.u32 v3, $0x10;
	v3 =	vand.u32 $0xFFFF0000, v3  }
0x18b: {  	v4 =	vmul.f32 v4, v2;
	v2 =	vmul.f32 v3, v2;
	_ =	sdelay $0x1  }
0x18c: {  	[tilespmem:s20+$0xFFFFFFD0] =	vst v4  }
0x18d: {  	[tilespmem:s20+$0x10] =	vst v2  }
0x18e: {  	v2 =	vld [tilespmem:s16+$0x0];
	_ =	sdelay $0x2  }
0x18f: {  	v3 =	vsel vm0, v5, v7;
	_ =	sdelay $0x1  }
0x190: {  	v4 =	vshll.u32 v2, $0x10;
	v2 =	vand.u32 $0xFFFF0000, v2  }
0x191: {  	v4 =	vmul.f32 v4, v3;
	v2 =	vmul.f32 v2, v3;
	_ =	sdelay $0x1  }
.Ltmp3:
0x192: {  	[tilespmem:s20+$0xFFFFFFE0] =	vst v4;
	(pc) =	sbr.rel @p0 .LBB2_8-.Ltmp3, $3  }
0x193: {  	[tilespmem:s20+$0x20] =	vst v2  }
0x194: {  	v1 =	vbroadcast v1, $0x7;
	v2 =	vld [tilespmem:s16+$0x10];
	_ =	sdelay $0x1  }
0x195: {  	v1 =	vsel vm0, v8, v1  }
0x196: {  	_ =	sdelay $0x1  }
0x197: {  	v3 =	vshll.u32 v2, $0x10  }
0x198: {  	v2 =	vand.u32 $0xFFFF0000, v2;
	v3 =	vmul.f32 v3, v1  }
0x199: {  	v1 =	vmul.f32 v2, v1  }
0x19a: {  	[tilespmem:s22+$0xFFFFFFF0] =	vst v3  }
0x19b: {  	[tilespmem:s22+$0x30] =	vst v1  }
0x19c: {  	[spmem:s3] =	stream.indirect.scatter.add.f32 [tilespmem:s15], [sflag:$0x3], $0x90, s29, s13, $0xb8;
	[tilespmem:$0x1F140] =	vst v63  }
0x19d: {  	_ =	swait.ge [sflag:s17], $0x48  }
0x19e: {  	[sflag:s17] =	ssyncset.done $0x0  }
0x19f: {  	[sflag:s17] =	ssyncadd.s32 $0xFFFFFFB8  }
0x1a0: {  	_ =	swait.ge [sflag:s17], $0x48  }
0x1a1: {  	[sflag:s17] =	ssyncset.done $0x0  }
0x1a2: {  	s16 =	simm.s32 $0x0;
	[sflag:s17] =	ssyncadd.s32 $0xFFFFFFB8  }
0x1a3: {  	[tilespmem:s18], [sflag:$0x1] =	stream.indirect.gather [hbm4b:s1+s13], $0x50, s16, s13, $0xb8;
	[tilespmem:$0x1F140] =	vst v63  }
0x1a4: {  	_ = 	snop  }
0x1a5: {  	[tilespmem:s19], [sflag:$0x1] =	stream.indirect.gather [hbm4b:s5+s13], $0x10, s11, s13, $0xb8;
	[tilespmem:$0x1F140] =	vst v63  }
0x1a6: {  	_ =	swait.ge [sflag:s0], $0x1680  }
0x1a7: {  	[sflag:s0] =	ssyncset.done $0x0  }
0x1a8: {  	[sflag:s0] =	ssyncadd.s32 $0xFFFFE980  }
0x1a9: {  	_ =	swait.ge [sflag:s0], $0x480  }
0x1aa: {  	[sflag:s0] =	ssyncset.done $0x0  }
0x1ab: {  	[sflag:s0] =	ssyncadd.s32 $0xFFFFFB80  }
0x1ac: {  	_ =	swait.ge [sflag:s12], $0x2880  }
0x1ad: {  	[sflag:s12] =	ssyncset.done $0x0  }
0x1ae: {  	s2 =	rddreg [dreg:$0x1c];
	[sflag:s12] =	ssyncadd.s32 $0xFFFFD780  }
0x1af: {  	[tilespmem:s13], [sflag:$0x6] =	stream.linear.gather [hbm4b:s2+s16], $0x48, $0x38;
	[tilespmem:$0x1F140] =	vst v63  }
0x1b0: {  	s30 =	rddreg [dreg:$0x1d]  }
0x1b1: {  	[tilespmem:s14], [sflag:$0x6] =	stream.linear.gather [hbm4b:s30+s16], $0x48, $0x38;
	[tilespmem:$0x1F140] =	vst v63  }
0x1b2: {  	s16 =	simm.s32 $0x18E0  }
0x1b3: {  	s20 =	simm.s32 $0x0;
	v1 =	vld [tilespmem:s16+$0x20]  }
0x1b4: {  	v2 =	vld [tilespmem:s20+$0x84C0];
	_ =	sdelay $0x4  }
0x1b5: {  	v1 =	vadd.f32 v2, v1;
	_ =	sdelay $0x1  }
0x1b6: {  	v3 =	vmul.f32 $2.000000030e-01, v1  }
0x1b7: {  	vm1 =	vge.f32 v1, $0.0e+00  }
0x1b8: {  	v1 =	vsel vm1, v1, v3  }
0x1b9: {  	v1 =	vsub.f32 v1, v2;
	_ =	sdelay $0x1  }
0x1ba: {  	v1 =	vmul.f32 $1.442695020e+00, v1;
	_ =	sdelay $0x1  }
0x1bb: {  	(erf) = vpow2.f32 v1;
	_ =	sdelay $0x8  }
0x1bc: {  	v1 =	vpop (erf)  }
0x1bd: {  	s20 =	simm.s32 $0x5800;
	v2 =	vnsel vm0, $0x0, v1  }
0x1be: {  	[tilespmem:s20+$0x40] =	vst v2  }
0x1bf: {  	v2 =	vld [tilespmem:s16+$0xFFFFFFE0];
	_ =	sdelay $0x2  }
0x1c0: {  	v3 =	vbroadcast v1, $0x0;
	v4 =	vbroadcast v1, $0x1;
	_ =	sdelay $0x1  }
0x1c1: {  	v3 =	vsel vm0, v3, v4;
	v5 =	vshll.u32 v2, $0x10  }
0x1c2: {  	v2 =	vand.u32 $0xFFFF0000, v2;
	v4 =	vmul.f32 v5, v3  }
0x1c3: {  	v2 =	vmul.f32 v2, v3  }
0x1c4: {  	[tilespmem:s20+$0xFFFFFFC0] =	vst v4  }
0x1c5: {  	[tilespmem:s20+$0x0] =	vst v2  }
0x1c6: {  	v2 =	vld [tilespmem:s16+$0xFFFFFFF0];
	_ =	sdelay $0x2  }
0x1c7: {  	v60 =	vbroadcast v1, $0x3;
	v3 =	vbroadcast v1, $0x2;
	_ =	sdelay $0x1  }
0x1c8: {  	v3 =	vsel vm0, v3, v60;
	v61 =	vshll.u32 v2, $0x10  }
0x1c9: {  	v2 =	vand.u32 $0xFFFF0000, v2;
	v4 =	vmul.f32 v61, v3  }
0x1ca: {  	v2 =	vmul.f32 v2, v3  }
0x1cb: {  	[tilespmem:s20+$0xFFFFFFD0] =	vst v4  }
0x1cc: {  	[tilespmem:s20+$0x10] =	vst v2  }
0x1cd: {  	v2 =	vld [tilespmem:s16+$0x0];
	_ =	sdelay $0x2  }
0x1ce: {  	v62 =	vbroadcast v1, $0x5;
	v3 =	vbroadcast v1, $0x4;
	_ =	sdelay $0x1  }
0x1cf: {  	v3 =	vsel vm0, v3, v62;
	v63 =	vshll.u32 v2, $0x10  }
0x1d0: {  	v2 =	vand.u32 $0xFFFF0000, v2;
	v4 =	vmul.f32 v63, v3  }
0x1d1: {  	v2 =	vmul.f32 v2, v3  }
0x1d2: {  	[tilespmem:s20+$0xFFFFFFE0] =	vst v4  }
0x1d3: {  	[tilespmem:s20+$0x20] =	vst v2  }
0x1d4: {  	v3 =	vbroadcast v1, $0x6;
	v1 =	vbroadcast v1, $0x7;
	v2 =	vld [tilespmem:s16+$0x10];
	_ =	sdelay $0x1  }
0x1d5: {  	s28 =	simm.s32 $0x40;
	s22 =	simm.s32 $0x5800;
	v1 =	vsel vm0, v3, v1  }
.LBB2_10:
0x1d6: {  	_ =	sdelay $0x1  }
0x1d7: {  	p0 =	sne.s32 s28, $0x11C0;
	s16 =	sadd.s32 $0x50, s16;
	s20 =	sadd.s32 $0x90, s20;
	v3 =	vshll.u32 v2, $0x10;
	v2 =	vand.u32 $0xFFFF0000, v2  }
0x1d8: {  	s26 =	smov.u32 s28;
	s28 =	sadd.s32 $0x40, s28;
	v3 =	vmul.f32 v3, v1;
	v1 =	vmul.f32 v2, v1;
	_ =	sdelay $0x1  }
0x1d9: {  	[tilespmem:s22+$0xFFFFFFF0] =	vst v3  }
0x1da: {  	[tilespmem:s22+$0x30] =	vst v1;
	s22 =	smov.u32 s20  }
0x1db: {  	s26 =	sshra.s32 s26, $0x2;
	v1 =	vld [tilespmem:s16+$0x20]  }
0x1dc: {  	v2 =	vld [tilespmem:s26+$0x84C0];
	_ =	sdelay $0x4  }
0x1dd: {  	v1 =	vadd.f32 v2, v1;
	_ =	sdelay $0x1  }
0x1de: {  	v3 =	vmul.f32 $2.000000030e-01, v1  }
0x1df: {  	vm1 =	vge.f32 v1, $0.0e+00  }
0x1e0: {  	v1 =	vsel vm1, v1, v3  }
0x1e1: {  	v1 =	vsub.f32 v1, v2;
	_ =	sdelay $0x1  }
0x1e2: {  	v1 =	vmul.f32 $1.442695020e+00, v1;
	_ =	sdelay $0x1  }
0x1e3: {  	(erf) = vpow2.f32 v1;
	_ =	sdelay $0x8  }
0x1e4: {  	v1 =	vpop (erf)  }
0x1e5: {  	v2 =	vnsel vm0, $0x0, v1;
	v3 =	vbroadcast v1, $0x0;
	v4 =	vbroadcast v1, $0x1  }
0x1e6: {  	v5 =	vbroadcast v1, $0x4;
	[tilespmem:s20+$0x40] =	vst v2;
	v2 =	vbroadcast v1, $0x2  }
0x1e7: {  	v7 =	vbroadcast v1, $0x5;
	v8 =	vbroadcast v1, $0x6;
	v6 =	vld [tilespmem:s16+$0xFFFFFFE0];
	_ =	sdelay $0x4  }
0x1e8: {  	v3 =	vsel vm0, v3, v4;
	v9 =	vshll.u32 v6, $0x10;
	v6 =	vand.u32 $0xFFFF0000, v6  }
0x1e9: {  	v4 =	vmul.f32 v9, v3;
	v3 =	vmul.f32 v6, v3;
	_ =	sdelay $0x1  }
0x1ea: {  	[tilespmem:s20+$0xFFFFFFC0] =	vst v4  }
0x1eb: {  	[tilespmem:s20+$0x0] =	vst v3  }
0x1ec: {  	v3 =	vld [tilespmem:s16+$0xFFFFFFF0];
	_ =	sdelay $0x1  }
0x1ed: {  	v4 =	vbroadcast v1, $0x3;
	_ =	sdelay $0x1  }
0x1ee: {  	v2 =	vsel vm0, v2, v4  }
0x1ef: {  	v4 =	vshll.u32 v3, $0x10;
	v3 =	vand.u32 $0xFFFF0000, v3  }
0x1f0: {  	v4 =	vmul.f32 v4, v2;
	v2 =	vmul.f32 v3, v2;
	_ =	sdelay $0x1  }
0x1f1: {  	[tilespmem:s20+$0xFFFFFFD0] =	vst v4  }
0x1f2: {  	[tilespmem:s20+$0x10] =	vst v2  }
0x1f3: {  	v2 =	vld [tilespmem:s16+$0x0];
	_ =	sdelay $0x2  }
0x1f4: {  	v3 =	vsel vm0, v5, v7;
	_ =	sdelay $0x1  }
0x1f5: {  	v4 =	vshll.u32 v2, $0x10;
	v2 =	vand.u32 $0xFFFF0000, v2  }
0x1f6: {  	v4 =	vmul.f32 v4, v3;
	v2 =	vmul.f32 v2, v3;
	_ =	sdelay $0x1  }
.Ltmp4:
0x1f7: {  	[tilespmem:s20+$0xFFFFFFE0] =	vst v4;
	(pc) =	sbr.rel @p0 .LBB2_10-.Ltmp4, $3  }
0x1f8: {  	[tilespmem:s20+$0x20] =	vst v2  }
0x1f9: {  	v1 =	vbroadcast v1, $0x7;
	v2 =	vld [tilespmem:s16+$0x10];
	_ =	sdelay $0x1  }
0x1fa: {  	v1 =	vsel vm0, v8, v1  }
0x1fb: {  	_ =	sdelay $0x1  }
0x1fc: {  	v3 =	vshll.u32 v2, $0x10  }
0x1fd: {  	v2 =	vand.u32 $0xFFFF0000, v2;
	v3 =	vmul.f32 v3, v1  }
0x1fe: {  	v1 =	vmul.f32 v2, v1  }
0x1ff: {  	[tilespmem:s22+$0xFFFFFFF0] =	vst v3  }
0x200: {  	[tilespmem:s22+$0x30] =	vst v1  }
0x201: {  	[spmem:s3] =	stream.indirect.scatter.add.f32 [tilespmem:s9], [sflag:$0x4], $0x90, s8, s13, $0xb8;
	[tilespmem:$0x1F140] =	vst v63  }
0x202: {  	_ =	swait.ge [sflag:s21], $0x48  }
0x203: {  	[sflag:s21] =	ssyncset.done $0x0  }
0x204: {  	[sflag:s21] =	ssyncadd.s32 $0xFFFFFFB8  }
0x205: {  	_ =	swait.ge [sflag:s21], $0x48  }
0x206: {  	[sflag:s21] =	ssyncset.done $0x0  }
0x207: {  	[sflag:s21] =	ssyncadd.s32 $0xFFFFFFB8  }
0x208: {  	[tilespmem:s23], [sflag:$0x2] =	stream.indirect.gather [hbm4b:s1+s13], $0x50, s13, s13, $0xb8;
	[tilespmem:$0x1F140] =	vst v63  }
0x209: {  	s16 =	simm.s32 $0x1  }
0x20a: {  	[tilespmem:s24], [sflag:$0x2] =	stream.indirect.gather [hbm4b:s5+s13], $0x10, s14, s13, $0xb8;
	[tilespmem:$0x1F140] =	vst v63  }
.LBB2_12:
0x20b: {  	_ =	swait.ge [sflag:s25], $0x1680  }
0x20c: {  	[sflag:s25] =	ssyncset.done $0x0  }
0x20d: {  	[sflag:s25] =	ssyncadd.s32 $0xFFFFE980  }
0x20e: {  	_ =	swait.ge [sflag:s25], $0x480  }
0x20f: {  	[sflag:s25] =	ssyncset.done $0x0  }
0x210: {  	[sflag:s25] =	ssyncadd.s32 $0xFFFFFB80  }
0x211: {  	s20 =	smul.u32 $0x120, s16;
	_ =	swait.ge [sflag:s4], $0x2880  }
0x212: {  	s2 =	rddreg [dreg:$0x10]  }
0x213: {  	s22 =	sadd.s32 s20, s2  }
0x214: {  	s28 =	simm.s32 $0x0;
	[sflag:s4] =	ssyncset.done $0x0;
	s22 =	sshrl.u32 s22, $0x3  }
0x215: {  	[sflag:s4] =	ssyncadd.s32 $0xFFFFD780;
	s2 =	simm.s32 $0x90;
	s26 =	sadd.s32 s6, s22  }
0x216: {  	[tilespmem:s2], [sflag:$0x7] =	stream.linear.gather [hbm4b:s26+s28], $0x48, $0x38;
	[tilespmem:$0x1F140] =	vst v63  }
0x217: {  	s22 =	sadd.s32 s7, s22  }
0x218: {  	[tilespmem:s29], [sflag:$0x7] =	stream.linear.gather [hbm4b:s22+s28], $0x48, $0x38;
	[tilespmem:$0x1F140] =	vst v63  }
0x219: {  	s22 =	simm.s32 $0x260  }
0x21a: {  	s2 =	simm.s32 $0x0;
	v1 =	vld [tilespmem:s22+$0x20]  }
0x21b: {  	v2 =	vld [tilespmem:s2+$0x8040];
	_ =	sdelay $0x4  }
0x21c: {  	v1 =	vadd.f32 v2, v1;
	_ =	sdelay $0x1  }
0x21d: {  	v3 =	vmul.f32 $2.000000030e-01, v1  }
0x21e: {  	vm1 =	vge.f32 v1, $0.0e+00  }
0x21f: {  	v1 =	vsel vm1, v1, v3  }
0x220: {  	v1 =	vsub.f32 v1, v2;
	_ =	sdelay $0x1  }
0x221: {  	v1 =	vmul.f32 $1.442695020e+00, v1;
	_ =	sdelay $0x1  }
0x222: {  	(erf) = vpow2.f32 v1;
	_ =	sdelay $0x8  }
0x223: {  	v1 =	vpop (erf)  }
0x224: {  	s28 =	simm.s32 $0x2F80;
	v2 =	vnsel vm0, $0x0, v1  }
0x225: {  	[tilespmem:s28+$0x40] =	vst v2  }
0x226: {  	v2 =	vld [tilespmem:s22+$0xFFFFFFE0];
	_ =	sdelay $0x2  }
0x227: {  	v3 =	vbroadcast v1, $0x0;
	v4 =	vbroadcast v1, $0x1;
	_ =	sdelay $0x1  }
0x228: {  	v3 =	vsel vm0, v3, v4;
	v5 =	vshll.u32 v2, $0x10  }
0x229: {  	v2 =	vand.u32 $0xFFFF0000, v2;
	v4 =	vmul.f32 v5, v3  }
0x22a: {  	v2 =	vmul.f32 v2, v3  }
0x22b: {  	[tilespmem:s28+$0xFFFFFFC0] =	vst v4  }
0x22c: {  	[tilespmem:s28+$0x0] =	vst v2  }
0x22d: {  	v2 =	vld [tilespmem:s22+$0xFFFFFFF0];
	_ =	sdelay $0x2  }
0x22e: {  	v60 =	vbroadcast v1, $0x3;
	v3 =	vbroadcast v1, $0x2;
	_ =	sdelay $0x1  }
0x22f: {  	v3 =	vsel vm0, v3, v60;
	v61 =	vshll.u32 v2, $0x10  }
0x230: {  	v2 =	vand.u32 $0xFFFF0000, v2;
	v4 =	vmul.f32 v61, v3  }
0x231: {  	v2 =	vmul.f32 v2, v3  }
0x232: {  	[tilespmem:s28+$0xFFFFFFD0] =	vst v4  }
0x233: {  	[tilespmem:s28+$0x10] =	vst v2  }
0x234: {  	v2 =	vld [tilespmem:s22+$0x0];
	_ =	sdelay $0x2  }
0x235: {  	v62 =	vbroadcast v1, $0x5;
	v3 =	vbroadcast v1, $0x4;
	_ =	sdelay $0x1  }
0x236: {  	v3 =	vsel vm0, v3, v62;
	v63 =	vshll.u32 v2, $0x10  }
0x237: {  	v2 =	vand.u32 $0xFFFF0000, v2;
	v4 =	vmul.f32 v63, v3  }
0x238: {  	v2 =	vmul.f32 v2, v3  }
0x239: {  	[tilespmem:s28+$0xFFFFFFE0] =	vst v4  }
0x23a: {  	[tilespmem:s28+$0x20] =	vst v2  }
0x23b: {  	v3 =	vbroadcast v1, $0x6;
	v1 =	vbroadcast v1, $0x7;
	v2 =	vld [tilespmem:s22+$0x10];
	_ =	sdelay $0x1  }
0x23c: {  	s30 =	simm.s32 $0x2F80;
	s26 =	simm.s32 $0x40;
	v1 =	vsel vm0, v3, v1  }
.LBB2_13:
0x23d: {  	_ =	sdelay $0x1  }
0x23e: {  	p0 =	sne.s32 s26, $0x11C0;
	s22 =	sadd.s32 $0x50, s22;
	s28 =	sadd.s32 $0x90, s28;
	v3 =	vshll.u32 v2, $0x10;
	v2 =	vand.u32 $0xFFFF0000, v2  }
0x23f: {  	s2 =	smov.u32 s26;
	s26 =	sadd.s32 $0x40, s26;
	v3 =	vmul.f32 v3, v1;
	v1 =	vmul.f32 v2, v1;
	_ =	sdelay $0x1  }
0x240: {  	[tilespmem:s30+$0xFFFFFFF0] =	vst v3  }
0x241: {  	[tilespmem:s30+$0x30] =	vst v1;
	s30 =	smov.u32 s28  }
0x242: {  	s2 =	sshra.s32 s2, $0x2;
	v1 =	vld [tilespmem:s22+$0x20]  }
0x243: {  	v2 =	vld [tilespmem:s2+$0x8040];
	_ =	sdelay $0x4  }
0x244: {  	v1 =	vadd.f32 v2, v1;
	_ =	sdelay $0x1  }
0x245: {  	v3 =	vmul.f32 $2.000000030e-01, v1  }
0x246: {  	vm1 =	vge.f32 v1, $0.0e+00  }
0x247: {  	v1 =	vsel vm1, v1, v3  }
0x248: {  	v1 =	vsub.f32 v1, v2;
	_ =	sdelay $0x1  }
0x249: {  	v1 =	vmul.f32 $1.442695020e+00, v1;
	_ =	sdelay $0x1  }
0x24a: {  	(erf) = vpow2.f32 v1;
	_ =	sdelay $0x8  }
0x24b: {  	v1 =	vpop (erf)  }
0x24c: {  	v2 =	vnsel vm0, $0x0, v1;
	v3 =	vbroadcast v1, $0x0;
	v4 =	vbroadcast v1, $0x1  }
0x24d: {  	v5 =	vbroadcast v1, $0x4;
	[tilespmem:s28+$0x40] =	vst v2;
	v2 =	vbroadcast v1, $0x2  }
0x24e: {  	v7 =	vbroadcast v1, $0x5;
	v8 =	vbroadcast v1, $0x6;
	v6 =	vld [tilespmem:s22+$0xFFFFFFE0];
	_ =	sdelay $0x4  }
0x24f: {  	v3 =	vsel vm0, v3, v4;
	v9 =	vshll.u32 v6, $0x10;
	v6 =	vand.u32 $0xFFFF0000, v6  }
0x250: {  	v4 =	vmul.f32 v9, v3;
	v3 =	vmul.f32 v6, v3;
	_ =	sdelay $0x1  }
0x251: {  	[tilespmem:s28+$0xFFFFFFC0] =	vst v4  }
0x252: {  	[tilespmem:s28+$0x0] =	vst v3  }
0x253: {  	v3 =	vld [tilespmem:s22+$0xFFFFFFF0];
	_ =	sdelay $0x1  }
0x254: {  	v4 =	vbroadcast v1, $0x3;
	_ =	sdelay $0x1  }
0x255: {  	v2 =	vsel vm0, v2, v4  }
0x256: {  	v4 =	vshll.u32 v3, $0x10;
	v3 =	vand.u32 $0xFFFF0000, v3  }
0x257: {  	v4 =	vmul.f32 v4, v2;
	v2 =	vmul.f32 v3, v2;
	_ =	sdelay $0x1  }
0x258: {  	[tilespmem:s28+$0xFFFFFFD0] =	vst v4  }
0x259: {  	[tilespmem:s28+$0x10] =	vst v2  }
0x25a: {  	v2 =	vld [tilespmem:s22+$0x0];
	_ =	sdelay $0x2  }
0x25b: {  	v3 =	vsel vm0, v5, v7;
	_ =	sdelay $0x1  }
0x25c: {  	v4 =	vshll.u32 v2, $0x10;
	v2 =	vand.u32 $0xFFFF0000, v2  }
0x25d: {  	v4 =	vmul.f32 v4, v3;
	v2 =	vmul.f32 v2, v3;
	_ =	sdelay $0x1  }
.Ltmp5:
0x25e: {  	[tilespmem:s28+$0xFFFFFFE0] =	vst v4;
	(pc) =	sbr.rel @p0 .LBB2_13-.Ltmp5, $3  }
0x25f: {  	[tilespmem:s28+$0x20] =	vst v2  }
0x260: {  	v1 =	vbroadcast v1, $0x7;
	v2 =	vld [tilespmem:s22+$0x10];
	_ =	sdelay $0x1  }
0x261: {  	v1 =	vsel vm0, v8, v1  }
0x262: {  	_ =	sdelay $0x1  }
0x263: {  	v3 =	vshll.u32 v2, $0x10  }
0x264: {  	v2 =	vand.u32 $0xFFFF0000, v2;
	v3 =	vmul.f32 v3, v1  }
0x265: {  	v1 =	vmul.f32 v2, v1  }
0x266: {  	[tilespmem:s30+$0xFFFFFFF0] =	vst v3  }
0x267: {  	[tilespmem:s30+$0x30] =	vst v1  }
0x268: {  	[spmem:s3] =	stream.indirect.scatter.add.f32 [tilespmem:s15], [sflag:$0x3], $0x90, s11, s13, $0xb8;
	[tilespmem:$0x1F140] =	vst v63  }
0x269: {  	_ =	swait.ge [sflag:s31], $0x48  }
0x26a: {  	[sflag:s31] =	ssyncset.done $0x0  }
0x26b: {  	[sflag:s31] =	ssyncadd.s32 $0xFFFFFFB8  }
0x26c: {  	_ =	swait.ge [sflag:s31], $0x48  }
0x26d: {  	[sflag:s31] =	ssyncset.done $0x0  }
0x26e: {  	s2 =	simm.s32 $0x90;
	[sflag:s31] =	ssyncadd.s32 $0xFFFFFFB8  }
0x26f: {  	[tilespmem:s18], [sflag:$0x1] =	stream.indirect.gather [hbm4b:s1+s13], $0x50, s2, s13, $0xb8;
	[tilespmem:$0x1F140] =	vst v63  }
0x270: {  	_ = 	snop  }
0x271: {  	[tilespmem:s19], [sflag:$0x1] =	stream.indirect.gather [hbm4b:s5+s13], $0x10, s29, s13, $0xb8;
	[tilespmem:$0x1F140] =	vst v63  }
0x272: {  	_ =	swait.ge [sflag:s0], $0x1680  }
0x273: {  	[sflag:s0] =	ssyncset.done $0x0  }
0x274: {  	[sflag:s0] =	ssyncadd.s32 $0xFFFFE980  }
0x275: {  	_ =	swait.ge [sflag:s0], $0x480  }
0x276: {  	[sflag:s0] =	ssyncset.done $0x0  }
0x277: {  	[sflag:s0] =	ssyncadd.s32 $0xFFFFFB80  }
0x278: {  	_ =	swait.ge [sflag:s12], $0x2880  }
0x279: {  	s22 =	rddreg [dreg:$0x12]  }
0x27a: {  	s2 =	sadd.s32 s22, s20  }
0x27b: {  	s26 =	simm.s32 $0xD8;
	[sflag:s12] =	ssyncset.done $0x0;
	s2 =	sshrl.u32 s2, $0x3  }
0x27c: {  	[sflag:s12] =	ssyncadd.s32 $0xFFFFD780;
	s22 =	simm.s32 $0x0;
	s20 =	sadd.s32 s6, s2  }
0x27d: {  	[tilespmem:s26], [sflag:$0x8] =	stream.linear.gather [hbm4b:s20+s22], $0x48, $0x38;
	[tilespmem:$0x1F140] =	vst v63  }
0x27e: {  	s2 =	sadd.s32 s7, s2  }
0x27f: {  	[tilespmem:s8], [sflag:$0x8] =	stream.linear.gather [hbm4b:s2+s22], $0x48, $0x38;
	[tilespmem:$0x1F140] =	vst v63  }
0x280: {  	s22 =	simm.s32 $0x18E0  }
0x281: {  	s26 =	simm.s32 $0x0;
	v1 =	vld [tilespmem:s22+$0x20]  }
0x282: {  	v2 =	vld [tilespmem:s26+$0x84C0];
	_ =	sdelay $0x4  }
0x283: {  	v1 =	vadd.f32 v2, v1;
	_ =	sdelay $0x1  }
0x284: {  	v3 =	vmul.f32 $2.000000030e-01, v1  }
0x285: {  	vm1 =	vge.f32 v1, $0.0e+00  }
0x286: {  	v1 =	vsel vm1, v1, v3  }
0x287: {  	v1 =	vsub.f32 v1, v2;
	_ =	sdelay $0x1  }
0x288: {  	v1 =	vmul.f32 $1.442695020e+00, v1;
	_ =	sdelay $0x1  }
0x289: {  	(erf) = vpow2.f32 v1;
	_ =	sdelay $0x8  }
0x28a: {  	v1 =	vpop (erf)  }
0x28b: {  	s28 =	simm.s32 $0x5800;
	v2 =	vnsel vm0, $0x0, v1  }
0x28c: {  	[tilespmem:s28+$0x40] =	vst v2  }
0x28d: {  	v2 =	vld [tilespmem:s22+$0xFFFFFFE0];
	_ =	sdelay $0x2  }
0x28e: {  	v3 =	vbroadcast v1, $0x0;
	v4 =	vbroadcast v1, $0x1;
	_ =	sdelay $0x1  }
0x28f: {  	v3 =	vsel vm0, v3, v4;
	v5 =	vshll.u32 v2, $0x10  }
0x290: {  	v2 =	vand.u32 $0xFFFF0000, v2;
	v4 =	vmul.f32 v5, v3  }
0x291: {  	v2 =	vmul.f32 v2, v3  }
0x292: {  	[tilespmem:s28+$0xFFFFFFC0] =	vst v4  }
0x293: {  	[tilespmem:s28+$0x0] =	vst v2  }
0x294: {  	v2 =	vld [tilespmem:s22+$0xFFFFFFF0];
	_ =	sdelay $0x2  }
0x295: {  	v60 =	vbroadcast v1, $0x3;
	v3 =	vbroadcast v1, $0x2;
	_ =	sdelay $0x1  }
0x296: {  	v3 =	vsel vm0, v3, v60;
	v61 =	vshll.u32 v2, $0x10  }
0x297: {  	v2 =	vand.u32 $0xFFFF0000, v2;
	v4 =	vmul.f32 v61, v3  }
0x298: {  	v2 =	vmul.f32 v2, v3  }
0x299: {  	[tilespmem:s28+$0xFFFFFFD0] =	vst v4  }
0x29a: {  	[tilespmem:s28+$0x10] =	vst v2  }
0x29b: {  	v2 =	vld [tilespmem:s22+$0x0];
	_ =	sdelay $0x2  }
0x29c: {  	v62 =	vbroadcast v1, $0x5;
	v3 =	vbroadcast v1, $0x4;
	_ =	sdelay $0x1  }
0x29d: {  	v3 =	vsel vm0, v3, v62;
	v63 =	vshll.u32 v2, $0x10  }
0x29e: {  	v2 =	vand.u32 $0xFFFF0000, v2;
	v4 =	vmul.f32 v63, v3  }
0x29f: {  	v2 =	vmul.f32 v2, v3  }
0x2a0: {  	[tilespmem:s28+$0xFFFFFFE0] =	vst v4  }
0x2a1: {  	[tilespmem:s28+$0x20] =	vst v2  }
0x2a2: {  	v3 =	vbroadcast v1, $0x6;
	v1 =	vbroadcast v1, $0x7;
	v2 =	vld [tilespmem:s22+$0x10];
	_ =	sdelay $0x1  }
0x2a3: {  	s30 =	simm.s32 $0x5800;
	s20 =	sshll.u32 s16, $0x2;
	s26 =	simm.s32 $0x40;
	v1 =	vsel vm0, v3, v1  }
.LBB2_15:
0x2a4: {  	_ =	sdelay $0x1  }
0x2a5: {  	p0 =	sne.s32 s26, $0x11C0;
	s22 =	sadd.s32 $0x50, s22;
	s28 =	sadd.s32 $0x90, s28;
	v3 =	vshll.u32 v2, $0x10;
	v2 =	vand.u32 $0xFFFF0000, v2  }
0x2a6: {  	s2 =	smov.u32 s26;
	s26 =	sadd.s32 $0x40, s26;
	v3 =	vmul.f32 v3, v1;
	v1 =	vmul.f32 v2, v1;
	_ =	sdelay $0x1  }
0x2a7: {  	[tilespmem:s30+$0xFFFFFFF0] =	vst v3  }
0x2a8: {  	[tilespmem:s30+$0x30] =	vst v1;
	s30 =	smov.u32 s28  }
0x2a9: {  	s2 =	sshra.s32 s2, $0x2;
	v1 =	vld [tilespmem:s22+$0x20]  }
0x2aa: {  	v2 =	vld [tilespmem:s2+$0x84C0];
	_ =	sdelay $0x4  }
0x2ab: {  	v1 =	vadd.f32 v2, v1;
	_ =	sdelay $0x1  }
0x2ac: {  	v3 =	vmul.f32 $2.000000030e-01, v1  }
0x2ad: {  	vm1 =	vge.f32 v1, $0.0e+00  }
0x2ae: {  	v1 =	vsel vm1, v1, v3  }
0x2af: {  	v1 =	vsub.f32 v1, v2;
	_ =	sdelay $0x1  }
0x2b0: {  	v1 =	vmul.f32 $1.442695020e+00, v1;
	_ =	sdelay $0x1  }
0x2b1: {  	(erf) = vpow2.f32 v1;
	_ =	sdelay $0x8  }
0x2b2: {  	v1 =	vpop (erf)  }
0x2b3: {  	v2 =	vnsel vm0, $0x0, v1;
	v3 =	vbroadcast v1, $0x0;
	v4 =	vbroadcast v1, $0x1  }
0x2b4: {  	v5 =	vbroadcast v1, $0x4;
	[tilespmem:s28+$0x40] =	vst v2;
	v2 =	vbroadcast v1, $0x2  }
0x2b5: {  	v7 =	vbroadcast v1, $0x5;
	v8 =	vbroadcast v1, $0x6;
	v6 =	vld [tilespmem:s22+$0xFFFFFFE0];
	_ =	sdelay $0x4  }
0x2b6: {  	v3 =	vsel vm0, v3, v4;
	v9 =	vshll.u32 v6, $0x10;
	v6 =	vand.u32 $0xFFFF0000, v6  }
0x2b7: {  	v4 =	vmul.f32 v9, v3;
	v3 =	vmul.f32 v6, v3;
	_ =	sdelay $0x1  }
0x2b8: {  	[tilespmem:s28+$0xFFFFFFC0] =	vst v4  }
0x2b9: {  	[tilespmem:s28+$0x0] =	vst v3  }
0x2ba: {  	v3 =	vld [tilespmem:s22+$0xFFFFFFF0];
	_ =	sdelay $0x1  }
0x2bb: {  	v4 =	vbroadcast v1, $0x3;
	_ =	sdelay $0x1  }
0x2bc: {  	v2 =	vsel vm0, v2, v4  }
0x2bd: {  	v4 =	vshll.u32 v3, $0x10;
	v3 =	vand.u32 $0xFFFF0000, v3  }
0x2be: {  	v4 =	vmul.f32 v4, v2;
	v2 =	vmul.f32 v3, v2;
	_ =	sdelay $0x1  }
0x2bf: {  	[tilespmem:s28+$0xFFFFFFD0] =	vst v4  }
0x2c0: {  	[tilespmem:s28+$0x10] =	vst v2  }
0x2c1: {  	v2 =	vld [tilespmem:s22+$0x0];
	_ =	sdelay $0x2  }
0x2c2: {  	v3 =	vsel vm0, v5, v7;
	_ =	sdelay $0x1  }
0x2c3: {  	v4 =	vshll.u32 v2, $0x10;
	v2 =	vand.u32 $0xFFFF0000, v2  }
0x2c4: {  	v4 =	vmul.f32 v4, v3;
	v2 =	vmul.f32 v2, v3;
	_ =	sdelay $0x1  }
.Ltmp6:
0x2c5: {  	[tilespmem:s28+$0xFFFFFFE0] =	vst v4;
	(pc) =	sbr.rel @p0 .LBB2_15-.Ltmp6, $3  }
0x2c6: {  	[tilespmem:s28+$0x20] =	vst v2  }
0x2c7: {  	v1 =	vbroadcast v1, $0x7;
	v2 =	vld [tilespmem:s22+$0x10];
	_ =	sdelay $0x1  }
0x2c8: {  	v1 =	vsel vm0, v8, v1  }
0x2c9: {  	_ =	sdelay $0x1  }
0x2ca: {  	v3 =	vshll.u32 v2, $0x10  }
0x2cb: {  	v2 =	vand.u32 $0xFFFF0000, v2;
	v3 =	vmul.f32 v3, v1  }
0x2cc: {  	v1 =	vmul.f32 v2, v1  }
0x2cd: {  	[tilespmem:s30+$0xFFFFFFF0] =	vst v3  }
0x2ce: {  	[tilespmem:s30+$0x30] =	vst v1  }
0x2cf: {  	[spmem:s3] =	stream.indirect.scatter.add.f32 [tilespmem:s9], [sflag:$0x4], $0x90, s14, s13, $0xb8;
	[tilespmem:$0x1F140] =	vst v63  }
0x2d0: {  	_ =	swait.ge [sflag:s10], $0x48  }
0x2d1: {  	[sflag:s10] =	ssyncset.done $0x0  }
0x2d2: {  	[sflag:s10] =	ssyncadd.s32 $0xFFFFFFB8  }
0x2d3: {  	_ =	swait.ge [sflag:s10], $0x48  }
0x2d4: {  	[sflag:s10] =	ssyncset.done $0x0  }
0x2d5: {  	s2 =	simm.s32 $0xD8;
	[sflag:s10] =	ssyncadd.s32 $0xFFFFFFB8  }
0x2d6: {  	[tilespmem:s23], [sflag:$0x2] =	stream.indirect.gather [hbm4b:s1+s13], $0x50, s2, s13, $0xb8;
	[tilespmem:$0x1F140] =	vst v63  }
0x2d7: {  	_ = 	snop  }
0x2d8: {  	[tilespmem:s24], [sflag:$0x2] =	stream.indirect.gather [hbm4b:s5+s13], $0x10, s8, s13, $0xb8;
	[tilespmem:$0x1F140] =	vst v63  }
0x2d9: {  	_ =	swait.ge [sflag:s25], $0x1680  }
0x2da: {  	[sflag:s25] =	ssyncset.done $0x0  }
0x2db: {  	[sflag:s25] =	ssyncadd.s32 $0xFFFFE980  }
0x2dc: {  	_ =	swait.ge [sflag:s25], $0x480  }
0x2dd: {  	[sflag:s25] =	ssyncset.done $0x0  }
0x2de: {  	s22 =	smin.u32 s20, $0x87;
	[sflag:s25] =	ssyncadd.s32 $0xFFFFFB80  }
0x2df: {  	s2 =	smul.u32 $0x48, s22;
	_ =	swait.ge [sflag:s4], $0x2880  }
0x2e0: {  	s22 =	rddreg [dreg:$0x17]  }
0x2e1: {  	s2 =	sadd.s32 s2, s22  }
0x2e2: {  	[sflag:s4] =	ssyncset.done $0x0;
	s2 =	sshrl.u32 s2, $0x3  }
0x2e3: {  	s26 =	simm.s32 $0x0;
	[sflag:s4] =	ssyncadd.s32 $0xFFFFD780;
	s22 =	sadd.s32 s6, s2  }
0x2e4: {  	[tilespmem:s26], [sflag:$0x5] =	stream.linear.gather [hbm4b:s22+s26], $0x48, $0x38;
	[tilespmem:$0x1F140] =	vst v63  }
0x2e5: {  	s2 =	sadd.s32 s7, s2;
	s22 =	simm.s32 $0x260  }
0x2e6: {  	[tilespmem:s11], [sflag:$0x5] =	stream.linear.gather [hbm4b:s2+s26], $0x48, $0x38;
	[tilespmem:$0x1F140] =	vst v63  }
0x2e7: {  	s26 =	simm.s32 $0x0;
	v1 =	vld [tilespmem:s22+$0x20]  }
0x2e8: {  	v2 =	vld [tilespmem:s26+$0x8040];
	_ =	sdelay $0x4  }
0x2e9: {  	v1 =	vadd.f32 v2, v1;
	_ =	sdelay $0x1  }
0x2ea: {  	v3 =	vmul.f32 $2.000000030e-01, v1  }
0x2eb: {  	vm1 =	vge.f32 v1, $0.0e+00  }
0x2ec: {  	v1 =	vsel vm1, v1, v3  }
0x2ed: {  	v1 =	vsub.f32 v1, v2;
	_ =	sdelay $0x1  }
0x2ee: {  	v1 =	vmul.f32 $1.442695020e+00, v1;
	_ =	sdelay $0x1  }
0x2ef: {  	(erf) = vpow2.f32 v1;
	_ =	sdelay $0x8  }
0x2f0: {  	v1 =	vpop (erf)  }
0x2f1: {  	s28 =	simm.s32 $0x2F80;
	v2 =	vnsel vm0, $0x0, v1  }
0x2f2: {  	[tilespmem:s28+$0x40] =	vst v2  }
0x2f3: {  	v2 =	vld [tilespmem:s22+$0xFFFFFFE0];
	_ =	sdelay $0x2  }
0x2f4: {  	v3 =	vbroadcast v1, $0x0;
	v4 =	vbroadcast v1, $0x1;
	_ =	sdelay $0x1  }
0x2f5: {  	v3 =	vsel vm0, v3, v4;
	v5 =	vshll.u32 v2, $0x10  }
0x2f6: {  	v2 =	vand.u32 $0xFFFF0000, v2;
	v4 =	vmul.f32 v5, v3  }
0x2f7: {  	v2 =	vmul.f32 v2, v3  }
0x2f8: {  	[tilespmem:s28+$0xFFFFFFC0] =	vst v4  }
0x2f9: {  	[tilespmem:s28+$0x0] =	vst v2  }
0x2fa: {  	v2 =	vld [tilespmem:s22+$0xFFFFFFF0];
	_ =	sdelay $0x2  }
0x2fb: {  	v60 =	vbroadcast v1, $0x3;
	v3 =	vbroadcast v1, $0x2;
	_ =	sdelay $0x1  }
0x2fc: {  	v3 =	vsel vm0, v3, v60;
	v61 =	vshll.u32 v2, $0x10  }
0x2fd: {  	v2 =	vand.u32 $0xFFFF0000, v2;
	v4 =	vmul.f32 v61, v3  }
0x2fe: {  	v2 =	vmul.f32 v2, v3  }
0x2ff: {  	[tilespmem:s28+$0xFFFFFFD0] =	vst v4  }
0x300: {  	[tilespmem:s28+$0x10] =	vst v2  }
0x301: {  	v2 =	vld [tilespmem:s22+$0x0];
	_ =	sdelay $0x2  }
0x302: {  	v62 =	vbroadcast v1, $0x5;
	v3 =	vbroadcast v1, $0x4;
	_ =	sdelay $0x1  }
0x303: {  	v3 =	vsel vm0, v3, v62;
	v63 =	vshll.u32 v2, $0x10  }
0x304: {  	v2 =	vand.u32 $0xFFFF0000, v2;
	v4 =	vmul.f32 v63, v3  }
0x305: {  	v2 =	vmul.f32 v2, v3  }
0x306: {  	[tilespmem:s28+$0xFFFFFFE0] =	vst v4  }
0x307: {  	[tilespmem:s28+$0x20] =	vst v2  }
0x308: {  	v3 =	vbroadcast v1, $0x6;
	v1 =	vbroadcast v1, $0x7;
	v2 =	vld [tilespmem:s22+$0x10];
	_ =	sdelay $0x1  }
0x309: {  	s30 =	simm.s32 $0x2F80;
	s26 =	simm.s32 $0x40;
	v1 =	vsel vm0, v3, v1  }
.LBB2_17:
0x30a: {  	_ =	sdelay $0x1  }
0x30b: {  	p0 =	sne.s32 s26, $0x11C0;
	s22 =	sadd.s32 $0x50, s22;
	s28 =	sadd.s32 $0x90, s28;
	v3 =	vshll.u32 v2, $0x10;
	v2 =	vand.u32 $0xFFFF0000, v2  }
0x30c: {  	s2 =	smov.u32 s26;
	s26 =	sadd.s32 $0x40, s26;
	v3 =	vmul.f32 v3, v1;
	v1 =	vmul.f32 v2, v1;
	_ =	sdelay $0x1  }
0x30d: {  	[tilespmem:s30+$0xFFFFFFF0] =	vst v3  }
0x30e: {  	[tilespmem:s30+$0x30] =	vst v1;
	s30 =	smov.u32 s28  }
0x30f: {  	s2 =	sshra.s32 s2, $0x2;
	v1 =	vld [tilespmem:s22+$0x20]  }
0x310: {  	v2 =	vld [tilespmem:s2+$0x8040];
	_ =	sdelay $0x4  }
0x311: {  	v1 =	vadd.f32 v2, v1;
	_ =	sdelay $0x1  }
0x312: {  	v3 =	vmul.f32 $2.000000030e-01, v1  }
0x313: {  	vm1 =	vge.f32 v1, $0.0e+00  }
0x314: {  	v1 =	vsel vm1, v1, v3  }
0x315: {  	v1 =	vsub.f32 v1, v2;
	_ =	sdelay $0x1  }
0x316: {  	v1 =	vmul.f32 $1.442695020e+00, v1;
	_ =	sdelay $0x1  }
0x317: {  	(erf) = vpow2.f32 v1;
	_ =	sdelay $0x8  }
0x318: {  	v1 =	vpop (erf)  }
0x319: {  	v2 =	vnsel vm0, $0x0, v1;
	v3 =	vbroadcast v1, $0x0;
	v4 =	vbroadcast v1, $0x1  }
0x31a: {  	v5 =	vbroadcast v1, $0x4;
	[tilespmem:s28+$0x40] =	vst v2;
	v2 =	vbroadcast v1, $0x2  }
0x31b: {  	v7 =	vbroadcast v1, $0x5;
	v8 =	vbroadcast v1, $0x6;
	v6 =	vld [tilespmem:s22+$0xFFFFFFE0];
	_ =	sdelay $0x4  }
0x31c: {  	v3 =	vsel vm0, v3, v4;
	v9 =	vshll.u32 v6, $0x10;
	v6 =	vand.u32 $0xFFFF0000, v6  }
0x31d: {  	v4 =	vmul.f32 v9, v3;
	v3 =	vmul.f32 v6, v3;
	_ =	sdelay $0x1  }
0x31e: {  	[tilespmem:s28+$0xFFFFFFC0] =	vst v4  }
0x31f: {  	[tilespmem:s28+$0x0] =	vst v3  }
0x320: {  	v3 =	vld [tilespmem:s22+$0xFFFFFFF0];
	_ =	sdelay $0x1  }
0x321: {  	v4 =	vbroadcast v1, $0x3;
	_ =	sdelay $0x1  }
0x322: {  	v2 =	vsel vm0, v2, v4  }
0x323: {  	v4 =	vshll.u32 v3, $0x10;
	v3 =	vand.u32 $0xFFFF0000, v3  }
0x324: {  	v4 =	vmul.f32 v4, v2;
	v2 =	vmul.f32 v3, v2;
	_ =	sdelay $0x1  }
0x325: {  	[tilespmem:s28+$0xFFFFFFD0] =	vst v4  }
0x326: {  	[tilespmem:s28+$0x10] =	vst v2  }
0x327: {  	v2 =	vld [tilespmem:s22+$0x0];
	_ =	sdelay $0x2  }
0x328: {  	v3 =	vsel vm0, v5, v7;
	_ =	sdelay $0x1  }
0x329: {  	v4 =	vshll.u32 v2, $0x10;
	v2 =	vand.u32 $0xFFFF0000, v2  }
0x32a: {  	v4 =	vmul.f32 v4, v3;
	v2 =	vmul.f32 v2, v3;
	_ =	sdelay $0x1  }
.Ltmp7:
0x32b: {  	[tilespmem:s28+$0xFFFFFFE0] =	vst v4;
	(pc) =	sbr.rel @p0 .LBB2_17-.Ltmp7, $3  }
0x32c: {  	[tilespmem:s28+$0x20] =	vst v2  }
0x32d: {  	v1 =	vbroadcast v1, $0x7;
	v2 =	vld [tilespmem:s22+$0x10];
	_ =	sdelay $0x1  }
0x32e: {  	v1 =	vsel vm0, v8, v1  }
0x32f: {  	_ =	sdelay $0x1  }
0x330: {  	v3 =	vshll.u32 v2, $0x10  }
0x331: {  	v2 =	vand.u32 $0xFFFF0000, v2;
	v3 =	vmul.f32 v3, v1  }
0x332: {  	v1 =	vmul.f32 v2, v1  }
0x333: {  	[tilespmem:s30+$0xFFFFFFF0] =	vst v3  }
0x334: {  	[tilespmem:s30+$0x30] =	vst v1  }
0x335: {  	[spmem:s3] =	stream.indirect.scatter.add.f32 [tilespmem:s15], [sflag:$0x3], $0x90, s29, s13, $0xb8;
	[tilespmem:$0x1F140] =	vst v63  }
0x336: {  	_ =	swait.ge [sflag:s17], $0x48  }
0x337: {  	[sflag:s17] =	ssyncset.done $0x0  }
0x338: {  	[sflag:s17] =	ssyncadd.s32 $0xFFFFFFB8  }
0x339: {  	_ =	swait.ge [sflag:s17], $0x48  }
0x33a: {  	[sflag:s17] =	ssyncset.done $0x0  }
0x33b: {  	s2 =	simm.s32 $0x0;
	[sflag:s17] =	ssyncadd.s32 $0xFFFFFFB8  }
0x33c: {  	[tilespmem:s18], [sflag:$0x1] =	stream.indirect.gather [hbm4b:s1+s13], $0x50, s2, s13, $0xb8;
	[tilespmem:$0x1F140] =	vst v63  }
0x33d: {  	_ = 	snop  }
0x33e: {  	[tilespmem:s19], [sflag:$0x1] =	stream.indirect.gather [hbm4b:s5+s13], $0x10, s11, s13, $0xb8;
	[tilespmem:$0x1F140] =	vst v63  }
0x33f: {  	_ =	swait.ge [sflag:s0], $0x1680  }
0x340: {  	[sflag:s0] =	ssyncset.done $0x0  }
0x341: {  	[sflag:s0] =	ssyncadd.s32 $0xFFFFE980  }
0x342: {  	_ =	swait.ge [sflag:s0], $0x480  }
0x343: {  	[sflag:s0] =	ssyncset.done $0x0  }
0x344: {  	s20 =	smin.u32 s20, $0x86;
	[sflag:s0] =	ssyncadd.s32 $0xFFFFFB80  }
0x345: {  	s20 =	smul.u32 $0x48, s20;
	_ =	swait.ge [sflag:s12], $0x2880  }
0x346: {  	s22 =	rddreg [dreg:$0x19]  }
0x347: {  	s20 =	sadd.s32 s20, s22  }
0x348: {  	[sflag:s12] =	ssyncset.done $0x0;
	s20 =	sshrl.u32 s20, $0x3  }
0x349: {  	[sflag:s12] =	ssyncadd.s32 $0xFFFFD780;
	s26 =	sadd.s32 s6, s20  }
0x34a: {  	[tilespmem:s13], [sflag:$0x6] =	stream.linear.gather [hbm4b:s26+s2], $0x48, $0x38;
	[tilespmem:$0x1F140] =	vst v63  }
0x34b: {  	s20 =	sadd.s32 s7, s20  }
0x34c: {  	[tilespmem:s14], [sflag:$0x6] =	stream.linear.gather [hbm4b:s20+s2], $0x48, $0x38;
	[tilespmem:$0x1F140] =	vst v63  }
0x34d: {  	s20 =	simm.s32 $0x18E0  }
0x34e: {  	s30 =	simm.s32 $0x0;
	v1 =	vld [tilespmem:s20+$0x20]  }
0x34f: {  	v2 =	vld [tilespmem:s30+$0x84C0];
	_ =	sdelay $0x4  }
0x350: {  	v1 =	vadd.f32 v2, v1;
	_ =	sdelay $0x1  }
0x351: {  	v3 =	vmul.f32 $2.000000030e-01, v1  }
0x352: {  	vm1 =	vge.f32 v1, $0.0e+00  }
0x353: {  	v1 =	vsel vm1, v1, v3  }
0x354: {  	v1 =	vsub.f32 v1, v2;
	_ =	sdelay $0x1  }
0x355: {  	v1 =	vmul.f32 $1.442695020e+00, v1;
	_ =	sdelay $0x1  }
0x356: {  	(erf) = vpow2.f32 v1;
	_ =	sdelay $0x8  }
0x357: {  	v1 =	vpop (erf)  }
0x358: {  	s22 =	simm.s32 $0x5800;
	v2 =	vnsel vm0, $0x0, v1  }
0x359: {  	[tilespmem:s22+$0x40] =	vst v2  }
0x35a: {  	v2 =	vld [tilespmem:s20+$0xFFFFFFE0];
	_ =	sdelay $0x2  }
0x35b: {  	v3 =	vbroadcast v1, $0x0;
	v4 =	vbroadcast v1, $0x1;
	_ =	sdelay $0x1  }
0x35c: {  	v3 =	vsel vm0, v3, v4;
	v5 =	vshll.u32 v2, $0x10  }
0x35d: {  	v2 =	vand.u32 $0xFFFF0000, v2;
	v4 =	vmul.f32 v5, v3  }
0x35e: {  	v2 =	vmul.f32 v2, v3  }
0x35f: {  	[tilespmem:s22+$0xFFFFFFC0] =	vst v4  }
0x360: {  	[tilespmem:s22+$0x0] =	vst v2  }
0x361: {  	v2 =	vld [tilespmem:s20+$0xFFFFFFF0];
	_ =	sdelay $0x2  }
0x362: {  	v60 =	vbroadcast v1, $0x3;
	v3 =	vbroadcast v1, $0x2;
	_ =	sdelay $0x1  }
0x363: {  	v3 =	vsel vm0, v3, v60;
	v61 =	vshll.u32 v2, $0x10  }
0x364: {  	v2 =	vand.u32 $0xFFFF0000, v2;
	v4 =	vmul.f32 v61, v3  }
0x365: {  	v2 =	vmul.f32 v2, v3  }
0x366: {  	[tilespmem:s22+$0xFFFFFFD0] =	vst v4  }
0x367: {  	[tilespmem:s22+$0x10] =	vst v2  }
0x368: {  	v2 =	vld [tilespmem:s20+$0x0];
	_ =	sdelay $0x2  }
0x369: {  	v62 =	vbroadcast v1, $0x5;
	v3 =	vbroadcast v1, $0x4;
	_ =	sdelay $0x1  }
0x36a: {  	v3 =	vsel vm0, v3, v62;
	v63 =	vshll.u32 v2, $0x10  }
0x36b: {  	v2 =	vand.u32 $0xFFFF0000, v2;
	v4 =	vmul.f32 v63, v3  }
0x36c: {  	v2 =	vmul.f32 v2, v3  }
0x36d: {  	[tilespmem:s22+$0xFFFFFFE0] =	vst v4  }
0x36e: {  	[tilespmem:s22+$0x20] =	vst v2  }
0x36f: {  	v3 =	vbroadcast v1, $0x6;
	v1 =	vbroadcast v1, $0x7;
	v2 =	vld [tilespmem:s20+$0x10];
	_ =	sdelay $0x1  }
0x370: {  	s28 =	simm.s32 $0x5800;
	s26 =	simm.s32 $0x40;
	v1 =	vsel vm0, v3, v1  }
.LBB2_19:
0x371: {  	_ =	sdelay $0x1  }
0x372: {  	p0 =	sne.s32 s26, $0x11C0;
	s20 =	sadd.s32 $0x50, s20;
	s22 =	sadd.s32 $0x90, s22;
	v3 =	vshll.u32 v2, $0x10;
	v2 =	vand.u32 $0xFFFF0000, v2  }
0x373: {  	s2 =	smov.u32 s26;
	s26 =	sadd.s32 $0x40, s26;
	v3 =	vmul.f32 v3, v1;
	v1 =	vmul.f32 v2, v1;
	_ =	sdelay $0x1  }
0x374: {  	[tilespmem:s28+$0xFFFFFFF0] =	vst v3  }
0x375: {  	[tilespmem:s28+$0x30] =	vst v1;
	s28 =	smov.u32 s22  }
0x376: {  	s2 =	sshra.s32 s2, $0x2;
	v1 =	vld [tilespmem:s20+$0x20]  }
0x377: {  	v2 =	vld [tilespmem:s2+$0x84C0];
	_ =	sdelay $0x4  }
0x378: {  	v1 =	vadd.f32 v2, v1;
	_ =	sdelay $0x1  }
0x379: {  	v3 =	vmul.f32 $2.000000030e-01, v1  }
0x37a: {  	vm1 =	vge.f32 v1, $0.0e+00  }
0x37b: {  	v1 =	vsel vm1, v1, v3  }
0x37c: {  	v1 =	vsub.f32 v1, v2;
	_ =	sdelay $0x1  }
0x37d: {  	v1 =	vmul.f32 $1.442695020e+00, v1;
	_ =	sdelay $0x1  }
0x37e: {  	(erf) = vpow2.f32 v1;
	_ =	sdelay $0x8  }
0x37f: {  	v1 =	vpop (erf)  }
0x380: {  	v2 =	vnsel vm0, $0x0, v1;
	v3 =	vbroadcast v1, $0x0;
	v4 =	vbroadcast v1, $0x1  }
0x381: {  	v5 =	vbroadcast v1, $0x4;
	[tilespmem:s22+$0x40] =	vst v2;
	v2 =	vbroadcast v1, $0x2  }
0x382: {  	v7 =	vbroadcast v1, $0x5;
	v8 =	vbroadcast v1, $0x6;
	v6 =	vld [tilespmem:s20+$0xFFFFFFE0];
	_ =	sdelay $0x4  }
0x383: {  	v3 =	vsel vm0, v3, v4;
	v9 =	vshll.u32 v6, $0x10;
	v6 =	vand.u32 $0xFFFF0000, v6  }
0x384: {  	v4 =	vmul.f32 v9, v3;
	v3 =	vmul.f32 v6, v3;
	_ =	sdelay $0x1  }
0x385: {  	[tilespmem:s22+$0xFFFFFFC0] =	vst v4  }
0x386: {  	[tilespmem:s22+$0x0] =	vst v3  }
0x387: {  	v3 =	vld [tilespmem:s20+$0xFFFFFFF0];
	_ =	sdelay $0x1  }
0x388: {  	v4 =	vbroadcast v1, $0x3;
	_ =	sdelay $0x1  }
0x389: {  	v2 =	vsel vm0, v2, v4  }
0x38a: {  	v4 =	vshll.u32 v3, $0x10;
	v3 =	vand.u32 $0xFFFF0000, v3  }
0x38b: {  	v4 =	vmul.f32 v4, v2;
	v2 =	vmul.f32 v3, v2;
	_ =	sdelay $0x1  }
0x38c: {  	[tilespmem:s22+$0xFFFFFFD0] =	vst v4  }
0x38d: {  	[tilespmem:s22+$0x10] =	vst v2  }
0x38e: {  	v2 =	vld [tilespmem:s20+$0x0];
	_ =	sdelay $0x2  }
0x38f: {  	v3 =	vsel vm0, v5, v7;
	_ =	sdelay $0x1  }
0x390: {  	v4 =	vshll.u32 v2, $0x10;
	v2 =	vand.u32 $0xFFFF0000, v2  }
0x391: {  	v4 =	vmul.f32 v4, v3;
	v2 =	vmul.f32 v2, v3;
	_ =	sdelay $0x1  }
.Ltmp8:
0x392: {  	[tilespmem:s22+$0xFFFFFFE0] =	vst v4;
	(pc) =	sbr.rel @p0 .LBB2_19-.Ltmp8, $3  }
0x393: {  	[tilespmem:s22+$0x20] =	vst v2  }
0x394: {  	v1 =	vbroadcast v1, $0x7;
	v2 =	vld [tilespmem:s20+$0x10];
	_ =	sdelay $0x1  }
0x395: {  	v1 =	vsel vm0, v8, v1  }
0x396: {  	_ =	sdelay $0x1  }
0x397: {  	v3 =	vshll.u32 v2, $0x10  }
0x398: {  	v2 =	vand.u32 $0xFFFF0000, v2;
	v3 =	vmul.f32 v3, v1  }
0x399: {  	v1 =	vmul.f32 v2, v1  }
0x39a: {  	[tilespmem:s28+$0xFFFFFFF0] =	vst v3  }
0x39b: {  	[tilespmem:s28+$0x30] =	vst v1  }
0x39c: {  	[spmem:s3] =	stream.indirect.scatter.add.f32 [tilespmem:s9], [sflag:$0x4], $0x90, s8, s13, $0xb8;
	[tilespmem:$0x1F140] =	vst v63  }
0x39d: {  	_ =	swait.ge [sflag:s21], $0x48  }
0x39e: {  	[sflag:s21] =	ssyncset.done $0x0  }
0x39f: {  	s16 =	sadd.s32 $0x1, s16;
	[sflag:s21] =	ssyncadd.s32 $0xFFFFFFB8  }
0x3a0: {  	p0 =	sne.s32 s16, $0x23;
	_ =	swait.ge [sflag:s21], $0x48  }
.Ltmp9:
0x3a1: {  	[sflag:s21] =	ssyncset.done $0x0;
	(pc) =	sbr.rel @p0 .LBB2_12-.Ltmp9, $4  }
0x3a2: {  	[sflag:s21] =	ssyncadd.s32 $0xFFFFFFB8  }
0x3a3: {  	[tilespmem:s23], [sflag:$0x2] =	stream.indirect.gather [hbm4b:s1+s13], $0x50, s13, s13, $0xb8;
	[tilespmem:$0x1F140] =	vst v63  }
0x3a4: {  	_ = 	snop  }
0x3a5: {  	[tilespmem:s24], [sflag:$0x2] =	stream.indirect.gather [hbm4b:s5+s13], $0x10, s14, s13, $0xb8;
	[tilespmem:$0x1F140] =	vst v63  }
0x3a6: {  	_ =	swait.ge [sflag:s4], $0x2880  }
0x3a7: {  	[sflag:s4] =	ssyncset.done $0x0  }
0x3a8: {  	[sflag:s4] =	ssyncadd.s32 $0xFFFFD780  }
0x3a9: {  	_ =	swait.ge [sflag:s12], $0x2880  }
0x3aa: {  	[sflag:s12] =	ssyncset.done $0x0  }
0x3ab: {  	[sflag:s12] =	ssyncadd.s32 $0xFFFFD780  }
0x3ac: {  	_ =	swait.ge [sflag:s25], $0x1680  }
0x3ad: {  	[sflag:s25] =	ssyncset.done $0x0  }
0x3ae: {  	[sflag:s25] =	ssyncadd.s32 $0xFFFFE980  }
0x3af: {  	_ =	swait.ge [sflag:s25], $0x480  }
0x3b0: {  	[sflag:s25] =	ssyncset.done $0x0  }
0x3b1: {  	[sflag:s25] =	ssyncadd.s32 $0xFFFFFB80  }
0x3b2: {  	_ =	swait.ge [sflag:s0], $0x1680  }
0x3b3: {  	[sflag:s0] =	ssyncset.done $0x0  }
0x3b4: {  	[sflag:s0] =	ssyncadd.s32 $0xFFFFE980  }
0x3b5: {  	_ =	swait.ge [sflag:s0], $0x480  }
0x3b6: {  	[sflag:s0] =	ssyncset.done $0x0  }
0x3b7: {  	[sflag:s0] =	ssyncadd.s32 $0xFFFFFB80  }
0x3b8: {  	s2 =	stileid.u32;
	[bflag:$0x0] =	sbarrier.arrive $0xFFFF  }
0x3b9: {  	s26 =	simm.s32 $0x9;
	s2 =	sshll.u32 s2, $0x6;
	s22 =	rddreg [dreg:$0x8]  }
0x3ba: {  	s2 =	sor.u32 $0x1C09, s2;
	s20 =	rddreg [dreg:$0x1e];
	s16 =	sshrl.u32 s22, $0x3  }
0x3bb: {  	[hbm:s20], [sflag:s2] =	dma.local [spmem:s16], $0x2D00  }
0x3bc: {  	_ =	swait.ge [sflag:s26], $0x2D00  }
0x3bd: {  	s28 =	sld [smem:$0x7FD];
	_ =	sdelay $0x2  }
0x3be: {  	s30 =	rddreg [dreg:$0x1f];
	s16 =	sadd.s32 $0x1, s28  }
0x3bf: {  	p0 =	sne.s32 s16, s30  }
.Ltmp10:
0x3c0: {  	_ = 	snop;
	(pc) =	sbr.rel @p0 .LBB2_1-.Ltmp10, $3  }
0x3c1: {  	_ =	sdelay $0x1  }
0x3c2: {  	[sflag:s26] =	ssyncset.done $0x0  }
0x3c3: {  	[sflag:s26] =	ssyncadd.s32 $0xFFFFD300  }
0x3c4: {  	_ =	sfence.sel $0x180000  }
0x3c5: {  	[bflag:$0x0] =	sbarrier.arrive $0xFFFF  }
0x3c6: {  	_ =	strace $0x90000047  }
0x3c7: {  	s0 =	stileid.u32;
	[bflag:$0x2] =	sbarrier.arrive $0xFFFF  }
0x3c8: {  	p0 =	sne.s32 s0, $0x0;
	s0 =	rddreg [dreg:$0x3]  }
0x3c9: {  	s0 =	sadd.s32 @!p0 $0x100000, s0  }
0x3ca: {  	[sflag:s0] =	ssyncadd.tile.s32 @!p0 $0x1;
	_ =	shalt  }
.Lfunc_end2:
_tile_overlayer_lowered:
.L_overlay_start_2:
0x3cb: {  	(tag) =	ssettag $0x2  }
0x3cc: {  	s0 =	rddreg [dreg:$0x0];
	s2 =	stileid.u32  }
0x3cd: {  	s1 =	rddreg [dreg:$0x1];
	p0 =	sne.s32 s2, $0x0  }
0x3ce: {  	s3 =	rddreg [dreg:$0x2];
	[bflag:$0x3] =	sbarrier.arrive $0xFFFF;
	s2 =	simm.s32 @!p0 $0x1C09  }
0x3cf: {  	[timem:s3], [sflag:s2] =	dma.local @!p0 [hbm:s0], s1  }
0x3d0: {  	s0 =	simm.s32 @!p0 $0x9  }
0x3d1: {  	_ =	swait.ge @!p0 [sflag:s0], s1  }
0x3d2: {  	s1 =	ssub.s32 @!p0 $0x0, s1;
	[sflag:s0] =	ssyncset.done @!p0 $0x0  }
0x3d3: {  	[sflag:s0] =	ssyncadd.s32 @!p0 s1  }
0x3d4: {  	[bflag:$0x3] =	sbarrier.arrive $0xFFFF  }
0x3d5: {  	_ =	shalt  }

</sc_bundles>
